<compile_context>
chip_gen: v7x
topology: tpu7x:2x2x1
jax: 0.10.2.dev20260603
libtpu: 0.0.44.dev20260713+nightly
codegen_flags: <defaults>
</compile_context>

<pallas_src>
import functools

import jax
import jax.numpy as jnp
from jax import lax
from jax.experimental import pallas as pl
from jax.experimental.pallas import tpu as pltpu
from jax.experimental.pallas import tpu_sc as plsc

_NUM_POINT = 1024
_RADII = (0.2, 0.4)
_SAMPLE_NUMS = (16, 32)
_BN_EPS = 1e-5


_NCH = 8


def _tree(vals, op):
    vals = list(vals)
    while len(vals) > 1:
        vals = [op(vals[i], vals[i + 1]) for i in range(0, len(vals), 2)]
    return vals[0]


def _sum_bcast(chunks, ones128, ones8, ones1x128):
    return _red_bcast(chunks, jnp.add, jnp.sum, ones1x128)


def _red_bcast(chunks, op, red, ones1x128):
    r = red(_tree(chunks, op), axis=1, keepdims=True)
    for s in (4, 2, 1):
        r = op(r, pltpu.roll(r, s, 0))
    return jnp.broadcast_to(r, (8, 128))


def _fps_body(xyz_ref, idx_ref, nxyz_ref, dists_ref, *, nb, n, npoint):
    prow = npoint // 128
    pos = (lax.broadcasted_iota(jnp.int32, (prow, 128), 0) * 128
           + lax.broadcasted_iota(jnp.int32, (prow, 128), 1))
    lin = [(lax.broadcasted_iota(jnp.int32, (8, 128), 0) * 128
            + lax.broadcasted_iota(jnp.int32, (8, 128), 1) + c * 1024)
           for c in range(_NCH)]
    linf = [l.astype(jnp.float32) for l in lin]
    ones128 = jnp.ones((128, 128), jnp.float32)
    ones8 = jnp.ones((8, 8), jnp.float32)
    ones1x128 = jnp.ones((1, 128), jnp.float32)
    for b in range(nb):
        dists_ref[b] = jnp.full((_NCH * 8, 128), 1e10, jnp.float32)

    def body(i, state):
        far, iacc, xacc, yacc, zacc = [list(s) for s in state]
        upd = pos == i
        for b in range(nb):
            fb = far[b]
            px, py, pz = [], [], []
            for c in range(_NCH):
                sel = linf[c] == fb
                px.append(jnp.where(sel, xyz_ref[b, 0, pl.ds(c * 8, 8)], 0.0))
                py.append(jnp.where(sel, xyz_ref[b, 1, pl.ds(c * 8, 8)], 0.0))
                pz.append(jnp.where(sel, xyz_ref[b, 2, pl.ds(c * 8, 8)], 0.0))
            cx = _sum_bcast(px, ones128, ones8, ones1x128)
            cy = _sum_bcast(py, ones128, ones8, ones1x128)
            cz = _sum_bcast(pz, ones128, ones8, ones1x128)
            iacc[b] = jnp.where(upd, fb.astype(jnp.int32), iacc[b])
            xacc[b] = jnp.where(upd, cx, xacc[b])
            yacc[b] = jnp.where(upd, cy, yacc[b])
            zacc[b] = jnp.where(upd, cz, zacc[b])
            mt = []
            for c in range(_NCH):
                dx = xyz_ref[b, 0, pl.ds(c * 8, 8)] - cx
                dy = xyz_ref[b, 1, pl.ds(c * 8, 8)] - cy
                dz = xyz_ref[b, 2, pl.ds(c * 8, 8)] - cz
                d = dx * dx + dy * dy + dz * dz
                dd = jnp.minimum(dists_ref[b, pl.ds(c * 8, 8)], d)
                dists_ref[b, pl.ds(c * 8, 8)] = dd
                mt.append(dd)
            m = _red_bcast(mt, jnp.maximum, jnp.max, ones1x128)
            cand = [jnp.where(dists_ref[b, pl.ds(c * 8, 8)] == m,
                              linf[c], float(n)) for c in range(_NCH)]
            far[b] = _red_bcast(cand, jnp.minimum, jnp.min, ones1x128)
        return (tuple(far), tuple(iacc), tuple(xacc), tuple(yacc),
                tuple(zacc))

    far0 = (jnp.zeros((8, 128), jnp.float32),) * nb
    iacc0 = (jnp.zeros((prow, 128), jnp.int32),) * nb
    zf = (jnp.zeros((prow, 128), jnp.float32),) * nb
    _, iacc, xacc, yacc, zacc = lax.fori_loop(
        0, npoint, body, (far0, iacc0, zf, zf, zf))
    for b in range(nb):
        idx_ref[b] = iacc[b]
        nxyz_ref[b, 0] = xacc[b]
        nxyz_ref[b, 1] = yacc[b]
        nxyz_ref[b, 2] = zacc[b]


def _fps(points_xyz, npoint, interpret=False):
    B, N, _ = points_xyz.shape
    xyz_t = jnp.transpose(points_xyz, (0, 2, 1)).reshape(B, 3, N // 128, 128)
    prow = npoint // 128
    idx, nxyz = pl.pallas_call(
        functools.partial(_fps_body, nb=B, n=N, npoint=npoint),
        out_shape=[jax.ShapeDtypeStruct((B, prow, 128), jnp.int32),
                   jax.ShapeDtypeStruct((B, 3, prow, 128), jnp.float32)],
        scratch_shapes=[pltpu.VMEM((B, N // 128, 128), jnp.float32)],
        interpret=interpret,
    )(xyz_t)
    indices = idx.reshape(B, npoint)
    nxyz_t = nxyz.reshape(B, 3, npoint)
    new_xyz = jnp.transpose(nxyz_t, (0, 2, 1))
    return indices, new_xyz, nxyz_t


def _aprep_body(ft_ref, xyz_ref, wf0_ref, wx0_ref, b0_ref, wf1_ref, wx1_ref,
                b1_ref, a0_ref):
    f = ft_ref[0]
    p = xyz_ref[0]
    px0 = jax.lax.dot_general(p, wx0_ref[...], (((1,), (0,)), ((), ())),
                              preferred_element_type=jnp.float32)
    px1 = jax.lax.dot_general(p, wx1_ref[...], (((1,), (0,)), ((), ())),
                              preferred_element_type=jnp.float32)
    a0 = jax.lax.dot_general(f, wf0_ref[...], (((0,), (0,)), ((), ())),
                             preferred_element_type=jnp.float32) + px0 + b0_ref[...]
    a1 = jax.lax.dot_general(f, wf1_ref[...], (((0,), (0,)), ((), ())),
                             preferred_element_type=jnp.float32) + px1 + b1_ref[...]
    a0_ref[0] = jnp.concatenate([a0, a1], axis=-1)


def _aprep(features, points_xyz, fold0, fold1, interpret=False):
    B, _, N = features.shape
    blk = 2048
    full = lambda s: pl.BlockSpec(s, lambda b, n: (0,) * len(s))
    a = pl.pallas_call(
        _aprep_body,
        grid=(B, N // blk),
        in_specs=[pl.BlockSpec((1, 64, blk), lambda b, n: (b, 0, n)),
                  pl.BlockSpec((1, blk, 3), lambda b, n: (b, n, 0)),
                  full((64, 64)), full((3, 64)), full((1, 64)),
                  full((64, 64)), full((3, 64)), full((1, 64))],
        out_specs=pl.BlockSpec((1, blk, 128), lambda b, n: (b, n, 0)),
        out_shape=jax.ShapeDtypeStruct((B, N, 128), jnp.float32),
        interpret=interpret,
    )(features, points_xyz, fold0['wf'], fold0['wx'], fold0['b'],
      fold1['wf'], fold1['wx'], fold1['b'])
    return a


def _fold_params(layers):
    out = []
    for layer in layers:
        t = layer['gamma'] / jnp.sqrt(1.0 + _BN_EPS)
        wt = layer['w'].T * t[None, :]
        bt = layer['b'] * t + layer['beta']
        out.append((wt, bt))
    return out


def _scale_mlp(g, c, w2_ref, b2_ref, w3_ref, b3_ref, nsample, sb):
    x1 = jax.nn.relu(g.reshape(sb, nsample, 64) + c[:, None, :])
    x1 = x1.reshape(sb * nsample, 64)
    x2 = jax.nn.relu(
        jax.lax.dot_general(x1, w2_ref[...], (((1,), (0,)), ((), ())),
                            preferred_element_type=jnp.float32) + b2_ref[...])
    x3 = jax.nn.relu(
        jax.lax.dot_general(x2, w3_ref[...], (((1,), (0,)), ((), ())),
                            preferred_element_type=jnp.float32) + b3_ref[...])
    pooled = jnp.max(x3.reshape(sb, nsample, 128), axis=1)
    return jnp.transpose(pooled, (1, 0))


def _mlp_body(g0_ref, g1_ref, nxyz_ref, wx0_ref, w20_ref, b20_ref, w30_ref,
              b30_ref, wx1_ref, w21_ref, b21_ref, w31_ref, b31_ref,
              out_ref, *, k0, k1, sb):
    nx = nxyz_ref[0]
    c0 = -jax.lax.dot_general(nx, wx0_ref[...], (((0,), (0,)), ((), ())),
                              preferred_element_type=jnp.float32)
    c1 = -jax.lax.dot_general(nx, wx1_ref[...], (((0,), (0,)), ((), ())),
                              preferred_element_type=jnp.float32)
    o0 = _scale_mlp(g0_ref[0][:, :64], c0, w20_ref, b20_ref, w30_ref,
                    b30_ref, k0, sb)
    o1 = _scale_mlp(g1_ref[0][:, 64:], c1, w21_ref, b21_ref, w31_ref,
                    b31_ref, k1, sb)
    out_ref[0] = jnp.concatenate([o0, o1], axis=0)


def _mlp(g0, g1, nxyz_t, f0, f1, interpret=False):
    B = nxyz_t.shape[0]
    S = nxyz_t.shape[2]
    sb = 128
    k0, k1 = _SAMPLE_NUMS
    h20 = f0['w2'].shape[1]
    h21 = f1['w2'].shape[1]
    full = lambda s: pl.BlockSpec(s, lambda b, n: (0,) * len(s))
    out = pl.pallas_call(
        functools.partial(_mlp_body, k0=k0, k1=k1, sb=sb),
        grid=(B, S // sb),
        in_specs=[pl.BlockSpec((1, sb * k0, 128), lambda b, n: (b, n, 0)),
                  pl.BlockSpec((1, sb * k1, 128), lambda b, n: (b, n, 0)),
                  pl.BlockSpec((1, 3, sb), lambda b, n: (b, 0, n)),
                  full((3, 64)), full((64, h20)), full((1, h20)),
                  full((h20, 128)), full((1, 128)),
                  full((3, 64)), full((64, h21)), full((1, h21)),
                  full((h21, 128)), full((1, 128))],
        out_specs=pl.BlockSpec((1, 256, sb), lambda b, n: (b, 0, n)),
        out_shape=jax.ShapeDtypeStruct((B, 256, S), jnp.float32),
        interpret=interpret,
    )(g0.reshape(B, S * k0, 128), g1.reshape(B, S * k1, 128), nxyz_t,
      f0['wx'], f0['w2'], f0['b2'], f0['w3'], f0['b3'],
      f1['wx'], f1['w2'], f1['b2'], f1['w3'], f1['b3'])
    return out


def _ballquery_gather_sc(xyz_t, nxyz_t, av, npoint):
    B, _, N = xyz_t.shape
    S = npoint
    NW = 32
    CPW = (B * S) // NW
    K0, K1 = _SAMPLE_NUMS
    r0sq = jnp.float32(float(_RADII[0]) ** 2)
    r1sq = jnp.float32(float(_RADII[1]) ** 2)
    nsteps = N // 32
    wpb = NW // B
    mesh = plsc.VectorSubcoreMesh(core_axis_name="c", subcore_axis_name="s")

    @functools.partial(
        pl.kernel, mesh=mesh,
        compiler_params=pltpu.CompilerParams(needs_layout_passes=False),
        out_type=[jax.ShapeDtypeStruct((B * S * K0, 128), jnp.float32),
                  jax.ShapeDtypeStruct((B * S * K1, 128), jnp.float32)],
        scratch_types=[pltpu.VMEM((N,), jnp.float32),
                       pltpu.VMEM((N,), jnp.float32),
                       pltpu.VMEM((N,), jnp.float32),
                       pltpu.VMEM((CPW + 16,), jnp.float32),
                       pltpu.VMEM((CPW + 16,), jnp.float32),
                       pltpu.VMEM((CPW + 16,), jnp.float32),
                       pltpu.VMEM((K0 + 16,), jnp.int32),
                       pltpu.VMEM((K1 + 16,), jnp.int32),
                       pltpu.VMEM((CPW * K0 // 128, 128), jnp.int32),
                       pltpu.VMEM((CPW * K1 // 128, 128), jnp.int32),
                       pltpu.VMEM((256, 128), jnp.float32),
                       pltpu.VMEM((256, 128), jnp.float32),
                       pltpu.SemaphoreType.DMA,
                       pltpu.SemaphoreType.DMA,
                       pltpu.SemaphoreType.DMA],
    )
    def sc_kernel(xyz_hbm, nxyz_hbm, a_hbm, g0_hbm, g1_hbm,
                  xv, yv, zv, cxv, cyv, czv, s0, s1, i0, i1,
                  ring_a, ring_b, gsem, osem_a, osem_b):
        wid = lax.axis_index("s") * 2 + lax.axis_index("c")
        b = wid // wpb
        s_base = (wid % wpb) * CPW
        pltpu.sync_copy(xyz_hbm.at[pl.ds((b * 3 + 0) * N, N)], xv)
        pltpu.sync_copy(xyz_hbm.at[pl.ds((b * 3 + 1) * N, N)], yv)
        pltpu.sync_copy(xyz_hbm.at[pl.ds((b * 3 + 2) * N, N)], zv)
        pltpu.sync_copy(nxyz_hbm.at[pl.ds((b * 3 + 0) * S + s_base, CPW)],
                        cxv.at[pl.ds(0, CPW)])
        pltpu.sync_copy(nxyz_hbm.at[pl.ds((b * 3 + 1) * S + s_base, CPW)],
                        cyv.at[pl.ds(0, CPW)])
        pltpu.sync_copy(nxyz_hbm.at[pl.ds((b * 3 + 2) * S + s_base, CPW)],
                        czv.at[pl.ds(0, CPW)])
        lane = lax.broadcasted_iota(jnp.int32, (16,), 0)
        row_off = b * N

        def center_body(ci, carry):
            cx = cxv[pl.ds(ci, 16)][0]
            cy = cyv[pl.ds(ci, 16)][0]
            cz = czv[pl.ds(ci, 16)][0]

            def cond(st):
                i, c0, c1 = st
                return jnp.logical_and(
                    i < nsteps, jnp.logical_or(c0 < K0, c1 < K1))

            def step(st):
                i, c0, c1 = st
                for g in range(2):
                    off = i * 32 + g * 16
                    xs = xv[pl.ds(off, 16)]
                    ys = yv[pl.ds(off, 16)]
                    zs = zv[pl.ds(off, 16)]
                    dx = xs - cx
                    dy = ys - cy
                    dz = zs - cz
                    d = dx * dx + dy * dy + dz * dz
                    m0 = d <= r0sq
                    m1 = d <= r1sq
                    gi = lane + off
                    plsc.store_compressed(s0.at[pl.ds(c0, 16)], gi, mask=m0)
                    plsc.store_compressed(s1.at[pl.ds(c1, 16)], gi, mask=m1)
                    c0 = jnp.minimum(c0 + jnp.sum(m0.astype(jnp.int32)), K0)
                    c1 = jnp.minimum(c1 + jnp.sum(m1.astype(jnp.int32)), K1)
                return (i + 1, c0, c1)

            _, c0f, c1f = lax.while_loop(
                cond, step, (jnp.int32(0), jnp.int32(0), jnp.int32(0)))

            v0 = s0[pl.ds(0, 16)] + row_off
            first0 = v0[0]
            i0[ci // 8, pl.ds((ci % 8) * 16, 16)] = jnp.where(
                lane < c0f, v0, first0)
            va = s1[pl.ds(0, 16)] + row_off
            vb = s1[pl.ds(16, 16)] + row_off
            first1 = va[0]
            r1 = ci // 4
            col1 = (ci % 4) * 32
            i1[r1, pl.ds(col1, 16)] = jnp.where(lane < c1f, va, first1)
            i1[r1, pl.ds(col1 + 16, 16)] = jnp.where(
                lane + 16 < c1f, vb, first1)
            return carry

        lax.fori_loop(0, CPW, center_body, jnp.int32(0))

        rings = (ring_a, ring_b)
        osems = (osem_a, osem_b)

        def gather_stage(g_hbm, ibuf, k):
            total = CPW * k
            n_outer = total // 256
            out_base = wid * total
            out_handles = [None, None]
            for og in range(n_outer):
                p = og % 2
                if out_handles[p] is not None:
                    out_handles[p].wait()
                    out_handles[p] = None
                hs = []
                for j in range(2):
                    hs.append(pltpu.async_copy(
                        a_hbm.at[ibuf.at[og * 2 + j]],
                        rings[p].at[pl.ds(j * 128, 128)], gsem))
                for h in hs:
                    h.wait()
                out_handles[p] = pltpu.async_copy(
                    rings[p], g_hbm.at[pl.ds(out_base + og * 256, 256)],
                    osems[p])
            for h in out_handles:
                if h is not None:
                    h.wait()

        gather_stage(g0_hbm, i0, K0)
        gather_stage(g1_hbm, i1, K1)

    return sc_kernel(xyz_t.reshape(-1), nxyz_t.reshape(-1), av)


def _kernel_impl(points_xyz, features, params, interpret=False):
    B, N, _ = points_xyz.shape
    indices, new_xyz, nxyz_t = _fps(points_xyz, _NUM_POINT, interpret=interpret)
    folds = []
    for i in range(len(_RADII)):
        fl = _fold_params(params['mlp%d' % i])
        folds.append({'wx': fl[0][0][:3], 'wf': fl[0][0][3:], 'b': fl[0][1][None, :],
                      'w2': fl[1][0], 'b2': fl[1][1][None, :],
                      'w3': fl[2][0], 'b3': fl[2][1][None, :]})
    a = _aprep(features, points_xyz, folds[0], folds[1], interpret=interpret)
    av = a.reshape(B * N, 128)

    xyz_t = jnp.transpose(points_xyz, (0, 2, 1))
    g0, g1 = _ballquery_gather_sc(xyz_t, nxyz_t, av, _NUM_POINT)
    new_features = _mlp(g0, g1, nxyz_t, folds[0], folds[1],
                        interpret=interpret)
    return (new_xyz, new_features, indices)


def kernel(points_xyz, features, params):
    return _kernel_impl(points_xyz, features, params)

# --- scband reference (transcript-rebuilt; emitter-appended) ---
"""Pipeline reference for scband-base-point-samodule-75685913690516 (READ-ONLY COPY).

The authoritative reference and input builder live on the scoring server;
editing this copy changes nothing except your own understanding.
"""

import jax, jax.numpy as jnp
import numpy as np

NUM_POINT = 1024
RADII = [0.2, 0.4]
SAMPLE_NUMS = [16, 32]
MLP_CHANNELS = [[67, 64, 64, 128], [67, 64, 96, 128]]
BN_EPS = 1e-5


def fps(xyz, npoint):
    # D-FPS: farthest point sampling using Euclidean distance (indices are non-differentiable)
    xyz = jax.lax.stop_gradient(xyz)
    B, N, _ = xyz.shape
    batch = jnp.arange(B)

    def body(i, state):
        idxs, dists, farthest = state
        idxs = idxs.at[:, i].set(farthest)
        centroid = xyz[batch, farthest][:, None, :]
        d = jnp.sum((xyz - centroid) ** 2, axis=-1)
        dists = jnp.minimum(dists, d)
        farthest = jnp.argmax(dists, axis=-1).astype(jnp.int32)
        return (idxs, dists, farthest)

    idxs = jnp.zeros((B, npoint), dtype=jnp.int32)
    dists = jnp.full((B, N), 1e10, dtype=xyz.dtype)
    farthest = jnp.zeros((B,), dtype=jnp.int32)
    idxs, _, _ = jax.lax.fori_loop(0, npoint, body, (idxs, dists, farthest))
    return idxs


def ball_query(sqrdists, radius, nsample):
    # QueryAndGroup-style radius retrieval: take first nsample points within radius,
    # pad with the first found index when fewer than nsample neighbors exist.
    B, S, N = sqrdists.shape
    mask = sqrdists <= radius ** 2
    arange = jnp.arange(N, dtype=jnp.int32)[None, None, :]
    gidx = jnp.where(mask, arange, N)
    gidx = jnp.sort(gidx, axis=-1)[:, :, :nsample]
    first = gidx[:, :, :1]
    gidx = jnp.where(gidx == N, jnp.broadcast_to(first, gidx.shape), gidx)
    return gidx


def gather2(points, idx):
    B = points.shape[0]
    return points[jnp.arange(B)[:, None], idx]


def gather3(points, idx):
    B = points.shape[0]
    return points[jnp.arange(B)[:, None, None], idx]


def make_params(key):
    params = {}
    for i, chans in enumerate(MLP_CHANNELS):
        layers = []
        for j in range(len(chans) - 1):
            key, k1 = jax.random.split(key)
            w = (jax.random.normal(k1, (chans[j + 1], chans[j]), dtype=jnp.float32) / np.sqrt(chans[j])).astype(jnp.float32)
            layers.append({'w': w,
                           'b': jnp.zeros((chans[j + 1],), jnp.float32),
                           'gamma': jnp.ones((chans[j + 1],), jnp.float32),
                           'beta': jnp.zeros((chans[j + 1],), jnp.float32)})
        params['mlp%d' % i] = layers
    return params


def setup_inputs(seed: int = 0):
    key = jax.random.key(seed)
    k1, k2, k3 = jax.random.split(key, 3)
    points_xyz = jax.random.uniform(k1, (4, 8192, 3), dtype=jnp.float32)
    features = jax.random.normal(k2, (4, 64, 8192), dtype=jnp.float32)
    params = make_params(k3)
    return {'points_xyz': points_xyz, 'features': features, 'params': params}


def _pointnet_mlp(x, layers):
    # shared 1x1 Conv2d + BatchNorm (eval-mode, running_mean=0 running_var=1) + ReLU stack
    for layer in layers:
        x = jnp.einsum('oc,bcsk->bosk', layer['w'], x) + layer['b'][None, :, None, None]
        x = (x / jnp.sqrt(1.0 + BN_EPS)) * layer['gamma'][None, :, None, None] + layer['beta'][None, :, None, None]
        x = jax.nn.relu(x)
    return x


def reference(points_xyz, features, params):
    # BasePointSAModule forward (MSG, use_xyz=True, pool_mod='max', use_cls_refine=False):
    # 1) D-FPS sampling of NUM_POINT centers; 2) per-scale ball-query grouping;
    # 3) relative xyz + feature concat; 4) pointnet MLP; 5) max pool; 6) concat scales.
    B, N, _ = points_xyz.shape
    indices = fps(points_xyz, NUM_POINT)
    new_xyz = gather2(points_xyz, indices)
    sqrdists = jnp.sum((jax.lax.stop_gradient(new_xyz)[:, :, None, :] - jax.lax.stop_gradient(points_xyz)[:, None, :, :]) ** 2, axis=-1)
    feats_t = jnp.transpose(features, (0, 2, 1))
    outs = []
    for i in range(len(RADII)):
        gidx = ball_query(sqrdists, RADII[i], SAMPLE_NUMS[i])
        grouped_xyz = gather3(points_xyz, gidx) - new_xyz[:, :, None, :]
        grouped_feats = gather3(feats_t, gidx)
        grouped = jnp.concatenate([grouped_xyz, grouped_feats], axis=-1)
        x = jnp.transpose(grouped, (0, 3, 1, 2))
        x = _pointnet_mlp(x, params['mlp%d' % i])
        outs.append(jnp.max(x, axis=-1))
    new_features = jnp.concatenate(outs, axis=1)
    return (new_xyz, new_features, indices)

if __name__ == "__main__":
    import jax
    _d = setup_inputs()
    print(jax.jit(kernel)(*tuple(_d.values())))

</pallas_src>

<mosaic_0001>
#map = affine_map<(d0, d1) -> (0)>
#map1 = affine_map<(d0, d1) -> (0, 0)>
module attributes {stable_mosaic.version = 14 : i64} {
  func.func @_rewritten_body(%arg0: i32, %arg1: i32, %arg2: memref<98304xf32, #tpu.memory_space<hbm>>, %arg3: memref<12288xf32, #tpu.memory_space<hbm>>, %arg4: memref<32768x128xf32, #tpu.memory_space<hbm>>, %arg5: memref<1xf32, #tpu.memory_space<hbm>>, %arg6: memref<1xf32, #tpu.memory_space<hbm>>, %arg7: memref<65536x128xf32, #tpu.memory_space<hbm>>, %arg8: memref<131072x128xf32, #tpu.memory_space<hbm>>, %arg9: memref<8192xf32, #tpu.memory_space<vmem>>, %arg10: memref<8192xf32, #tpu.memory_space<vmem>>, %arg11: memref<8192xf32, #tpu.memory_space<vmem>>, %arg12: memref<144xf32, #tpu.memory_space<vmem>>, %arg13: memref<144xf32, #tpu.memory_space<vmem>>, %arg14: memref<144xf32, #tpu.memory_space<vmem>>, %arg15: memref<32xi32, #tpu.memory_space<vmem>>, %arg16: memref<48xi32, #tpu.memory_space<vmem>>, %arg17: memref<16x128xi32, #tpu.memory_space<vmem>>, %arg18: memref<32x128xi32, #tpu.memory_space<vmem>>, %arg19: memref<256x128xf32, #tpu.memory_space<vmem>>, %arg20: memref<256x128xf32, #tpu.memory_space<vmem>>, %arg21: memref<!tpu.dma_semaphore, #tpu.memory_space<semaphore_mem>>, %arg22: memref<!tpu.dma_semaphore, #tpu.memory_space<semaphore_mem>>, %arg23: memref<!tpu.dma_semaphore, #tpu.memory_space<semaphore_mem>>) attributes {dimension_semantics = [#tpu.dimension_semantics<core_parallel>, #tpu.dimension_semantics<subcore_parallel>], iteration_bounds = array<i64: 2, 16>, scalar_prefetch = 0 : i64, scratch_operands = 15 : i64, tpu.core_type = #tpu.core_type<sc_vector_subcore>, window_params = [{transform_indices = #map}, {transform_indices = #map}, {transform_indices = #map1}, {transform_indices = #map}, {transform_indices = #map}, {transform_indices = #map1}, {transform_indices = #map1}]} {
    %empty_ref3A = memref.alloca() : memref<16xf32, #tpu.memory_space<vmem>>
    %empty_ref3A_0 = memref.alloca() : memref<16xf32, #tpu.memory_space<vmem>>
    "tpu.region"() ({
      %run_scoped3A = tpu.sem_alloc : memref<!tpu.dma_semaphore, #tpu.memory_space<semaphore_mem>>
      %dma_start3A_1287 = arith.constant 0 : i32
      %dma_start3A_1288 = tpu.memref_slice %empty_ref3A[%dma_start3A_1287] : memref<16xf32, #tpu.memory_space<vmem>> -> memref<1xf32, #tpu.memory_space<vmem>>
      %dma_start3A_1289 = arith.constant 0 : i32
      %dma_start3A_1290 = tpu.memref_slice %empty_ref3A[%dma_start3A_1289] : memref<16xf32, #tpu.memory_space<vmem>> -> memref<1xf32, #tpu.memory_space<vmem>>
      tpu.enqueue_dma source(%arg5 : memref<1xf32, #tpu.memory_space<hbm>>) target(%dma_start3A_1290 : memref<1xf32, #tpu.memory_space<vmem>>) target_semaphore(%run_scoped3A : memref<!tpu.dma_semaphore, #tpu.memory_space<semaphore_mem>>)
      %dma_start3A_1291 = arith.constant 0 : i32
      %dma_start3A_1292 = tpu.memref_slice %empty_ref3A_0[%dma_start3A_1291] : memref<16xf32, #tpu.memory_space<vmem>> -> memref<1xf32, #tpu.memory_space<vmem>>
      %dma_start3A_1293 = arith.constant 0 : i32
      %dma_start3A_1294 = tpu.memref_slice %empty_ref3A_0[%dma_start3A_1293] : memref<16xf32, #tpu.memory_space<vmem>> -> memref<1xf32, #tpu.memory_space<vmem>>
      tpu.enqueue_dma source(%arg6 : memref<1xf32, #tpu.memory_space<hbm>>) target(%dma_start3A_1294 : memref<1xf32, #tpu.memory_space<vmem>>) target_semaphore(%run_scoped3A : memref<!tpu.dma_semaphore, #tpu.memory_space<semaphore_mem>>)
      %dma_wait3A_1295 = arith.constant 0 : i32
      %dma_wait3A_1296 = tpu.memref_slice %empty_ref3A[%dma_wait3A_1295] : memref<16xf32, #tpu.memory_space<vmem>> -> memref<1xf32, #tpu.memory_space<vmem>>
      %dma_wait3A_1297 = arith.constant 0 : i32
      %dma_wait3A_1298 = tpu.memref_slice %empty_ref3A[%dma_wait3A_1297] : memref<16xf32, #tpu.memory_space<vmem>> -> memref<1xf32, #tpu.memory_space<vmem>>
      tpu.wait_dma2 semaphore(%run_scoped3A : memref<!tpu.dma_semaphore, #tpu.memory_space<semaphore_mem>>) src(%arg5 : memref<1xf32, #tpu.memory_space<hbm>>) dst(%dma_wait3A_1298 : memref<1xf32, #tpu.memory_space<vmem>>)
      %dma_wait3A_1299 = arith.constant 0 : i32
      %dma_wait3A_1300 = tpu.memref_slice %empty_ref3A_0[%dma_wait3A_1299] : memref<16xf32, #tpu.memory_space<vmem>> -> memref<1xf32, #tpu.memory_space<vmem>>
      %dma_wait3A_1301 = arith.constant 0 : i32
      %dma_wait3A_1302 = tpu.memref_slice %empty_ref3A_0[%dma_wait3A_1301] : memref<16xf32, #tpu.memory_space<vmem>> -> memref<1xf32, #tpu.memory_space<vmem>>
      tpu.wait_dma2 semaphore(%run_scoped3A : memref<!tpu.dma_semaphore, #tpu.memory_space<semaphore_mem>>) src(%arg6 : memref<1xf32, #tpu.memory_space<hbm>>) dst(%dma_wait3A_1302 : memref<1xf32, #tpu.memory_space<vmem>>)
      tpu.yield
    }) : () -> ()
    %get3A = arith.constant 0 : index
    %get3A_1 = tpu.vector_load %empty_ref3A[%get3A] {strides = array<i32>} : memref<16xf32, #tpu.memory_space<vmem>>, vector<16xf32>,
    %slice3A = vector.extract_strided_slice %get3A_1 {offsets = [0], sizes = [1], strides = [1]} : vector<16xf32> to vector<1xf32>
    %squeeze3A = vector.extract %slice3A[0] : f32 from vector<1xf32>
    %get3A_2 = arith.constant 0 : index
    %get3A_3 = tpu.vector_load %empty_ref3A_0[%get3A_2] {strides = array<i32>} : memref<16xf32, #tpu.memory_space<vmem>>, vector<16xf32>,
    %slice3A_4 = vector.extract_strided_slice %get3A_3 {offsets = [0], sizes = [1], strides = [1]} : vector<16xf32> to vector<1xf32>
    %squeeze3A_5 = vector.extract %slice3A_4[0] : f32 from vector<1xf32>
    %mul3A = arith.constant 2 : i32
    %mul3A_6 = arith.muli %arg1, %mul3A : i32
    %add3A = arith.addi %mul3A_6, %arg0 : i32
    %jit3A = arith.constant 8 : i32
    %div3A = arith.divsi %add3A, %jit3A : i32
    %sign3A = arith.constant 0 : i32
    %sign3A_7 = arith.cmpi sgt, %add3A, %sign3A : i32
    %sign3A_8 = arith.extui %sign3A_7 : i1 to i32
    %sign3A_9 = arith.constant 0 : i32
    %sign3A_10 = arith.cmpi slt, %add3A, %sign3A_9 : i32
    %sign3A_11 = arith.extui %sign3A_10 : i1 to i32
    %sign3A_12 = arith.subi %sign3A_8, %sign3A_11 : i32
    %sign3A_13 = arith.constant 0 : i32
    %sign3A_14 = arith.cmpi sgt, %jit3A, %sign3A_13 : i32
    %sign3A_15 = arith.extui %sign3A_14 : i1 to i32
    %sign3A_16 = arith.constant 0 : i32
    %sign3A_17 = arith.cmpi slt, %jit3A, %sign3A_16 : i32
    %sign3A_18 = arith.extui %sign3A_17 : i1 to i32
    %sign3A_19 = arith.subi %sign3A_15, %sign3A_18 : i32
    %ne3A = arith.cmpi ne, %sign3A_12, %sign3A_19 : i32
    %rem3A = arith.remsi %add3A, %jit3A : i32
    %ne3A_20 = arith.constant 0 : i32
    %ne3A_21 = arith.cmpi ne, %rem3A, %ne3A_20 : i32
    %and3A = arith.andi %ne3A, %ne3A_21 : i1
    %sub3A = arith.constant 1 : i32
    %sub3A_22 = arith.subi %div3A, %sub3A : i32
    %select_n3A = arith.select %and3A, %sub3A_22, %div3A : i32
    %jit3A_23 = arith.constant 8 : i32
    %eq3A = arith.constant 0 : i32
    %eq3A_24 = arith.cmpi eq, %jit3A_23, %eq3A : i32
    %jit3A_25 = arith.constant 1 : i32
    %select_n3A_26 = arith.select %eq3A_24, %jit3A_25, %jit3A_23 : i32
    %rem3A_27 = arith.remsi %add3A, %select_n3A_26 : i32
    %ne3A_28 = arith.constant 0 : i32
    %ne3A_29 = arith.cmpi ne, %rem3A_27, %ne3A_28 : i32
    %lt3A = arith.constant 0 : i32
    %lt3A_30 = arith.cmpi slt, %rem3A_27, %lt3A : i32
    %lt3A_31 = arith.constant 0 : i32
    %lt3A_32 = arith.cmpi slt, %select_n3A_26, %lt3A_31 : i32
    %ne3A_33 = arith.xori %lt3A_30, %lt3A_32 : i1
    %and3A_34 = arith.andi %ne3A_33, %ne3A_29 : i1
    %add3A_35 = arith.addi %rem3A_27, %select_n3A_26 : i32
    %select_n3A_36 = arith.select %and3A_34, %add3A_35, %rem3A_27 : i32
    %mul3A_37 = arith.constant 128 : i32
    %mul3A_38 = arith.muli %select_n3A_36, %mul3A_37 : i32
    %mul3A_39 = arith.constant 3 : i32
    %mul3A_40 = arith.muli %select_n3A, %mul3A_39 : i32
    %add3A_41 = arith.constant 0 : i32
    %add3A_42 = arith.addi %mul3A_40, %add3A_41 : i32
    %mul3A_43 = arith.constant 8192 : i32
    %mul3A_44 = arith.muli %add3A_42, %mul3A_43 : i32
    "tpu.region"() ({
      %run_scoped3A = tpu.sem_alloc : memref<!tpu.dma_semaphore, #tpu.memory_space<semaphore_mem>>
      %dma_start3A_1287 = tpu.memref_slice %arg2[%mul3A_44] : memref<98304xf32, #tpu.memory_space<hbm>> -> memref<8192xf32, #tpu.memory_space<hbm>>
      %dma_start3A_1288 = tpu.memref_slice %arg2[%mul3A_44] : memref<98304xf32, #tpu.memory_space<hbm>> -> memref<8192xf32, #tpu.memory_space<hbm>>
      tpu.enqueue_dma source(%dma_start3A_1288 : memref<8192xf32, #tpu.memory_space<hbm>>) target(%arg9 : memref<8192xf32, #tpu.memory_space<vmem>>) target_semaphore(%run_scoped3A : memref<!tpu.dma_semaphore, #tpu.memory_space<semaphore_mem>>)
      %dma_wait3A_1289 = tpu.memref_slice %arg2[%mul3A_44] : memref<98304xf32, #tpu.memory_space<hbm>> -> memref<8192xf32, #tpu.memory_space<hbm>>
      %dma_wait3A_1290 = tpu.memref_slice %arg2[%mul3A_44] : memref<98304xf32, #tpu.memory_space<hbm>> -> memref<8192xf32, #tpu.memory_space<hbm>>
      tpu.wait_dma2 semaphore(%run_scoped3A : memref<!tpu.dma_semaphore, #tpu.memory_space<semaphore_mem>>) src(%dma_wait3A_1290 : memref<8192xf32, #tpu.memory_space<hbm>>) dst(%arg9 : memref<8192xf32, #tpu.memory_space<vmem>>)
      tpu.yield
    }) : () -> ()
    %mul3A_45 = arith.constant 3 : i32
    %mul3A_46 = arith.muli %select_n3A, %mul3A_45 : i32
    %add3A_47 = arith.constant 1 : i32
    %add3A_48 = arith.addi %mul3A_46, %add3A_47 : i32
    %mul3A_49 = arith.constant 8192 : i32
    %mul3A_50 = arith.muli %add3A_48, %mul3A_49 : i32
    "tpu.region"() ({
      %run_scoped3A = tpu.sem_alloc : memref<!tpu.dma_semaphore, #tpu.memory_space<semaphore_mem>>
      %dma_start3A_1287 = tpu.memref_slice %arg2[%mul3A_50] : memref<98304xf32, #tpu.memory_space<hbm>> -> memref<8192xf32, #tpu.memory_space<hbm>>
      %dma_start3A_1288 = tpu.memref_slice %arg2[%mul3A_50] : memref<98304xf32, #tpu.memory_space<hbm>> -> memref<8192xf32, #tpu.memory_space<hbm>>
      tpu.enqueue_dma source(%dma_start3A_1288 : memref<8192xf32, #tpu.memory_space<hbm>>) target(%arg10 : memref<8192xf32, #tpu.memory_space<vmem>>) target_semaphore(%run_scoped3A : memref<!tpu.dma_semaphore, #tpu.memory_space<semaphore_mem>>)
      %dma_wait3A_1289 = tpu.memref_slice %arg2[%mul3A_50] : memref<98304xf32, #tpu.memory_space<hbm>> -> memref<8192xf32, #tpu.memory_space<hbm>>
      %dma_wait3A_1290 = tpu.memref_slice %arg2[%mul3A_50] : memref<98304xf32, #tpu.memory_space<hbm>> -> memref<8192xf32, #tpu.memory_space<hbm>>
      tpu.wait_dma2 semaphore(%run_scoped3A : memref<!tpu.dma_semaphore, #tpu.memory_space<semaphore_mem>>) src(%dma_wait3A_1290 : memref<8192xf32, #tpu.memory_space<hbm>>) dst(%arg10 : memref<8192xf32, #tpu.memory_space<vmem>>)
      tpu.yield
    }) : () -> ()
    %mul3A_51 = arith.constant 3 : i32
    %mul3A_52 = arith.muli %select_n3A, %mul3A_51 : i32
    %add3A_53 = arith.constant 2 : i32
    %add3A_54 = arith.addi %mul3A_52, %add3A_53 : i32
    %mul3A_55 = arith.constant 8192 : i32
    %mul3A_56 = arith.muli %add3A_54, %mul3A_55 : i32
    "tpu.region"() ({
      %run_scoped3A = tpu.sem_alloc : memref<!tpu.dma_semaphore, #tpu.memory_space<semaphore_mem>>
      %dma_start3A_1287 = tpu.memref_slice %arg2[%mul3A_56] : memref<98304xf32, #tpu.memory_space<hbm>> -> memref<8192xf32, #tpu.memory_space<hbm>>
      %dma_start3A_1288 = tpu.memref_slice %arg2[%mul3A_56] : memref<98304xf32, #tpu.memory_space<hbm>> -> memref<8192xf32, #tpu.memory_space<hbm>>
      tpu.enqueue_dma source(%dma_start3A_1288 : memref<8192xf32, #tpu.memory_space<hbm>>) target(%arg11 : memref<8192xf32, #tpu.memory_space<vmem>>) target_semaphore(%run_scoped3A : memref<!tpu.dma_semaphore, #tpu.memory_space<semaphore_mem>>)
      %dma_wait3A_1289 = tpu.memref_slice %arg2[%mul3A_56] : memref<98304xf32, #tpu.memory_space<hbm>> -> memref<8192xf32, #tpu.memory_space<hbm>>
      %dma_wait3A_1290 = tpu.memref_slice %arg2[%mul3A_56] : memref<98304xf32, #tpu.memory_space<hbm>> -> memref<8192xf32, #tpu.memory_space<hbm>>
      tpu.wait_dma2 semaphore(%run_scoped3A : memref<!tpu.dma_semaphore, #tpu.memory_space<semaphore_mem>>) src(%dma_wait3A_1290 : memref<8192xf32, #tpu.memory_space<hbm>>) dst(%arg11 : memref<8192xf32, #tpu.memory_space<vmem>>)
      tpu.yield
    }) : () -> ()
    %mul3A_57 = arith.constant 3 : i32
    %mul3A_58 = arith.muli %select_n3A, %mul3A_57 : i32
    %add3A_59 = arith.constant 0 : i32
    %add3A_60 = arith.addi %mul3A_58, %add3A_59 : i32
    %mul3A_61 = arith.constant 1024 : i32
    %mul3A_62 = arith.muli %add3A_60, %mul3A_61 : i32
    %add3A_63 = arith.addi %mul3A_62, %mul3A_38 : i32
    "tpu.region"() ({
      %run_scoped3A = tpu.sem_alloc : memref<!tpu.dma_semaphore, #tpu.memory_space<semaphore_mem>>
      %dma_start3A_1287 = arith.constant 0 : i32
      %dma_start3A_1288 = tpu.memref_slice %arg12[%dma_start3A_1287] : memref<144xf32, #tpu.memory_space<vmem>> -> memref<128xf32, #tpu.memory_space<vmem>>
      %dma_start3A_1289 = tpu.memref_slice %arg3[%add3A_63] : memref<12288xf32, #tpu.memory_space<hbm>> -> memref<128xf32, #tpu.memory_space<hbm>>
      %dma_start3A_1290 = arith.constant 0 : i32
      %dma_start3A_1291 = tpu.memref_slice %arg12[%dma_start3A_1290] : memref<144xf32, #tpu.memory_space<vmem>> -> memref<128xf32, #tpu.memory_space<vmem>>
      %dma_start3A_1292 = tpu.memref_slice %arg3[%add3A_63] : memref<12288xf32, #tpu.memory_space<hbm>> -> memref<128xf32, #tpu.memory_space<hbm>>
      tpu.enqueue_dma source(%dma_start3A_1292 : memref<128xf32, #tpu.memory_space<hbm>>) target(%dma_start3A_1291 : memref<128xf32, #tpu.memory_space<vmem>>) target_semaphore(%run_scoped3A : memref<!tpu.dma_semaphore, #tpu.memory_space<semaphore_mem>>)
      %dma_wait3A_1293 = arith.constant 0 : i32
      %dma_wait3A_1294 = tpu.memref_slice %arg12[%dma_wait3A_1293] : memref<144xf32, #tpu.memory_space<vmem>> -> memref<128xf32, #tpu.memory_space<vmem>>
      %dma_wait3A_1295 = tpu.memref_slice %arg3[%add3A_63] : memref<12288xf32, #tpu.memory_space<hbm>> -> memref<128xf32, #tpu.memory_space<hbm>>
      %dma_wait3A_1296 = arith.constant 0 : i32
      %dma_wait3A_1297 = tpu.memref_slice %arg12[%dma_wait3A_1296] : memref<144xf32, #tpu.memory_space<vmem>> -> memref<128xf32, #tpu.memory_space<vmem>>
      %dma_wait3A_1298 = tpu.memref_slice %arg3[%add3A_63] : memref<12288xf32, #tpu.memory_space<hbm>> -> memref<128xf32, #tpu.memory_space<hbm>>
      tpu.wait_dma2 semaphore(%run_scoped3A : memref<!tpu.dma_semaphore, #tpu.memory_space<semaphore_mem>>) src(%dma_wait3A_1298 : memref<128xf32, #tpu.memory_space<hbm>>) dst(%dma_wait3A_1297 : memref<128xf32, #tpu.memory_space<vmem>>)
      tpu.yield
    }) : () -> ()
    %mul3A_64 = arith.constant 3 : i32
    %mul3A_65 = arith.muli %select_n3A, %mul3A_64 : i32
    %add3A_66 = arith.constant 1 : i32
    %add3A_67 = arith.addi %mul3A_65, %add3A_66 : i32
    %mul3A_68 = arith.constant 1024 : i32
    %mul3A_69 = arith.muli %add3A_67, %mul3A_68 : i32
    %add3A_70 = arith.addi %mul3A_69, %mul3A_38 : i32
    "tpu.region"() ({
      %run_scoped3A = tpu.sem_alloc : memref<!tpu.dma_semaphore, #tpu.memory_space<semaphore_mem>>
      %dma_start3A_1287 = arith.constant 0 : i32
      %dma_start3A_1288 = tpu.memref_slice %arg13[%dma_start3A_1287] : memref<144xf32, #tpu.memory_space<vmem>> -> memref<128xf32, #tpu.memory_space<vmem>>
      %dma_start3A_1289 = tpu.memref_slice %arg3[%add3A_70] : memref<12288xf32, #tpu.memory_space<hbm>> -> memref<128xf32, #tpu.memory_space<hbm>>
      %dma_start3A_1290 = arith.constant 0 : i32
      %dma_start3A_1291 = tpu.memref_slice %arg13[%dma_start3A_1290] : memref<144xf32, #tpu.memory_space<vmem>> -> memref<128xf32, #tpu.memory_space<vmem>>
      %dma_start3A_1292 = tpu.memref_slice %arg3[%add3A_70] : memref<12288xf32, #tpu.memory_space<hbm>> -> memref<128xf32, #tpu.memory_space<hbm>>
      tpu.enqueue_dma source(%dma_start3A_1292 : memref<128xf32, #tpu.memory_space<hbm>>) target(%dma_start3A_1291 : memref<128xf32, #tpu.memory_space<vmem>>) target_semaphore(%run_scoped3A : memref<!tpu.dma_semaphore, #tpu.memory_space<semaphore_mem>>)
      %dma_wait3A_1293 = arith.constant 0 : i32
      %dma_wait3A_1294 = tpu.memref_slice %arg13[%dma_wait3A_1293] : memref<144xf32, #tpu.memory_space<vmem>> -> memref<128xf32, #tpu.memory_space<vmem>>
      %dma_wait3A_1295 = tpu.memref_slice %arg3[%add3A_70] : memref<12288xf32, #tpu.memory_space<hbm>> -> memref<128xf32, #tpu.memory_space<hbm>>
      %dma_wait3A_1296 = arith.constant 0 : i32
      %dma_wait3A_1297 = tpu.memref_slice %arg13[%dma_wait3A_1296] : memref<144xf32, #tpu.memory_space<vmem>> -> memref<128xf32, #tpu.memory_space<vmem>>
      %dma_wait3A_1298 = tpu.memref_slice %arg3[%add3A_70] : memref<12288xf32, #tpu.memory_space<hbm>> -> memref<128xf32, #tpu.memory_space<hbm>>
      tpu.wait_dma2 semaphore(%run_scoped3A : memref<!tpu.dma_semaphore, #tpu.memory_space<semaphore_mem>>) src(%dma_wait3A_1298 : memref<128xf32, #tpu.memory_space<hbm>>) dst(%dma_wait3A_1297 : memref<128xf32, #tpu.memory_space<vmem>>)
      tpu.yield
    }) : () -> ()
    %mul3A_71 = arith.constant 3 : i32
    %mul3A_72 = arith.muli %select_n3A, %mul3A_71 : i32
    %add3A_73 = arith.constant 2 : i32
    %add3A_74 = arith.addi %mul3A_72, %add3A_73 : i32
    %mul3A_75 = arith.constant 1024 : i32
    %mul3A_76 = arith.muli %add3A_74, %mul3A_75 : i32
    %add3A_77 = arith.addi %mul3A_76, %mul3A_38 : i32
    "tpu.region"() ({
      %run_scoped3A = tpu.sem_alloc : memref<!tpu.dma_semaphore, #tpu.memory_space<semaphore_mem>>
      %dma_start3A_1287 = arith.constant 0 : i32
      %dma_start3A_1288 = tpu.memref_slice %arg14[%dma_start3A_1287] : memref<144xf32, #tpu.memory_space<vmem>> -> memref<128xf32, #tpu.memory_space<vmem>>
      %dma_start3A_1289 = tpu.memref_slice %arg3[%add3A_77] : memref<12288xf32, #tpu.memory_space<hbm>> -> memref<128xf32, #tpu.memory_space<hbm>>
      %dma_start3A_1290 = arith.constant 0 : i32
      %dma_start3A_1291 = tpu.memref_slice %arg14[%dma_start3A_1290] : memref<144xf32, #tpu.memory_space<vmem>> -> memref<128xf32, #tpu.memory_space<vmem>>
      %dma_start3A_1292 = tpu.memref_slice %arg3[%add3A_77] : memref<12288xf32, #tpu.memory_space<hbm>> -> memref<128xf32, #tpu.memory_space<hbm>>
      tpu.enqueue_dma source(%dma_start3A_1292 : memref<128xf32, #tpu.memory_space<hbm>>) target(%dma_start3A_1291 : memref<128xf32, #tpu.memory_space<vmem>>) target_semaphore(%run_scoped3A : memref<!tpu.dma_semaphore, #tpu.memory_space<semaphore_mem>>)
      %dma_wait3A_1293 = arith.constant 0 : i32
      %dma_wait3A_1294 = tpu.memref_slice %arg14[%dma_wait3A_1293] : memref<144xf32, #tpu.memory_space<vmem>> -> memref<128xf32, #tpu.memory_space<vmem>>
      %dma_wait3A_1295 = tpu.memref_slice %arg3[%add3A_77] : memref<12288xf32, #tpu.memory_space<hbm>> -> memref<128xf32, #tpu.memory_space<hbm>>
      %dma_wait3A_1296 = arith.constant 0 : i32
      %dma_wait3A_1297 = tpu.memref_slice %arg14[%dma_wait3A_1296] : memref<144xf32, #tpu.memory_space<vmem>> -> memref<128xf32, #tpu.memory_space<vmem>>
      %dma_wait3A_1298 = tpu.memref_slice %arg3[%add3A_77] : memref<12288xf32, #tpu.memory_space<hbm>> -> memref<128xf32, #tpu.memory_space<hbm>>
      tpu.wait_dma2 semaphore(%run_scoped3A : memref<!tpu.dma_semaphore, #tpu.memory_space<semaphore_mem>>) src(%dma_wait3A_1298 : memref<128xf32, #tpu.memory_space<hbm>>) dst(%dma_wait3A_1297 : memref<128xf32, #tpu.memory_space<vmem>>)
      tpu.yield
    }) : () -> ()
    %iota3A = tpu.iota {dimensions = array<i32: 0>} : vector<16xi32>
    %mul3A_78 = arith.constant 8192 : i32
    %mul3A_79 = arith.muli %select_n3A, %mul3A_78 : i32
    %scan3A = arith.constant 0 : i32
    %scan3A_80 = arith.constant 0 : i32
    %scan3A_81 = arith.constant 128 : i32
    %scan3A_82 = arith.addi %scan3A_80, %scan3A_81 : i32
    %scan3A_83 = arith.constant 1 : i32
    scf.for %scan3A_1287 = %scan3A_80 to %scan3A_82 step %scan3A_83  : i32 {
      %get3A_1288 = arith.index_cast %scan3A_1287 : i32 to index
      %get3A_1289 = tpu.vector_load %arg12[%get3A_1288] {strides = array<i32>} : memref<144xf32, #tpu.memory_space<vmem>>, vector<16xf32>,
      %slice3A_1290 = vector.extract_strided_slice %get3A_1289 {offsets = [0], sizes = [1], strides = [1]} : vector<16xf32> to vector<1xf32>
      %squeeze3A_1291 = vector.extract %slice3A_1290[0] : f32 from vector<1xf32>
      %get3A_1292 = arith.index_cast %scan3A_1287 : i32 to index
      %get3A_1293 = tpu.vector_load %arg13[%get3A_1292] {strides = array<i32>} : memref<144xf32, #tpu.memory_space<vmem>>, vector<16xf32>,
      %slice3A_1294 = vector.extract_strided_slice %get3A_1293 {offsets = [0], sizes = [1], strides = [1]} : vector<16xf32> to vector<1xf32>
      %squeeze3A_1295 = vector.extract %slice3A_1294[0] : f32 from vector<1xf32>
      %get3A_1296 = arith.index_cast %scan3A_1287 : i32 to index
      %get3A_1297 = tpu.vector_load %arg14[%get3A_1296] {strides = array<i32>} : memref<144xf32, #tpu.memory_space<vmem>>, vector<16xf32>,
      %slice3A_1298 = vector.extract_strided_slice %get3A_1297 {offsets = [0], sizes = [1], strides = [1]} : vector<16xf32> to vector<1xf32>
      %squeeze3A_1299 = vector.extract %slice3A_1298[0] : f32 from vector<1xf32>
      %while3A = arith.constant 0 : i32
      %while3A_1300 = arith.constant 0 : i32
      %while3A_1301 = arith.constant 0 : i32
      %while3A_1302:3 = scf.while (%while3A_1427 = %while3A, %while3A_1428 = %while3A_1300, %while3A_1429 = %while3A_1301) : (i32, i32, i32) -> (i32, i32, i32) {
        %lt3A_1430 = arith.constant 256 : i32
        %lt3A_1431 = arith.cmpi slt, %while3A_1427, %lt3A_1430 : i32
        %lt3A_1432 = arith.constant 16 : i32
        %lt3A_1433 = arith.cmpi slt, %while3A_1428, %lt3A_1432 : i32
        %lt3A_1434 = arith.constant 32 : i32
        %lt3A_1435 = arith.cmpi slt, %while3A_1429, %lt3A_1434 : i32
        %or3A = arith.ori %lt3A_1433, %lt3A_1435 : i1
        %and3A_1436 = arith.andi %lt3A_1431, %or3A : i1
        scf.condition(%and3A_1436) %while3A_1427, %while3A_1428, %while3A_1429 : i32, i32, i32
      } do {
      ^bb0(%while3A_1427: i32, %while3A_1428: i32, %while3A_1429: i32):
        %mul3A_1430 = arith.constant 32 : i32
        %mul3A_1431 = arith.muli %while3A_1427, %mul3A_1430 : i32
        %add3A_1432 = arith.constant 0 : i32
        %add3A_1433 = arith.addi %mul3A_1431, %add3A_1432 : i32
        %get3A_1434 = arith.index_cast %add3A_1433 : i32 to index
        %get3A_1435 = tpu.vector_load %arg9[%get3A_1434] {strides = array<i32>} : memref<8192xf32, #tpu.memory_space<vmem>>, vector<16xf32>,
        %get3A_1436 = arith.index_cast %add3A_1433 : i32 to index
        %get3A_1437 = tpu.vector_load %arg10[%get3A_1436] {strides = array<i32>} : memref<8192xf32, #tpu.memory_space<vmem>>, vector<16xf32>,
        %get3A_1438 = arith.index_cast %add3A_1433 : i32 to index
        %get3A_1439 = tpu.vector_load %arg11[%get3A_1438] {strides = array<i32>} : memref<8192xf32, #tpu.memory_space<vmem>>, vector<16xf32>,
        %sub3A_1440 = vector.broadcast %squeeze3A_1291 : f32 to vector<16xf32>
        %sub3A_1441 = arith.subf %get3A_1435, %sub3A_1440 : vector<16xf32>
        %sub3A_1442 = vector.broadcast %squeeze3A_1295 : f32 to vector<16xf32>
        %sub3A_1443 = arith.subf %get3A_1437, %sub3A_1442 : vector<16xf32>
        %sub3A_1444 = vector.broadcast %squeeze3A_1299 : f32 to vector<16xf32>
        %sub3A_1445 = arith.subf %get3A_1439, %sub3A_1444 : vector<16xf32>
        %mul3A_1446 = arith.mulf %sub3A_1441, %sub3A_1441 : vector<16xf32>
        %mul3A_1447 = arith.mulf %sub3A_1443, %sub3A_1443 : vector<16xf32>
        %add3A_1448 = arith.addf %mul3A_1446, %mul3A_1447 : vector<16xf32>
        %mul3A_1449 = arith.mulf %sub3A_1445, %sub3A_1445 : vector<16xf32>
        %add3A_1450 = arith.addf %add3A_1448, %mul3A_1449 : vector<16xf32>
        %le3A = vector.broadcast %squeeze3A : f32 to vector<16xf32>
        %le3A_1451 = arith.cmpf ole, %add3A_1450, %le3A : vector<16xf32>
        %le3A_1452 = vector.broadcast %squeeze3A_5 : f32 to vector<16xf32>
        %le3A_1453 = arith.cmpf ole, %add3A_1450, %le3A_1452 : vector<16xf32>
        %add3A_1454 = vector.broadcast %add3A_1433 : i32 to vector<16xi32>
        %add3A_1455 = arith.addi %iota3A, %add3A_1454 : vector<16xi32>
        %swap3A_1456 = arith.index_cast %while3A_1428 : i32 to index
        %swap3A_1457 = tpu.vector_load %arg15[%swap3A_1456] masked %le3A_1451 {strides = array<i32>} : memref<32xi32, #tpu.memory_space<vmem>>, vector<16xi32>, vector<16xi1>
        tpu.vector_store %arg15[%swap3A_1456], %add3A_1455 masked %le3A_1451 {strides = array<i32>} : memref<32xi32, #tpu.memory_space<vmem>>, vector<16xi32>, vector<16xi1>
        %swap3A_1458 = arith.index_cast %while3A_1429 : i32 to index
        %swap3A_1459 = tpu.vector_load %arg16[%swap3A_1458] masked %le3A_1453 {strides = array<i32>} : memref<48xi32, #tpu.memory_space<vmem>>, vector<16xi32>, vector<16xi1>
        tpu.vector_store %arg16[%swap3A_1458], %add3A_1455 masked %le3A_1453 {strides = array<i32>} : memref<48xi32, #tpu.memory_space<vmem>>, vector<16xi32>, vector<16xi1>
        %convert_element_type3A = arith.extui %le3A_1451 : vector<16xi1> to vector<16xi32>
        %reduce_sum3A = arith.constant true
        %reduce_sum3A_1460 = vector.broadcast %reduce_sum3A : i1 to vector<16xi1>
        %reduce_sum3A_1461 = tpu.scan <sum>, %convert_element_type3A masked %reduce_sum3A_1460 : vector<16xi32>, vector<16xi1> -> vector<16xi32>
        %reduce_sum3A_1462 = vector.extract %reduce_sum3A_1461[15] : i32 from vector<16xi32>
        %add3A_1463 = arith.addi %while3A_1428, %reduce_sum3A_1462 : i32
        %min3A = arith.constant 16 : i32
        %min3A_1464 = arith.minsi %add3A_1463, %min3A : i32
        %convert_element_type3A_1465 = arith.extui %le3A_1453 : vector<16xi1> to vector<16xi32>
        %reduce_sum3A_1466 = arith.constant true
        %reduce_sum3A_1467 = vector.broadcast %reduce_sum3A_1466 : i1 to vector<16xi1>
        %reduce_sum3A_1468 = tpu.scan <sum>, %convert_element_type3A_1465 masked %reduce_sum3A_1467 : vector<16xi32>, vector<16xi1> -> vector<16xi32>
        %reduce_sum3A_1469 = vector.extract %reduce_sum3A_1468[15] : i32 from vector<16xi32>
        %add3A_1470 = arith.addi %while3A_1429, %reduce_sum3A_1469 : i32
        %min3A_1471 = arith.constant 32 : i32
        %min3A_1472 = arith.minsi %add3A_1470, %min3A_1471 : i32
        %mul3A_1473 = arith.constant 32 : i32
        %mul3A_1474 = arith.muli %while3A_1427, %mul3A_1473 : i32
        %add3A_1475 = arith.constant 16 : i32
        %add3A_1476 = arith.addi %mul3A_1474, %add3A_1475 : i32
        %get3A_1477 = arith.index_cast %add3A_1476 : i32 to index
        %get3A_1478 = tpu.vector_load %arg9[%get3A_1477] {strides = array<i32>} : memref<8192xf32, #tpu.memory_space<vmem>>, vector<16xf32>,
        %get3A_1479 = arith.index_cast %add3A_1476 : i32 to index
        %get3A_1480 = tpu.vector_load %arg10[%get3A_1479] {strides = array<i32>} : memref<8192xf32, #tpu.memory_space<vmem>>, vector<16xf32>,
        %get3A_1481 = arith.index_cast %add3A_1476 : i32 to index
        %get3A_1482 = tpu.vector_load %arg11[%get3A_1481] {strides = array<i32>} : memref<8192xf32, #tpu.memory_space<vmem>>, vector<16xf32>,
        %sub3A_1483 = vector.broadcast %squeeze3A_1291 : f32 to vector<16xf32>
        %sub3A_1484 = arith.subf %get3A_1478, %sub3A_1483 : vector<16xf32>
        %sub3A_1485 = vector.broadcast %squeeze3A_1295 : f32 to vector<16xf32>
        %sub3A_1486 = arith.subf %get3A_1480, %sub3A_1485 : vector<16xf32>
        %sub3A_1487 = vector.broadcast %squeeze3A_1299 : f32 to vector<16xf32>
        %sub3A_1488 = arith.subf %get3A_1482, %sub3A_1487 : vector<16xf32>
        %mul3A_1489 = arith.mulf %sub3A_1484, %sub3A_1484 : vector<16xf32>
        %mul3A_1490 = arith.mulf %sub3A_1486, %sub3A_1486 : vector<16xf32>
        %add3A_1491 = arith.addf %mul3A_1489, %mul3A_1490 : vector<16xf32>
        %mul3A_1492 = arith.mulf %sub3A_1488, %sub3A_1488 : vector<16xf32>
        %add3A_1493 = arith.addf %add3A_1491, %mul3A_1492 : vector<16xf32>
        %le3A_1494 = vector.broadcast %squeeze3A : f32 to vector<16xf32>
        %le3A_1495 = arith.cmpf ole, %add3A_1493, %le3A_1494 : vector<16xf32>
        %le3A_1496 = vector.broadcast %squeeze3A_5 : f32 to vector<16xf32>
        %le3A_1497 = arith.cmpf ole, %add3A_1493, %le3A_1496 : vector<16xf32>
        %add3A_1498 = vector.broadcast %add3A_1476 : i32 to vector<16xi32>
        %add3A_1499 = arith.addi %iota3A, %add3A_1498 : vector<16xi32>
        %swap3A_1500 = arith.index_cast %min3A_1464 : i32 to index
        %swap3A_1501 = tpu.vector_load %arg15[%swap3A_1500] masked %le3A_1495 {strides = array<i32>} : memref<32xi32, #tpu.memory_space<vmem>>, vector<16xi32>, vector<16xi1>
        tpu.vector_store %arg15[%swap3A_1500], %add3A_1499 masked %le3A_1495 {strides = array<i32>} : memref<32xi32, #tpu.memory_space<vmem>>, vector<16xi32>, vector<16xi1>
        %swap3A_1502 = arith.index_cast %min3A_1472 : i32 to index
        %swap3A_1503 = tpu.vector_load %arg16[%swap3A_1502] masked %le3A_1497 {strides = array<i32>} : memref<48xi32, #tpu.memory_space<vmem>>, vector<16xi32>, vector<16xi1>
        tpu.vector_store %arg16[%swap3A_1502], %add3A_1499 masked %le3A_1497 {strides = array<i32>} : memref<48xi32, #tpu.memory_space<vmem>>, vector<16xi32>, vector<16xi1>
        %convert_element_type3A_1504 = arith.extui %le3A_1495 : vector<16xi1> to vector<16xi32>
        %reduce_sum3A_1505 = arith.constant true
        %reduce_sum3A_1506 = vector.broadcast %reduce_sum3A_1505 : i1 to vector<16xi1>
        %reduce_sum3A_1507 = tpu.scan <sum>, %convert_element_type3A_1504 masked %reduce_sum3A_1506 : vector<16xi32>, vector<16xi1> -> vector<16xi32>
        %reduce_sum3A_1508 = vector.extract %reduce_sum3A_1507[15] : i32 from vector<16xi32>
        %add3A_1509 = arith.addi %min3A_1464, %reduce_sum3A_1508 : i32
        %min3A_1510 = arith.constant 16 : i32
        %min3A_1511 = arith.minsi %add3A_1509, %min3A_1510 : i32
        %convert_element_type3A_1512 = arith.extui %le3A_1497 : vector<16xi1> to vector<16xi32>
        %reduce_sum3A_1513 = arith.constant true
        %reduce_sum3A_1514 = vector.broadcast %reduce_sum3A_1513 : i1 to vector<16xi1>
        %reduce_sum3A_1515 = tpu.scan <sum>, %convert_element_type3A_1512 masked %reduce_sum3A_1514 : vector<16xi32>, vector<16xi1> -> vector<16xi32>
        %reduce_sum3A_1516 = vector.extract %reduce_sum3A_1515[15] : i32 from vector<16xi32>
        %add3A_1517 = arith.addi %min3A_1472, %reduce_sum3A_1516 : i32
        %min3A_1518 = arith.constant 32 : i32
        %min3A_1519 = arith.minsi %add3A_1517, %min3A_1518 : i32
        %add3A_1520 = arith.constant 1 : i32
        %add3A_1521 = arith.addi %while3A_1427, %add3A_1520 : i32
        scf.yield %add3A_1521, %min3A_1511, %min3A_1519 : i32, i32, i32
      }
      %get3A_1303 = arith.constant 0 : index
      %get3A_1304 = tpu.vector_load %arg15[%get3A_1303] {strides = array<i32>} : memref<32xi32, #tpu.memory_space<vmem>>, vector<16xi32>,
      %add3A_1305 = vector.broadcast %mul3A_79 : i32 to vector<16xi32>
      %add3A_1306 = arith.addi %get3A_1304, %add3A_1305 : vector<16xi32>
      %slice3A_1307 = vector.extract_strided_slice %add3A_1306 {offsets = [0], sizes = [1], strides = [1]} : vector<16xi32> to vector<1xi32>
      %squeeze3A_1308 = vector.extract %slice3A_1307[0] : i32 from vector<1xi32>
      %lt3A_1309 = vector.broadcast %while3A_1302#1 : i32 to vector<16xi32>
      %lt3A_1310 = arith.cmpi slt, %iota3A, %lt3A_1309 : vector<16xi32>
      %broadcast_in_dim3A = vector.broadcast %squeeze3A_1308 : i32 to vector<16xi32>
      %select_n3A_1311 = arith.select %lt3A_1310, %add3A_1306, %broadcast_in_dim3A : vector<16xi1>, vector<16xi32>
      %jit3A_1312 = arith.constant 8 : i32
      %div3A_1313 = arith.divsi %scan3A_1287, %jit3A_1312 : i32
      %sign3A_1314 = arith.constant 0 : i32
      %sign3A_1315 = arith.cmpi sgt, %scan3A_1287, %sign3A_1314 : i32
      %sign3A_1316 = arith.extui %sign3A_1315 : i1 to i32
      %sign3A_1317 = arith.constant 0 : i32
      %sign3A_1318 = arith.cmpi slt, %scan3A_1287, %sign3A_1317 : i32
      %sign3A_1319 = arith.extui %sign3A_1318 : i1 to i32
      %sign3A_1320 = arith.subi %sign3A_1316, %sign3A_1319 : i32
      %sign3A_1321 = arith.constant 0 : i32
      %sign3A_1322 = arith.cmpi sgt, %jit3A_1312, %sign3A_1321 : i32
      %sign3A_1323 = arith.extui %sign3A_1322 : i1 to i32
      %sign3A_1324 = arith.constant 0 : i32
      %sign3A_1325 = arith.cmpi slt, %jit3A_1312, %sign3A_1324 : i32
      %sign3A_1326 = arith.extui %sign3A_1325 : i1 to i32
      %sign3A_1327 = arith.subi %sign3A_1323, %sign3A_1326 : i32
      %ne3A_1328 = arith.cmpi ne, %sign3A_1320, %sign3A_1327 : i32
      %rem3A_1329 = arith.remsi %scan3A_1287, %jit3A_1312 : i32
      %ne3A_1330 = arith.constant 0 : i32
      %ne3A_1331 = arith.cmpi ne, %rem3A_1329, %ne3A_1330 : i32
      %and3A_1332 = arith.andi %ne3A_1328, %ne3A_1331 : i1
      %sub3A_1333 = arith.constant 1 : i32
      %sub3A_1334 = arith.subi %div3A_1313, %sub3A_1333 : i32
      %select_n3A_1335 = arith.select %and3A_1332, %sub3A_1334, %div3A_1313 : i32
      %jit3A_1336 = arith.constant 8 : i32
      %eq3A_1337 = arith.constant 0 : i32
      %eq3A_1338 = arith.cmpi eq, %jit3A_1336, %eq3A_1337 : i32
      %jit3A_1339 = arith.constant 1 : i32
      %select_n3A_1340 = arith.select %eq3A_1338, %jit3A_1339, %jit3A_1336 : i32
      %rem3A_1341 = arith.remsi %scan3A_1287, %select_n3A_1340 : i32
      %ne3A_1342 = arith.constant 0 : i32
      %ne3A_1343 = arith.cmpi ne, %rem3A_1341, %ne3A_1342 : i32
      %lt3A_1344 = arith.constant 0 : i32
      %lt3A_1345 = arith.cmpi slt, %rem3A_1341, %lt3A_1344 : i32
      %lt3A_1346 = arith.constant 0 : i32
      %lt3A_1347 = arith.cmpi slt, %select_n3A_1340, %lt3A_1346 : i32
      %ne3A_1348 = arith.xori %lt3A_1345, %lt3A_1347 : i1
      %and3A_1349 = arith.andi %ne3A_1348, %ne3A_1343 : i1
      %add3A_1350 = arith.addi %rem3A_1341, %select_n3A_1340 : i32
      %select_n3A_1351 = arith.select %and3A_1349, %add3A_1350, %rem3A_1341 : i32
      %mul3A_1352 = arith.constant 16 : i32
      %mul3A_1353 = arith.muli %select_n3A_1351, %mul3A_1352 : i32
      %swap3A = arith.index_cast %select_n3A_1335 : i32 to index
      %swap3A_1354 = arith.index_cast %mul3A_1353 : i32 to index
      %swap3A_1355 = tpu.vector_load %arg17[%swap3A, %swap3A_1354] {strides = array<i32>} : memref<16x128xi32, #tpu.memory_space<vmem>>, vector<16xi32>,
      tpu.vector_store %arg17[%swap3A, %swap3A_1354], %select_n3A_1311 {strides = array<i32>} : memref<16x128xi32, #tpu.memory_space<vmem>>, vector<16xi32>,
      %get3A_1356 = arith.constant 0 : index
      %get3A_1357 = tpu.vector_load %arg16[%get3A_1356] {strides = array<i32>} : memref<48xi32, #tpu.memory_space<vmem>>, vector<16xi32>,
      %add3A_1358 = vector.broadcast %mul3A_79 : i32 to vector<16xi32>
      %add3A_1359 = arith.addi %get3A_1357, %add3A_1358 : vector<16xi32>
      %get3A_1360 = arith.constant 16 : index
      %get3A_1361 = tpu.vector_load %arg16[%get3A_1360] {strides = array<i32>} : memref<48xi32, #tpu.memory_space<vmem>>, vector<16xi32>,
      %add3A_1362 = vector.broadcast %mul3A_79 : i32 to vector<16xi32>
      %add3A_1363 = arith.addi %get3A_1361, %add3A_1362 : vector<16xi32>
      %slice3A_1364 = vector.extract_strided_slice %add3A_1359 {offsets = [0], sizes = [1], strides = [1]} : vector<16xi32> to vector<1xi32>
      %squeeze3A_1365 = vector.extract %slice3A_1364[0] : i32 from vector<1xi32>
      %jit3A_1366 = arith.constant 4 : i32
      %div3A_1367 = arith.divsi %scan3A_1287, %jit3A_1366 : i32
      %sign3A_1368 = arith.constant 0 : i32
      %sign3A_1369 = arith.cmpi sgt, %scan3A_1287, %sign3A_1368 : i32
      %sign3A_1370 = arith.extui %sign3A_1369 : i1 to i32
      %sign3A_1371 = arith.constant 0 : i32
      %sign3A_1372 = arith.cmpi slt, %scan3A_1287, %sign3A_1371 : i32
      %sign3A_1373 = arith.extui %sign3A_1372 : i1 to i32
      %sign3A_1374 = arith.subi %sign3A_1370, %sign3A_1373 : i32
      %sign3A_1375 = arith.constant 0 : i32
      %sign3A_1376 = arith.cmpi sgt, %jit3A_1366, %sign3A_1375 : i32
      %sign3A_1377 = arith.extui %sign3A_1376 : i1 to i32
      %sign3A_1378 = arith.constant 0 : i32
      %sign3A_1379 = arith.cmpi slt, %jit3A_1366, %sign3A_1378 : i32
      %sign3A_1380 = arith.extui %sign3A_1379 : i1 to i32
      %sign3A_1381 = arith.subi %sign3A_1377, %sign3A_1380 : i32
      %ne3A_1382 = arith.cmpi ne, %sign3A_1374, %sign3A_1381 : i32
      %rem3A_1383 = arith.remsi %scan3A_1287, %jit3A_1366 : i32
      %ne3A_1384 = arith.constant 0 : i32
      %ne3A_1385 = arith.cmpi ne, %rem3A_1383, %ne3A_1384 : i32
      %and3A_1386 = arith.andi %ne3A_1382, %ne3A_1385 : i1
      %sub3A_1387 = arith.constant 1 : i32
      %sub3A_1388 = arith.subi %div3A_1367, %sub3A_1387 : i32
      %select_n3A_1389 = arith.select %and3A_1386, %sub3A_1388, %div3A_1367 : i32
      %jit3A_1390 = arith.constant 4 : i32
      %eq3A_1391 = arith.constant 0 : i32
      %eq3A_1392 = arith.cmpi eq, %jit3A_1390, %eq3A_1391 : i32
      %jit3A_1393 = arith.constant 1 : i32
      %select_n3A_1394 = arith.select %eq3A_1392, %jit3A_1393, %jit3A_1390 : i32
      %rem3A_1395 = arith.remsi %scan3A_1287, %select_n3A_1394 : i32
      %ne3A_1396 = arith.constant 0 : i32
      %ne3A_1397 = arith.cmpi ne, %rem3A_1395, %ne3A_1396 : i32
      %lt3A_1398 = arith.constant 0 : i32
      %lt3A_1399 = arith.cmpi slt, %rem3A_1395, %lt3A_1398 : i32
      %lt3A_1400 = arith.constant 0 : i32
      %lt3A_1401 = arith.cmpi slt, %select_n3A_1394, %lt3A_1400 : i32
      %ne3A_1402 = arith.xori %lt3A_1399, %lt3A_1401 : i1
      %and3A_1403 = arith.andi %ne3A_1402, %ne3A_1397 : i1
      %add3A_1404 = arith.addi %rem3A_1395, %select_n3A_1394 : i32
      %select_n3A_1405 = arith.select %and3A_1403, %add3A_1404, %rem3A_1395 : i32
      %mul3A_1406 = arith.constant 32 : i32
      %mul3A_1407 = arith.muli %select_n3A_1405, %mul3A_1406 : i32
      %lt3A_1408 = vector.broadcast %while3A_1302#2 : i32 to vector<16xi32>
      %lt3A_1409 = arith.cmpi slt, %iota3A, %lt3A_1408 : vector<16xi32>
      %broadcast_in_dim3A_1410 = vector.broadcast %squeeze3A_1365 : i32 to vector<16xi32>
      %select_n3A_1411 = arith.select %lt3A_1409, %add3A_1359, %broadcast_in_dim3A_1410 : vector<16xi1>, vector<16xi32>
      %swap3A_1412 = arith.index_cast %select_n3A_1389 : i32 to index
      %swap3A_1413 = arith.index_cast %mul3A_1407 : i32 to index
      %swap3A_1414 = tpu.vector_load %arg18[%swap3A_1412, %swap3A_1413] {strides = array<i32>} : memref<32x128xi32, #tpu.memory_space<vmem>>, vector<16xi32>,
      tpu.vector_store %arg18[%swap3A_1412, %swap3A_1413], %select_n3A_1411 {strides = array<i32>} : memref<32x128xi32, #tpu.memory_space<vmem>>, vector<16xi32>,
      %add3A_1415 = arith.constant 16 : i32
      %add3A_1416 = vector.broadcast %add3A_1415 : i32 to vector<16xi32>
      %add3A_1417 = arith.addi %iota3A, %add3A_1416 : vector<16xi32>
      %lt3A_1418 = vector.broadcast %while3A_1302#2 : i32 to vector<16xi32>
      %lt3A_1419 = arith.cmpi slt, %add3A_1417, %lt3A_1418 : vector<16xi32>
      %broadcast_in_dim3A_1420 = vector.broadcast %squeeze3A_1365 : i32 to vector<16xi32>
      %select_n3A_1421 = arith.select %lt3A_1419, %add3A_1363, %broadcast_in_dim3A_1420 : vector<16xi1>, vector<16xi32>
      %add3A_1422 = arith.constant 16 : i32
      %add3A_1423 = arith.addi %mul3A_1407, %add3A_1422 : i32
      %swap3A_1424 = arith.index_cast %select_n3A_1389 : i32 to index
      %swap3A_1425 = arith.index_cast %add3A_1423 : i32 to index
      %swap3A_1426 = tpu.vector_load %arg18[%swap3A_1424, %swap3A_1425] {strides = array<i32>} : memref<32x128xi32, #tpu.memory_space<vmem>>, vector<16xi32>,
      tpu.vector_store %arg18[%swap3A_1424, %swap3A_1425], %select_n3A_1421 {strides = array<i32>} : memref<32x128xi32, #tpu.memory_space<vmem>>, vector<16xi32>,
    }
    %scan3A_84 = arith.constant 128 : i32
    %mul3A_85 = arith.constant 2048 : i32
    %mul3A_86 = arith.muli %add3A, %mul3A_85 : i32
    %dma_start3A = arith.constant 0 : i32
    %dma_start3A_87 = arith.constant 0 : i32
    %dma_start3A_88 = arith.constant 0 : i32
    %dma_start3A_89 = tpu.memref_slice %arg19[%dma_start3A_87, %dma_start3A_88] : memref<256x128xf32, #tpu.memory_space<vmem>> -> memref<128x128xf32, #tpu.memory_space<vmem>>
    %dma_start3A_90 = arith.constant 0 : i32
    %dma_start3A_91 = tpu.memref_slice %arg17[%dma_start3A, %dma_start3A_90] : memref<16x128xi32, #tpu.memory_space<vmem>> -> memref<1x128xi32, #tpu.memory_space<vmem>>
    %dma_start3A_92 = tpu.memref_squeeze %dma_start3A_91 : memref<1x128xi32, #tpu.memory_space<vmem>> -> memref<128xi32, #tpu.memory_space<vmem>>
    %dma_start3A_93 = arith.constant 0 : i32
    %dma_start3A_94 = arith.constant 0 : i32
    %dma_start3A_95 = tpu.memref_slice %arg4[%dma_start3A_93, %dma_start3A_94] : memref<32768x128xf32, #tpu.memory_space<hbm>> -> memref<32768x128xf32, #tpu.memory_space<hbm>>
    tpu.enqueue_indirect_dma source(%dma_start3A_95 : memref<32768x128xf32, #tpu.memory_space<hbm>>) target(%dma_start3A_89 : memref<128x128xf32, #tpu.memory_space<vmem>>) offsets(%dma_start3A_92 : memref<128xi32, #tpu.memory_space<vmem>>) semaphore(%arg21 : memref<!tpu.dma_semaphore, #tpu.memory_space<semaphore_mem>>)
    %dma_start3A_96 = arith.constant 1 : i32
    %dma_start3A_97 = arith.constant 128 : i32
    %dma_start3A_98 = arith.constant 0 : i32
    %dma_start3A_99 = tpu.memref_slice %arg19[%dma_start3A_97, %dma_start3A_98] : memref<256x128xf32, #tpu.memory_space<vmem>> -> memref<128x128xf32, #tpu.memory_space<vmem>>
    %dma_start3A_100 = arith.constant 0 : i32
    %dma_start3A_101 = tpu.memref_slice %arg17[%dma_start3A_96, %dma_start3A_100] : memref<16x128xi32, #tpu.memory_space<vmem>> -> memref<1x128xi32, #tpu.memory_space<vmem>>
    %dma_start3A_102 = tpu.memref_squeeze %dma_start3A_101 : memref<1x128xi32, #tpu.memory_space<vmem>> -> memref<128xi32, #tpu.memory_space<vmem>>
    %dma_start3A_103 = arith.constant 0 : i32
    %dma_start3A_104 = arith.constant 0 : i32
    %dma_start3A_105 = tpu.memref_slice %arg4[%dma_start3A_103, %dma_start3A_104] : memref<32768x128xf32, #tpu.memory_space<hbm>> -> memref<32768x128xf32, #tpu.memory_space<hbm>>
    tpu.enqueue_indirect_dma source(%dma_start3A_105 : memref<32768x128xf32, #tpu.memory_space<hbm>>) target(%dma_start3A_99 : memref<128x128xf32, #tpu.memory_space<vmem>>) offsets(%dma_start3A_102 : memref<128xi32, #tpu.memory_space<vmem>>) semaphore(%arg21 : memref<!tpu.dma_semaphore, #tpu.memory_space<semaphore_mem>>)
    %dma_wait3A = arith.constant 0 : i32
    %dma_wait3A_106 = arith.constant 0 : i32
    %dma_wait3A_107 = arith.constant 0 : i32
    %dma_wait3A_108 = tpu.memref_slice %arg19[%dma_wait3A_106, %dma_wait3A_107] : memref<256x128xf32, #tpu.memory_space<vmem>> -> memref<128x128xf32, #tpu.memory_space<vmem>>
    %dma_wait3A_109 = arith.constant 0 : i32
    %dma_wait3A_110 = tpu.memref_slice %arg17[%dma_wait3A, %dma_wait3A_109] : memref<16x128xi32, #tpu.memory_space<vmem>> -> memref<1x128xi32, #tpu.memory_space<vmem>>
    %dma_wait3A_111 = tpu.memref_squeeze %dma_wait3A_110 : memref<1x128xi32, #tpu.memory_space<vmem>> -> memref<128xi32, #tpu.memory_space<vmem>>
    %dma_wait3A_112 = arith.constant 0 : i32
    %dma_wait3A_113 = arith.constant 0 : i32
    %dma_wait3A_114 = tpu.memref_slice %arg4[%dma_wait3A_112, %dma_wait3A_113] : memref<32768x128xf32, #tpu.memory_space<hbm>> -> memref<32768x128xf32, #tpu.memory_space<hbm>>
    tpu.wait_indirect_dma semaphore(%arg21 : memref<!tpu.dma_semaphore, #tpu.memory_space<semaphore_mem>>) src(%dma_wait3A_114 : memref<32768x128xf32, #tpu.memory_space<hbm>>) dst(%dma_wait3A_108 : memref<128x128xf32, #tpu.memory_space<vmem>>)
    %dma_wait3A_115 = arith.constant 1 : i32
    %dma_wait3A_116 = arith.constant 128 : i32
    %dma_wait3A_117 = arith.constant 0 : i32
    %dma_wait3A_118 = tpu.memref_slice %arg19[%dma_wait3A_116, %dma_wait3A_117] : memref<256x128xf32, #tpu.memory_space<vmem>> -> memref<128x128xf32, #tpu.memory_space<vmem>>
    %dma_wait3A_119 = arith.constant 0 : i32
    %dma_wait3A_120 = tpu.memref_slice %arg17[%dma_wait3A_115, %dma_wait3A_119] : memref<16x128xi32, #tpu.memory_space<vmem>> -> memref<1x128xi32, #tpu.memory_space<vmem>>
    %dma_wait3A_121 = tpu.memref_squeeze %dma_wait3A_120 : memref<1x128xi32, #tpu.memory_space<vmem>> -> memref<128xi32, #tpu.memory_space<vmem>>
    %dma_wait3A_122 = arith.constant 0 : i32
    %dma_wait3A_123 = arith.constant 0 : i32
    %dma_wait3A_124 = tpu.memref_slice %arg4[%dma_wait3A_122, %dma_wait3A_123] : memref<32768x128xf32, #tpu.memory_space<hbm>> -> memref<32768x128xf32, #tpu.memory_space<hbm>>
    tpu.wait_indirect_dma semaphore(%arg21 : memref<!tpu.dma_semaphore, #tpu.memory_space<semaphore_mem>>) src(%dma_wait3A_124 : memref<32768x128xf32, #tpu.memory_space<hbm>>) dst(%dma_wait3A_118 : memref<128x128xf32, #tpu.memory_space<vmem>>)
    %add3A_125 = arith.constant 0 : i32
    %add3A_126 = arith.addi %mul3A_86, %add3A_125 : i32
    %dma_start3A_127 = arith.constant 0 : i32
    %dma_start3A_128 = tpu.memref_slice %arg7[%add3A_126, %dma_start3A_127] : memref<65536x128xf32, #tpu.memory_space<hbm>> -> memref<256x128xf32, #tpu.memory_space<hbm>>
    %dma_start3A_129 = arith.constant 0 : i32
    %dma_start3A_130 = tpu.memref_slice %arg7[%add3A_126, %dma_start3A_129] : memref<65536x128xf32, #tpu.memory_space<hbm>> -> memref<256x128xf32, #tpu.memory_space<hbm>>
    tpu.enqueue_dma source(%arg19 : memref<256x128xf32, #tpu.memory_space<vmem>>) target(%dma_start3A_130 : memref<256x128xf32, #tpu.memory_space<hbm>>) target_semaphore(%arg22 : memref<!tpu.dma_semaphore, #tpu.memory_space<semaphore_mem>>)
    %dma_start3A_131 = arith.constant 2 : i32
    %dma_start3A_132 = arith.constant 0 : i32
    %dma_start3A_133 = arith.constant 0 : i32
    %dma_start3A_134 = tpu.memref_slice %arg20[%dma_start3A_132, %dma_start3A_133] : memref<256x128xf32, #tpu.memory_space<vmem>> -> memref<128x128xf32, #tpu.memory_space<vmem>>
    %dma_start3A_135 = arith.constant 0 : i32
    %dma_start3A_136 = tpu.memref_slice %arg17[%dma_start3A_131, %dma_start3A_135] : memref<16x128xi32, #tpu.memory_space<vmem>> -> memref<1x128xi32, #tpu.memory_space<vmem>>
    %dma_start3A_137 = tpu.memref_squeeze %dma_start3A_136 : memref<1x128xi32, #tpu.memory_space<vmem>> -> memref<128xi32, #tpu.memory_space<vmem>>
    %dma_start3A_138 = arith.constant 0 : i32
    %dma_start3A_139 = arith.constant 0 : i32
    %dma_start3A_140 = tpu.memref_slice %arg4[%dma_start3A_138, %dma_start3A_139] : memref<32768x128xf32, #tpu.memory_space<hbm>> -> memref<32768x128xf32, #tpu.memory_space<hbm>>
    tpu.enqueue_indirect_dma source(%dma_start3A_140 : memref<32768x128xf32, #tpu.memory_space<hbm>>) target(%dma_start3A_134 : memref<128x128xf32, #tpu.memory_space<vmem>>) offsets(%dma_start3A_137 : memref<128xi32, #tpu.memory_space<vmem>>) semaphore(%arg21 : memref<!tpu.dma_semaphore, #tpu.memory_space<semaphore_mem>>)
    %dma_start3A_141 = arith.constant 3 : i32
    %dma_start3A_142 = arith.constant 128 : i32
    %dma_start3A_143 = arith.constant 0 : i32
    %dma_start3A_144 = tpu.memref_slice %arg20[%dma_start3A_142, %dma_start3A_143] : memref<256x128xf32, #tpu.memory_space<vmem>> -> memref<128x128xf32, #tpu.memory_space<vmem>>
    %dma_start3A_145 = arith.constant 0 : i32
    %dma_start3A_146 = tpu.memref_slice %arg17[%dma_start3A_141, %dma_start3A_145] : memref<16x128xi32, #tpu.memory_space<vmem>> -> memref<1x128xi32, #tpu.memory_space<vmem>>
    %dma_start3A_147 = tpu.memref_squeeze %dma_start3A_146 : memref<1x128xi32, #tpu.memory_space<vmem>> -> memref<128xi32, #tpu.memory_space<vmem>>
    %dma_start3A_148 = arith.constant 0 : i32
    %dma_start3A_149 = arith.constant 0 : i32
    %dma_start3A_150 = tpu.memref_slice %arg4[%dma_start3A_148, %dma_start3A_149] : memref<32768x128xf32, #tpu.memory_space<hbm>> -> memref<32768x128xf32, #tpu.memory_space<hbm>>
    tpu.enqueue_indirect_dma source(%dma_start3A_150 : memref<32768x128xf32, #tpu.memory_space<hbm>>) target(%dma_start3A_144 : memref<128x128xf32, #tpu.memory_space<vmem>>) offsets(%dma_start3A_147 : memref<128xi32, #tpu.memory_space<vmem>>) semaphore(%arg21 : memref<!tpu.dma_semaphore, #tpu.memory_space<semaphore_mem>>)
    %dma_wait3A_151 = arith.constant 2 : i32
    %dma_wait3A_152 = arith.constant 0 : i32
    %dma_wait3A_153 = arith.constant 0 : i32
    %dma_wait3A_154 = tpu.memref_slice %arg20[%dma_wait3A_152, %dma_wait3A_153] : memref<256x128xf32, #tpu.memory_space<vmem>> -> memref<128x128xf32, #tpu.memory_space<vmem>>
    %dma_wait3A_155 = arith.constant 0 : i32
    %dma_wait3A_156 = tpu.memref_slice %arg17[%dma_wait3A_151, %dma_wait3A_155] : memref<16x128xi32, #tpu.memory_space<vmem>> -> memref<1x128xi32, #tpu.memory_space<vmem>>
    %dma_wait3A_157 = tpu.memref_squeeze %dma_wait3A_156 : memref<1x128xi32, #tpu.memory_space<vmem>> -> memref<128xi32, #tpu.memory_space<vmem>>
    %dma_wait3A_158 = arith.constant 0 : i32
    %dma_wait3A_159 = arith.constant 0 : i32
    %dma_wait3A_160 = tpu.memref_slice %arg4[%dma_wait3A_158, %dma_wait3A_159] : memref<32768x128xf32, #tpu.memory_space<hbm>> -> memref<32768x128xf32, #tpu.memory_space<hbm>>
    tpu.wait_indirect_dma semaphore(%arg21 : memref<!tpu.dma_semaphore, #tpu.memory_space<semaphore_mem>>) src(%dma_wait3A_160 : memref<32768x128xf32, #tpu.memory_space<hbm>>) dst(%dma_wait3A_154 : memref<128x128xf32, #tpu.memory_space<vmem>>)
    %dma_wait3A_161 = arith.constant 3 : i32
    %dma_wait3A_162 = arith.constant 128 : i32
    %dma_wait3A_163 = arith.constant 0 : i32
    %dma_wait3A_164 = tpu.memref_slice %arg20[%dma_wait3A_162, %dma_wait3A_163] : memref<256x128xf32, #tpu.memory_space<vmem>> -> memref<128x128xf32, #tpu.memory_space<vmem>>
    %dma_wait3A_165 = arith.constant 0 : i32
    %dma_wait3A_166 = tpu.memref_slice %arg17[%dma_wait3A_161, %dma_wait3A_165] : memref<16x128xi32, #tpu.memory_space<vmem>> -> memref<1x128xi32, #tpu.memory_space<vmem>>
    %dma_wait3A_167 = tpu.memref_squeeze %dma_wait3A_166 : memref<1x128xi32, #tpu.memory_space<vmem>> -> memref<128xi32, #tpu.memory_space<vmem>>
    %dma_wait3A_168 = arith.constant 0 : i32
    %dma_wait3A_169 = arith.constant 0 : i32
    %dma_wait3A_170 = tpu.memref_slice %arg4[%dma_wait3A_168, %dma_wait3A_169] : memref<32768x128xf32, #tpu.memory_space<hbm>> -> memref<32768x128xf32, #tpu.memory_space<hbm>>
    tpu.wait_indirect_dma semaphore(%arg21 : memref<!tpu.dma_semaphore, #tpu.memory_space<semaphore_mem>>) src(%dma_wait3A_170 : memref<32768x128xf32, #tpu.memory_space<hbm>>) dst(%dma_wait3A_164 : memref<128x128xf32, #tpu.memory_space<vmem>>)
    %add3A_171 = arith.constant 256 : i32
    %add3A_172 = arith.addi %mul3A_86, %add3A_171 : i32
    %dma_start3A_173 = arith.constant 0 : i32
    %dma_start3A_174 = tpu.memref_slice %arg7[%add3A_172, %dma_start3A_173] : memref<65536x128xf32, #tpu.memory_space<hbm>> -> memref<256x128xf32, #tpu.memory_space<hbm>>
    %dma_start3A_175 = arith.constant 0 : i32
    %dma_start3A_176 = tpu.memref_slice %arg7[%add3A_172, %dma_start3A_175] : memref<65536x128xf32, #tpu.memory_space<hbm>> -> memref<256x128xf32, #tpu.memory_space<hbm>>
    tpu.enqueue_dma source(%arg20 : memref<256x128xf32, #tpu.memory_space<vmem>>) target(%dma_start3A_176 : memref<256x128xf32, #tpu.memory_space<hbm>>) target_semaphore(%arg23 : memref<!tpu.dma_semaphore, #tpu.memory_space<semaphore_mem>>)
    %dma_wait3A_177 = arith.constant 0 : i32
    %dma_wait3A_178 = tpu.memref_slice %arg7[%add3A_126, %dma_wait3A_177] : memref<65536x128xf32, #tpu.memory_space<hbm>> -> memref<256x128xf32, #tpu.memory_space<hbm>>
    %dma_wait3A_179 = arith.constant 0 : i32
    %dma_wait3A_180 = tpu.memref_slice %arg7[%add3A_126, %dma_wait3A_179] : memref<65536x128xf32, #tpu.memory_space<hbm>> -> memref<256x128xf32, #tpu.memory_space<hbm>>
    tpu.wait_dma2 semaphore(%arg22 : memref<!tpu.dma_semaphore, #tpu.memory_space<semaphore_mem>>) src(%arg19 : memref<256x128xf32, #tpu.memory_space<vmem>>) dst(%dma_wait3A_180 : memref<256x128xf32, #tpu.memory_space<hbm>>)
    %dma_start3A_181 = arith.constant 4 : i32
    %dma_start3A_182 = arith.constant 0 : i32
    %dma_start3A_183 = arith.constant 0 : i32
    %dma_start3A_184 = tpu.memref_slice %arg19[%dma_start3A_182, %dma_start3A_183] : memref<256x128xf32, #tpu.memory_space<vmem>> -> memref<128x128xf32, #tpu.memory_space<vmem>>
    %dma_start3A_185 = arith.constant 0 : i32
    %dma_start3A_186 = tpu.memref_slice %arg17[%dma_start3A_181, %dma_start3A_185] : memref<16x128xi32, #tpu.memory_space<vmem>> -> memref<1x128xi32, #tpu.memory_space<vmem>>
    %dma_start3A_187 = tpu.memref_squeeze %dma_start3A_186 : memref<1x128xi32, #tpu.memory_space<vmem>> -> memref<128xi32, #tpu.memory_space<vmem>>
    %dma_start3A_188 = arith.constant 0 : i32
    %dma_start3A_189 = arith.constant 0 : i32
    %dma_start3A_190 = tpu.memref_slice %arg4[%dma_start3A_188, %dma_start3A_189] : memref<32768x128xf32, #tpu.memory_space<hbm>> -> memref<32768x128xf32, #tpu.memory_space<hbm>>
    tpu.enqueue_indirect_dma source(%dma_start3A_190 : memref<32768x128xf32, #tpu.memory_space<hbm>>) target(%dma_start3A_184 : memref<128x128xf32, #tpu.memory_space<vmem>>) offsets(%dma_start3A_187 : memref<128xi32, #tpu.memory_space<vmem>>) semaphore(%arg21 : memref<!tpu.dma_semaphore, #tpu.memory_space<semaphore_mem>>)
    %dma_start3A_191 = arith.constant 5 : i32
    %dma_start3A_192 = arith.constant 128 : i32
    %dma_start3A_193 = arith.constant 0 : i32
    %dma_start3A_194 = tpu.memref_slice %arg19[%dma_start3A_192, %dma_start3A_193] : memref<256x128xf32, #tpu.memory_space<vmem>> -> memref<128x128xf32, #tpu.memory_space<vmem>>
    %dma_start3A_195 = arith.constant 0 : i32
    %dma_start3A_196 = tpu.memref_slice %arg17[%dma_start3A_191, %dma_start3A_195] : memref<16x128xi32, #tpu.memory_space<vmem>> -> memref<1x128xi32, #tpu.memory_space<vmem>>
    %dma_start3A_197 = tpu.memref_squeeze %dma_start3A_196 : memref<1x128xi32, #tpu.memory_space<vmem>> -> memref<128xi32, #tpu.memory_space<vmem>>
    %dma_start3A_198 = arith.constant 0 : i32
    %dma_start3A_199 = arith.constant 0 : i32
    %dma_start3A_200 = tpu.memref_slice %arg4[%dma_start3A_198, %dma_start3A_199] : memref<32768x128xf32, #tpu.memory_space<hbm>> -> memref<32768x128xf32, #tpu.memory_space<hbm>>
    tpu.enqueue_indirect_dma source(%dma_start3A_200 : memref<32768x128xf32, #tpu.memory_space<hbm>>) target(%dma_start3A_194 : memref<128x128xf32, #tpu.memory_space<vmem>>) offsets(%dma_start3A_197 : memref<128xi32, #tpu.memory_space<vmem>>) semaphore(%arg21 : memref<!tpu.dma_semaphore, #tpu.memory_space<semaphore_mem>>)
    %dma_wait3A_201 = arith.constant 4 : i32
    %dma_wait3A_202 = arith.constant 0 : i32
    %dma_wait3A_203 = arith.constant 0 : i32
    %dma_wait3A_204 = tpu.memref_slice %arg19[%dma_wait3A_202, %dma_wait3A_203] : memref<256x128xf32, #tpu.memory_space<vmem>> -> memref<128x128xf32, #tpu.memory_space<vmem>>
    %dma_wait3A_205 = arith.constant 0 : i32
    %dma_wait3A_206 = tpu.memref_slice %arg17[%dma_wait3A_201, %dma_wait3A_205] : memref<16x128xi32, #tpu.memory_space<vmem>> -> memref<1x128xi32, #tpu.memory_space<vmem>>
    %dma_wait3A_207 = tpu.memref_squeeze %dma_wait3A_206 : memref<1x128xi32, #tpu.memory_space<vmem>> -> memref<128xi32, #tpu.memory_space<vmem>>
    %dma_wait3A_208 = arith.constant 0 : i32
    %dma_wait3A_209 = arith.constant 0 : i32
    %dma_wait3A_210 = tpu.memref_slice %arg4[%dma_wait3A_208, %dma_wait3A_209] : memref<32768x128xf32, #tpu.memory_space<hbm>> -> memref<32768x128xf32, #tpu.memory_space<hbm>>
    tpu.wait_indirect_dma semaphore(%arg21 : memref<!tpu.dma_semaphore, #tpu.memory_space<semaphore_mem>>) src(%dma_wait3A_210 : memref<32768x128xf32, #tpu.memory_space<hbm>>) dst(%dma_wait3A_204 : memref<128x128xf32, #tpu.memory_space<vmem>>)
    %dma_wait3A_211 = arith.constant 5 : i32
    %dma_wait3A_212 = arith.constant 128 : i32
    %dma_wait3A_213 = arith.constant 0 : i32
    %dma_wait3A_214 = tpu.memref_slice %arg19[%dma_wait3A_212, %dma_wait3A_213] : memref<256x128xf32, #tpu.memory_space<vmem>> -> memref<128x128xf32, #tpu.memory_space<vmem>>
    %dma_wait3A_215 = arith.constant 0 : i32
    %dma_wait3A_216 = tpu.memref_slice %arg17[%dma_wait3A_211, %dma_wait3A_215] : memref<16x128xi32, #tpu.memory_space<vmem>> -> memref<1x128xi32, #tpu.memory_space<vmem>>
    %dma_wait3A_217 = tpu.memref_squeeze %dma_wait3A_216 : memref<1x128xi32, #tpu.memory_space<vmem>> -> memref<128xi32, #tpu.memory_space<vmem>>
    %dma_wait3A_218 = arith.constant 0 : i32
    %dma_wait3A_219 = arith.constant 0 : i32
    %dma_wait3A_220 = tpu.memref_slice %arg4[%dma_wait3A_218, %dma_wait3A_219] : memref<32768x128xf32, #tpu.memory_space<hbm>> -> memref<32768x128xf32, #tpu.memory_space<hbm>>
    tpu.wait_indirect_dma semaphore(%arg21 : memref<!tpu.dma_semaphore, #tpu.memory_space<semaphore_mem>>) src(%dma_wait3A_220 : memref<32768x128xf32, #tpu.memory_space<hbm>>) dst(%dma_wait3A_214 : memref<128x128xf32, #tpu.memory_space<vmem>>)
    %add3A_221 = arith.constant 512 : i32
    %add3A_222 = arith.addi %mul3A_86, %add3A_221 : i32
    %dma_start3A_223 = arith.constant 0 : i32
    %dma_start3A_224 = tpu.memref_slice %arg7[%add3A_222, %dma_start3A_223] : memref<65536x128xf32, #tpu.memory_space<hbm>> -> memref<256x128xf32, #tpu.memory_space<hbm>>
    %dma_start3A_225 = arith.constant 0 : i32
    %dma_start3A_226 = tpu.memref_slice %arg7[%add3A_222, %dma_start3A_225] : memref<65536x128xf32, #tpu.memory_space<hbm>> -> memref<256x128xf32, #tpu.memory_space<hbm>>
    tpu.enqueue_dma source(%arg19 : memref<256x128xf32, #tpu.memory_space<vmem>>) target(%dma_start3A_226 : memref<256x128xf32, #tpu.memory_space<hbm>>) target_semaphore(%arg22 : memref<!tpu.dma_semaphore, #tpu.memory_space<semaphore_mem>>)
    %dma_wait3A_227 = arith.constant 0 : i32
    %dma_wait3A_228 = tpu.memref_slice %arg7[%add3A_172, %dma_wait3A_227] : memref<65536x128xf32, #tpu.memory_space<hbm>> -> memref<256x128xf32, #tpu.memory_space<hbm>>
    %dma_wait3A_229 = arith.constant 0 : i32
    %dma_wait3A_230 = tpu.memref_slice %arg7[%add3A_172, %dma_wait3A_229] : memref<65536x128xf32, #tpu.memory_space<hbm>> -> memref<256x128xf32, #tpu.memory_space<hbm>>
    tpu.wait_dma2 semaphore(%arg23 : memref<!tpu.dma_semaphore, #tpu.memory_space<semaphore_mem>>) src(%arg20 : memref<256x128xf32, #tpu.memory_space<vmem>>) dst(%dma_wait3A_230 : memref<256x128xf32, #tpu.memory_space<hbm>>)
    %dma_start3A_231 = arith.constant 6 : i32
    %dma_start3A_232 = arith.constant 0 : i32
    %dma_start3A_233 = arith.constant 0 : i32
    %dma_start3A_234 = tpu.memref_slice %arg20[%dma_start3A_232, %dma_start3A_233] : memref<256x128xf32, #tpu.memory_space<vmem>> -> memref<128x128xf32, #tpu.memory_space<vmem>>
    %dma_start3A_235 = arith.constant 0 : i32
    %dma_start3A_236 = tpu.memref_slice %arg17[%dma_start3A_231, %dma_start3A_235] : memref<16x128xi32, #tpu.memory_space<vmem>> -> memref<1x128xi32, #tpu.memory_space<vmem>>
    %dma_start3A_237 = tpu.memref_squeeze %dma_start3A_236 : memref<1x128xi32, #tpu.memory_space<vmem>> -> memref<128xi32, #tpu.memory_space<vmem>>
    %dma_start3A_238 = arith.constant 0 : i32
    %dma_start3A_239 = arith.constant 0 : i32
    %dma_start3A_240 = tpu.memref_slice %arg4[%dma_start3A_238, %dma_start3A_239] : memref<32768x128xf32, #tpu.memory_space<hbm>> -> memref<32768x128xf32, #tpu.memory_space<hbm>>
    tpu.enqueue_indirect_dma source(%dma_start3A_240 : memref<32768x128xf32, #tpu.memory_space<hbm>>) target(%dma_start3A_234 : memref<128x128xf32, #tpu.memory_space<vmem>>) offsets(%dma_start3A_237 : memref<128xi32, #tpu.memory_space<vmem>>) semaphore(%arg21 : memref<!tpu.dma_semaphore, #tpu.memory_space<semaphore_mem>>)
    %dma_start3A_241 = arith.constant 7 : i32
    %dma_start3A_242 = arith.constant 128 : i32
    %dma_start3A_243 = arith.constant 0 : i32
    %dma_start3A_244 = tpu.memref_slice %arg20[%dma_start3A_242, %dma_start3A_243] : memref<256x128xf32, #tpu.memory_space<vmem>> -> memref<128x128xf32, #tpu.memory_space<vmem>>
    %dma_start3A_245 = arith.constant 0 : i32
    %dma_start3A_246 = tpu.memref_slice %arg17[%dma_start3A_241, %dma_start3A_245] : memref<16x128xi32, #tpu.memory_space<vmem>> -> memref<1x128xi32, #tpu.memory_space<vmem>>
    %dma_start3A_247 = tpu.memref_squeeze %dma_start3A_246 : memref<1x128xi32, #tpu.memory_space<vmem>> -> memref<128xi32, #tpu.memory_space<vmem>>
    %dma_start3A_248 = arith.constant 0 : i32
    %dma_start3A_249 = arith.constant 0 : i32
    %dma_start3A_250 = tpu.memref_slice %arg4[%dma_start3A_248, %dma_start3A_249] : memref<32768x128xf32, #tpu.memory_space<hbm>> -> memref<32768x128xf32, #tpu.memory_space<hbm>>
    tpu.enqueue_indirect_dma source(%dma_start3A_250 : memref<32768x128xf32, #tpu.memory_space<hbm>>) target(%dma_start3A_244 : memref<128x128xf32, #tpu.memory_space<vmem>>) offsets(%dma_start3A_247 : memref<128xi32, #tpu.memory_space<vmem>>) semaphore(%arg21 : memref<!tpu.dma_semaphore, #tpu.memory_space<semaphore_mem>>)
    %dma_wait3A_251 = arith.constant 6 : i32
    %dma_wait3A_252 = arith.constant 0 : i32
    %dma_wait3A_253 = arith.constant 0 : i32
    %dma_wait3A_254 = tpu.memref_slice %arg20[%dma_wait3A_252, %dma_wait3A_253] : memref<256x128xf32, #tpu.memory_space<vmem>> -> memref<128x128xf32, #tpu.memory_space<vmem>>
    %dma_wait3A_255 = arith.constant 0 : i32
    %dma_wait3A_256 = tpu.memref_slice %arg17[%dma_wait3A_251, %dma_wait3A_255] : memref<16x128xi32, #tpu.memory_space<vmem>> -> memref<1x128xi32, #tpu.memory_space<vmem>>
    %dma_wait3A_257 = tpu.memref_squeeze %dma_wait3A_256 : memref<1x128xi32, #tpu.memory_space<vmem>> -> memref<128xi32, #tpu.memory_space<vmem>>
    %dma_wait3A_258 = arith.constant 0 : i32
    %dma_wait3A_259 = arith.constant 0 : i32
    %dma_wait3A_260 = tpu.memref_slice %arg4[%dma_wait3A_258, %dma_wait3A_259] : memref<32768x128xf32, #tpu.memory_space<hbm>> -> memref<32768x128xf32, #tpu.memory_space<hbm>>
    tpu.wait_indirect_dma semaphore(%arg21 : memref<!tpu.dma_semaphore, #tpu.memory_space<semaphore_mem>>) src(%dma_wait3A_260 : memref<32768x128xf32, #tpu.memory_space<hbm>>) dst(%dma_wait3A_254 : memref<128x128xf32, #tpu.memory_space<vmem>>)
    %dma_wait3A_261 = arith.constant 7 : i32
    %dma_wait3A_262 = arith.constant 128 : i32
    %dma_wait3A_263 = arith.constant 0 : i32
    %dma_wait3A_264 = tpu.memref_slice %arg20[%dma_wait3A_262, %dma_wait3A_263] : memref<256x128xf32, #tpu.memory_space<vmem>> -> memref<128x128xf32, #tpu.memory_space<vmem>>
    %dma_wait3A_265 = arith.constant 0 : i32
    %dma_wait3A_266 = tpu.memref_slice %arg17[%dma_wait3A_261, %dma_wait3A_265] : memref<16x128xi32, #tpu.memory_space<vmem>> -> memref<1x128xi32, #tpu.memory_space<vmem>>
    %dma_wait3A_267 = tpu.memref_squeeze %dma_wait3A_266 : memref<1x128xi32, #tpu.memory_space<vmem>> -> memref<128xi32, #tpu.memory_space<vmem>>
    %dma_wait3A_268 = arith.constant 0 : i32
    %dma_wait3A_269 = arith.constant 0 : i32
    %dma_wait3A_270 = tpu.memref_slice %arg4[%dma_wait3A_268, %dma_wait3A_269] : memref<32768x128xf32, #tpu.memory_space<hbm>> -> memref<32768x128xf32, #tpu.memory_space<hbm>>
    tpu.wait_indirect_dma semaphore(%arg21 : memref<!tpu.dma_semaphore, #tpu.memory_space<semaphore_mem>>) src(%dma_wait3A_270 : memref<32768x128xf32, #tpu.memory_space<hbm>>) dst(%dma_wait3A_264 : memref<128x128xf32, #tpu.memory_space<vmem>>)
    %add3A_271 = arith.constant 768 : i32
    %add3A_272 = arith.addi %mul3A_86, %add3A_271 : i32
    %dma_start3A_273 = arith.constant 0 : i32
    %dma_start3A_274 = tpu.memref_slice %arg7[%add3A_272, %dma_start3A_273] : memref<65536x128xf32, #tpu.memory_space<hbm>> -> memref<256x128xf32, #tpu.memory_space<hbm>>
    %dma_start3A_275 = arith.constant 0 : i32
    %dma_start3A_276 = tpu.memref_slice %arg7[%add3A_272, %dma_start3A_275] : memref<65536x128xf32, #tpu.memory_space<hbm>> -> memref<256x128xf32, #tpu.memory_space<hbm>>
    tpu.enqueue_dma source(%arg20 : memref<256x128xf32, #tpu.memory_space<vmem>>) target(%dma_start3A_276 : memref<256x128xf32, #tpu.memory_space<hbm>>) target_semaphore(%arg23 : memref<!tpu.dma_semaphore, #tpu.memory_space<semaphore_mem>>)
    %dma_wait3A_277 = arith.constant 0 : i32
    %dma_wait3A_278 = tpu.memref_slice %arg7[%add3A_222, %dma_wait3A_277] : memref<65536x128xf32, #tpu.memory_space<hbm>> -> memref<256x128xf32, #tpu.memory_space<hbm>>
    %dma_wait3A_279 = arith.constant 0 : i32
    %dma_wait3A_280 = tpu.memref_slice %arg7[%add3A_222, %dma_wait3A_279] : memref<65536x128xf32, #tpu.memory_space<hbm>> -> memref<256x128xf32, #tpu.memory_space<hbm>>
    tpu.wait_dma2 semaphore(%arg22 : memref<!tpu.dma_semaphore, #tpu.memory_space<semaphore_mem>>) src(%arg19 : memref<256x128xf32, #tpu.memory_space<vmem>>) dst(%dma_wait3A_280 : memref<256x128xf32, #tpu.memory_space<hbm>>)
    %dma_start3A_281 = arith.constant 8 : i32
    %dma_start3A_282 = arith.constant 0 : i32
    %dma_start3A_283 = arith.constant 0 : i32
    %dma_start3A_284 = tpu.memref_slice %arg19[%dma_start3A_282, %dma_start3A_283] : memref<256x128xf32, #tpu.memory_space<vmem>> -> memref<128x128xf32, #tpu.memory_space<vmem>>
    %dma_start3A_285 = arith.constant 0 : i32
    %dma_start3A_286 = tpu.memref_slice %arg17[%dma_start3A_281, %dma_start3A_285] : memref<16x128xi32, #tpu.memory_space<vmem>> -> memref<1x128xi32, #tpu.memory_space<vmem>>
    %dma_start3A_287 = tpu.memref_squeeze %dma_start3A_286 : memref<1x128xi32, #tpu.memory_space<vmem>> -> memref<128xi32, #tpu.memory_space<vmem>>
    %dma_start3A_288 = arith.constant 0 : i32
    %dma_start3A_289 = arith.constant 0 : i32
    %dma_start3A_290 = tpu.memref_slice %arg4[%dma_start3A_288, %dma_start3A_289] : memref<32768x128xf32, #tpu.memory_space<hbm>> -> memref<32768x128xf32, #tpu.memory_space<hbm>>
    tpu.enqueue_indirect_dma source(%dma_start3A_290 : memref<32768x128xf32, #tpu.memory_space<hbm>>) target(%dma_start3A_284 : memref<128x128xf32, #tpu.memory_space<vmem>>) offsets(%dma_start3A_287 : memref<128xi32, #tpu.memory_space<vmem>>) semaphore(%arg21 : memref<!tpu.dma_semaphore, #tpu.memory_space<semaphore_mem>>)
    %dma_start3A_291 = arith.constant 9 : i32
    %dma_start3A_292 = arith.constant 128 : i32
    %dma_start3A_293 = arith.constant 0 : i32
    %dma_start3A_294 = tpu.memref_slice %arg19[%dma_start3A_292, %dma_start3A_293] : memref<256x128xf32, #tpu.memory_space<vmem>> -> memref<128x128xf32, #tpu.memory_space<vmem>>
    %dma_start3A_295 = arith.constant 0 : i32
    %dma_start3A_296 = tpu.memref_slice %arg17[%dma_start3A_291, %dma_start3A_295] : memref<16x128xi32, #tpu.memory_space<vmem>> -> memref<1x128xi32, #tpu.memory_space<vmem>>
    %dma_start3A_297 = tpu.memref_squeeze %dma_start3A_296 : memref<1x128xi32, #tpu.memory_space<vmem>> -> memref<128xi32, #tpu.memory_space<vmem>>
    %dma_start3A_298 = arith.constant 0 : i32
    %dma_start3A_299 = arith.constant 0 : i32
    %dma_start3A_300 = tpu.memref_slice %arg4[%dma_start3A_298, %dma_start3A_299] : memref<32768x128xf32, #tpu.memory_space<hbm>> -> memref<32768x128xf32, #tpu.memory_space<hbm>>
    tpu.enqueue_indirect_dma source(%dma_start3A_300 : memref<32768x128xf32, #tpu.memory_space<hbm>>) target(%dma_start3A_294 : memref<128x128xf32, #tpu.memory_space<vmem>>) offsets(%dma_start3A_297 : memref<128xi32, #tpu.memory_space<vmem>>) semaphore(%arg21 : memref<!tpu.dma_semaphore, #tpu.memory_space<semaphore_mem>>)
    %dma_wait3A_301 = arith.constant 8 : i32
    %dma_wait3A_302 = arith.constant 0 : i32
    %dma_wait3A_303 = arith.constant 0 : i32
    %dma_wait3A_304 = tpu.memref_slice %arg19[%dma_wait3A_302, %dma_wait3A_303] : memref<256x128xf32, #tpu.memory_space<vmem>> -> memref<128x128xf32, #tpu.memory_space<vmem>>
    %dma_wait3A_305 = arith.constant 0 : i32
    %dma_wait3A_306 = tpu.memref_slice %arg17[%dma_wait3A_301, %dma_wait3A_305] : memref<16x128xi32, #tpu.memory_space<vmem>> -> memref<1x128xi32, #tpu.memory_space<vmem>>
    %dma_wait3A_307 = tpu.memref_squeeze %dma_wait3A_306 : memref<1x128xi32, #tpu.memory_space<vmem>> -> memref<128xi32, #tpu.memory_space<vmem>>
    %dma_wait3A_308 = arith.constant 0 : i32
    %dma_wait3A_309 = arith.constant 0 : i32
    %dma_wait3A_310 = tpu.memref_slice %arg4[%dma_wait3A_308, %dma_wait3A_309] : memref<32768x128xf32, #tpu.memory_space<hbm>> -> memref<32768x128xf32, #tpu.memory_space<hbm>>
    tpu.wait_indirect_dma semaphore(%arg21 : memref<!tpu.dma_semaphore, #tpu.memory_space<semaphore_mem>>) src(%dma_wait3A_310 : memref<32768x128xf32, #tpu.memory_space<hbm>>) dst(%dma_wait3A_304 : memref<128x128xf32, #tpu.memory_space<vmem>>)
    %dma_wait3A_311 = arith.constant 9 : i32
    %dma_wait3A_312 = arith.constant 128 : i32
    %dma_wait3A_313 = arith.constant 0 : i32
    %dma_wait3A_314 = tpu.memref_slice %arg19[%dma_wait3A_312, %dma_wait3A_313] : memref<256x128xf32, #tpu.memory_space<vmem>> -> memref<128x128xf32, #tpu.memory_space<vmem>>
    %dma_wait3A_315 = arith.constant 0 : i32
    %dma_wait3A_316 = tpu.memref_slice %arg17[%dma_wait3A_311, %dma_wait3A_315] : memref<16x128xi32, #tpu.memory_space<vmem>> -> memref<1x128xi32, #tpu.memory_space<vmem>>
    %dma_wait3A_317 = tpu.memref_squeeze %dma_wait3A_316 : memref<1x128xi32, #tpu.memory_space<vmem>> -> memref<128xi32, #tpu.memory_space<vmem>>
    %dma_wait3A_318 = arith.constant 0 : i32
    %dma_wait3A_319 = arith.constant 0 : i32
    %dma_wait3A_320 = tpu.memref_slice %arg4[%dma_wait3A_318, %dma_wait3A_319] : memref<32768x128xf32, #tpu.memory_space<hbm>> -> memref<32768x128xf32, #tpu.memory_space<hbm>>
    tpu.wait_indirect_dma semaphore(%arg21 : memref<!tpu.dma_semaphore, #tpu.memory_space<semaphore_mem>>) src(%dma_wait3A_320 : memref<32768x128xf32, #tpu.memory_space<hbm>>) dst(%dma_wait3A_314 : memref<128x128xf32, #tpu.memory_space<vmem>>)
    %add3A_321 = arith.constant 1024 : i32
    %add3A_322 = arith.addi %mul3A_86, %add3A_321 : i32
    %dma_start3A_323 = arith.constant 0 : i32
    %dma_start3A_324 = tpu.memref_slice %arg7[%add3A_322, %dma_start3A_323] : memref<65536x128xf32, #tpu.memory_space<hbm>> -> memref<256x128xf32, #tpu.memory_space<hbm>>
    %dma_start3A_325 = arith.constant 0 : i32
    %dma_start3A_326 = tpu.memref_slice %arg7[%add3A_322, %dma_start3A_325] : memref<65536x128xf32, #tpu.memory_space<hbm>> -> memref<256x128xf32, #tpu.memory_space<hbm>>
    tpu.enqueue_dma source(%arg19 : memref<256x128xf32, #tpu.memory_space<vmem>>) target(%dma_start3A_326 : memref<256x128xf32, #tpu.memory_space<hbm>>) target_semaphore(%arg22 : memref<!tpu.dma_semaphore, #tpu.memory_space<semaphore_mem>>)
    %dma_wait3A_327 = arith.constant 0 : i32
    %dma_wait3A_328 = tpu.memref_slice %arg7[%add3A_272, %dma_wait3A_327] : memref<65536x128xf32, #tpu.memory_space<hbm>> -> memref<256x128xf32, #tpu.memory_space<hbm>>
    %dma_wait3A_329 = arith.constant 0 : i32
    %dma_wait3A_330 = tpu.memref_slice %arg7[%add3A_272, %dma_wait3A_329] : memref<65536x128xf32, #tpu.memory_space<hbm>> -> memref<256x128xf32, #tpu.memory_space<hbm>>
    tpu.wait_dma2 semaphore(%arg23 : memref<!tpu.dma_semaphore, #tpu.memory_space<semaphore_mem>>) src(%arg20 : memref<256x128xf32, #tpu.memory_space<vmem>>) dst(%dma_wait3A_330 : memref<256x128xf32, #tpu.memory_space<hbm>>)
    %dma_start3A_331 = arith.constant 10 : i32
    %dma_start3A_332 = arith.constant 0 : i32
    %dma_start3A_333 = arith.constant 0 : i32
    %dma_start3A_334 = tpu.memref_slice %arg20[%dma_start3A_332, %dma_start3A_333] : memref<256x128xf32, #tpu.memory_space<vmem>> -> memref<128x128xf32, #tpu.memory_space<vmem>>
    %dma_start3A_335 = arith.constant 0 : i32
    %dma_start3A_336 = tpu.memref_slice %arg17[%dma_start3A_331, %dma_start3A_335] : memref<16x128xi32, #tpu.memory_space<vmem>> -> memref<1x128xi32, #tpu.memory_space<vmem>>
    %dma_start3A_337 = tpu.memref_squeeze %dma_start3A_336 : memref<1x128xi32, #tpu.memory_space<vmem>> -> memref<128xi32, #tpu.memory_space<vmem>>
    %dma_start3A_338 = arith.constant 0 : i32
    %dma_start3A_339 = arith.constant 0 : i32
    %dma_start3A_340 = tpu.memref_slice %arg4[%dma_start3A_338, %dma_start3A_339] : memref<32768x128xf32, #tpu.memory_space<hbm>> -> memref<32768x128xf32, #tpu.memory_space<hbm>>
    tpu.enqueue_indirect_dma source(%dma_start3A_340 : memref<32768x128xf32, #tpu.memory_space<hbm>>) target(%dma_start3A_334 : memref<128x128xf32, #tpu.memory_space<vmem>>) offsets(%dma_start3A_337 : memref<128xi32, #tpu.memory_space<vmem>>) semaphore(%arg21 : memref<!tpu.dma_semaphore, #tpu.memory_space<semaphore_mem>>)
    %dma_start3A_341 = arith.constant 11 : i32
    %dma_start3A_342 = arith.constant 128 : i32
    %dma_start3A_343 = arith.constant 0 : i32
    %dma_start3A_344 = tpu.memref_slice %arg20[%dma_start3A_342, %dma_start3A_343] : memref<256x128xf32, #tpu.memory_space<vmem>> -> memref<128x128xf32, #tpu.memory_space<vmem>>
    %dma_start3A_345 = arith.constant 0 : i32
    %dma_start3A_346 = tpu.memref_slice %arg17[%dma_start3A_341, %dma_start3A_345] : memref<16x128xi32, #tpu.memory_space<vmem>> -> memref<1x128xi32, #tpu.memory_space<vmem>>
    %dma_start3A_347 = tpu.memref_squeeze %dma_start3A_346 : memref<1x128xi32, #tpu.memory_space<vmem>> -> memref<128xi32, #tpu.memory_space<vmem>>
    %dma_start3A_348 = arith.constant 0 : i32
    %dma_start3A_349 = arith.constant 0 : i32
    %dma_start3A_350 = tpu.memref_slice %arg4[%dma_start3A_348, %dma_start3A_349] : memref<32768x128xf32, #tpu.memory_space<hbm>> -> memref<32768x128xf32, #tpu.memory_space<hbm>>
    tpu.enqueue_indirect_dma source(%dma_start3A_350 : memref<32768x128xf32, #tpu.memory_space<hbm>>) target(%dma_start3A_344 : memref<128x128xf32, #tpu.memory_space<vmem>>) offsets(%dma_start3A_347 : memref<128xi32, #tpu.memory_space<vmem>>) semaphore(%arg21 : memref<!tpu.dma_semaphore, #tpu.memory_space<semaphore_mem>>)
    %dma_wait3A_351 = arith.constant 10 : i32
    %dma_wait3A_352 = arith.constant 0 : i32
    %dma_wait3A_353 = arith.constant 0 : i32
    %dma_wait3A_354 = tpu.memref_slice %arg20[%dma_wait3A_352, %dma_wait3A_353] : memref<256x128xf32, #tpu.memory_space<vmem>> -> memref<128x128xf32, #tpu.memory_space<vmem>>
    %dma_wait3A_355 = arith.constant 0 : i32
    %dma_wait3A_356 = tpu.memref_slice %arg17[%dma_wait3A_351, %dma_wait3A_355] : memref<16x128xi32, #tpu.memory_space<vmem>> -> memref<1x128xi32, #tpu.memory_space<vmem>>
    %dma_wait3A_357 = tpu.memref_squeeze %dma_wait3A_356 : memref<1x128xi32, #tpu.memory_space<vmem>> -> memref<128xi32, #tpu.memory_space<vmem>>
    %dma_wait3A_358 = arith.constant 0 : i32
    %dma_wait3A_359 = arith.constant 0 : i32
    %dma_wait3A_360 = tpu.memref_slice %arg4[%dma_wait3A_358, %dma_wait3A_359] : memref<32768x128xf32, #tpu.memory_space<hbm>> -> memref<32768x128xf32, #tpu.memory_space<hbm>>
    tpu.wait_indirect_dma semaphore(%arg21 : memref<!tpu.dma_semaphore, #tpu.memory_space<semaphore_mem>>) src(%dma_wait3A_360 : memref<32768x128xf32, #tpu.memory_space<hbm>>) dst(%dma_wait3A_354 : memref<128x128xf32, #tpu.memory_space<vmem>>)
    %dma_wait3A_361 = arith.constant 11 : i32
    %dma_wait3A_362 = arith.constant 128 : i32
    %dma_wait3A_363 = arith.constant 0 : i32
    %dma_wait3A_364 = tpu.memref_slice %arg20[%dma_wait3A_362, %dma_wait3A_363] : memref<256x128xf32, #tpu.memory_space<vmem>> -> memref<128x128xf32, #tpu.memory_space<vmem>>
    %dma_wait3A_365 = arith.constant 0 : i32
    %dma_wait3A_366 = tpu.memref_slice %arg17[%dma_wait3A_361, %dma_wait3A_365] : memref<16x128xi32, #tpu.memory_space<vmem>> -> memref<1x128xi32, #tpu.memory_space<vmem>>
    %dma_wait3A_367 = tpu.memref_squeeze %dma_wait3A_366 : memref<1x128xi32, #tpu.memory_space<vmem>> -> memref<128xi32, #tpu.memory_space<vmem>>
    %dma_wait3A_368 = arith.constant 0 : i32
    %dma_wait3A_369 = arith.constant 0 : i32
    %dma_wait3A_370 = tpu.memref_slice %arg4[%dma_wait3A_368, %dma_wait3A_369] : memref<32768x128xf32, #tpu.memory_space<hbm>> -> memref<32768x128xf32, #tpu.memory_space<hbm>>
    tpu.wait_indirect_dma semaphore(%arg21 : memref<!tpu.dma_semaphore, #tpu.memory_space<semaphore_mem>>) src(%dma_wait3A_370 : memref<32768x128xf32, #tpu.memory_space<hbm>>) dst(%dma_wait3A_364 : memref<128x128xf32, #tpu.memory_space<vmem>>)
    %add3A_371 = arith.constant 1280 : i32
    %add3A_372 = arith.addi %mul3A_86, %add3A_371 : i32
    %dma_start3A_373 = arith.constant 0 : i32
    %dma_start3A_374 = tpu.memref_slice %arg7[%add3A_372, %dma_start3A_373] : memref<65536x128xf32, #tpu.memory_space<hbm>> -> memref<256x128xf32, #tpu.memory_space<hbm>>
    %dma_start3A_375 = arith.constant 0 : i32
    %dma_start3A_376 = tpu.memref_slice %arg7[%add3A_372, %dma_start3A_375] : memref<65536x128xf32, #tpu.memory_space<hbm>> -> memref<256x128xf32, #tpu.memory_space<hbm>>
    tpu.enqueue_dma source(%arg20 : memref<256x128xf32, #tpu.memory_space<vmem>>) target(%dma_start3A_376 : memref<256x128xf32, #tpu.memory_space<hbm>>) target_semaphore(%arg23 : memref<!tpu.dma_semaphore, #tpu.memory_space<semaphore_mem>>)
    %dma_wait3A_377 = arith.constant 0 : i32
    %dma_wait3A_378 = tpu.memref_slice %arg7[%add3A_322, %dma_wait3A_377] : memref<65536x128xf32, #tpu.memory_space<hbm>> -> memref<256x128xf32, #tpu.memory_space<hbm>>
    %dma_wait3A_379 = arith.constant 0 : i32
    %dma_wait3A_380 = tpu.memref_slice %arg7[%add3A_322, %dma_wait3A_379] : memref<65536x128xf32, #tpu.memory_space<hbm>> -> memref<256x128xf32, #tpu.memory_space<hbm>>
    tpu.wait_dma2 semaphore(%arg22 : memref<!tpu.dma_semaphore, #tpu.memory_space<semaphore_mem>>) src(%arg19 : memref<256x128xf32, #tpu.memory_space<vmem>>) dst(%dma_wait3A_380 : memref<256x128xf32, #tpu.memory_space<hbm>>)
    %dma_start3A_381 = arith.constant 12 : i32
    %dma_start3A_382 = arith.constant 0 : i32
    %dma_start3A_383 = arith.constant 0 : i32
    %dma_start3A_384 = tpu.memref_slice %arg19[%dma_start3A_382, %dma_start3A_383] : memref<256x128xf32, #tpu.memory_space<vmem>> -> memref<128x128xf32, #tpu.memory_space<vmem>>
    %dma_start3A_385 = arith.constant 0 : i32
    %dma_start3A_386 = tpu.memref_slice %arg17[%dma_start3A_381, %dma_start3A_385] : memref<16x128xi32, #tpu.memory_space<vmem>> -> memref<1x128xi32, #tpu.memory_space<vmem>>
    %dma_start3A_387 = tpu.memref_squeeze %dma_start3A_386 : memref<1x128xi32, #tpu.memory_space<vmem>> -> memref<128xi32, #tpu.memory_space<vmem>>
    %dma_start3A_388 = arith.constant 0 : i32
    %dma_start3A_389 = arith.constant 0 : i32
    %dma_start3A_390 = tpu.memref_slice %arg4[%dma_start3A_388, %dma_start3A_389] : memref<32768x128xf32, #tpu.memory_space<hbm>> -> memref<32768x128xf32, #tpu.memory_space<hbm>>
    tpu.enqueue_indirect_dma source(%dma_start3A_390 : memref<32768x128xf32, #tpu.memory_space<hbm>>) target(%dma_start3A_384 : memref<128x128xf32, #tpu.memory_space<vmem>>) offsets(%dma_start3A_387 : memref<128xi32, #tpu.memory_space<vmem>>) semaphore(%arg21 : memref<!tpu.dma_semaphore, #tpu.memory_space<semaphore_mem>>)
    %dma_start3A_391 = arith.constant 13 : i32
    %dma_start3A_392 = arith.constant 128 : i32
    %dma_start3A_393 = arith.constant 0 : i32
    %dma_start3A_394 = tpu.memref_slice %arg19[%dma_start3A_392, %dma_start3A_393] : memref<256x128xf32, #tpu.memory_space<vmem>> -> memref<128x128xf32, #tpu.memory_space<vmem>>
    %dma_start3A_395 = arith.constant 0 : i32
    %dma_start3A_396 = tpu.memref_slice %arg17[%dma_start3A_391, %dma_start3A_395] : memref<16x128xi32, #tpu.memory_space<vmem>> -> memref<1x128xi32, #tpu.memory_space<vmem>>
    %dma_start3A_397 = tpu.memref_squeeze %dma_start3A_396 : memref<1x128xi32, #tpu.memory_space<vmem>> -> memref<128xi32, #tpu.memory_space<vmem>>
    %dma_start3A_398 = arith.constant 0 : i32
    %dma_start3A_399 = arith.constant 0 : i32
    %dma_start3A_400 = tpu.memref_slice %arg4[%dma_start3A_398, %dma_start3A_399] : memref<32768x128xf32, #tpu.memory_space<hbm>> -> memref<32768x128xf32, #tpu.memory_space<hbm>>
    tpu.enqueue_indirect_dma source(%dma_start3A_400 : memref<32768x128xf32, #tpu.memory_space<hbm>>) target(%dma_start3A_394 : memref<128x128xf32, #tpu.memory_space<vmem>>) offsets(%dma_start3A_397 : memref<128xi32, #tpu.memory_space<vmem>>) semaphore(%arg21 : memref<!tpu.dma_semaphore, #tpu.memory_space<semaphore_mem>>)
    %dma_wait3A_401 = arith.constant 12 : i32
    %dma_wait3A_402 = arith.constant 0 : i32
    %dma_wait3A_403 = arith.constant 0 : i32
    %dma_wait3A_404 = tpu.memref_slice %arg19[%dma_wait3A_402, %dma_wait3A_403] : memref<256x128xf32, #tpu.memory_space<vmem>> -> memref<128x128xf32, #tpu.memory_space<vmem>>
    %dma_wait3A_405 = arith.constant 0 : i32
    %dma_wait3A_406 = tpu.memref_slice %arg17[%dma_wait3A_401, %dma_wait3A_405] : memref<16x128xi32, #tpu.memory_space<vmem>> -> memref<1x128xi32, #tpu.memory_space<vmem>>
    %dma_wait3A_407 = tpu.memref_squeeze %dma_wait3A_406 : memref<1x128xi32, #tpu.memory_space<vmem>> -> memref<128xi32, #tpu.memory_space<vmem>>
    %dma_wait3A_408 = arith.constant 0 : i32
    %dma_wait3A_409 = arith.constant 0 : i32
    %dma_wait3A_410 = tpu.memref_slice %arg4[%dma_wait3A_408, %dma_wait3A_409] : memref<32768x128xf32, #tpu.memory_space<hbm>> -> memref<32768x128xf32, #tpu.memory_space<hbm>>
    tpu.wait_indirect_dma semaphore(%arg21 : memref<!tpu.dma_semaphore, #tpu.memory_space<semaphore_mem>>) src(%dma_wait3A_410 : memref<32768x128xf32, #tpu.memory_space<hbm>>) dst(%dma_wait3A_404 : memref<128x128xf32, #tpu.memory_space<vmem>>)
    %dma_wait3A_411 = arith.constant 13 : i32
    %dma_wait3A_412 = arith.constant 128 : i32
    %dma_wait3A_413 = arith.constant 0 : i32
    %dma_wait3A_414 = tpu.memref_slice %arg19[%dma_wait3A_412, %dma_wait3A_413] : memref<256x128xf32, #tpu.memory_space<vmem>> -> memref<128x128xf32, #tpu.memory_space<vmem>>
    %dma_wait3A_415 = arith.constant 0 : i32
    %dma_wait3A_416 = tpu.memref_slice %arg17[%dma_wait3A_411, %dma_wait3A_415] : memref<16x128xi32, #tpu.memory_space<vmem>> -> memref<1x128xi32, #tpu.memory_space<vmem>>
    %dma_wait3A_417 = tpu.memref_squeeze %dma_wait3A_416 : memref<1x128xi32, #tpu.memory_space<vmem>> -> memref<128xi32, #tpu.memory_space<vmem>>
    %dma_wait3A_418 = arith.constant 0 : i32
    %dma_wait3A_419 = arith.constant 0 : i32
    %dma_wait3A_420 = tpu.memref_slice %arg4[%dma_wait3A_418, %dma_wait3A_419] : memref<32768x128xf32, #tpu.memory_space<hbm>> -> memref<32768x128xf32, #tpu.memory_space<hbm>>
    tpu.wait_indirect_dma semaphore(%arg21 : memref<!tpu.dma_semaphore, #tpu.memory_space<semaphore_mem>>) src(%dma_wait3A_420 : memref<32768x128xf32, #tpu.memory_space<hbm>>) dst(%dma_wait3A_414 : memref<128x128xf32, #tpu.memory_space<vmem>>)
    %add3A_421 = arith.constant 1536 : i32
    %add3A_422 = arith.addi %mul3A_86, %add3A_421 : i32
    %dma_start3A_423 = arith.constant 0 : i32
    %dma_start3A_424 = tpu.memref_slice %arg7[%add3A_422, %dma_start3A_423] : memref<65536x128xf32, #tpu.memory_space<hbm>> -> memref<256x128xf32, #tpu.memory_space<hbm>>
    %dma_start3A_425 = arith.constant 0 : i32
    %dma_start3A_426 = tpu.memref_slice %arg7[%add3A_422, %dma_start3A_425] : memref<65536x128xf32, #tpu.memory_space<hbm>> -> memref<256x128xf32, #tpu.memory_space<hbm>>
    tpu.enqueue_dma source(%arg19 : memref<256x128xf32, #tpu.memory_space<vmem>>) target(%dma_start3A_426 : memref<256x128xf32, #tpu.memory_space<hbm>>) target_semaphore(%arg22 : memref<!tpu.dma_semaphore, #tpu.memory_space<semaphore_mem>>)
    %dma_wait3A_427 = arith.constant 0 : i32
    %dma_wait3A_428 = tpu.memref_slice %arg7[%add3A_372, %dma_wait3A_427] : memref<65536x128xf32, #tpu.memory_space<hbm>> -> memref<256x128xf32, #tpu.memory_space<hbm>>
    %dma_wait3A_429 = arith.constant 0 : i32
    %dma_wait3A_430 = tpu.memref_slice %arg7[%add3A_372, %dma_wait3A_429] : memref<65536x128xf32, #tpu.memory_space<hbm>> -> memref<256x128xf32, #tpu.memory_space<hbm>>
    tpu.wait_dma2 semaphore(%arg23 : memref<!tpu.dma_semaphore, #tpu.memory_space<semaphore_mem>>) src(%arg20 : memref<256x128xf32, #tpu.memory_space<vmem>>) dst(%dma_wait3A_430 : memref<256x128xf32, #tpu.memory_space<hbm>>)
    %dma_start3A_431 = arith.constant 14 : i32
    %dma_start3A_432 = arith.constant 0 : i32
    %dma_start3A_433 = arith.constant 0 : i32
    %dma_start3A_434 = tpu.memref_slice %arg20[%dma_start3A_432, %dma_start3A_433] : memref<256x128xf32, #tpu.memory_space<vmem>> -> memref<128x128xf32, #tpu.memory_space<vmem>>
    %dma_start3A_435 = arith.constant 0 : i32
    %dma_start3A_436 = tpu.memref_slice %arg17[%dma_start3A_431, %dma_start3A_435] : memref<16x128xi32, #tpu.memory_space<vmem>> -> memref<1x128xi32, #tpu.memory_space<vmem>>
    %dma_start3A_437 = tpu.memref_squeeze %dma_start3A_436 : memref<1x128xi32, #tpu.memory_space<vmem>> -> memref<128xi32, #tpu.memory_space<vmem>>
    %dma_start3A_438 = arith.constant 0 : i32
    %dma_start3A_439 = arith.constant 0 : i32
    %dma_start3A_440 = tpu.memref_slice %arg4[%dma_start3A_438, %dma_start3A_439] : memref<32768x128xf32, #tpu.memory_space<hbm>> -> memref<32768x128xf32, #tpu.memory_space<hbm>>
    tpu.enqueue_indirect_dma source(%dma_start3A_440 : memref<32768x128xf32, #tpu.memory_space<hbm>>) target(%dma_start3A_434 : memref<128x128xf32, #tpu.memory_space<vmem>>) offsets(%dma_start3A_437 : memref<128xi32, #tpu.memory_space<vmem>>) semaphore(%arg21 : memref<!tpu.dma_semaphore, #tpu.memory_space<semaphore_mem>>)
    %dma_start3A_441 = arith.constant 15 : i32
    %dma_start3A_442 = arith.constant 128 : i32
    %dma_start3A_443 = arith.constant 0 : i32
    %dma_start3A_444 = tpu.memref_slice %arg20[%dma_start3A_442, %dma_start3A_443] : memref<256x128xf32, #tpu.memory_space<vmem>> -> memref<128x128xf32, #tpu.memory_space<vmem>>
    %dma_start3A_445 = arith.constant 0 : i32
    %dma_start3A_446 = tpu.memref_slice %arg17[%dma_start3A_441, %dma_start3A_445] : memref<16x128xi32, #tpu.memory_space<vmem>> -> memref<1x128xi32, #tpu.memory_space<vmem>>
    %dma_start3A_447 = tpu.memref_squeeze %dma_start3A_446 : memref<1x128xi32, #tpu.memory_space<vmem>> -> memref<128xi32, #tpu.memory_space<vmem>>
    %dma_start3A_448 = arith.constant 0 : i32
    %dma_start3A_449 = arith.constant 0 : i32
    %dma_start3A_450 = tpu.memref_slice %arg4[%dma_start3A_448, %dma_start3A_449] : memref<32768x128xf32, #tpu.memory_space<hbm>> -> memref<32768x128xf32, #tpu.memory_space<hbm>>
    tpu.enqueue_indirect_dma source(%dma_start3A_450 : memref<32768x128xf32, #tpu.memory_space<hbm>>) target(%dma_start3A_444 : memref<128x128xf32, #tpu.memory_space<vmem>>) offsets(%dma_start3A_447 : memref<128xi32, #tpu.memory_space<vmem>>) semaphore(%arg21 : memref<!tpu.dma_semaphore, #tpu.memory_space<semaphore_mem>>)
    %dma_wait3A_451 = arith.constant 14 : i32
    %dma_wait3A_452 = arith.constant 0 : i32
    %dma_wait3A_453 = arith.constant 0 : i32
    %dma_wait3A_454 = tpu.memref_slice %arg20[%dma_wait3A_452, %dma_wait3A_453] : memref<256x128xf32, #tpu.memory_space<vmem>> -> memref<128x128xf32, #tpu.memory_space<vmem>>
    %dma_wait3A_455 = arith.constant 0 : i32
    %dma_wait3A_456 = tpu.memref_slice %arg17[%dma_wait3A_451, %dma_wait3A_455] : memref<16x128xi32, #tpu.memory_space<vmem>> -> memref<1x128xi32, #tpu.memory_space<vmem>>
    %dma_wait3A_457 = tpu.memref_squeeze %dma_wait3A_456 : memref<1x128xi32, #tpu.memory_space<vmem>> -> memref<128xi32, #tpu.memory_space<vmem>>
    %dma_wait3A_458 = arith.constant 0 : i32
    %dma_wait3A_459 = arith.constant 0 : i32
    %dma_wait3A_460 = tpu.memref_slice %arg4[%dma_wait3A_458, %dma_wait3A_459] : memref<32768x128xf32, #tpu.memory_space<hbm>> -> memref<32768x128xf32, #tpu.memory_space<hbm>>
    tpu.wait_indirect_dma semaphore(%arg21 : memref<!tpu.dma_semaphore, #tpu.memory_space<semaphore_mem>>) src(%dma_wait3A_460 : memref<32768x128xf32, #tpu.memory_space<hbm>>) dst(%dma_wait3A_454 : memref<128x128xf32, #tpu.memory_space<vmem>>)
    %dma_wait3A_461 = arith.constant 15 : i32
    %dma_wait3A_462 = arith.constant 128 : i32
    %dma_wait3A_463 = arith.constant 0 : i32
    %dma_wait3A_464 = tpu.memref_slice %arg20[%dma_wait3A_462, %dma_wait3A_463] : memref<256x128xf32, #tpu.memory_space<vmem>> -> memref<128x128xf32, #tpu.memory_space<vmem>>
    %dma_wait3A_465 = arith.constant 0 : i32
    %dma_wait3A_466 = tpu.memref_slice %arg17[%dma_wait3A_461, %dma_wait3A_465] : memref<16x128xi32, #tpu.memory_space<vmem>> -> memref<1x128xi32, #tpu.memory_space<vmem>>
    %dma_wait3A_467 = tpu.memref_squeeze %dma_wait3A_466 : memref<1x128xi32, #tpu.memory_space<vmem>> -> memref<128xi32, #tpu.memory_space<vmem>>
    %dma_wait3A_468 = arith.constant 0 : i32
    %dma_wait3A_469 = arith.constant 0 : i32
    %dma_wait3A_470 = tpu.memref_slice %arg4[%dma_wait3A_468, %dma_wait3A_469] : memref<32768x128xf32, #tpu.memory_space<hbm>> -> memref<32768x128xf32, #tpu.memory_space<hbm>>
    tpu.wait_indirect_dma semaphore(%arg21 : memref<!tpu.dma_semaphore, #tpu.memory_space<semaphore_mem>>) src(%dma_wait3A_470 : memref<32768x128xf32, #tpu.memory_space<hbm>>) dst(%dma_wait3A_464 : memref<128x128xf32, #tpu.memory_space<vmem>>)
    %add3A_471 = arith.constant 1792 : i32
    %add3A_472 = arith.addi %mul3A_86, %add3A_471 : i32
    %dma_start3A_473 = arith.constant 0 : i32
    %dma_start3A_474 = tpu.memref_slice %arg7[%add3A_472, %dma_start3A_473] : memref<65536x128xf32, #tpu.memory_space<hbm>> -> memref<256x128xf32, #tpu.memory_space<hbm>>
    %dma_start3A_475 = arith.constant 0 : i32
    %dma_start3A_476 = tpu.memref_slice %arg7[%add3A_472, %dma_start3A_475] : memref<65536x128xf32, #tpu.memory_space<hbm>> -> memref<256x128xf32, #tpu.memory_space<hbm>>
    tpu.enqueue_dma source(%arg20 : memref<256x128xf32, #tpu.memory_space<vmem>>) target(%dma_start3A_476 : memref<256x128xf32, #tpu.memory_space<hbm>>) target_semaphore(%arg23 : memref<!tpu.dma_semaphore, #tpu.memory_space<semaphore_mem>>)
    %dma_wait3A_477 = arith.constant 0 : i32
    %dma_wait3A_478 = tpu.memref_slice %arg7[%add3A_422, %dma_wait3A_477] : memref<65536x128xf32, #tpu.memory_space<hbm>> -> memref<256x128xf32, #tpu.memory_space<hbm>>
    %dma_wait3A_479 = arith.constant 0 : i32
    %dma_wait3A_480 = tpu.memref_slice %arg7[%add3A_422, %dma_wait3A_479] : memref<65536x128xf32, #tpu.memory_space<hbm>> -> memref<256x128xf32, #tpu.memory_space<hbm>>
    tpu.wait_dma2 semaphore(%arg22 : memref<!tpu.dma_semaphore, #tpu.memory_space<semaphore_mem>>) src(%arg19 : memref<256x128xf32, #tpu.memory_space<vmem>>) dst(%dma_wait3A_480 : memref<256x128xf32, #tpu.memory_space<hbm>>)
    %dma_wait3A_481 = arith.constant 0 : i32
    %dma_wait3A_482 = tpu.memref_slice %arg7[%add3A_472, %dma_wait3A_481] : memref<65536x128xf32, #tpu.memory_space<hbm>> -> memref<256x128xf32, #tpu.memory_space<hbm>>
    %dma_wait3A_483 = arith.constant 0 : i32
    %dma_wait3A_484 = tpu.memref_slice %arg7[%add3A_472, %dma_wait3A_483] : memref<65536x128xf32, #tpu.memory_space<hbm>> -> memref<256x128xf32, #tpu.memory_space<hbm>>
    tpu.wait_dma2 semaphore(%arg23 : memref<!tpu.dma_semaphore, #tpu.memory_space<semaphore_mem>>) src(%arg20 : memref<256x128xf32, #tpu.memory_space<vmem>>) dst(%dma_wait3A_484 : memref<256x128xf32, #tpu.memory_space<hbm>>)
    %mul3A_485 = arith.constant 4096 : i32
    %mul3A_486 = arith.muli %add3A, %mul3A_485 : i32
    %dma_start3A_487 = arith.constant 0 : i32
    %dma_start3A_488 = arith.constant 0 : i32
    %dma_start3A_489 = arith.constant 0 : i32
    %dma_start3A_490 = tpu.memref_slice %arg19[%dma_start3A_488, %dma_start3A_489] : memref<256x128xf32, #tpu.memory_space<vmem>> -> memref<128x128xf32, #tpu.memory_space<vmem>>
    %dma_start3A_491 = arith.constant 0 : i32
    %dma_start3A_492 = tpu.memref_slice %arg18[%dma_start3A_487, %dma_start3A_491] : memref<32x128xi32, #tpu.memory_space<vmem>> -> memref<1x128xi32, #tpu.memory_space<vmem>>
    %dma_start3A_493 = tpu.memref_squeeze %dma_start3A_492 : memref<1x128xi32, #tpu.memory_space<vmem>> -> memref<128xi32, #tpu.memory_space<vmem>>
    %dma_start3A_494 = arith.constant 0 : i32
    %dma_start3A_495 = arith.constant 0 : i32
    %dma_start3A_496 = tpu.memref_slice %arg4[%dma_start3A_494, %dma_start3A_495] : memref<32768x128xf32, #tpu.memory_space<hbm>> -> memref<32768x128xf32, #tpu.memory_space<hbm>>
    tpu.enqueue_indirect_dma source(%dma_start3A_496 : memref<32768x128xf32, #tpu.memory_space<hbm>>) target(%dma_start3A_490 : memref<128x128xf32, #tpu.memory_space<vmem>>) offsets(%dma_start3A_493 : memref<128xi32, #tpu.memory_space<vmem>>) semaphore(%arg21 : memref<!tpu.dma_semaphore, #tpu.memory_space<semaphore_mem>>)
    %dma_start3A_497 = arith.constant 1 : i32
    %dma_start3A_498 = arith.constant 128 : i32
    %dma_start3A_499 = arith.constant 0 : i32
    %dma_start3A_500 = tpu.memref_slice %arg19[%dma_start3A_498, %dma_start3A_499] : memref<256x128xf32, #tpu.memory_space<vmem>> -> memref<128x128xf32, #tpu.memory_space<vmem>>
    %dma_start3A_501 = arith.constant 0 : i32
    %dma_start3A_502 = tpu.memref_slice %arg18[%dma_start3A_497, %dma_start3A_501] : memref<32x128xi32, #tpu.memory_space<vmem>> -> memref<1x128xi32, #tpu.memory_space<vmem>>
    %dma_start3A_503 = tpu.memref_squeeze %dma_start3A_502 : memref<1x128xi32, #tpu.memory_space<vmem>> -> memref<128xi32, #tpu.memory_space<vmem>>
    %dma_start3A_504 = arith.constant 0 : i32
    %dma_start3A_505 = arith.constant 0 : i32
    %dma_start3A_506 = tpu.memref_slice %arg4[%dma_start3A_504, %dma_start3A_505] : memref<32768x128xf32, #tpu.memory_space<hbm>> -> memref<32768x128xf32, #tpu.memory_space<hbm>>
    tpu.enqueue_indirect_dma source(%dma_start3A_506 : memref<32768x128xf32, #tpu.memory_space<hbm>>) target(%dma_start3A_500 : memref<128x128xf32, #tpu.memory_space<vmem>>) offsets(%dma_start3A_503 : memref<128xi32, #tpu.memory_space<vmem>>) semaphore(%arg21 : memref<!tpu.dma_semaphore, #tpu.memory_space<semaphore_mem>>)
    %dma_wait3A_507 = arith.constant 0 : i32
    %dma_wait3A_508 = arith.constant 0 : i32
    %dma_wait3A_509 = arith.constant 0 : i32
    %dma_wait3A_510 = tpu.memref_slice %arg19[%dma_wait3A_508, %dma_wait3A_509] : memref<256x128xf32, #tpu.memory_space<vmem>> -> memref<128x128xf32, #tpu.memory_space<vmem>>
    %dma_wait3A_511 = arith.constant 0 : i32
    %dma_wait3A_512 = tpu.memref_slice %arg18[%dma_wait3A_507, %dma_wait3A_511] : memref<32x128xi32, #tpu.memory_space<vmem>> -> memref<1x128xi32, #tpu.memory_space<vmem>>
    %dma_wait3A_513 = tpu.memref_squeeze %dma_wait3A_512 : memref<1x128xi32, #tpu.memory_space<vmem>> -> memref<128xi32, #tpu.memory_space<vmem>>
    %dma_wait3A_514 = arith.constant 0 : i32
    %dma_wait3A_515 = arith.constant 0 : i32
    %dma_wait3A_516 = tpu.memref_slice %arg4[%dma_wait3A_514, %dma_wait3A_515] : memref<32768x128xf32, #tpu.memory_space<hbm>> -> memref<32768x128xf32, #tpu.memory_space<hbm>>
    tpu.wait_indirect_dma semaphore(%arg21 : memref<!tpu.dma_semaphore, #tpu.memory_space<semaphore_mem>>) src(%dma_wait3A_516 : memref<32768x128xf32, #tpu.memory_space<hbm>>) dst(%dma_wait3A_510 : memref<128x128xf32, #tpu.memory_space<vmem>>)
    %dma_wait3A_517 = arith.constant 1 : i32
    %dma_wait3A_518 = arith.constant 128 : i32
    %dma_wait3A_519 = arith.constant 0 : i32
    %dma_wait3A_520 = tpu.memref_slice %arg19[%dma_wait3A_518, %dma_wait3A_519] : memref<256x128xf32, #tpu.memory_space<vmem>> -> memref<128x128xf32, #tpu.memory_space<vmem>>
    %dma_wait3A_521 = arith.constant 0 : i32
    %dma_wait3A_522 = tpu.memref_slice %arg18[%dma_wait3A_517, %dma_wait3A_521] : memref<32x128xi32, #tpu.memory_space<vmem>> -> memref<1x128xi32, #tpu.memory_space<vmem>>
    %dma_wait3A_523 = tpu.memref_squeeze %dma_wait3A_522 : memref<1x128xi32, #tpu.memory_space<vmem>> -> memref<128xi32, #tpu.memory_space<vmem>>
    %dma_wait3A_524 = arith.constant 0 : i32
    %dma_wait3A_525 = arith.constant 0 : i32
    %dma_wait3A_526 = tpu.memref_slice %arg4[%dma_wait3A_524, %dma_wait3A_525] : memref<32768x128xf32, #tpu.memory_space<hbm>> -> memref<32768x128xf32, #tpu.memory_space<hbm>>
    tpu.wait_indirect_dma semaphore(%arg21 : memref<!tpu.dma_semaphore, #tpu.memory_space<semaphore_mem>>) src(%dma_wait3A_526 : memref<32768x128xf32, #tpu.memory_space<hbm>>) dst(%dma_wait3A_520 : memref<128x128xf32, #tpu.memory_space<vmem>>)
    %add3A_527 = arith.constant 0 : i32
    %add3A_528 = arith.addi %mul3A_486, %add3A_527 : i32
    %dma_start3A_529 = arith.constant 0 : i32
    %dma_start3A_530 = tpu.memref_slice %arg8[%add3A_528, %dma_start3A_529] : memref<131072x128xf32, #tpu.memory_space<hbm>> -> memref<256x128xf32, #tpu.memory_space<hbm>>
    %dma_start3A_531 = arith.constant 0 : i32
    %dma_start3A_532 = tpu.memref_slice %arg8[%add3A_528, %dma_start3A_531] : memref<131072x128xf32, #tpu.memory_space<hbm>> -> memref<256x128xf32, #tpu.memory_space<hbm>>
    tpu.enqueue_dma source(%arg19 : memref<256x128xf32, #tpu.memory_space<vmem>>) target(%dma_start3A_532 : memref<256x128xf32, #tpu.memory_space<hbm>>) target_semaphore(%arg22 : memref<!tpu.dma_semaphore, #tpu.memory_space<semaphore_mem>>)
    %dma_start3A_533 = arith.constant 2 : i32
    %dma_start3A_534 = arith.constant 0 : i32
    %dma_start3A_535 = arith.constant 0 : i32
    %dma_start3A_536 = tpu.memref_slice %arg20[%dma_start3A_534, %dma_start3A_535] : memref<256x128xf32, #tpu.memory_space<vmem>> -> memref<128x128xf32, #tpu.memory_space<vmem>>
    %dma_start3A_537 = arith.constant 0 : i32
    %dma_start3A_538 = tpu.memref_slice %arg18[%dma_start3A_533, %dma_start3A_537] : memref<32x128xi32, #tpu.memory_space<vmem>> -> memref<1x128xi32, #tpu.memory_space<vmem>>
    %dma_start3A_539 = tpu.memref_squeeze %dma_start3A_538 : memref<1x128xi32, #tpu.memory_space<vmem>> -> memref<128xi32, #tpu.memory_space<vmem>>
    %dma_start3A_540 = arith.constant 0 : i32
    %dma_start3A_541 = arith.constant 0 : i32
    %dma_start3A_542 = tpu.memref_slice %arg4[%dma_start3A_540, %dma_start3A_541] : memref<32768x128xf32, #tpu.memory_space<hbm>> -> memref<32768x128xf32, #tpu.memory_space<hbm>>
    tpu.enqueue_indirect_dma source(%dma_start3A_542 : memref<32768x128xf32, #tpu.memory_space<hbm>>) target(%dma_start3A_536 : memref<128x128xf32, #tpu.memory_space<vmem>>) offsets(%dma_start3A_539 : memref<128xi32, #tpu.memory_space<vmem>>) semaphore(%arg21 : memref<!tpu.dma_semaphore, #tpu.memory_space<semaphore_mem>>)
    %dma_start3A_543 = arith.constant 3 : i32
    %dma_start3A_544 = arith.constant 128 : i32
    %dma_start3A_545 = arith.constant 0 : i32
    %dma_start3A_546 = tpu.memref_slice %arg20[%dma_start3A_544, %dma_start3A_545] : memref<256x128xf32, #tpu.memory_space<vmem>> -> memref<128x128xf32, #tpu.memory_space<vmem>>
    %dma_start3A_547 = arith.constant 0 : i32
    %dma_start3A_548 = tpu.memref_slice %arg18[%dma_start3A_543, %dma_start3A_547] : memref<32x128xi32, #tpu.memory_space<vmem>> -> memref<1x128xi32, #tpu.memory_space<vmem>>
    %dma_start3A_549 = tpu.memref_squeeze %dma_start3A_548 : memref<1x128xi32, #tpu.memory_space<vmem>> -> memref<128xi32, #tpu.memory_space<vmem>>
    %dma_start3A_550 = arith.constant 0 : i32
    %dma_start3A_551 = arith.constant 0 : i32
    %dma_start3A_552 = tpu.memref_slice %arg4[%dma_start3A_550, %dma_start3A_551] : memref<32768x128xf32, #tpu.memory_space<hbm>> -> memref<32768x128xf32, #tpu.memory_space<hbm>>
    tpu.enqueue_indirect_dma source(%dma_start3A_552 : memref<32768x128xf32, #tpu.memory_space<hbm>>) target(%dma_start3A_546 : memref<128x128xf32, #tpu.memory_space<vmem>>) offsets(%dma_start3A_549 : memref<128xi32, #tpu.memory_space<vmem>>) semaphore(%arg21 : memref<!tpu.dma_semaphore, #tpu.memory_space<semaphore_mem>>)
    %dma_wait3A_553 = arith.constant 2 : i32
    %dma_wait3A_554 = arith.constant 0 : i32
    %dma_wait3A_555 = arith.constant 0 : i32
    %dma_wait3A_556 = tpu.memref_slice %arg20[%dma_wait3A_554, %dma_wait3A_555] : memref<256x128xf32, #tpu.memory_space<vmem>> -> memref<128x128xf32, #tpu.memory_space<vmem>>
    %dma_wait3A_557 = arith.constant 0 : i32
    %dma_wait3A_558 = tpu.memref_slice %arg18[%dma_wait3A_553, %dma_wait3A_557] : memref<32x128xi32, #tpu.memory_space<vmem>> -> memref<1x128xi32, #tpu.memory_space<vmem>>
    %dma_wait3A_559 = tpu.memref_squeeze %dma_wait3A_558 : memref<1x128xi32, #tpu.memory_space<vmem>> -> memref<128xi32, #tpu.memory_space<vmem>>
    %dma_wait3A_560 = arith.constant 0 : i32
    %dma_wait3A_561 = arith.constant 0 : i32
    %dma_wait3A_562 = tpu.memref_slice %arg4[%dma_wait3A_560, %dma_wait3A_561] : memref<32768x128xf32, #tpu.memory_space<hbm>> -> memref<32768x128xf32, #tpu.memory_space<hbm>>
    tpu.wait_indirect_dma semaphore(%arg21 : memref<!tpu.dma_semaphore, #tpu.memory_space<semaphore_mem>>) src(%dma_wait3A_562 : memref<32768x128xf32, #tpu.memory_space<hbm>>) dst(%dma_wait3A_556 : memref<128x128xf32, #tpu.memory_space<vmem>>)
    %dma_wait3A_563 = arith.constant 3 : i32
    %dma_wait3A_564 = arith.constant 128 : i32
    %dma_wait3A_565 = arith.constant 0 : i32
    %dma_wait3A_566 = tpu.memref_slice %arg20[%dma_wait3A_564, %dma_wait3A_565] : memref<256x128xf32, #tpu.memory_space<vmem>> -> memref<128x128xf32, #tpu.memory_space<vmem>>
    %dma_wait3A_567 = arith.constant 0 : i32
    %dma_wait3A_568 = tpu.memref_slice %arg18[%dma_wait3A_563, %dma_wait3A_567] : memref<32x128xi32, #tpu.memory_space<vmem>> -> memref<1x128xi32, #tpu.memory_space<vmem>>
    %dma_wait3A_569 = tpu.memref_squeeze %dma_wait3A_568 : memref<1x128xi32, #tpu.memory_space<vmem>> -> memref<128xi32, #tpu.memory_space<vmem>>
    %dma_wait3A_570 = arith.constant 0 : i32
    %dma_wait3A_571 = arith.constant 0 : i32
    %dma_wait3A_572 = tpu.memref_slice %arg4[%dma_wait3A_570, %dma_wait3A_571] : memref<32768x128xf32, #tpu.memory_space<hbm>> -> memref<32768x128xf32, #tpu.memory_space<hbm>>
    tpu.wait_indirect_dma semaphore(%arg21 : memref<!tpu.dma_semaphore, #tpu.memory_space<semaphore_mem>>) src(%dma_wait3A_572 : memref<32768x128xf32, #tpu.memory_space<hbm>>) dst(%dma_wait3A_566 : memref<128x128xf32, #tpu.memory_space<vmem>>)
    %add3A_573 = arith.constant 256 : i32
    %add3A_574 = arith.addi %mul3A_486, %add3A_573 : i32
    %dma_start3A_575 = arith.constant 0 : i32
    %dma_start3A_576 = tpu.memref_slice %arg8[%add3A_574, %dma_start3A_575] : memref<131072x128xf32, #tpu.memory_space<hbm>> -> memref<256x128xf32, #tpu.memory_space<hbm>>
    %dma_start3A_577 = arith.constant 0 : i32
    %dma_start3A_578 = tpu.memref_slice %arg8[%add3A_574, %dma_start3A_577] : memref<131072x128xf32, #tpu.memory_space<hbm>> -> memref<256x128xf32, #tpu.memory_space<hbm>>
    tpu.enqueue_dma source(%arg20 : memref<256x128xf32, #tpu.memory_space<vmem>>) target(%dma_start3A_578 : memref<256x128xf32, #tpu.memory_space<hbm>>) target_semaphore(%arg23 : memref<!tpu.dma_semaphore, #tpu.memory_space<semaphore_mem>>)
    %dma_wait3A_579 = arith.constant 0 : i32
    %dma_wait3A_580 = tpu.memref_slice %arg8[%add3A_528, %dma_wait3A_579] : memref<131072x128xf32, #tpu.memory_space<hbm>> -> memref<256x128xf32, #tpu.memory_space<hbm>>
    %dma_wait3A_581 = arith.constant 0 : i32
    %dma_wait3A_582 = tpu.memref_slice %arg8[%add3A_528, %dma_wait3A_581] : memref<131072x128xf32, #tpu.memory_space<hbm>> -> memref<256x128xf32, #tpu.memory_space<hbm>>
    tpu.wait_dma2 semaphore(%arg22 : memref<!tpu.dma_semaphore, #tpu.memory_space<semaphore_mem>>) src(%arg19 : memref<256x128xf32, #tpu.memory_space<vmem>>) dst(%dma_wait3A_582 : memref<256x128xf32, #tpu.memory_space<hbm>>)
    %dma_start3A_583 = arith.constant 4 : i32
    %dma_start3A_584 = arith.constant 0 : i32
    %dma_start3A_585 = arith.constant 0 : i32
    %dma_start3A_586 = tpu.memref_slice %arg19[%dma_start3A_584, %dma_start3A_585] : memref<256x128xf32, #tpu.memory_space<vmem>> -> memref<128x128xf32, #tpu.memory_space<vmem>>
    %dma_start3A_587 = arith.constant 0 : i32
    %dma_start3A_588 = tpu.memref_slice %arg18[%dma_start3A_583, %dma_start3A_587] : memref<32x128xi32, #tpu.memory_space<vmem>> -> memref<1x128xi32, #tpu.memory_space<vmem>>
    %dma_start3A_589 = tpu.memref_squeeze %dma_start3A_588 : memref<1x128xi32, #tpu.memory_space<vmem>> -> memref<128xi32, #tpu.memory_space<vmem>>
    %dma_start3A_590 = arith.constant 0 : i32
    %dma_start3A_591 = arith.constant 0 : i32
    %dma_start3A_592 = tpu.memref_slice %arg4[%dma_start3A_590, %dma_start3A_591] : memref<32768x128xf32, #tpu.memory_space<hbm>> -> memref<32768x128xf32, #tpu.memory_space<hbm>>
    tpu.enqueue_indirect_dma source(%dma_start3A_592 : memref<32768x128xf32, #tpu.memory_space<hbm>>) target(%dma_start3A_586 : memref<128x128xf32, #tpu.memory_space<vmem>>) offsets(%dma_start3A_589 : memref<128xi32, #tpu.memory_space<vmem>>) semaphore(%arg21 : memref<!tpu.dma_semaphore, #tpu.memory_space<semaphore_mem>>)
    %dma_start3A_593 = arith.constant 5 : i32
    %dma_start3A_594 = arith.constant 128 : i32
    %dma_start3A_595 = arith.constant 0 : i32
    %dma_start3A_596 = tpu.memref_slice %arg19[%dma_start3A_594, %dma_start3A_595] : memref<256x128xf32, #tpu.memory_space<vmem>> -> memref<128x128xf32, #tpu.memory_space<vmem>>
    %dma_start3A_597 = arith.constant 0 : i32
    %dma_start3A_598 = tpu.memref_slice %arg18[%dma_start3A_593, %dma_start3A_597] : memref<32x128xi32, #tpu.memory_space<vmem>> -> memref<1x128xi32, #tpu.memory_space<vmem>>
    %dma_start3A_599 = tpu.memref_squeeze %dma_start3A_598 : memref<1x128xi32, #tpu.memory_space<vmem>> -> memref<128xi32, #tpu.memory_space<vmem>>
    %dma_start3A_600 = arith.constant 0 : i32
    %dma_start3A_601 = arith.constant 0 : i32
    %dma_start3A_602 = tpu.memref_slice %arg4[%dma_start3A_600, %dma_start3A_601] : memref<32768x128xf32, #tpu.memory_space<hbm>> -> memref<32768x128xf32, #tpu.memory_space<hbm>>
    tpu.enqueue_indirect_dma source(%dma_start3A_602 : memref<32768x128xf32, #tpu.memory_space<hbm>>) target(%dma_start3A_596 : memref<128x128xf32, #tpu.memory_space<vmem>>) offsets(%dma_start3A_599 : memref<128xi32, #tpu.memory_space<vmem>>) semaphore(%arg21 : memref<!tpu.dma_semaphore, #tpu.memory_space<semaphore_mem>>)
    %dma_wait3A_603 = arith.constant 4 : i32
    %dma_wait3A_604 = arith.constant 0 : i32
    %dma_wait3A_605 = arith.constant 0 : i32
    %dma_wait3A_606 = tpu.memref_slice %arg19[%dma_wait3A_604, %dma_wait3A_605] : memref<256x128xf32, #tpu.memory_space<vmem>> -> memref<128x128xf32, #tpu.memory_space<vmem>>
    %dma_wait3A_607 = arith.constant 0 : i32
    %dma_wait3A_608 = tpu.memref_slice %arg18[%dma_wait3A_603, %dma_wait3A_607] : memref<32x128xi32, #tpu.memory_space<vmem>> -> memref<1x128xi32, #tpu.memory_space<vmem>>
    %dma_wait3A_609 = tpu.memref_squeeze %dma_wait3A_608 : memref<1x128xi32, #tpu.memory_space<vmem>> -> memref<128xi32, #tpu.memory_space<vmem>>
    %dma_wait3A_610 = arith.constant 0 : i32
    %dma_wait3A_611 = arith.constant 0 : i32
    %dma_wait3A_612 = tpu.memref_slice %arg4[%dma_wait3A_610, %dma_wait3A_611] : memref<32768x128xf32, #tpu.memory_space<hbm>> -> memref<32768x128xf32, #tpu.memory_space<hbm>>
    tpu.wait_indirect_dma semaphore(%arg21 : memref<!tpu.dma_semaphore, #tpu.memory_space<semaphore_mem>>) src(%dma_wait3A_612 : memref<32768x128xf32, #tpu.memory_space<hbm>>) dst(%dma_wait3A_606 : memref<128x128xf32, #tpu.memory_space<vmem>>)
    %dma_wait3A_613 = arith.constant 5 : i32
    %dma_wait3A_614 = arith.constant 128 : i32
    %dma_wait3A_615 = arith.constant 0 : i32
    %dma_wait3A_616 = tpu.memref_slice %arg19[%dma_wait3A_614, %dma_wait3A_615] : memref<256x128xf32, #tpu.memory_space<vmem>> -> memref<128x128xf32, #tpu.memory_space<vmem>>
    %dma_wait3A_617 = arith.constant 0 : i32
    %dma_wait3A_618 = tpu.memref_slice %arg18[%dma_wait3A_613, %dma_wait3A_617] : memref<32x128xi32, #tpu.memory_space<vmem>> -> memref<1x128xi32, #tpu.memory_space<vmem>>
    %dma_wait3A_619 = tpu.memref_squeeze %dma_wait3A_618 : memref<1x128xi32, #tpu.memory_space<vmem>> -> memref<128xi32, #tpu.memory_space<vmem>>
    %dma_wait3A_620 = arith.constant 0 : i32
    %dma_wait3A_621 = arith.constant 0 : i32
    %dma_wait3A_622 = tpu.memref_slice %arg4[%dma_wait3A_620, %dma_wait3A_621] : memref<32768x128xf32, #tpu.memory_space<hbm>> -> memref<32768x128xf32, #tpu.memory_space<hbm>>
    tpu.wait_indirect_dma semaphore(%arg21 : memref<!tpu.dma_semaphore, #tpu.memory_space<semaphore_mem>>) src(%dma_wait3A_622 : memref<32768x128xf32, #tpu.memory_space<hbm>>) dst(%dma_wait3A_616 : memref<128x128xf32, #tpu.memory_space<vmem>>)
    %add3A_623 = arith.constant 512 : i32
    %add3A_624 = arith.addi %mul3A_486, %add3A_623 : i32
    %dma_start3A_625 = arith.constant 0 : i32
    %dma_start3A_626 = tpu.memref_slice %arg8[%add3A_624, %dma_start3A_625] : memref<131072x128xf32, #tpu.memory_space<hbm>> -> memref<256x128xf32, #tpu.memory_space<hbm>>
    %dma_start3A_627 = arith.constant 0 : i32
    %dma_start3A_628 = tpu.memref_slice %arg8[%add3A_624, %dma_start3A_627] : memref<131072x128xf32, #tpu.memory_space<hbm>> -> memref<256x128xf32, #tpu.memory_space<hbm>>
    tpu.enqueue_dma source(%arg19 : memref<256x128xf32, #tpu.memory_space<vmem>>) target(%dma_start3A_628 : memref<256x128xf32, #tpu.memory_space<hbm>>) target_semaphore(%arg22 : memref<!tpu.dma_semaphore, #tpu.memory_space<semaphore_mem>>)
    %dma_wait3A_629 = arith.constant 0 : i32
    %dma_wait3A_630 = tpu.memref_slice %arg8[%add3A_574, %dma_wait3A_629] : memref<131072x128xf32, #tpu.memory_space<hbm>> -> memref<256x128xf32, #tpu.memory_space<hbm>>
    %dma_wait3A_631 = arith.constant 0 : i32
    %dma_wait3A_632 = tpu.memref_slice %arg8[%add3A_574, %dma_wait3A_631] : memref<131072x128xf32, #tpu.memory_space<hbm>> -> memref<256x128xf32, #tpu.memory_space<hbm>>
    tpu.wait_dma2 semaphore(%arg23 : memref<!tpu.dma_semaphore, #tpu.memory_space<semaphore_mem>>) src(%arg20 : memref<256x128xf32, #tpu.memory_space<vmem>>) dst(%dma_wait3A_632 : memref<256x128xf32, #tpu.memory_space<hbm>>)
    %dma_start3A_633 = arith.constant 6 : i32
    %dma_start3A_634 = arith.constant 0 : i32
    %dma_start3A_635 = arith.constant 0 : i32
    %dma_start3A_636 = tpu.memref_slice %arg20[%dma_start3A_634, %dma_start3A_635] : memref<256x128xf32, #tpu.memory_space<vmem>> -> memref<128x128xf32, #tpu.memory_space<vmem>>
    %dma_start3A_637 = arith.constant 0 : i32
    %dma_start3A_638 = tpu.memref_slice %arg18[%dma_start3A_633, %dma_start3A_637] : memref<32x128xi32, #tpu.memory_space<vmem>> -> memref<1x128xi32, #tpu.memory_space<vmem>>
    %dma_start3A_639 = tpu.memref_squeeze %dma_start3A_638 : memref<1x128xi32, #tpu.memory_space<vmem>> -> memref<128xi32, #tpu.memory_space<vmem>>
    %dma_start3A_640 = arith.constant 0 : i32
    %dma_start3A_641 = arith.constant 0 : i32
    %dma_start3A_642 = tpu.memref_slice %arg4[%dma_start3A_640, %dma_start3A_641] : memref<32768x128xf32, #tpu.memory_space<hbm>> -> memref<32768x128xf32, #tpu.memory_space<hbm>>
    tpu.enqueue_indirect_dma source(%dma_start3A_642 : memref<32768x128xf32, #tpu.memory_space<hbm>>) target(%dma_start3A_636 : memref<128x128xf32, #tpu.memory_space<vmem>>) offsets(%dma_start3A_639 : memref<128xi32, #tpu.memory_space<vmem>>) semaphore(%arg21 : memref<!tpu.dma_semaphore, #tpu.memory_space<semaphore_mem>>)
    %dma_start3A_643 = arith.constant 7 : i32
    %dma_start3A_644 = arith.constant 128 : i32
    %dma_start3A_645 = arith.constant 0 : i32
    %dma_start3A_646 = tpu.memref_slice %arg20[%dma_start3A_644, %dma_start3A_645] : memref<256x128xf32, #tpu.memory_space<vmem>> -> memref<128x128xf32, #tpu.memory_space<vmem>>
    %dma_start3A_647 = arith.constant 0 : i32
    %dma_start3A_648 = tpu.memref_slice %arg18[%dma_start3A_643, %dma_start3A_647] : memref<32x128xi32, #tpu.memory_space<vmem>> -> memref<1x128xi32, #tpu.memory_space<vmem>>
    %dma_start3A_649 = tpu.memref_squeeze %dma_start3A_648 : memref<1x128xi32, #tpu.memory_space<vmem>> -> memref<128xi32, #tpu.memory_space<vmem>>
    %dma_start3A_650 = arith.constant 0 : i32
    %dma_start3A_651 = arith.constant 0 : i32
    %dma_start3A_652 = tpu.memref_slice %arg4[%dma_start3A_650, %dma_start3A_651] : memref<32768x128xf32, #tpu.memory_space<hbm>> -> memref<32768x128xf32, #tpu.memory_space<hbm>>
    tpu.enqueue_indirect_dma source(%dma_start3A_652 : memref<32768x128xf32, #tpu.memory_space<hbm>>) target(%dma_start3A_646 : memref<128x128xf32, #tpu.memory_space<vmem>>) offsets(%dma_start3A_649 : memref<128xi32, #tpu.memory_space<vmem>>) semaphore(%arg21 : memref<!tpu.dma_semaphore, #tpu.memory_space<semaphore_mem>>)
    %dma_wait3A_653 = arith.constant 6 : i32
    %dma_wait3A_654 = arith.constant 0 : i32
    %dma_wait3A_655 = arith.constant 0 : i32
    %dma_wait3A_656 = tpu.memref_slice %arg20[%dma_wait3A_654, %dma_wait3A_655] : memref<256x128xf32, #tpu.memory_space<vmem>> -> memref<128x128xf32, #tpu.memory_space<vmem>>
    %dma_wait3A_657 = arith.constant 0 : i32
    %dma_wait3A_658 = tpu.memref_slice %arg18[%dma_wait3A_653, %dma_wait3A_657] : memref<32x128xi32, #tpu.memory_space<vmem>> -> memref<1x128xi32, #tpu.memory_space<vmem>>
    %dma_wait3A_659 = tpu.memref_squeeze %dma_wait3A_658 : memref<1x128xi32, #tpu.memory_space<vmem>> -> memref<128xi32, #tpu.memory_space<vmem>>
    %dma_wait3A_660 = arith.constant 0 : i32
    %dma_wait3A_661 = arith.constant 0 : i32
    %dma_wait3A_662 = tpu.memref_slice %arg4[%dma_wait3A_660, %dma_wait3A_661] : memref<32768x128xf32, #tpu.memory_space<hbm>> -> memref<32768x128xf32, #tpu.memory_space<hbm>>
    tpu.wait_indirect_dma semaphore(%arg21 : memref<!tpu.dma_semaphore, #tpu.memory_space<semaphore_mem>>) src(%dma_wait3A_662 : memref<32768x128xf32, #tpu.memory_space<hbm>>) dst(%dma_wait3A_656 : memref<128x128xf32, #tpu.memory_space<vmem>>)
    %dma_wait3A_663 = arith.constant 7 : i32
    %dma_wait3A_664 = arith.constant 128 : i32
    %dma_wait3A_665 = arith.constant 0 : i32
    %dma_wait3A_666 = tpu.memref_slice %arg20[%dma_wait3A_664, %dma_wait3A_665] : memref<256x128xf32, #tpu.memory_space<vmem>> -> memref<128x128xf32, #tpu.memory_space<vmem>>
    %dma_wait3A_667 = arith.constant 0 : i32
    %dma_wait3A_668 = tpu.memref_slice %arg18[%dma_wait3A_663, %dma_wait3A_667] : memref<32x128xi32, #tpu.memory_space<vmem>> -> memref<1x128xi32, #tpu.memory_space<vmem>>
    %dma_wait3A_669 = tpu.memref_squeeze %dma_wait3A_668 : memref<1x128xi32, #tpu.memory_space<vmem>> -> memref<128xi32, #tpu.memory_space<vmem>>
    %dma_wait3A_670 = arith.constant 0 : i32
    %dma_wait3A_671 = arith.constant 0 : i32
    %dma_wait3A_672 = tpu.memref_slice %arg4[%dma_wait3A_670, %dma_wait3A_671] : memref<32768x128xf32, #tpu.memory_space<hbm>> -> memref<32768x128xf32, #tpu.memory_space<hbm>>
    tpu.wait_indirect_dma semaphore(%arg21 : memref<!tpu.dma_semaphore, #tpu.memory_space<semaphore_mem>>) src(%dma_wait3A_672 : memref<32768x128xf32, #tpu.memory_space<hbm>>) dst(%dma_wait3A_666 : memref<128x128xf32, #tpu.memory_space<vmem>>)
    %add3A_673 = arith.constant 768 : i32
    %add3A_674 = arith.addi %mul3A_486, %add3A_673 : i32
    %dma_start3A_675 = arith.constant 0 : i32
    %dma_start3A_676 = tpu.memref_slice %arg8[%add3A_674, %dma_start3A_675] : memref<131072x128xf32, #tpu.memory_space<hbm>> -> memref<256x128xf32, #tpu.memory_space<hbm>>
    %dma_start3A_677 = arith.constant 0 : i32
    %dma_start3A_678 = tpu.memref_slice %arg8[%add3A_674, %dma_start3A_677] : memref<131072x128xf32, #tpu.memory_space<hbm>> -> memref<256x128xf32, #tpu.memory_space<hbm>>
    tpu.enqueue_dma source(%arg20 : memref<256x128xf32, #tpu.memory_space<vmem>>) target(%dma_start3A_678 : memref<256x128xf32, #tpu.memory_space<hbm>>) target_semaphore(%arg23 : memref<!tpu.dma_semaphore, #tpu.memory_space<semaphore_mem>>)
    %dma_wait3A_679 = arith.constant 0 : i32
    %dma_wait3A_680 = tpu.memref_slice %arg8[%add3A_624, %dma_wait3A_679] : memref<131072x128xf32, #tpu.memory_space<hbm>> -> memref<256x128xf32, #tpu.memory_space<hbm>>
    %dma_wait3A_681 = arith.constant 0 : i32
    %dma_wait3A_682 = tpu.memref_slice %arg8[%add3A_624, %dma_wait3A_681] : memref<131072x128xf32, #tpu.memory_space<hbm>> -> memref<256x128xf32, #tpu.memory_space<hbm>>
    tpu.wait_dma2 semaphore(%arg22 : memref<!tpu.dma_semaphore, #tpu.memory_space<semaphore_mem>>) src(%arg19 : memref<256x128xf32, #tpu.memory_space<vmem>>) dst(%dma_wait3A_682 : memref<256x128xf32, #tpu.memory_space<hbm>>)
    %dma_start3A_683 = arith.constant 8 : i32
    %dma_start3A_684 = arith.constant 0 : i32
    %dma_start3A_685 = arith.constant 0 : i32
    %dma_start3A_686 = tpu.memref_slice %arg19[%dma_start3A_684, %dma_start3A_685] : memref<256x128xf32, #tpu.memory_space<vmem>> -> memref<128x128xf32, #tpu.memory_space<vmem>>
    %dma_start3A_687 = arith.constant 0 : i32
    %dma_start3A_688 = tpu.memref_slice %arg18[%dma_start3A_683, %dma_start3A_687] : memref<32x128xi32, #tpu.memory_space<vmem>> -> memref<1x128xi32, #tpu.memory_space<vmem>>
    %dma_start3A_689 = tpu.memref_squeeze %dma_start3A_688 : memref<1x128xi32, #tpu.memory_space<vmem>> -> memref<128xi32, #tpu.memory_space<vmem>>
    %dma_start3A_690 = arith.constant 0 : i32
    %dma_start3A_691 = arith.constant 0 : i32
    %dma_start3A_692 = tpu.memref_slice %arg4[%dma_start3A_690, %dma_start3A_691] : memref<32768x128xf32, #tpu.memory_space<hbm>> -> memref<32768x128xf32, #tpu.memory_space<hbm>>
    tpu.enqueue_indirect_dma source(%dma_start3A_692 : memref<32768x128xf32, #tpu.memory_space<hbm>>) target(%dma_start3A_686 : memref<128x128xf32, #tpu.memory_space<vmem>>) offsets(%dma_start3A_689 : memref<128xi32, #tpu.memory_space<vmem>>) semaphore(%arg21 : memref<!tpu.dma_semaphore, #tpu.memory_space<semaphore_mem>>)
    %dma_start3A_693 = arith.constant 9 : i32
    %dma_start3A_694 = arith.constant 128 : i32
    %dma_start3A_695 = arith.constant 0 : i32
    %dma_start3A_696 = tpu.memref_slice %arg19[%dma_start3A_694, %dma_start3A_695] : memref<256x128xf32, #tpu.memory_space<vmem>> -> memref<128x128xf32, #tpu.memory_space<vmem>>
    %dma_start3A_697 = arith.constant 0 : i32
    %dma_start3A_698 = tpu.memref_slice %arg18[%dma_start3A_693, %dma_start3A_697] : memref<32x128xi32, #tpu.memory_space<vmem>> -> memref<1x128xi32, #tpu.memory_space<vmem>>
    %dma_start3A_699 = tpu.memref_squeeze %dma_start3A_698 : memref<1x128xi32, #tpu.memory_space<vmem>> -> memref<128xi32, #tpu.memory_space<vmem>>
    %dma_start3A_700 = arith.constant 0 : i32
    %dma_start3A_701 = arith.constant 0 : i32
    %dma_start3A_702 = tpu.memref_slice %arg4[%dma_start3A_700, %dma_start3A_701] : memref<32768x128xf32, #tpu.memory_space<hbm>> -> memref<32768x128xf32, #tpu.memory_space<hbm>>
    tpu.enqueue_indirect_dma source(%dma_start3A_702 : memref<32768x128xf32, #tpu.memory_space<hbm>>) target(%dma_start3A_696 : memref<128x128xf32, #tpu.memory_space<vmem>>) offsets(%dma_start3A_699 : memref<128xi32, #tpu.memory_space<vmem>>) semaphore(%arg21 : memref<!tpu.dma_semaphore, #tpu.memory_space<semaphore_mem>>)
    %dma_wait3A_703 = arith.constant 8 : i32
    %dma_wait3A_704 = arith.constant 0 : i32
    %dma_wait3A_705 = arith.constant 0 : i32
    %dma_wait3A_706 = tpu.memref_slice %arg19[%dma_wait3A_704, %dma_wait3A_705] : memref<256x128xf32, #tpu.memory_space<vmem>> -> memref<128x128xf32, #tpu.memory_space<vmem>>
    %dma_wait3A_707 = arith.constant 0 : i32
    %dma_wait3A_708 = tpu.memref_slice %arg18[%dma_wait3A_703, %dma_wait3A_707] : memref<32x128xi32, #tpu.memory_space<vmem>> -> memref<1x128xi32, #tpu.memory_space<vmem>>
    %dma_wait3A_709 = tpu.memref_squeeze %dma_wait3A_708 : memref<1x128xi32, #tpu.memory_space<vmem>> -> memref<128xi32, #tpu.memory_space<vmem>>
    %dma_wait3A_710 = arith.constant 0 : i32
    %dma_wait3A_711 = arith.constant 0 : i32
    %dma_wait3A_712 = tpu.memref_slice %arg4[%dma_wait3A_710, %dma_wait3A_711] : memref<32768x128xf32, #tpu.memory_space<hbm>> -> memref<32768x128xf32, #tpu.memory_space<hbm>>
    tpu.wait_indirect_dma semaphore(%arg21 : memref<!tpu.dma_semaphore, #tpu.memory_space<semaphore_mem>>) src(%dma_wait3A_712 : memref<32768x128xf32, #tpu.memory_space<hbm>>) dst(%dma_wait3A_706 : memref<128x128xf32, #tpu.memory_space<vmem>>)
    %dma_wait3A_713 = arith.constant 9 : i32
    %dma_wait3A_714 = arith.constant 128 : i32
    %dma_wait3A_715 = arith.constant 0 : i32
    %dma_wait3A_716 = tpu.memref_slice %arg19[%dma_wait3A_714, %dma_wait3A_715] : memref<256x128xf32, #tpu.memory_space<vmem>> -> memref<128x128xf32, #tpu.memory_space<vmem>>
    %dma_wait3A_717 = arith.constant 0 : i32
    %dma_wait3A_718 = tpu.memref_slice %arg18[%dma_wait3A_713, %dma_wait3A_717] : memref<32x128xi32, #tpu.memory_space<vmem>> -> memref<1x128xi32, #tpu.memory_space<vmem>>
    %dma_wait3A_719 = tpu.memref_squeeze %dma_wait3A_718 : memref<1x128xi32, #tpu.memory_space<vmem>> -> memref<128xi32, #tpu.memory_space<vmem>>
    %dma_wait3A_720 = arith.constant 0 : i32
    %dma_wait3A_721 = arith.constant 0 : i32
    %dma_wait3A_722 = tpu.memref_slice %arg4[%dma_wait3A_720, %dma_wait3A_721] : memref<32768x128xf32, #tpu.memory_space<hbm>> -> memref<32768x128xf32, #tpu.memory_space<hbm>>
    tpu.wait_indirect_dma semaphore(%arg21 : memref<!tpu.dma_semaphore, #tpu.memory_space<semaphore_mem>>) src(%dma_wait3A_722 : memref<32768x128xf32, #tpu.memory_space<hbm>>) dst(%dma_wait3A_716 : memref<128x128xf32, #tpu.memory_space<vmem>>)
    %add3A_723 = arith.constant 1024 : i32
    %add3A_724 = arith.addi %mul3A_486, %add3A_723 : i32
    %dma_start3A_725 = arith.constant 0 : i32
    %dma_start3A_726 = tpu.memref_slice %arg8[%add3A_724, %dma_start3A_725] : memref<131072x128xf32, #tpu.memory_space<hbm>> -> memref<256x128xf32, #tpu.memory_space<hbm>>
    %dma_start3A_727 = arith.constant 0 : i32
    %dma_start3A_728 = tpu.memref_slice %arg8[%add3A_724, %dma_start3A_727] : memref<131072x128xf32, #tpu.memory_space<hbm>> -> memref<256x128xf32, #tpu.memory_space<hbm>>
    tpu.enqueue_dma source(%arg19 : memref<256x128xf32, #tpu.memory_space<vmem>>) target(%dma_start3A_728 : memref<256x128xf32, #tpu.memory_space<hbm>>) target_semaphore(%arg22 : memref<!tpu.dma_semaphore, #tpu.memory_space<semaphore_mem>>)
    %dma_wait3A_729 = arith.constant 0 : i32
    %dma_wait3A_730 = tpu.memref_slice %arg8[%add3A_674, %dma_wait3A_729] : memref<131072x128xf32, #tpu.memory_space<hbm>> -> memref<256x128xf32, #tpu.memory_space<hbm>>
    %dma_wait3A_731 = arith.constant 0 : i32
    %dma_wait3A_732 = tpu.memref_slice %arg8[%add3A_674, %dma_wait3A_731] : memref<131072x128xf32, #tpu.memory_space<hbm>> -> memref<256x128xf32, #tpu.memory_space<hbm>>
    tpu.wait_dma2 semaphore(%arg23 : memref<!tpu.dma_semaphore, #tpu.memory_space<semaphore_mem>>) src(%arg20 : memref<256x128xf32, #tpu.memory_space<vmem>>) dst(%dma_wait3A_732 : memref<256x128xf32, #tpu.memory_space<hbm>>)
    %dma_start3A_733 = arith.constant 10 : i32
    %dma_start3A_734 = arith.constant 0 : i32
    %dma_start3A_735 = arith.constant 0 : i32
    %dma_start3A_736 = tpu.memref_slice %arg20[%dma_start3A_734, %dma_start3A_735] : memref<256x128xf32, #tpu.memory_space<vmem>> -> memref<128x128xf32, #tpu.memory_space<vmem>>
    %dma_start3A_737 = arith.constant 0 : i32
    %dma_start3A_738 = tpu.memref_slice %arg18[%dma_start3A_733, %dma_start3A_737] : memref<32x128xi32, #tpu.memory_space<vmem>> -> memref<1x128xi32, #tpu.memory_space<vmem>>
    %dma_start3A_739 = tpu.memref_squeeze %dma_start3A_738 : memref<1x128xi32, #tpu.memory_space<vmem>> -> memref<128xi32, #tpu.memory_space<vmem>>
    %dma_start3A_740 = arith.constant 0 : i32
    %dma_start3A_741 = arith.constant 0 : i32
    %dma_start3A_742 = tpu.memref_slice %arg4[%dma_start3A_740, %dma_start3A_741] : memref<32768x128xf32, #tpu.memory_space<hbm>> -> memref<32768x128xf32, #tpu.memory_space<hbm>>
    tpu.enqueue_indirect_dma source(%dma_start3A_742 : memref<32768x128xf32, #tpu.memory_space<hbm>>) target(%dma_start3A_736 : memref<128x128xf32, #tpu.memory_space<vmem>>) offsets(%dma_start3A_739 : memref<128xi32, #tpu.memory_space<vmem>>) semaphore(%arg21 : memref<!tpu.dma_semaphore, #tpu.memory_space<semaphore_mem>>)
    %dma_start3A_743 = arith.constant 11 : i32
    %dma_start3A_744 = arith.constant 128 : i32
    %dma_start3A_745 = arith.constant 0 : i32
    %dma_start3A_746 = tpu.memref_slice %arg20[%dma_start3A_744, %dma_start3A_745] : memref<256x128xf32, #tpu.memory_space<vmem>> -> memref<128x128xf32, #tpu.memory_space<vmem>>
    %dma_start3A_747 = arith.constant 0 : i32
    %dma_start3A_748 = tpu.memref_slice %arg18[%dma_start3A_743, %dma_start3A_747] : memref<32x128xi32, #tpu.memory_space<vmem>> -> memref<1x128xi32, #tpu.memory_space<vmem>>
    %dma_start3A_749 = tpu.memref_squeeze %dma_start3A_748 : memref<1x128xi32, #tpu.memory_space<vmem>> -> memref<128xi32, #tpu.memory_space<vmem>>
    %dma_start3A_750 = arith.constant 0 : i32
    %dma_start3A_751 = arith.constant 0 : i32
    %dma_start3A_752 = tpu.memref_slice %arg4[%dma_start3A_750, %dma_start3A_751] : memref<32768x128xf32, #tpu.memory_space<hbm>> -> memref<32768x128xf32, #tpu.memory_space<hbm>>
    tpu.enqueue_indirect_dma source(%dma_start3A_752 : memref<32768x128xf32, #tpu.memory_space<hbm>>) target(%dma_start3A_746 : memref<128x128xf32, #tpu.memory_space<vmem>>) offsets(%dma_start3A_749 : memref<128xi32, #tpu.memory_space<vmem>>) semaphore(%arg21 : memref<!tpu.dma_semaphore, #tpu.memory_space<semaphore_mem>>)
    %dma_wait3A_753 = arith.constant 10 : i32
    %dma_wait3A_754 = arith.constant 0 : i32
    %dma_wait3A_755 = arith.constant 0 : i32
    %dma_wait3A_756 = tpu.memref_slice %arg20[%dma_wait3A_754, %dma_wait3A_755] : memref<256x128xf32, #tpu.memory_space<vmem>> -> memref<128x128xf32, #tpu.memory_space<vmem>>
    %dma_wait3A_757 = arith.constant 0 : i32
    %dma_wait3A_758 = tpu.memref_slice %arg18[%dma_wait3A_753, %dma_wait3A_757] : memref<32x128xi32, #tpu.memory_space<vmem>> -> memref<1x128xi32, #tpu.memory_space<vmem>>
    %dma_wait3A_759 = tpu.memref_squeeze %dma_wait3A_758 : memref<1x128xi32, #tpu.memory_space<vmem>> -> memref<128xi32, #tpu.memory_space<vmem>>
    %dma_wait3A_760 = arith.constant 0 : i32
    %dma_wait3A_761 = arith.constant 0 : i32
    %dma_wait3A_762 = tpu.memref_slice %arg4[%dma_wait3A_760, %dma_wait3A_761] : memref<32768x128xf32, #tpu.memory_space<hbm>> -> memref<32768x128xf32, #tpu.memory_space<hbm>>
    tpu.wait_indirect_dma semaphore(%arg21 : memref<!tpu.dma_semaphore, #tpu.memory_space<semaphore_mem>>) src(%dma_wait3A_762 : memref<32768x128xf32, #tpu.memory_space<hbm>>) dst(%dma_wait3A_756 : memref<128x128xf32, #tpu.memory_space<vmem>>)
    %dma_wait3A_763 = arith.constant 11 : i32
    %dma_wait3A_764 = arith.constant 128 : i32
    %dma_wait3A_765 = arith.constant 0 : i32
    %dma_wait3A_766 = tpu.memref_slice %arg20[%dma_wait3A_764, %dma_wait3A_765] : memref<256x128xf32, #tpu.memory_space<vmem>> -> memref<128x128xf32, #tpu.memory_space<vmem>>
    %dma_wait3A_767 = arith.constant 0 : i32
    %dma_wait3A_768 = tpu.memref_slice %arg18[%dma_wait3A_763, %dma_wait3A_767] : memref<32x128xi32, #tpu.memory_space<vmem>> -> memref<1x128xi32, #tpu.memory_space<vmem>>
    %dma_wait3A_769 = tpu.memref_squeeze %dma_wait3A_768 : memref<1x128xi32, #tpu.memory_space<vmem>> -> memref<128xi32, #tpu.memory_space<vmem>>
    %dma_wait3A_770 = arith.constant 0 : i32
    %dma_wait3A_771 = arith.constant 0 : i32
    %dma_wait3A_772 = tpu.memref_slice %arg4[%dma_wait3A_770, %dma_wait3A_771] : memref<32768x128xf32, #tpu.memory_space<hbm>> -> memref<32768x128xf32, #tpu.memory_space<hbm>>
    tpu.wait_indirect_dma semaphore(%arg21 : memref<!tpu.dma_semaphore, #tpu.memory_space<semaphore_mem>>) src(%dma_wait3A_772 : memref<32768x128xf32, #tpu.memory_space<hbm>>) dst(%dma_wait3A_766 : memref<128x128xf32, #tpu.memory_space<vmem>>)
    %add3A_773 = arith.constant 1280 : i32
    %add3A_774 = arith.addi %mul3A_486, %add3A_773 : i32
    %dma_start3A_775 = arith.constant 0 : i32
    %dma_start3A_776 = tpu.memref_slice %arg8[%add3A_774, %dma_start3A_775] : memref<131072x128xf32, #tpu.memory_space<hbm>> -> memref<256x128xf32, #tpu.memory_space<hbm>>
    %dma_start3A_777 = arith.constant 0 : i32
    %dma_start3A_778 = tpu.memref_slice %arg8[%add3A_774, %dma_start3A_777] : memref<131072x128xf32, #tpu.memory_space<hbm>> -> memref<256x128xf32, #tpu.memory_space<hbm>>
    tpu.enqueue_dma source(%arg20 : memref<256x128xf32, #tpu.memory_space<vmem>>) target(%dma_start3A_778 : memref<256x128xf32, #tpu.memory_space<hbm>>) target_semaphore(%arg23 : memref<!tpu.dma_semaphore, #tpu.memory_space<semaphore_mem>>)
    %dma_wait3A_779 = arith.constant 0 : i32
    %dma_wait3A_780 = tpu.memref_slice %arg8[%add3A_724, %dma_wait3A_779] : memref<131072x128xf32, #tpu.memory_space<hbm>> -> memref<256x128xf32, #tpu.memory_space<hbm>>
    %dma_wait3A_781 = arith.constant 0 : i32
    %dma_wait3A_782 = tpu.memref_slice %arg8[%add3A_724, %dma_wait3A_781] : memref<131072x128xf32, #tpu.memory_space<hbm>> -> memref<256x128xf32, #tpu.memory_space<hbm>>
    tpu.wait_dma2 semaphore(%arg22 : memref<!tpu.dma_semaphore, #tpu.memory_space<semaphore_mem>>) src(%arg19 : memref<256x128xf32, #tpu.memory_space<vmem>>) dst(%dma_wait3A_782 : memref<256x128xf32, #tpu.memory_space<hbm>>)
    %dma_start3A_783 = arith.constant 12 : i32
    %dma_start3A_784 = arith.constant 0 : i32
    %dma_start3A_785 = arith.constant 0 : i32
    %dma_start3A_786 = tpu.memref_slice %arg19[%dma_start3A_784, %dma_start3A_785] : memref<256x128xf32, #tpu.memory_space<vmem>> -> memref<128x128xf32, #tpu.memory_space<vmem>>
    %dma_start3A_787 = arith.constant 0 : i32
    %dma_start3A_788 = tpu.memref_slice %arg18[%dma_start3A_783, %dma_start3A_787] : memref<32x128xi32, #tpu.memory_space<vmem>> -> memref<1x128xi32, #tpu.memory_space<vmem>>
    %dma_start3A_789 = tpu.memref_squeeze %dma_start3A_788 : memref<1x128xi32, #tpu.memory_space<vmem>> -> memref<128xi32, #tpu.memory_space<vmem>>
    %dma_start3A_790 = arith.constant 0 : i32
    %dma_start3A_791 = arith.constant 0 : i32
    %dma_start3A_792 = tpu.memref_slice %arg4[%dma_start3A_790, %dma_start3A_791] : memref<32768x128xf32, #tpu.memory_space<hbm>> -> memref<32768x128xf32, #tpu.memory_space<hbm>>
    tpu.enqueue_indirect_dma source(%dma_start3A_792 : memref<32768x128xf32, #tpu.memory_space<hbm>>) target(%dma_start3A_786 : memref<128x128xf32, #tpu.memory_space<vmem>>) offsets(%dma_start3A_789 : memref<128xi32, #tpu.memory_space<vmem>>) semaphore(%arg21 : memref<!tpu.dma_semaphore, #tpu.memory_space<semaphore_mem>>)
    %dma_start3A_793 = arith.constant 13 : i32
    %dma_start3A_794 = arith.constant 128 : i32
    %dma_start3A_795 = arith.constant 0 : i32
    %dma_start3A_796 = tpu.memref_slice %arg19[%dma_start3A_794, %dma_start3A_795] : memref<256x128xf32, #tpu.memory_space<vmem>> -> memref<128x128xf32, #tpu.memory_space<vmem>>
    %dma_start3A_797 = arith.constant 0 : i32
    %dma_start3A_798 = tpu.memref_slice %arg18[%dma_start3A_793, %dma_start3A_797] : memref<32x128xi32, #tpu.memory_space<vmem>> -> memref<1x128xi32, #tpu.memory_space<vmem>>
    %dma_start3A_799 = tpu.memref_squeeze %dma_start3A_798 : memref<1x128xi32, #tpu.memory_space<vmem>> -> memref<128xi32, #tpu.memory_space<vmem>>
    %dma_start3A_800 = arith.constant 0 : i32
    %dma_start3A_801 = arith.constant 0 : i32
    %dma_start3A_802 = tpu.memref_slice %arg4[%dma_start3A_800, %dma_start3A_801] : memref<32768x128xf32, #tpu.memory_space<hbm>> -> memref<32768x128xf32, #tpu.memory_space<hbm>>
    tpu.enqueue_indirect_dma source(%dma_start3A_802 : memref<32768x128xf32, #tpu.memory_space<hbm>>) target(%dma_start3A_796 : memref<128x128xf32, #tpu.memory_space<vmem>>) offsets(%dma_start3A_799 : memref<128xi32, #tpu.memory_space<vmem>>) semaphore(%arg21 : memref<!tpu.dma_semaphore, #tpu.memory_space<semaphore_mem>>)
    %dma_wait3A_803 = arith.constant 12 : i32
    %dma_wait3A_804 = arith.constant 0 : i32
    %dma_wait3A_805 = arith.constant 0 : i32
    %dma_wait3A_806 = tpu.memref_slice %arg19[%dma_wait3A_804, %dma_wait3A_805] : memref<256x128xf32, #tpu.memory_space<vmem>> -> memref<128x128xf32, #tpu.memory_space<vmem>>
    %dma_wait3A_807 = arith.constant 0 : i32
    %dma_wait3A_808 = tpu.memref_slice %arg18[%dma_wait3A_803, %dma_wait3A_807] : memref<32x128xi32, #tpu.memory_space<vmem>> -> memref<1x128xi32, #tpu.memory_space<vmem>>
    %dma_wait3A_809 = tpu.memref_squeeze %dma_wait3A_808 : memref<1x128xi32, #tpu.memory_space<vmem>> -> memref<128xi32, #tpu.memory_space<vmem>>
    %dma_wait3A_810 = arith.constant 0 : i32
    %dma_wait3A_811 = arith.constant 0 : i32
    %dma_wait3A_812 = tpu.memref_slice %arg4[%dma_wait3A_810, %dma_wait3A_811] : memref<32768x128xf32, #tpu.memory_space<hbm>> -> memref<32768x128xf32, #tpu.memory_space<hbm>>
    tpu.wait_indirect_dma semaphore(%arg21 : memref<!tpu.dma_semaphore, #tpu.memory_space<semaphore_mem>>) src(%dma_wait3A_812 : memref<32768x128xf32, #tpu.memory_space<hbm>>) dst(%dma_wait3A_806 : memref<128x128xf32, #tpu.memory_space<vmem>>)
    %dma_wait3A_813 = arith.constant 13 : i32
    %dma_wait3A_814 = arith.constant 128 : i32
    %dma_wait3A_815 = arith.constant 0 : i32
    %dma_wait3A_816 = tpu.memref_slice %arg19[%dma_wait3A_814, %dma_wait3A_815] : memref<256x128xf32, #tpu.memory_space<vmem>> -> memref<128x128xf32, #tpu.memory_space<vmem>>
    %dma_wait3A_817 = arith.constant 0 : i32
    %dma_wait3A_818 = tpu.memref_slice %arg18[%dma_wait3A_813, %dma_wait3A_817] : memref<32x128xi32, #tpu.memory_space<vmem>> -> memref<1x128xi32, #tpu.memory_space<vmem>>
    %dma_wait3A_819 = tpu.memref_squeeze %dma_wait3A_818 : memref<1x128xi32, #tpu.memory_space<vmem>> -> memref<128xi32, #tpu.memory_space<vmem>>
    %dma_wait3A_820 = arith.constant 0 : i32
    %dma_wait3A_821 = arith.constant 0 : i32
    %dma_wait3A_822 = tpu.memref_slice %arg4[%dma_wait3A_820, %dma_wait3A_821] : memref<32768x128xf32, #tpu.memory_space<hbm>> -> memref<32768x128xf32, #tpu.memory_space<hbm>>
    tpu.wait_indirect_dma semaphore(%arg21 : memref<!tpu.dma_semaphore, #tpu.memory_space<semaphore_mem>>) src(%dma_wait3A_822 : memref<32768x128xf32, #tpu.memory_space<hbm>>) dst(%dma_wait3A_816 : memref<128x128xf32, #tpu.memory_space<vmem>>)
    %add3A_823 = arith.constant 1536 : i32
    %add3A_824 = arith.addi %mul3A_486, %add3A_823 : i32
    %dma_start3A_825 = arith.constant 0 : i32
    %dma_start3A_826 = tpu.memref_slice %arg8[%add3A_824, %dma_start3A_825] : memref<131072x128xf32, #tpu.memory_space<hbm>> -> memref<256x128xf32, #tpu.memory_space<hbm>>
    %dma_start3A_827 = arith.constant 0 : i32
    %dma_start3A_828 = tpu.memref_slice %arg8[%add3A_824, %dma_start3A_827] : memref<131072x128xf32, #tpu.memory_space<hbm>> -> memref<256x128xf32, #tpu.memory_space<hbm>>
    tpu.enqueue_dma source(%arg19 : memref<256x128xf32, #tpu.memory_space<vmem>>) target(%dma_start3A_828 : memref<256x128xf32, #tpu.memory_space<hbm>>) target_semaphore(%arg22 : memref<!tpu.dma_semaphore, #tpu.memory_space<semaphore_mem>>)
    %dma_wait3A_829 = arith.constant 0 : i32
    %dma_wait3A_830 = tpu.memref_slice %arg8[%add3A_774, %dma_wait3A_829] : memref<131072x128xf32, #tpu.memory_space<hbm>> -> memref<256x128xf32, #tpu.memory_space<hbm>>
    %dma_wait3A_831 = arith.constant 0 : i32
    %dma_wait3A_832 = tpu.memref_slice %arg8[%add3A_774, %dma_wait3A_831] : memref<131072x128xf32, #tpu.memory_space<hbm>> -> memref<256x128xf32, #tpu.memory_space<hbm>>
    tpu.wait_dma2 semaphore(%arg23 : memref<!tpu.dma_semaphore, #tpu.memory_space<semaphore_mem>>) src(%arg20 : memref<256x128xf32, #tpu.memory_space<vmem>>) dst(%dma_wait3A_832 : memref<256x128xf32, #tpu.memory_space<hbm>>)
    %dma_start3A_833 = arith.constant 14 : i32
    %dma_start3A_834 = arith.constant 0 : i32
    %dma_start3A_835 = arith.constant 0 : i32
    %dma_start3A_836 = tpu.memref_slice %arg20[%dma_start3A_834, %dma_start3A_835] : memref<256x128xf32, #tpu.memory_space<vmem>> -> memref<128x128xf32, #tpu.memory_space<vmem>>
    %dma_start3A_837 = arith.constant 0 : i32
    %dma_start3A_838 = tpu.memref_slice %arg18[%dma_start3A_833, %dma_start3A_837] : memref<32x128xi32, #tpu.memory_space<vmem>> -> memref<1x128xi32, #tpu.memory_space<vmem>>
    %dma_start3A_839 = tpu.memref_squeeze %dma_start3A_838 : memref<1x128xi32, #tpu.memory_space<vmem>> -> memref<128xi32, #tpu.memory_space<vmem>>
    %dma_start3A_840 = arith.constant 0 : i32
    %dma_start3A_841 = arith.constant 0 : i32
    %dma_start3A_842 = tpu.memref_slice %arg4[%dma_start3A_840, %dma_start3A_841] : memref<32768x128xf32, #tpu.memory_space<hbm>> -> memref<32768x128xf32, #tpu.memory_space<hbm>>
    tpu.enqueue_indirect_dma source(%dma_start3A_842 : memref<32768x128xf32, #tpu.memory_space<hbm>>) target(%dma_start3A_836 : memref<128x128xf32, #tpu.memory_space<vmem>>) offsets(%dma_start3A_839 : memref<128xi32, #tpu.memory_space<vmem>>) semaphore(%arg21 : memref<!tpu.dma_semaphore, #tpu.memory_space<semaphore_mem>>)
    %dma_start3A_843 = arith.constant 15 : i32
    %dma_start3A_844 = arith.constant 128 : i32
    %dma_start3A_845 = arith.constant 0 : i32
    %dma_start3A_846 = tpu.memref_slice %arg20[%dma_start3A_844, %dma_start3A_845] : memref<256x128xf32, #tpu.memory_space<vmem>> -> memref<128x128xf32, #tpu.memory_space<vmem>>
    %dma_start3A_847 = arith.constant 0 : i32
    %dma_start3A_848 = tpu.memref_slice %arg18[%dma_start3A_843, %dma_start3A_847] : memref<32x128xi32, #tpu.memory_space<vmem>> -> memref<1x128xi32, #tpu.memory_space<vmem>>
    %dma_start3A_849 = tpu.memref_squeeze %dma_start3A_848 : memref<1x128xi32, #tpu.memory_space<vmem>> -> memref<128xi32, #tpu.memory_space<vmem>>
    %dma_start3A_850 = arith.constant 0 : i32
    %dma_start3A_851 = arith.constant 0 : i32
    %dma_start3A_852 = tpu.memref_slice %arg4[%dma_start3A_850, %dma_start3A_851] : memref<32768x128xf32, #tpu.memory_space<hbm>> -> memref<32768x128xf32, #tpu.memory_space<hbm>>
    tpu.enqueue_indirect_dma source(%dma_start3A_852 : memref<32768x128xf32, #tpu.memory_space<hbm>>) target(%dma_start3A_846 : memref<128x128xf32, #tpu.memory_space<vmem>>) offsets(%dma_start3A_849 : memref<128xi32, #tpu.memory_space<vmem>>) semaphore(%arg21 : memref<!tpu.dma_semaphore, #tpu.memory_space<semaphore_mem>>)
    %dma_wait3A_853 = arith.constant 14 : i32
    %dma_wait3A_854 = arith.constant 0 : i32
    %dma_wait3A_855 = arith.constant 0 : i32
    %dma_wait3A_856 = tpu.memref_slice %arg20[%dma_wait3A_854, %dma_wait3A_855] : memref<256x128xf32, #tpu.memory_space<vmem>> -> memref<128x128xf32, #tpu.memory_space<vmem>>
    %dma_wait3A_857 = arith.constant 0 : i32
    %dma_wait3A_858 = tpu.memref_slice %arg18[%dma_wait3A_853, %dma_wait3A_857] : memref<32x128xi32, #tpu.memory_space<vmem>> -> memref<1x128xi32, #tpu.memory_space<vmem>>
    %dma_wait3A_859 = tpu.memref_squeeze %dma_wait3A_858 : memref<1x128xi32, #tpu.memory_space<vmem>> -> memref<128xi32, #tpu.memory_space<vmem>>
    %dma_wait3A_860 = arith.constant 0 : i32
    %dma_wait3A_861 = arith.constant 0 : i32
    %dma_wait3A_862 = tpu.memref_slice %arg4[%dma_wait3A_860, %dma_wait3A_861] : memref<32768x128xf32, #tpu.memory_space<hbm>> -> memref<32768x128xf32, #tpu.memory_space<hbm>>
    tpu.wait_indirect_dma semaphore(%arg21 : memref<!tpu.dma_semaphore, #tpu.memory_space<semaphore_mem>>) src(%dma_wait3A_862 : memref<32768x128xf32, #tpu.memory_space<hbm>>) dst(%dma_wait3A_856 : memref<128x128xf32, #tpu.memory_space<vmem>>)
    %dma_wait3A_863 = arith.constant 15 : i32
    %dma_wait3A_864 = arith.constant 128 : i32
    %dma_wait3A_865 = arith.constant 0 : i32
    %dma_wait3A_866 = tpu.memref_slice %arg20[%dma_wait3A_864, %dma_wait3A_865] : memref<256x128xf32, #tpu.memory_space<vmem>> -> memref<128x128xf32, #tpu.memory_space<vmem>>
    %dma_wait3A_867 = arith.constant 0 : i32
    %dma_wait3A_868 = tpu.memref_slice %arg18[%dma_wait3A_863, %dma_wait3A_867] : memref<32x128xi32, #tpu.memory_space<vmem>> -> memref<1x128xi32, #tpu.memory_space<vmem>>
    %dma_wait3A_869 = tpu.memref_squeeze %dma_wait3A_868 : memref<1x128xi32, #tpu.memory_space<vmem>> -> memref<128xi32, #tpu.memory_space<vmem>>
    %dma_wait3A_870 = arith.constant 0 : i32
    %dma_wait3A_871 = arith.constant 0 : i32
    %dma_wait3A_872 = tpu.memref_slice %arg4[%dma_wait3A_870, %dma_wait3A_871] : memref<32768x128xf32, #tpu.memory_space<hbm>> -> memref<32768x128xf32, #tpu.memory_space<hbm>>
    tpu.wait_indirect_dma semaphore(%arg21 : memref<!tpu.dma_semaphore, #tpu.memory_space<semaphore_mem>>) src(%dma_wait3A_872 : memref<32768x128xf32, #tpu.memory_space<hbm>>) dst(%dma_wait3A_866 : memref<128x128xf32, #tpu.memory_space<vmem>>)
    %add3A_873 = arith.constant 1792 : i32
    %add3A_874 = arith.addi %mul3A_486, %add3A_873 : i32
    %dma_start3A_875 = arith.constant 0 : i32
    %dma_start3A_876 = tpu.memref_slice %arg8[%add3A_874, %dma_start3A_875] : memref<131072x128xf32, #tpu.memory_space<hbm>> -> memref<256x128xf32, #tpu.memory_space<hbm>>
    %dma_start3A_877 = arith.constant 0 : i32
    %dma_start3A_878 = tpu.memref_slice %arg8[%add3A_874, %dma_start3A_877] : memref<131072x128xf32, #tpu.memory_space<hbm>> -> memref<256x128xf32, #tpu.memory_space<hbm>>
    tpu.enqueue_dma source(%arg20 : memref<256x128xf32, #tpu.memory_space<vmem>>) target(%dma_start3A_878 : memref<256x128xf32, #tpu.memory_space<hbm>>) target_semaphore(%arg23 : memref<!tpu.dma_semaphore, #tpu.memory_space<semaphore_mem>>)
    %dma_wait3A_879 = arith.constant 0 : i32
    %dma_wait3A_880 = tpu.memref_slice %arg8[%add3A_824, %dma_wait3A_879] : memref<131072x128xf32, #tpu.memory_space<hbm>> -> memref<256x128xf32, #tpu.memory_space<hbm>>
    %dma_wait3A_881 = arith.constant 0 : i32
    %dma_wait3A_882 = tpu.memref_slice %arg8[%add3A_824, %dma_wait3A_881] : memref<131072x128xf32, #tpu.memory_space<hbm>> -> memref<256x128xf32, #tpu.memory_space<hbm>>
    tpu.wait_dma2 semaphore(%arg22 : memref<!tpu.dma_semaphore, #tpu.memory_space<semaphore_mem>>) src(%arg19 : memref<256x128xf32, #tpu.memory_space<vmem>>) dst(%dma_wait3A_882 : memref<256x128xf32, #tpu.memory_space<hbm>>)
    %dma_start3A_883 = arith.constant 16 : i32
    %dma_start3A_884 = arith.constant 0 : i32
    %dma_start3A_885 = arith.constant 0 : i32
    %dma_start3A_886 = tpu.memref_slice %arg19[%dma_start3A_884, %dma_start3A_885] : memref<256x128xf32, #tpu.memory_space<vmem>> -> memref<128x128xf32, #tpu.memory_space<vmem>>
    %dma_start3A_887 = arith.constant 0 : i32
    %dma_start3A_888 = tpu.memref_slice %arg18[%dma_start3A_883, %dma_start3A_887] : memref<32x128xi32, #tpu.memory_space<vmem>> -> memref<1x128xi32, #tpu.memory_space<vmem>>
    %dma_start3A_889 = tpu.memref_squeeze %dma_start3A_888 : memref<1x128xi32, #tpu.memory_space<vmem>> -> memref<128xi32, #tpu.memory_space<vmem>>
    %dma_start3A_890 = arith.constant 0 : i32
    %dma_start3A_891 = arith.constant 0 : i32
    %dma_start3A_892 = tpu.memref_slice %arg4[%dma_start3A_890, %dma_start3A_891] : memref<32768x128xf32, #tpu.memory_space<hbm>> -> memref<32768x128xf32, #tpu.memory_space<hbm>>
    tpu.enqueue_indirect_dma source(%dma_start3A_892 : memref<32768x128xf32, #tpu.memory_space<hbm>>) target(%dma_start3A_886 : memref<128x128xf32, #tpu.memory_space<vmem>>) offsets(%dma_start3A_889 : memref<128xi32, #tpu.memory_space<vmem>>) semaphore(%arg21 : memref<!tpu.dma_semaphore, #tpu.memory_space<semaphore_mem>>)
    %dma_start3A_893 = arith.constant 17 : i32
    %dma_start3A_894 = arith.constant 128 : i32
    %dma_start3A_895 = arith.constant 0 : i32
    %dma_start3A_896 = tpu.memref_slice %arg19[%dma_start3A_894, %dma_start3A_895] : memref<256x128xf32, #tpu.memory_space<vmem>> -> memref<128x128xf32, #tpu.memory_space<vmem>>
    %dma_start3A_897 = arith.constant 0 : i32
    %dma_start3A_898 = tpu.memref_slice %arg18[%dma_start3A_893, %dma_start3A_897] : memref<32x128xi32, #tpu.memory_space<vmem>> -> memref<1x128xi32, #tpu.memory_space<vmem>>
    %dma_start3A_899 = tpu.memref_squeeze %dma_start3A_898 : memref<1x128xi32, #tpu.memory_space<vmem>> -> memref<128xi32, #tpu.memory_space<vmem>>
    %dma_start3A_900 = arith.constant 0 : i32
    %dma_start3A_901 = arith.constant 0 : i32
    %dma_start3A_902 = tpu.memref_slice %arg4[%dma_start3A_900, %dma_start3A_901] : memref<32768x128xf32, #tpu.memory_space<hbm>> -> memref<32768x128xf32, #tpu.memory_space<hbm>>
    tpu.enqueue_indirect_dma source(%dma_start3A_902 : memref<32768x128xf32, #tpu.memory_space<hbm>>) target(%dma_start3A_896 : memref<128x128xf32, #tpu.memory_space<vmem>>) offsets(%dma_start3A_899 : memref<128xi32, #tpu.memory_space<vmem>>) semaphore(%arg21 : memref<!tpu.dma_semaphore, #tpu.memory_space<semaphore_mem>>)
    %dma_wait3A_903 = arith.constant 16 : i32
    %dma_wait3A_904 = arith.constant 0 : i32
    %dma_wait3A_905 = arith.constant 0 : i32
    %dma_wait3A_906 = tpu.memref_slice %arg19[%dma_wait3A_904, %dma_wait3A_905] : memref<256x128xf32, #tpu.memory_space<vmem>> -> memref<128x128xf32, #tpu.memory_space<vmem>>
    %dma_wait3A_907 = arith.constant 0 : i32
    %dma_wait3A_908 = tpu.memref_slice %arg18[%dma_wait3A_903, %dma_wait3A_907] : memref<32x128xi32, #tpu.memory_space<vmem>> -> memref<1x128xi32, #tpu.memory_space<vmem>>
    %dma_wait3A_909 = tpu.memref_squeeze %dma_wait3A_908 : memref<1x128xi32, #tpu.memory_space<vmem>> -> memref<128xi32, #tpu.memory_space<vmem>>
    %dma_wait3A_910 = arith.constant 0 : i32
    %dma_wait3A_911 = arith.constant 0 : i32
    %dma_wait3A_912 = tpu.memref_slice %arg4[%dma_wait3A_910, %dma_wait3A_911] : memref<32768x128xf32, #tpu.memory_space<hbm>> -> memref<32768x128xf32, #tpu.memory_space<hbm>>
    tpu.wait_indirect_dma semaphore(%arg21 : memref<!tpu.dma_semaphore, #tpu.memory_space<semaphore_mem>>) src(%dma_wait3A_912 : memref<32768x128xf32, #tpu.memory_space<hbm>>) dst(%dma_wait3A_906 : memref<128x128xf32, #tpu.memory_space<vmem>>)
    %dma_wait3A_913 = arith.constant 17 : i32
    %dma_wait3A_914 = arith.constant 128 : i32
    %dma_wait3A_915 = arith.constant 0 : i32
    %dma_wait3A_916 = tpu.memref_slice %arg19[%dma_wait3A_914, %dma_wait3A_915] : memref<256x128xf32, #tpu.memory_space<vmem>> -> memref<128x128xf32, #tpu.memory_space<vmem>>
    %dma_wait3A_917 = arith.constant 0 : i32
    %dma_wait3A_918 = tpu.memref_slice %arg18[%dma_wait3A_913, %dma_wait3A_917] : memref<32x128xi32, #tpu.memory_space<vmem>> -> memref<1x128xi32, #tpu.memory_space<vmem>>
    %dma_wait3A_919 = tpu.memref_squeeze %dma_wait3A_918 : memref<1x128xi32, #tpu.memory_space<vmem>> -> memref<128xi32, #tpu.memory_space<vmem>>
    %dma_wait3A_920 = arith.constant 0 : i32
    %dma_wait3A_921 = arith.constant 0 : i32
    %dma_wait3A_922 = tpu.memref_slice %arg4[%dma_wait3A_920, %dma_wait3A_921] : memref<32768x128xf32, #tpu.memory_space<hbm>> -> memref<32768x128xf32, #tpu.memory_space<hbm>>
    tpu.wait_indirect_dma semaphore(%arg21 : memref<!tpu.dma_semaphore, #tpu.memory_space<semaphore_mem>>) src(%dma_wait3A_922 : memref<32768x128xf32, #tpu.memory_space<hbm>>) dst(%dma_wait3A_916 : memref<128x128xf32, #tpu.memory_space<vmem>>)
    %add3A_923 = arith.constant 2048 : i32
    %add3A_924 = arith.addi %mul3A_486, %add3A_923 : i32
    %dma_start3A_925 = arith.constant 0 : i32
    %dma_start3A_926 = tpu.memref_slice %arg8[%add3A_924, %dma_start3A_925] : memref<131072x128xf32, #tpu.memory_space<hbm>> -> memref<256x128xf32, #tpu.memory_space<hbm>>
    %dma_start3A_927 = arith.constant 0 : i32
    %dma_start3A_928 = tpu.memref_slice %arg8[%add3A_924, %dma_start3A_927] : memref<131072x128xf32, #tpu.memory_space<hbm>> -> memref<256x128xf32, #tpu.memory_space<hbm>>
    tpu.enqueue_dma source(%arg19 : memref<256x128xf32, #tpu.memory_space<vmem>>) target(%dma_start3A_928 : memref<256x128xf32, #tpu.memory_space<hbm>>) target_semaphore(%arg22 : memref<!tpu.dma_semaphore, #tpu.memory_space<semaphore_mem>>)
    %dma_wait3A_929 = arith.constant 0 : i32
    %dma_wait3A_930 = tpu.memref_slice %arg8[%add3A_874, %dma_wait3A_929] : memref<131072x128xf32, #tpu.memory_space<hbm>> -> memref<256x128xf32, #tpu.memory_space<hbm>>
    %dma_wait3A_931 = arith.constant 0 : i32
    %dma_wait3A_932 = tpu.memref_slice %arg8[%add3A_874, %dma_wait3A_931] : memref<131072x128xf32, #tpu.memory_space<hbm>> -> memref<256x128xf32, #tpu.memory_space<hbm>>
    tpu.wait_dma2 semaphore(%arg23 : memref<!tpu.dma_semaphore, #tpu.memory_space<semaphore_mem>>) src(%arg20 : memref<256x128xf32, #tpu.memory_space<vmem>>) dst(%dma_wait3A_932 : memref<256x128xf32, #tpu.memory_space<hbm>>)
    %dma_start3A_933 = arith.constant 18 : i32
    %dma_start3A_934 = arith.constant 0 : i32
    %dma_start3A_935 = arith.constant 0 : i32
    %dma_start3A_936 = tpu.memref_slice %arg20[%dma_start3A_934, %dma_start3A_935] : memref<256x128xf32, #tpu.memory_space<vmem>> -> memref<128x128xf32, #tpu.memory_space<vmem>>
    %dma_start3A_937 = arith.constant 0 : i32
    %dma_start3A_938 = tpu.memref_slice %arg18[%dma_start3A_933, %dma_start3A_937] : memref<32x128xi32, #tpu.memory_space<vmem>> -> memref<1x128xi32, #tpu.memory_space<vmem>>
    %dma_start3A_939 = tpu.memref_squeeze %dma_start3A_938 : memref<1x128xi32, #tpu.memory_space<vmem>> -> memref<128xi32, #tpu.memory_space<vmem>>
    %dma_start3A_940 = arith.constant 0 : i32
    %dma_start3A_941 = arith.constant 0 : i32
    %dma_start3A_942 = tpu.memref_slice %arg4[%dma_start3A_940, %dma_start3A_941] : memref<32768x128xf32, #tpu.memory_space<hbm>> -> memref<32768x128xf32, #tpu.memory_space<hbm>>
    tpu.enqueue_indirect_dma source(%dma_start3A_942 : memref<32768x128xf32, #tpu.memory_space<hbm>>) target(%dma_start3A_936 : memref<128x128xf32, #tpu.memory_space<vmem>>) offsets(%dma_start3A_939 : memref<128xi32, #tpu.memory_space<vmem>>) semaphore(%arg21 : memref<!tpu.dma_semaphore, #tpu.memory_space<semaphore_mem>>)
    %dma_start3A_943 = arith.constant 19 : i32
    %dma_start3A_944 = arith.constant 128 : i32
    %dma_start3A_945 = arith.constant 0 : i32
    %dma_start3A_946 = tpu.memref_slice %arg20[%dma_start3A_944, %dma_start3A_945] : memref<256x128xf32, #tpu.memory_space<vmem>> -> memref<128x128xf32, #tpu.memory_space<vmem>>
    %dma_start3A_947 = arith.constant 0 : i32
    %dma_start3A_948 = tpu.memref_slice %arg18[%dma_start3A_943, %dma_start3A_947] : memref<32x128xi32, #tpu.memory_space<vmem>> -> memref<1x128xi32, #tpu.memory_space<vmem>>
    %dma_start3A_949 = tpu.memref_squeeze %dma_start3A_948 : memref<1x128xi32, #tpu.memory_space<vmem>> -> memref<128xi32, #tpu.memory_space<vmem>>
    %dma_start3A_950 = arith.constant 0 : i32
    %dma_start3A_951 = arith.constant 0 : i32
    %dma_start3A_952 = tpu.memref_slice %arg4[%dma_start3A_950, %dma_start3A_951] : memref<32768x128xf32, #tpu.memory_space<hbm>> -> memref<32768x128xf32, #tpu.memory_space<hbm>>
    tpu.enqueue_indirect_dma source(%dma_start3A_952 : memref<32768x128xf32, #tpu.memory_space<hbm>>) target(%dma_start3A_946 : memref<128x128xf32, #tpu.memory_space<vmem>>) offsets(%dma_start3A_949 : memref<128xi32, #tpu.memory_space<vmem>>) semaphore(%arg21 : memref<!tpu.dma_semaphore, #tpu.memory_space<semaphore_mem>>)
    %dma_wait3A_953 = arith.constant 18 : i32
    %dma_wait3A_954 = arith.constant 0 : i32
    %dma_wait3A_955 = arith.constant 0 : i32
    %dma_wait3A_956 = tpu.memref_slice %arg20[%dma_wait3A_954, %dma_wait3A_955] : memref<256x128xf32, #tpu.memory_space<vmem>> -> memref<128x128xf32, #tpu.memory_space<vmem>>
    %dma_wait3A_957 = arith.constant 0 : i32
    %dma_wait3A_958 = tpu.memref_slice %arg18[%dma_wait3A_953, %dma_wait3A_957] : memref<32x128xi32, #tpu.memory_space<vmem>> -> memref<1x128xi32, #tpu.memory_space<vmem>>
    %dma_wait3A_959 = tpu.memref_squeeze %dma_wait3A_958 : memref<1x128xi32, #tpu.memory_space<vmem>> -> memref<128xi32, #tpu.memory_space<vmem>>
    %dma_wait3A_960 = arith.constant 0 : i32
    %dma_wait3A_961 = arith.constant 0 : i32
    %dma_wait3A_962 = tpu.memref_slice %arg4[%dma_wait3A_960, %dma_wait3A_961] : memref<32768x128xf32, #tpu.memory_space<hbm>> -> memref<32768x128xf32, #tpu.memory_space<hbm>>
    tpu.wait_indirect_dma semaphore(%arg21 : memref<!tpu.dma_semaphore, #tpu.memory_space<semaphore_mem>>) src(%dma_wait3A_962 : memref<32768x128xf32, #tpu.memory_space<hbm>>) dst(%dma_wait3A_956 : memref<128x128xf32, #tpu.memory_space<vmem>>)
    %dma_wait3A_963 = arith.constant 19 : i32
    %dma_wait3A_964 = arith.constant 128 : i32
    %dma_wait3A_965 = arith.constant 0 : i32
    %dma_wait3A_966 = tpu.memref_slice %arg20[%dma_wait3A_964, %dma_wait3A_965] : memref<256x128xf32, #tpu.memory_space<vmem>> -> memref<128x128xf32, #tpu.memory_space<vmem>>
    %dma_wait3A_967 = arith.constant 0 : i32
    %dma_wait3A_968 = tpu.memref_slice %arg18[%dma_wait3A_963, %dma_wait3A_967] : memref<32x128xi32, #tpu.memory_space<vmem>> -> memref<1x128xi32, #tpu.memory_space<vmem>>
    %dma_wait3A_969 = tpu.memref_squeeze %dma_wait3A_968 : memref<1x128xi32, #tpu.memory_space<vmem>> -> memref<128xi32, #tpu.memory_space<vmem>>
    %dma_wait3A_970 = arith.constant 0 : i32
    %dma_wait3A_971 = arith.constant 0 : i32
    %dma_wait3A_972 = tpu.memref_slice %arg4[%dma_wait3A_970, %dma_wait3A_971] : memref<32768x128xf32, #tpu.memory_space<hbm>> -> memref<32768x128xf32, #tpu.memory_space<hbm>>
    tpu.wait_indirect_dma semaphore(%arg21 : memref<!tpu.dma_semaphore, #tpu.memory_space<semaphore_mem>>) src(%dma_wait3A_972 : memref<32768x128xf32, #tpu.memory_space<hbm>>) dst(%dma_wait3A_966 : memref<128x128xf32, #tpu.memory_space<vmem>>)
    %add3A_973 = arith.constant 2304 : i32
    %add3A_974 = arith.addi %mul3A_486, %add3A_973 : i32
    %dma_start3A_975 = arith.constant 0 : i32
    %dma_start3A_976 = tpu.memref_slice %arg8[%add3A_974, %dma_start3A_975] : memref<131072x128xf32, #tpu.memory_space<hbm>> -> memref<256x128xf32, #tpu.memory_space<hbm>>
    %dma_start3A_977 = arith.constant 0 : i32
    %dma_start3A_978 = tpu.memref_slice %arg8[%add3A_974, %dma_start3A_977] : memref<131072x128xf32, #tpu.memory_space<hbm>> -> memref<256x128xf32, #tpu.memory_space<hbm>>
    tpu.enqueue_dma source(%arg20 : memref<256x128xf32, #tpu.memory_space<vmem>>) target(%dma_start3A_978 : memref<256x128xf32, #tpu.memory_space<hbm>>) target_semaphore(%arg23 : memref<!tpu.dma_semaphore, #tpu.memory_space<semaphore_mem>>)
    %dma_wait3A_979 = arith.constant 0 : i32
    %dma_wait3A_980 = tpu.memref_slice %arg8[%add3A_924, %dma_wait3A_979] : memref<131072x128xf32, #tpu.memory_space<hbm>> -> memref<256x128xf32, #tpu.memory_space<hbm>>
    %dma_wait3A_981 = arith.constant 0 : i32
    %dma_wait3A_982 = tpu.memref_slice %arg8[%add3A_924, %dma_wait3A_981] : memref<131072x128xf32, #tpu.memory_space<hbm>> -> memref<256x128xf32, #tpu.memory_space<hbm>>
    tpu.wait_dma2 semaphore(%arg22 : memref<!tpu.dma_semaphore, #tpu.memory_space<semaphore_mem>>) src(%arg19 : memref<256x128xf32, #tpu.memory_space<vmem>>) dst(%dma_wait3A_982 : memref<256x128xf32, #tpu.memory_space<hbm>>)
    %dma_start3A_983 = arith.constant 20 : i32
    %dma_start3A_984 = arith.constant 0 : i32
    %dma_start3A_985 = arith.constant 0 : i32
    %dma_start3A_986 = tpu.memref_slice %arg19[%dma_start3A_984, %dma_start3A_985] : memref<256x128xf32, #tpu.memory_space<vmem>> -> memref<128x128xf32, #tpu.memory_space<vmem>>
    %dma_start3A_987 = arith.constant 0 : i32
    %dma_start3A_988 = tpu.memref_slice %arg18[%dma_start3A_983, %dma_start3A_987] : memref<32x128xi32, #tpu.memory_space<vmem>> -> memref<1x128xi32, #tpu.memory_space<vmem>>
    %dma_start3A_989 = tpu.memref_squeeze %dma_start3A_988 : memref<1x128xi32, #tpu.memory_space<vmem>> -> memref<128xi32, #tpu.memory_space<vmem>>
    %dma_start3A_990 = arith.constant 0 : i32
    %dma_start3A_991 = arith.constant 0 : i32
    %dma_start3A_992 = tpu.memref_slice %arg4[%dma_start3A_990, %dma_start3A_991] : memref<32768x128xf32, #tpu.memory_space<hbm>> -> memref<32768x128xf32, #tpu.memory_space<hbm>>
    tpu.enqueue_indirect_dma source(%dma_start3A_992 : memref<32768x128xf32, #tpu.memory_space<hbm>>) target(%dma_start3A_986 : memref<128x128xf32, #tpu.memory_space<vmem>>) offsets(%dma_start3A_989 : memref<128xi32, #tpu.memory_space<vmem>>) semaphore(%arg21 : memref<!tpu.dma_semaphore, #tpu.memory_space<semaphore_mem>>)
    %dma_start3A_993 = arith.constant 21 : i32
    %dma_start3A_994 = arith.constant 128 : i32
    %dma_start3A_995 = arith.constant 0 : i32
    %dma_start3A_996 = tpu.memref_slice %arg19[%dma_start3A_994, %dma_start3A_995] : memref<256x128xf32, #tpu.memory_space<vmem>> -> memref<128x128xf32, #tpu.memory_space<vmem>>
    %dma_start3A_997 = arith.constant 0 : i32
    %dma_start3A_998 = tpu.memref_slice %arg18[%dma_start3A_993, %dma_start3A_997] : memref<32x128xi32, #tpu.memory_space<vmem>> -> memref<1x128xi32, #tpu.memory_space<vmem>>
    %dma_start3A_999 = tpu.memref_squeeze %dma_start3A_998 : memref<1x128xi32, #tpu.memory_space<vmem>> -> memref<128xi32, #tpu.memory_space<vmem>>
    %dma_start3A_1000 = arith.constant 0 : i32
    %dma_start3A_1001 = arith.constant 0 : i32
    %dma_start3A_1002 = tpu.memref_slice %arg4[%dma_start3A_1000, %dma_start3A_1001] : memref<32768x128xf32, #tpu.memory_space<hbm>> -> memref<32768x128xf32, #tpu.memory_space<hbm>>
    tpu.enqueue_indirect_dma source(%dma_start3A_1002 : memref<32768x128xf32, #tpu.memory_space<hbm>>) target(%dma_start3A_996 : memref<128x128xf32, #tpu.memory_space<vmem>>) offsets(%dma_start3A_999 : memref<128xi32, #tpu.memory_space<vmem>>) semaphore(%arg21 : memref<!tpu.dma_semaphore, #tpu.memory_space<semaphore_mem>>)
    %dma_wait3A_1003 = arith.constant 20 : i32
    %dma_wait3A_1004 = arith.constant 0 : i32
    %dma_wait3A_1005 = arith.constant 0 : i32
    %dma_wait3A_1006 = tpu.memref_slice %arg19[%dma_wait3A_1004, %dma_wait3A_1005] : memref<256x128xf32, #tpu.memory_space<vmem>> -> memref<128x128xf32, #tpu.memory_space<vmem>>
    %dma_wait3A_1007 = arith.constant 0 : i32
    %dma_wait3A_1008 = tpu.memref_slice %arg18[%dma_wait3A_1003, %dma_wait3A_1007] : memref<32x128xi32, #tpu.memory_space<vmem>> -> memref<1x128xi32, #tpu.memory_space<vmem>>
    %dma_wait3A_1009 = tpu.memref_squeeze %dma_wait3A_1008 : memref<1x128xi32, #tpu.memory_space<vmem>> -> memref<128xi32, #tpu.memory_space<vmem>>
    %dma_wait3A_1010 = arith.constant 0 : i32
    %dma_wait3A_1011 = arith.constant 0 : i32
    %dma_wait3A_1012 = tpu.memref_slice %arg4[%dma_wait3A_1010, %dma_wait3A_1011] : memref<32768x128xf32, #tpu.memory_space<hbm>> -> memref<32768x128xf32, #tpu.memory_space<hbm>>
    tpu.wait_indirect_dma semaphore(%arg21 : memref<!tpu.dma_semaphore, #tpu.memory_space<semaphore_mem>>) src(%dma_wait3A_1012 : memref<32768x128xf32, #tpu.memory_space<hbm>>) dst(%dma_wait3A_1006 : memref<128x128xf32, #tpu.memory_space<vmem>>)
    %dma_wait3A_1013 = arith.constant 21 : i32
    %dma_wait3A_1014 = arith.constant 128 : i32
    %dma_wait3A_1015 = arith.constant 0 : i32
    %dma_wait3A_1016 = tpu.memref_slice %arg19[%dma_wait3A_1014, %dma_wait3A_1015] : memref<256x128xf32, #tpu.memory_space<vmem>> -> memref<128x128xf32, #tpu.memory_space<vmem>>
    %dma_wait3A_1017 = arith.constant 0 : i32
    %dma_wait3A_1018 = tpu.memref_slice %arg18[%dma_wait3A_1013, %dma_wait3A_1017] : memref<32x128xi32, #tpu.memory_space<vmem>> -> memref<1x128xi32, #tpu.memory_space<vmem>>
    %dma_wait3A_1019 = tpu.memref_squeeze %dma_wait3A_1018 : memref<1x128xi32, #tpu.memory_space<vmem>> -> memref<128xi32, #tpu.memory_space<vmem>>
    %dma_wait3A_1020 = arith.constant 0 : i32
    %dma_wait3A_1021 = arith.constant 0 : i32
    %dma_wait3A_1022 = tpu.memref_slice %arg4[%dma_wait3A_1020, %dma_wait3A_1021] : memref<32768x128xf32, #tpu.memory_space<hbm>> -> memref<32768x128xf32, #tpu.memory_space<hbm>>
    tpu.wait_indirect_dma semaphore(%arg21 : memref<!tpu.dma_semaphore, #tpu.memory_space<semaphore_mem>>) src(%dma_wait3A_1022 : memref<32768x128xf32, #tpu.memory_space<hbm>>) dst(%dma_wait3A_1016 : memref<128x128xf32, #tpu.memory_space<vmem>>)
    %add3A_1023 = arith.constant 2560 : i32
    %add3A_1024 = arith.addi %mul3A_486, %add3A_1023 : i32
    %dma_start3A_1025 = arith.constant 0 : i32
    %dma_start3A_1026 = tpu.memref_slice %arg8[%add3A_1024, %dma_start3A_1025] : memref<131072x128xf32, #tpu.memory_space<hbm>> -> memref<256x128xf32, #tpu.memory_space<hbm>>
    %dma_start3A_1027 = arith.constant 0 : i32
    %dma_start3A_1028 = tpu.memref_slice %arg8[%add3A_1024, %dma_start3A_1027] : memref<131072x128xf32, #tpu.memory_space<hbm>> -> memref<256x128xf32, #tpu.memory_space<hbm>>
    tpu.enqueue_dma source(%arg19 : memref<256x128xf32, #tpu.memory_space<vmem>>) target(%dma_start3A_1028 : memref<256x128xf32, #tpu.memory_space<hbm>>) target_semaphore(%arg22 : memref<!tpu.dma_semaphore, #tpu.memory_space<semaphore_mem>>)
    %dma_wait3A_1029 = arith.constant 0 : i32
    %dma_wait3A_1030 = tpu.memref_slice %arg8[%add3A_974, %dma_wait3A_1029] : memref<131072x128xf32, #tpu.memory_space<hbm>> -> memref<256x128xf32, #tpu.memory_space<hbm>>
    %dma_wait3A_1031 = arith.constant 0 : i32
    %dma_wait3A_1032 = tpu.memref_slice %arg8[%add3A_974, %dma_wait3A_1031] : memref<131072x128xf32, #tpu.memory_space<hbm>> -> memref<256x128xf32, #tpu.memory_space<hbm>>
    tpu.wait_dma2 semaphore(%arg23 : memref<!tpu.dma_semaphore, #tpu.memory_space<semaphore_mem>>) src(%arg20 : memref<256x128xf32, #tpu.memory_space<vmem>>) dst(%dma_wait3A_1032 : memref<256x128xf32, #tpu.memory_space<hbm>>)
    %dma_start3A_1033 = arith.constant 22 : i32
    %dma_start3A_1034 = arith.constant 0 : i32
    %dma_start3A_1035 = arith.constant 0 : i32
    %dma_start3A_1036 = tpu.memref_slice %arg20[%dma_start3A_1034, %dma_start3A_1035] : memref<256x128xf32, #tpu.memory_space<vmem>> -> memref<128x128xf32, #tpu.memory_space<vmem>>
    %dma_start3A_1037 = arith.constant 0 : i32
    %dma_start3A_1038 = tpu.memref_slice %arg18[%dma_start3A_1033, %dma_start3A_1037] : memref<32x128xi32, #tpu.memory_space<vmem>> -> memref<1x128xi32, #tpu.memory_space<vmem>>
    %dma_start3A_1039 = tpu.memref_squeeze %dma_start3A_1038 : memref<1x128xi32, #tpu.memory_space<vmem>> -> memref<128xi32, #tpu.memory_space<vmem>>
    %dma_start3A_1040 = arith.constant 0 : i32
    %dma_start3A_1041 = arith.constant 0 : i32
    %dma_start3A_1042 = tpu.memref_slice %arg4[%dma_start3A_1040, %dma_start3A_1041] : memref<32768x128xf32, #tpu.memory_space<hbm>> -> memref<32768x128xf32, #tpu.memory_space<hbm>>
    tpu.enqueue_indirect_dma source(%dma_start3A_1042 : memref<32768x128xf32, #tpu.memory_space<hbm>>) target(%dma_start3A_1036 : memref<128x128xf32, #tpu.memory_space<vmem>>) offsets(%dma_start3A_1039 : memref<128xi32, #tpu.memory_space<vmem>>) semaphore(%arg21 : memref<!tpu.dma_semaphore, #tpu.memory_space<semaphore_mem>>)
    %dma_start3A_1043 = arith.constant 23 : i32
    %dma_start3A_1044 = arith.constant 128 : i32
    %dma_start3A_1045 = arith.constant 0 : i32
    %dma_start3A_1046 = tpu.memref_slice %arg20[%dma_start3A_1044, %dma_start3A_1045] : memref<256x128xf32, #tpu.memory_space<vmem>> -> memref<128x128xf32, #tpu.memory_space<vmem>>
    %dma_start3A_1047 = arith.constant 0 : i32
    %dma_start3A_1048 = tpu.memref_slice %arg18[%dma_start3A_1043, %dma_start3A_1047] : memref<32x128xi32, #tpu.memory_space<vmem>> -> memref<1x128xi32, #tpu.memory_space<vmem>>
    %dma_start3A_1049 = tpu.memref_squeeze %dma_start3A_1048 : memref<1x128xi32, #tpu.memory_space<vmem>> -> memref<128xi32, #tpu.memory_space<vmem>>
    %dma_start3A_1050 = arith.constant 0 : i32
    %dma_start3A_1051 = arith.constant 0 : i32
    %dma_start3A_1052 = tpu.memref_slice %arg4[%dma_start3A_1050, %dma_start3A_1051] : memref<32768x128xf32, #tpu.memory_space<hbm>> -> memref<32768x128xf32, #tpu.memory_space<hbm>>
    tpu.enqueue_indirect_dma source(%dma_start3A_1052 : memref<32768x128xf32, #tpu.memory_space<hbm>>) target(%dma_start3A_1046 : memref<128x128xf32, #tpu.memory_space<vmem>>) offsets(%dma_start3A_1049 : memref<128xi32, #tpu.memory_space<vmem>>) semaphore(%arg21 : memref<!tpu.dma_semaphore, #tpu.memory_space<semaphore_mem>>)
    %dma_wait3A_1053 = arith.constant 22 : i32
    %dma_wait3A_1054 = arith.constant 0 : i32
    %dma_wait3A_1055 = arith.constant 0 : i32
    %dma_wait3A_1056 = tpu.memref_slice %arg20[%dma_wait3A_1054, %dma_wait3A_1055] : memref<256x128xf32, #tpu.memory_space<vmem>> -> memref<128x128xf32, #tpu.memory_space<vmem>>
    %dma_wait3A_1057 = arith.constant 0 : i32
    %dma_wait3A_1058 = tpu.memref_slice %arg18[%dma_wait3A_1053, %dma_wait3A_1057] : memref<32x128xi32, #tpu.memory_space<vmem>> -> memref<1x128xi32, #tpu.memory_space<vmem>>
    %dma_wait3A_1059 = tpu.memref_squeeze %dma_wait3A_1058 : memref<1x128xi32, #tpu.memory_space<vmem>> -> memref<128xi32, #tpu.memory_space<vmem>>
    %dma_wait3A_1060 = arith.constant 0 : i32
    %dma_wait3A_1061 = arith.constant 0 : i32
    %dma_wait3A_1062 = tpu.memref_slice %arg4[%dma_wait3A_1060, %dma_wait3A_1061] : memref<32768x128xf32, #tpu.memory_space<hbm>> -> memref<32768x128xf32, #tpu.memory_space<hbm>>
    tpu.wait_indirect_dma semaphore(%arg21 : memref<!tpu.dma_semaphore, #tpu.memory_space<semaphore_mem>>) src(%dma_wait3A_1062 : memref<32768x128xf32, #tpu.memory_space<hbm>>) dst(%dma_wait3A_1056 : memref<128x128xf32, #tpu.memory_space<vmem>>)
    %dma_wait3A_1063 = arith.constant 23 : i32
    %dma_wait3A_1064 = arith.constant 128 : i32
    %dma_wait3A_1065 = arith.constant 0 : i32
    %dma_wait3A_1066 = tpu.memref_slice %arg20[%dma_wait3A_1064, %dma_wait3A_1065] : memref<256x128xf32, #tpu.memory_space<vmem>> -> memref<128x128xf32, #tpu.memory_space<vmem>>
    %dma_wait3A_1067 = arith.constant 0 : i32
    %dma_wait3A_1068 = tpu.memref_slice %arg18[%dma_wait3A_1063, %dma_wait3A_1067] : memref<32x128xi32, #tpu.memory_space<vmem>> -> memref<1x128xi32, #tpu.memory_space<vmem>>
    %dma_wait3A_1069 = tpu.memref_squeeze %dma_wait3A_1068 : memref<1x128xi32, #tpu.memory_space<vmem>> -> memref<128xi32, #tpu.memory_space<vmem>>
    %dma_wait3A_1070 = arith.constant 0 : i32
    %dma_wait3A_1071 = arith.constant 0 : i32
    %dma_wait3A_1072 = tpu.memref_slice %arg4[%dma_wait3A_1070, %dma_wait3A_1071] : memref<32768x128xf32, #tpu.memory_space<hbm>> -> memref<32768x128xf32, #tpu.memory_space<hbm>>
    tpu.wait_indirect_dma semaphore(%arg21 : memref<!tpu.dma_semaphore, #tpu.memory_space<semaphore_mem>>) src(%dma_wait3A_1072 : memref<32768x128xf32, #tpu.memory_space<hbm>>) dst(%dma_wait3A_1066 : memref<128x128xf32, #tpu.memory_space<vmem>>)
    %add3A_1073 = arith.constant 2816 : i32
    %add3A_1074 = arith.addi %mul3A_486, %add3A_1073 : i32
    %dma_start3A_1075 = arith.constant 0 : i32
    %dma_start3A_1076 = tpu.memref_slice %arg8[%add3A_1074, %dma_start3A_1075] : memref<131072x128xf32, #tpu.memory_space<hbm>> -> memref<256x128xf32, #tpu.memory_space<hbm>>
    %dma_start3A_1077 = arith.constant 0 : i32
    %dma_start3A_1078 = tpu.memref_slice %arg8[%add3A_1074, %dma_start3A_1077] : memref<131072x128xf32, #tpu.memory_space<hbm>> -> memref<256x128xf32, #tpu.memory_space<hbm>>
    tpu.enqueue_dma source(%arg20 : memref<256x128xf32, #tpu.memory_space<vmem>>) target(%dma_start3A_1078 : memref<256x128xf32, #tpu.memory_space<hbm>>) target_semaphore(%arg23 : memref<!tpu.dma_semaphore, #tpu.memory_space<semaphore_mem>>)
    %dma_wait3A_1079 = arith.constant 0 : i32
    %dma_wait3A_1080 = tpu.memref_slice %arg8[%add3A_1024, %dma_wait3A_1079] : memref<131072x128xf32, #tpu.memory_space<hbm>> -> memref<256x128xf32, #tpu.memory_space<hbm>>
    %dma_wait3A_1081 = arith.constant 0 : i32
    %dma_wait3A_1082 = tpu.memref_slice %arg8[%add3A_1024, %dma_wait3A_1081] : memref<131072x128xf32, #tpu.memory_space<hbm>> -> memref<256x128xf32, #tpu.memory_space<hbm>>
    tpu.wait_dma2 semaphore(%arg22 : memref<!tpu.dma_semaphore, #tpu.memory_space<semaphore_mem>>) src(%arg19 : memref<256x128xf32, #tpu.memory_space<vmem>>) dst(%dma_wait3A_1082 : memref<256x128xf32, #tpu.memory_space<hbm>>)
    %dma_start3A_1083 = arith.constant 24 : i32
    %dma_start3A_1084 = arith.constant 0 : i32
    %dma_start3A_1085 = arith.constant 0 : i32
    %dma_start3A_1086 = tpu.memref_slice %arg19[%dma_start3A_1084, %dma_start3A_1085] : memref<256x128xf32, #tpu.memory_space<vmem>> -> memref<128x128xf32, #tpu.memory_space<vmem>>
    %dma_start3A_1087 = arith.constant 0 : i32
    %dma_start3A_1088 = tpu.memref_slice %arg18[%dma_start3A_1083, %dma_start3A_1087] : memref<32x128xi32, #tpu.memory_space<vmem>> -> memref<1x128xi32, #tpu.memory_space<vmem>>
    %dma_start3A_1089 = tpu.memref_squeeze %dma_start3A_1088 : memref<1x128xi32, #tpu.memory_space<vmem>> -> memref<128xi32, #tpu.memory_space<vmem>>
    %dma_start3A_1090 = arith.constant 0 : i32
    %dma_start3A_1091 = arith.constant 0 : i32
    %dma_start3A_1092 = tpu.memref_slice %arg4[%dma_start3A_1090, %dma_start3A_1091] : memref<32768x128xf32, #tpu.memory_space<hbm>> -> memref<32768x128xf32, #tpu.memory_space<hbm>>
    tpu.enqueue_indirect_dma source(%dma_start3A_1092 : memref<32768x128xf32, #tpu.memory_space<hbm>>) target(%dma_start3A_1086 : memref<128x128xf32, #tpu.memory_space<vmem>>) offsets(%dma_start3A_1089 : memref<128xi32, #tpu.memory_space<vmem>>) semaphore(%arg21 : memref<!tpu.dma_semaphore, #tpu.memory_space<semaphore_mem>>)
    %dma_start3A_1093 = arith.constant 25 : i32
    %dma_start3A_1094 = arith.constant 128 : i32
    %dma_start3A_1095 = arith.constant 0 : i32
    %dma_start3A_1096 = tpu.memref_slice %arg19[%dma_start3A_1094, %dma_start3A_1095] : memref<256x128xf32, #tpu.memory_space<vmem>> -> memref<128x128xf32, #tpu.memory_space<vmem>>
    %dma_start3A_1097 = arith.constant 0 : i32
    %dma_start3A_1098 = tpu.memref_slice %arg18[%dma_start3A_1093, %dma_start3A_1097] : memref<32x128xi32, #tpu.memory_space<vmem>> -> memref<1x128xi32, #tpu.memory_space<vmem>>
    %dma_start3A_1099 = tpu.memref_squeeze %dma_start3A_1098 : memref<1x128xi32, #tpu.memory_space<vmem>> -> memref<128xi32, #tpu.memory_space<vmem>>
    %dma_start3A_1100 = arith.constant 0 : i32
    %dma_start3A_1101 = arith.constant 0 : i32
    %dma_start3A_1102 = tpu.memref_slice %arg4[%dma_start3A_1100, %dma_start3A_1101] : memref<32768x128xf32, #tpu.memory_space<hbm>> -> memref<32768x128xf32, #tpu.memory_space<hbm>>
    tpu.enqueue_indirect_dma source(%dma_start3A_1102 : memref<32768x128xf32, #tpu.memory_space<hbm>>) target(%dma_start3A_1096 : memref<128x128xf32, #tpu.memory_space<vmem>>) offsets(%dma_start3A_1099 : memref<128xi32, #tpu.memory_space<vmem>>) semaphore(%arg21 : memref<!tpu.dma_semaphore, #tpu.memory_space<semaphore_mem>>)
    %dma_wait3A_1103 = arith.constant 24 : i32
    %dma_wait3A_1104 = arith.constant 0 : i32
    %dma_wait3A_1105 = arith.constant 0 : i32
    %dma_wait3A_1106 = tpu.memref_slice %arg19[%dma_wait3A_1104, %dma_wait3A_1105] : memref<256x128xf32, #tpu.memory_space<vmem>> -> memref<128x128xf32, #tpu.memory_space<vmem>>
    %dma_wait3A_1107 = arith.constant 0 : i32
    %dma_wait3A_1108 = tpu.memref_slice %arg18[%dma_wait3A_1103, %dma_wait3A_1107] : memref<32x128xi32, #tpu.memory_space<vmem>> -> memref<1x128xi32, #tpu.memory_space<vmem>>
    %dma_wait3A_1109 = tpu.memref_squeeze %dma_wait3A_1108 : memref<1x128xi32, #tpu.memory_space<vmem>> -> memref<128xi32, #tpu.memory_space<vmem>>
    %dma_wait3A_1110 = arith.constant 0 : i32
    %dma_wait3A_1111 = arith.constant 0 : i32
    %dma_wait3A_1112 = tpu.memref_slice %arg4[%dma_wait3A_1110, %dma_wait3A_1111] : memref<32768x128xf32, #tpu.memory_space<hbm>> -> memref<32768x128xf32, #tpu.memory_space<hbm>>
    tpu.wait_indirect_dma semaphore(%arg21 : memref<!tpu.dma_semaphore, #tpu.memory_space<semaphore_mem>>) src(%dma_wait3A_1112 : memref<32768x128xf32, #tpu.memory_space<hbm>>) dst(%dma_wait3A_1106 : memref<128x128xf32, #tpu.memory_space<vmem>>)
    %dma_wait3A_1113 = arith.constant 25 : i32
    %dma_wait3A_1114 = arith.constant 128 : i32
    %dma_wait3A_1115 = arith.constant 0 : i32
    %dma_wait3A_1116 = tpu.memref_slice %arg19[%dma_wait3A_1114, %dma_wait3A_1115] : memref<256x128xf32, #tpu.memory_space<vmem>> -> memref<128x128xf32, #tpu.memory_space<vmem>>
    %dma_wait3A_1117 = arith.constant 0 : i32
    %dma_wait3A_1118 = tpu.memref_slice %arg18[%dma_wait3A_1113, %dma_wait3A_1117] : memref<32x128xi32, #tpu.memory_space<vmem>> -> memref<1x128xi32, #tpu.memory_space<vmem>>
    %dma_wait3A_1119 = tpu.memref_squeeze %dma_wait3A_1118 : memref<1x128xi32, #tpu.memory_space<vmem>> -> memref<128xi32, #tpu.memory_space<vmem>>
    %dma_wait3A_1120 = arith.constant 0 : i32
    %dma_wait3A_1121 = arith.constant 0 : i32
    %dma_wait3A_1122 = tpu.memref_slice %arg4[%dma_wait3A_1120, %dma_wait3A_1121] : memref<32768x128xf32, #tpu.memory_space<hbm>> -> memref<32768x128xf32, #tpu.memory_space<hbm>>
    tpu.wait_indirect_dma semaphore(%arg21 : memref<!tpu.dma_semaphore, #tpu.memory_space<semaphore_mem>>) src(%dma_wait3A_1122 : memref<32768x128xf32, #tpu.memory_space<hbm>>) dst(%dma_wait3A_1116 : memref<128x128xf32, #tpu.memory_space<vmem>>)
    %add3A_1123 = arith.constant 3072 : i32
    %add3A_1124 = arith.addi %mul3A_486, %add3A_1123 : i32
    %dma_start3A_1125 = arith.constant 0 : i32
    %dma_start3A_1126 = tpu.memref_slice %arg8[%add3A_1124, %dma_start3A_1125] : memref<131072x128xf32, #tpu.memory_space<hbm>> -> memref<256x128xf32, #tpu.memory_space<hbm>>
    %dma_start3A_1127 = arith.constant 0 : i32
    %dma_start3A_1128 = tpu.memref_slice %arg8[%add3A_1124, %dma_start3A_1127] : memref<131072x128xf32, #tpu.memory_space<hbm>> -> memref<256x128xf32, #tpu.memory_space<hbm>>
    tpu.enqueue_dma source(%arg19 : memref<256x128xf32, #tpu.memory_space<vmem>>) target(%dma_start3A_1128 : memref<256x128xf32, #tpu.memory_space<hbm>>) target_semaphore(%arg22 : memref<!tpu.dma_semaphore, #tpu.memory_space<semaphore_mem>>)
    %dma_wait3A_1129 = arith.constant 0 : i32
    %dma_wait3A_1130 = tpu.memref_slice %arg8[%add3A_1074, %dma_wait3A_1129] : memref<131072x128xf32, #tpu.memory_space<hbm>> -> memref<256x128xf32, #tpu.memory_space<hbm>>
    %dma_wait3A_1131 = arith.constant 0 : i32
    %dma_wait3A_1132 = tpu.memref_slice %arg8[%add3A_1074, %dma_wait3A_1131] : memref<131072x128xf32, #tpu.memory_space<hbm>> -> memref<256x128xf32, #tpu.memory_space<hbm>>
    tpu.wait_dma2 semaphore(%arg23 : memref<!tpu.dma_semaphore, #tpu.memory_space<semaphore_mem>>) src(%arg20 : memref<256x128xf32, #tpu.memory_space<vmem>>) dst(%dma_wait3A_1132 : memref<256x128xf32, #tpu.memory_space<hbm>>)
    %dma_start3A_1133 = arith.constant 26 : i32
    %dma_start3A_1134 = arith.constant 0 : i32
    %dma_start3A_1135 = arith.constant 0 : i32
    %dma_start3A_1136 = tpu.memref_slice %arg20[%dma_start3A_1134, %dma_start3A_1135] : memref<256x128xf32, #tpu.memory_space<vmem>> -> memref<128x128xf32, #tpu.memory_space<vmem>>
    %dma_start3A_1137 = arith.constant 0 : i32
    %dma_start3A_1138 = tpu.memref_slice %arg18[%dma_start3A_1133, %dma_start3A_1137] : memref<32x128xi32, #tpu.memory_space<vmem>> -> memref<1x128xi32, #tpu.memory_space<vmem>>
    %dma_start3A_1139 = tpu.memref_squeeze %dma_start3A_1138 : memref<1x128xi32, #tpu.memory_space<vmem>> -> memref<128xi32, #tpu.memory_space<vmem>>
    %dma_start3A_1140 = arith.constant 0 : i32
    %dma_start3A_1141 = arith.constant 0 : i32
    %dma_start3A_1142 = tpu.memref_slice %arg4[%dma_start3A_1140, %dma_start3A_1141] : memref<32768x128xf32, #tpu.memory_space<hbm>> -> memref<32768x128xf32, #tpu.memory_space<hbm>>
    tpu.enqueue_indirect_dma source(%dma_start3A_1142 : memref<32768x128xf32, #tpu.memory_space<hbm>>) target(%dma_start3A_1136 : memref<128x128xf32, #tpu.memory_space<vmem>>) offsets(%dma_start3A_1139 : memref<128xi32, #tpu.memory_space<vmem>>) semaphore(%arg21 : memref<!tpu.dma_semaphore, #tpu.memory_space<semaphore_mem>>)
    %dma_start3A_1143 = arith.constant 27 : i32
    %dma_start3A_1144 = arith.constant 128 : i32
    %dma_start3A_1145 = arith.constant 0 : i32
    %dma_start3A_1146 = tpu.memref_slice %arg20[%dma_start3A_1144, %dma_start3A_1145] : memref<256x128xf32, #tpu.memory_space<vmem>> -> memref<128x128xf32, #tpu.memory_space<vmem>>
    %dma_start3A_1147 = arith.constant 0 : i32
    %dma_start3A_1148 = tpu.memref_slice %arg18[%dma_start3A_1143, %dma_start3A_1147] : memref<32x128xi32, #tpu.memory_space<vmem>> -> memref<1x128xi32, #tpu.memory_space<vmem>>
    %dma_start3A_1149 = tpu.memref_squeeze %dma_start3A_1148 : memref<1x128xi32, #tpu.memory_space<vmem>> -> memref<128xi32, #tpu.memory_space<vmem>>
    %dma_start3A_1150 = arith.constant 0 : i32
    %dma_start3A_1151 = arith.constant 0 : i32
    %dma_start3A_1152 = tpu.memref_slice %arg4[%dma_start3A_1150, %dma_start3A_1151] : memref<32768x128xf32, #tpu.memory_space<hbm>> -> memref<32768x128xf32, #tpu.memory_space<hbm>>
    tpu.enqueue_indirect_dma source(%dma_start3A_1152 : memref<32768x128xf32, #tpu.memory_space<hbm>>) target(%dma_start3A_1146 : memref<128x128xf32, #tpu.memory_space<vmem>>) offsets(%dma_start3A_1149 : memref<128xi32, #tpu.memory_space<vmem>>) semaphore(%arg21 : memref<!tpu.dma_semaphore, #tpu.memory_space<semaphore_mem>>)
    %dma_wait3A_1153 = arith.constant 26 : i32
    %dma_wait3A_1154 = arith.constant 0 : i32
    %dma_wait3A_1155 = arith.constant 0 : i32
    %dma_wait3A_1156 = tpu.memref_slice %arg20[%dma_wait3A_1154, %dma_wait3A_1155] : memref<256x128xf32, #tpu.memory_space<vmem>> -> memref<128x128xf32, #tpu.memory_space<vmem>>
    %dma_wait3A_1157 = arith.constant 0 : i32
    %dma_wait3A_1158 = tpu.memref_slice %arg18[%dma_wait3A_1153, %dma_wait3A_1157] : memref<32x128xi32, #tpu.memory_space<vmem>> -> memref<1x128xi32, #tpu.memory_space<vmem>>
    %dma_wait3A_1159 = tpu.memref_squeeze %dma_wait3A_1158 : memref<1x128xi32, #tpu.memory_space<vmem>> -> memref<128xi32, #tpu.memory_space<vmem>>
    %dma_wait3A_1160 = arith.constant 0 : i32
    %dma_wait3A_1161 = arith.constant 0 : i32
    %dma_wait3A_1162 = tpu.memref_slice %arg4[%dma_wait3A_1160, %dma_wait3A_1161] : memref<32768x128xf32, #tpu.memory_space<hbm>> -> memref<32768x128xf32, #tpu.memory_space<hbm>>
    tpu.wait_indirect_dma semaphore(%arg21 : memref<!tpu.dma_semaphore, #tpu.memory_space<semaphore_mem>>) src(%dma_wait3A_1162 : memref<32768x128xf32, #tpu.memory_space<hbm>>) dst(%dma_wait3A_1156 : memref<128x128xf32, #tpu.memory_space<vmem>>)
    %dma_wait3A_1163 = arith.constant 27 : i32
    %dma_wait3A_1164 = arith.constant 128 : i32
    %dma_wait3A_1165 = arith.constant 0 : i32
    %dma_wait3A_1166 = tpu.memref_slice %arg20[%dma_wait3A_1164, %dma_wait3A_1165] : memref<256x128xf32, #tpu.memory_space<vmem>> -> memref<128x128xf32, #tpu.memory_space<vmem>>
    %dma_wait3A_1167 = arith.constant 0 : i32
    %dma_wait3A_1168 = tpu.memref_slice %arg18[%dma_wait3A_1163, %dma_wait3A_1167] : memref<32x128xi32, #tpu.memory_space<vmem>> -> memref<1x128xi32, #tpu.memory_space<vmem>>
    %dma_wait3A_1169 = tpu.memref_squeeze %dma_wait3A_1168 : memref<1x128xi32, #tpu.memory_space<vmem>> -> memref<128xi32, #tpu.memory_space<vmem>>
    %dma_wait3A_1170 = arith.constant 0 : i32
    %dma_wait3A_1171 = arith.constant 0 : i32
    %dma_wait3A_1172 = tpu.memref_slice %arg4[%dma_wait3A_1170, %dma_wait3A_1171] : memref<32768x128xf32, #tpu.memory_space<hbm>> -> memref<32768x128xf32, #tpu.memory_space<hbm>>
    tpu.wait_indirect_dma semaphore(%arg21 : memref<!tpu.dma_semaphore, #tpu.memory_space<semaphore_mem>>) src(%dma_wait3A_1172 : memref<32768x128xf32, #tpu.memory_space<hbm>>) dst(%dma_wait3A_1166 : memref<128x128xf32, #tpu.memory_space<vmem>>)
    %add3A_1173 = arith.constant 3328 : i32
    %add3A_1174 = arith.addi %mul3A_486, %add3A_1173 : i32
    %dma_start3A_1175 = arith.constant 0 : i32
    %dma_start3A_1176 = tpu.memref_slice %arg8[%add3A_1174, %dma_start3A_1175] : memref<131072x128xf32, #tpu.memory_space<hbm>> -> memref<256x128xf32, #tpu.memory_space<hbm>>
    %dma_start3A_1177 = arith.constant 0 : i32
    %dma_start3A_1178 = tpu.memref_slice %arg8[%add3A_1174, %dma_start3A_1177] : memref<131072x128xf32, #tpu.memory_space<hbm>> -> memref<256x128xf32, #tpu.memory_space<hbm>>
    tpu.enqueue_dma source(%arg20 : memref<256x128xf32, #tpu.memory_space<vmem>>) target(%dma_start3A_1178 : memref<256x128xf32, #tpu.memory_space<hbm>>) target_semaphore(%arg23 : memref<!tpu.dma_semaphore, #tpu.memory_space<semaphore_mem>>)
    %dma_wait3A_1179 = arith.constant 0 : i32
    %dma_wait3A_1180 = tpu.memref_slice %arg8[%add3A_1124, %dma_wait3A_1179] : memref<131072x128xf32, #tpu.memory_space<hbm>> -> memref<256x128xf32, #tpu.memory_space<hbm>>
    %dma_wait3A_1181 = arith.constant 0 : i32
    %dma_wait3A_1182 = tpu.memref_slice %arg8[%add3A_1124, %dma_wait3A_1181] : memref<131072x128xf32, #tpu.memory_space<hbm>> -> memref<256x128xf32, #tpu.memory_space<hbm>>
    tpu.wait_dma2 semaphore(%arg22 : memref<!tpu.dma_semaphore, #tpu.memory_space<semaphore_mem>>) src(%arg19 : memref<256x128xf32, #tpu.memory_space<vmem>>) dst(%dma_wait3A_1182 : memref<256x128xf32, #tpu.memory_space<hbm>>)
    %dma_start3A_1183 = arith.constant 28 : i32
    %dma_start3A_1184 = arith.constant 0 : i32
    %dma_start3A_1185 = arith.constant 0 : i32
    %dma_start3A_1186 = tpu.memref_slice %arg19[%dma_start3A_1184, %dma_start3A_1185] : memref<256x128xf32, #tpu.memory_space<vmem>> -> memref<128x128xf32, #tpu.memory_space<vmem>>
    %dma_start3A_1187 = arith.constant 0 : i32
    %dma_start3A_1188 = tpu.memref_slice %arg18[%dma_start3A_1183, %dma_start3A_1187] : memref<32x128xi32, #tpu.memory_space<vmem>> -> memref<1x128xi32, #tpu.memory_space<vmem>>
    %dma_start3A_1189 = tpu.memref_squeeze %dma_start3A_1188 : memref<1x128xi32, #tpu.memory_space<vmem>> -> memref<128xi32, #tpu.memory_space<vmem>>
    %dma_start3A_1190 = arith.constant 0 : i32
    %dma_start3A_1191 = arith.constant 0 : i32
    %dma_start3A_1192 = tpu.memref_slice %arg4[%dma_start3A_1190, %dma_start3A_1191] : memref<32768x128xf32, #tpu.memory_space<hbm>> -> memref<32768x128xf32, #tpu.memory_space<hbm>>
    tpu.enqueue_indirect_dma source(%dma_start3A_1192 : memref<32768x128xf32, #tpu.memory_space<hbm>>) target(%dma_start3A_1186 : memref<128x128xf32, #tpu.memory_space<vmem>>) offsets(%dma_start3A_1189 : memref<128xi32, #tpu.memory_space<vmem>>) semaphore(%arg21 : memref<!tpu.dma_semaphore, #tpu.memory_space<semaphore_mem>>)
    %dma_start3A_1193 = arith.constant 29 : i32
    %dma_start3A_1194 = arith.constant 128 : i32
    %dma_start3A_1195 = arith.constant 0 : i32
    %dma_start3A_1196 = tpu.memref_slice %arg19[%dma_start3A_1194, %dma_start3A_1195] : memref<256x128xf32, #tpu.memory_space<vmem>> -> memref<128x128xf32, #tpu.memory_space<vmem>>
    %dma_start3A_1197 = arith.constant 0 : i32
    %dma_start3A_1198 = tpu.memref_slice %arg18[%dma_start3A_1193, %dma_start3A_1197] : memref<32x128xi32, #tpu.memory_space<vmem>> -> memref<1x128xi32, #tpu.memory_space<vmem>>
    %dma_start3A_1199 = tpu.memref_squeeze %dma_start3A_1198 : memref<1x128xi32, #tpu.memory_space<vmem>> -> memref<128xi32, #tpu.memory_space<vmem>>
    %dma_start3A_1200 = arith.constant 0 : i32
    %dma_start3A_1201 = arith.constant 0 : i32
    %dma_start3A_1202 = tpu.memref_slice %arg4[%dma_start3A_1200, %dma_start3A_1201] : memref<32768x128xf32, #tpu.memory_space<hbm>> -> memref<32768x128xf32, #tpu.memory_space<hbm>>
    tpu.enqueue_indirect_dma source(%dma_start3A_1202 : memref<32768x128xf32, #tpu.memory_space<hbm>>) target(%dma_start3A_1196 : memref<128x128xf32, #tpu.memory_space<vmem>>) offsets(%dma_start3A_1199 : memref<128xi32, #tpu.memory_space<vmem>>) semaphore(%arg21 : memref<!tpu.dma_semaphore, #tpu.memory_space<semaphore_mem>>)
    %dma_wait3A_1203 = arith.constant 28 : i32
    %dma_wait3A_1204 = arith.constant 0 : i32
    %dma_wait3A_1205 = arith.constant 0 : i32
    %dma_wait3A_1206 = tpu.memref_slice %arg19[%dma_wait3A_1204, %dma_wait3A_1205] : memref<256x128xf32, #tpu.memory_space<vmem>> -> memref<128x128xf32, #tpu.memory_space<vmem>>
    %dma_wait3A_1207 = arith.constant 0 : i32
    %dma_wait3A_1208 = tpu.memref_slice %arg18[%dma_wait3A_1203, %dma_wait3A_1207] : memref<32x128xi32, #tpu.memory_space<vmem>> -> memref<1x128xi32, #tpu.memory_space<vmem>>
    %dma_wait3A_1209 = tpu.memref_squeeze %dma_wait3A_1208 : memref<1x128xi32, #tpu.memory_space<vmem>> -> memref<128xi32, #tpu.memory_space<vmem>>
    %dma_wait3A_1210 = arith.constant 0 : i32
    %dma_wait3A_1211 = arith.constant 0 : i32
    %dma_wait3A_1212 = tpu.memref_slice %arg4[%dma_wait3A_1210, %dma_wait3A_1211] : memref<32768x128xf32, #tpu.memory_space<hbm>> -> memref<32768x128xf32, #tpu.memory_space<hbm>>
    tpu.wait_indirect_dma semaphore(%arg21 : memref<!tpu.dma_semaphore, #tpu.memory_space<semaphore_mem>>) src(%dma_wait3A_1212 : memref<32768x128xf32, #tpu.memory_space<hbm>>) dst(%dma_wait3A_1206 : memref<128x128xf32, #tpu.memory_space<vmem>>)
    %dma_wait3A_1213 = arith.constant 29 : i32
    %dma_wait3A_1214 = arith.constant 128 : i32
    %dma_wait3A_1215 = arith.constant 0 : i32
    %dma_wait3A_1216 = tpu.memref_slice %arg19[%dma_wait3A_1214, %dma_wait3A_1215] : memref<256x128xf32, #tpu.memory_space<vmem>> -> memref<128x128xf32, #tpu.memory_space<vmem>>
    %dma_wait3A_1217 = arith.constant 0 : i32
    %dma_wait3A_1218 = tpu.memref_slice %arg18[%dma_wait3A_1213, %dma_wait3A_1217] : memref<32x128xi32, #tpu.memory_space<vmem>> -> memref<1x128xi32, #tpu.memory_space<vmem>>
    %dma_wait3A_1219 = tpu.memref_squeeze %dma_wait3A_1218 : memref<1x128xi32, #tpu.memory_space<vmem>> -> memref<128xi32, #tpu.memory_space<vmem>>
    %dma_wait3A_1220 = arith.constant 0 : i32
    %dma_wait3A_1221 = arith.constant 0 : i32
    %dma_wait3A_1222 = tpu.memref_slice %arg4[%dma_wait3A_1220, %dma_wait3A_1221] : memref<32768x128xf32, #tpu.memory_space<hbm>> -> memref<32768x128xf32, #tpu.memory_space<hbm>>
    tpu.wait_indirect_dma semaphore(%arg21 : memref<!tpu.dma_semaphore, #tpu.memory_space<semaphore_mem>>) src(%dma_wait3A_1222 : memref<32768x128xf32, #tpu.memory_space<hbm>>) dst(%dma_wait3A_1216 : memref<128x128xf32, #tpu.memory_space<vmem>>)
    %add3A_1223 = arith.constant 3584 : i32
    %add3A_1224 = arith.addi %mul3A_486, %add3A_1223 : i32
    %dma_start3A_1225 = arith.constant 0 : i32
    %dma_start3A_1226 = tpu.memref_slice %arg8[%add3A_1224, %dma_start3A_1225] : memref<131072x128xf32, #tpu.memory_space<hbm>> -> memref<256x128xf32, #tpu.memory_space<hbm>>
    %dma_start3A_1227 = arith.constant 0 : i32
    %dma_start3A_1228 = tpu.memref_slice %arg8[%add3A_1224, %dma_start3A_1227] : memref<131072x128xf32, #tpu.memory_space<hbm>> -> memref<256x128xf32, #tpu.memory_space<hbm>>
    tpu.enqueue_dma source(%arg19 : memref<256x128xf32, #tpu.memory_space<vmem>>) target(%dma_start3A_1228 : memref<256x128xf32, #tpu.memory_space<hbm>>) target_semaphore(%arg22 : memref<!tpu.dma_semaphore, #tpu.memory_space<semaphore_mem>>)
    %dma_wait3A_1229 = arith.constant 0 : i32
    %dma_wait3A_1230 = tpu.memref_slice %arg8[%add3A_1174, %dma_wait3A_1229] : memref<131072x128xf32, #tpu.memory_space<hbm>> -> memref<256x128xf32, #tpu.memory_space<hbm>>
    %dma_wait3A_1231 = arith.constant 0 : i32
    %dma_wait3A_1232 = tpu.memref_slice %arg8[%add3A_1174, %dma_wait3A_1231] : memref<131072x128xf32, #tpu.memory_space<hbm>> -> memref<256x128xf32, #tpu.memory_space<hbm>>
    tpu.wait_dma2 semaphore(%arg23 : memref<!tpu.dma_semaphore, #tpu.memory_space<semaphore_mem>>) src(%arg20 : memref<256x128xf32, #tpu.memory_space<vmem>>) dst(%dma_wait3A_1232 : memref<256x128xf32, #tpu.memory_space<hbm>>)
    %dma_start3A_1233 = arith.constant 30 : i32
    %dma_start3A_1234 = arith.constant 0 : i32
    %dma_start3A_1235 = arith.constant 0 : i32
    %dma_start3A_1236 = tpu.memref_slice %arg20[%dma_start3A_1234, %dma_start3A_1235] : memref<256x128xf32, #tpu.memory_space<vmem>> -> memref<128x128xf32, #tpu.memory_space<vmem>>
    %dma_start3A_1237 = arith.constant 0 : i32
    %dma_start3A_1238 = tpu.memref_slice %arg18[%dma_start3A_1233, %dma_start3A_1237] : memref<32x128xi32, #tpu.memory_space<vmem>> -> memref<1x128xi32, #tpu.memory_space<vmem>>
    %dma_start3A_1239 = tpu.memref_squeeze %dma_start3A_1238 : memref<1x128xi32, #tpu.memory_space<vmem>> -> memref<128xi32, #tpu.memory_space<vmem>>
    %dma_start3A_1240 = arith.constant 0 : i32
    %dma_start3A_1241 = arith.constant 0 : i32
    %dma_start3A_1242 = tpu.memref_slice %arg4[%dma_start3A_1240, %dma_start3A_1241] : memref<32768x128xf32, #tpu.memory_space<hbm>> -> memref<32768x128xf32, #tpu.memory_space<hbm>>
    tpu.enqueue_indirect_dma source(%dma_start3A_1242 : memref<32768x128xf32, #tpu.memory_space<hbm>>) target(%dma_start3A_1236 : memref<128x128xf32, #tpu.memory_space<vmem>>) offsets(%dma_start3A_1239 : memref<128xi32, #tpu.memory_space<vmem>>) semaphore(%arg21 : memref<!tpu.dma_semaphore, #tpu.memory_space<semaphore_mem>>)
    %dma_start3A_1243 = arith.constant 31 : i32
    %dma_start3A_1244 = arith.constant 128 : i32
    %dma_start3A_1245 = arith.constant 0 : i32
    %dma_start3A_1246 = tpu.memref_slice %arg20[%dma_start3A_1244, %dma_start3A_1245] : memref<256x128xf32, #tpu.memory_space<vmem>> -> memref<128x128xf32, #tpu.memory_space<vmem>>
    %dma_start3A_1247 = arith.constant 0 : i32
    %dma_start3A_1248 = tpu.memref_slice %arg18[%dma_start3A_1243, %dma_start3A_1247] : memref<32x128xi32, #tpu.memory_space<vmem>> -> memref<1x128xi32, #tpu.memory_space<vmem>>
    %dma_start3A_1249 = tpu.memref_squeeze %dma_start3A_1248 : memref<1x128xi32, #tpu.memory_space<vmem>> -> memref<128xi32, #tpu.memory_space<vmem>>
    %dma_start3A_1250 = arith.constant 0 : i32
    %dma_start3A_1251 = arith.constant 0 : i32
    %dma_start3A_1252 = tpu.memref_slice %arg4[%dma_start3A_1250, %dma_start3A_1251] : memref<32768x128xf32, #tpu.memory_space<hbm>> -> memref<32768x128xf32, #tpu.memory_space<hbm>>
    tpu.enqueue_indirect_dma source(%dma_start3A_1252 : memref<32768x128xf32, #tpu.memory_space<hbm>>) target(%dma_start3A_1246 : memref<128x128xf32, #tpu.memory_space<vmem>>) offsets(%dma_start3A_1249 : memref<128xi32, #tpu.memory_space<vmem>>) semaphore(%arg21 : memref<!tpu.dma_semaphore, #tpu.memory_space<semaphore_mem>>)
    %dma_wait3A_1253 = arith.constant 30 : i32
    %dma_wait3A_1254 = arith.constant 0 : i32
    %dma_wait3A_1255 = arith.constant 0 : i32
    %dma_wait3A_1256 = tpu.memref_slice %arg20[%dma_wait3A_1254, %dma_wait3A_1255] : memref<256x128xf32, #tpu.memory_space<vmem>> -> memref<128x128xf32, #tpu.memory_space<vmem>>
    %dma_wait3A_1257 = arith.constant 0 : i32
    %dma_wait3A_1258 = tpu.memref_slice %arg18[%dma_wait3A_1253, %dma_wait3A_1257] : memref<32x128xi32, #tpu.memory_space<vmem>> -> memref<1x128xi32, #tpu.memory_space<vmem>>
    %dma_wait3A_1259 = tpu.memref_squeeze %dma_wait3A_1258 : memref<1x128xi32, #tpu.memory_space<vmem>> -> memref<128xi32, #tpu.memory_space<vmem>>
    %dma_wait3A_1260 = arith.constant 0 : i32
    %dma_wait3A_1261 = arith.constant 0 : i32
    %dma_wait3A_1262 = tpu.memref_slice %arg4[%dma_wait3A_1260, %dma_wait3A_1261] : memref<32768x128xf32, #tpu.memory_space<hbm>> -> memref<32768x128xf32, #tpu.memory_space<hbm>>
    tpu.wait_indirect_dma semaphore(%arg21 : memref<!tpu.dma_semaphore, #tpu.memory_space<semaphore_mem>>) src(%dma_wait3A_1262 : memref<32768x128xf32, #tpu.memory_space<hbm>>) dst(%dma_wait3A_1256 : memref<128x128xf32, #tpu.memory_space<vmem>>)
    %dma_wait3A_1263 = arith.constant 31 : i32
    %dma_wait3A_1264 = arith.constant 128 : i32
    %dma_wait3A_1265 = arith.constant 0 : i32
    %dma_wait3A_1266 = tpu.memref_slice %arg20[%dma_wait3A_1264, %dma_wait3A_1265] : memref<256x128xf32, #tpu.memory_space<vmem>> -> memref<128x128xf32, #tpu.memory_space<vmem>>
    %dma_wait3A_1267 = arith.constant 0 : i32
    %dma_wait3A_1268 = tpu.memref_slice %arg18[%dma_wait3A_1263, %dma_wait3A_1267] : memref<32x128xi32, #tpu.memory_space<vmem>> -> memref<1x128xi32, #tpu.memory_space<vmem>>
    %dma_wait3A_1269 = tpu.memref_squeeze %dma_wait3A_1268 : memref<1x128xi32, #tpu.memory_space<vmem>> -> memref<128xi32, #tpu.memory_space<vmem>>
    %dma_wait3A_1270 = arith.constant 0 : i32
    %dma_wait3A_1271 = arith.constant 0 : i32
    %dma_wait3A_1272 = tpu.memref_slice %arg4[%dma_wait3A_1270, %dma_wait3A_1271] : memref<32768x128xf32, #tpu.memory_space<hbm>> -> memref<32768x128xf32, #tpu.memory_space<hbm>>
    tpu.wait_indirect_dma semaphore(%arg21 : memref<!tpu.dma_semaphore, #tpu.memory_space<semaphore_mem>>) src(%dma_wait3A_1272 : memref<32768x128xf32, #tpu.memory_space<hbm>>) dst(%dma_wait3A_1266 : memref<128x128xf32, #tpu.memory_space<vmem>>)
    %add3A_1273 = arith.constant 3840 : i32
    %add3A_1274 = arith.addi %mul3A_486, %add3A_1273 : i32
    %dma_start3A_1275 = arith.constant 0 : i32
    %dma_start3A_1276 = tpu.memref_slice %arg8[%add3A_1274, %dma_start3A_1275] : memref<131072x128xf32, #tpu.memory_space<hbm>> -> memref<256x128xf32, #tpu.memory_space<hbm>>
    %dma_start3A_1277 = arith.constant 0 : i32
    %dma_start3A_1278 = tpu.memref_slice %arg8[%add3A_1274, %dma_start3A_1277] : memref<131072x128xf32, #tpu.memory_space<hbm>> -> memref<256x128xf32, #tpu.memory_space<hbm>>
    tpu.enqueue_dma source(%arg20 : memref<256x128xf32, #tpu.memory_space<vmem>>) target(%dma_start3A_1278 : memref<256x128xf32, #tpu.memory_space<hbm>>) target_semaphore(%arg23 : memref<!tpu.dma_semaphore, #tpu.memory_space<semaphore_mem>>)
    %dma_wait3A_1279 = arith.constant 0 : i32
    %dma_wait3A_1280 = tpu.memref_slice %arg8[%add3A_1224, %dma_wait3A_1279] : memref<131072x128xf32, #tpu.memory_space<hbm>> -> memref<256x128xf32, #tpu.memory_space<hbm>>
    %dma_wait3A_1281 = arith.constant 0 : i32
    %dma_wait3A_1282 = tpu.memref_slice %arg8[%add3A_1224, %dma_wait3A_1281] : memref<131072x128xf32, #tpu.memory_space<hbm>> -> memref<256x128xf32, #tpu.memory_space<hbm>>
    tpu.wait_dma2 semaphore(%arg22 : memref<!tpu.dma_semaphore, #tpu.memory_space<semaphore_mem>>) src(%arg19 : memref<256x128xf32, #tpu.memory_space<vmem>>) dst(%dma_wait3A_1282 : memref<256x128xf32, #tpu.memory_space<hbm>>)
    %dma_wait3A_1283 = arith.constant 0 : i32
    %dma_wait3A_1284 = tpu.memref_slice %arg8[%add3A_1274, %dma_wait3A_1283] : memref<131072x128xf32, #tpu.memory_space<hbm>> -> memref<256x128xf32, #tpu.memory_space<hbm>>
    %dma_wait3A_1285 = arith.constant 0 : i32
    %dma_wait3A_1286 = tpu.memref_slice %arg8[%add3A_1274, %dma_wait3A_1285] : memref<131072x128xf32, #tpu.memory_space<hbm>> -> memref<256x128xf32, #tpu.memory_space<hbm>>
    tpu.wait_dma2 semaphore(%arg23 : memref<!tpu.dma_semaphore, #tpu.memory_space<semaphore_mem>>) src(%arg20 : memref<256x128xf32, #tpu.memory_space<vmem>>) dst(%dma_wait3A_1286 : memref<256x128xf32, #tpu.memory_space<hbm>>)
    return
  }
}

module attributes {stable_mosaic.version = 14 : i64} {
  func.func @_fps_body(%arg0: memref<4x3x64x128xf32, #tpu.memory_space<vmem>>, %arg1: memref<4x8x128xi32, #tpu.memory_space<vmem>>, %arg2: memref<4x3x8x128xf32, #tpu.memory_space<vmem>>, %arg3: memref<4x64x128xf32, #tpu.memory_space<vmem>>) attributes {dimension_semantics = [], scalar_prefetch = 0 : i64, scratch_operands = 1 : i64, tpu.core_type = #tpu.core_type<tc>} {
    %iota3A = tpu.iota {dimensions = array<i32: 0>} : vector<8x128xi32>
    %mul3A = arith.constant 128 : i32
    %mul3A_0 = vector.broadcast %mul3A : i32 to vector<8x128xi32>
    %mul3A_1 = arith.muli %iota3A, %mul3A_0 : vector<8x128xi32>
    %iota3A_2 = tpu.iota {dimensions = array<i32: 1>} : vector<8x128xi32>
    %add3A = arith.addi %mul3A_1, %iota3A_2 : vector<8x128xi32>
    %iota3A_3 = tpu.iota {dimensions = array<i32: 0>} : vector<8x128xi32>
    %mul3A_4 = arith.constant 128 : i32
    %mul3A_5 = vector.broadcast %mul3A_4 : i32 to vector<8x128xi32>
    %mul3A_6 = arith.muli %iota3A_3, %mul3A_5 : vector<8x128xi32>
    %iota3A_7 = tpu.iota {dimensions = array<i32: 1>} : vector<8x128xi32>
    %add3A_8 = arith.addi %mul3A_6, %iota3A_7 : vector<8x128xi32>
    %add3A_9 = arith.constant 0 : i32
    %add3A_10 = vector.broadcast %add3A_9 : i32 to vector<8x128xi32>
    %add3A_11 = arith.addi %add3A_8, %add3A_10 : vector<8x128xi32>
    %iota3A_12 = tpu.iota {dimensions = array<i32: 0>} : vector<8x128xi32>
    %mul3A_13 = arith.constant 128 : i32
    %mul3A_14 = vector.broadcast %mul3A_13 : i32 to vector<8x128xi32>
    %mul3A_15 = arith.muli %iota3A_12, %mul3A_14 : vector<8x128xi32>
    %iota3A_16 = tpu.iota {dimensions = array<i32: 1>} : vector<8x128xi32>
    %add3A_17 = arith.addi %mul3A_15, %iota3A_16 : vector<8x128xi32>
    %add3A_18 = arith.constant 1024 : i32
    %add3A_19 = vector.broadcast %add3A_18 : i32 to vector<8x128xi32>
    %add3A_20 = arith.addi %add3A_17, %add3A_19 : vector<8x128xi32>
    %iota3A_21 = tpu.iota {dimensions = array<i32: 0>} : vector<8x128xi32>
    %mul3A_22 = arith.constant 128 : i32
    %mul3A_23 = vector.broadcast %mul3A_22 : i32 to vector<8x128xi32>
    %mul3A_24 = arith.muli %iota3A_21, %mul3A_23 : vector<8x128xi32>
    %iota3A_25 = tpu.iota {dimensions = array<i32: 1>} : vector<8x128xi32>
    %add3A_26 = arith.addi %mul3A_24, %iota3A_25 : vector<8x128xi32>
    %add3A_27 = arith.constant 2048 : i32
    %add3A_28 = vector.broadcast %add3A_27 : i32 to vector<8x128xi32>
    %add3A_29 = arith.addi %add3A_26, %add3A_28 : vector<8x128xi32>
    %iota3A_30 = tpu.iota {dimensions = array<i32: 0>} : vector<8x128xi32>
    %mul3A_31 = arith.constant 128 : i32
    %mul3A_32 = vector.broadcast %mul3A_31 : i32 to vector<8x128xi32>
    %mul3A_33 = arith.muli %iota3A_30, %mul3A_32 : vector<8x128xi32>
    %iota3A_34 = tpu.iota {dimensions = array<i32: 1>} : vector<8x128xi32>
    %add3A_35 = arith.addi %mul3A_33, %iota3A_34 : vector<8x128xi32>
    %add3A_36 = arith.constant 3072 : i32
    %add3A_37 = vector.broadcast %add3A_36 : i32 to vector<8x128xi32>
    %add3A_38 = arith.addi %add3A_35, %add3A_37 : vector<8x128xi32>
    %iota3A_39 = tpu.iota {dimensions = array<i32: 0>} : vector<8x128xi32>
    %mul3A_40 = arith.constant 128 : i32
    %mul3A_41 = vector.broadcast %mul3A_40 : i32 to vector<8x128xi32>
    %mul3A_42 = arith.muli %iota3A_39, %mul3A_41 : vector<8x128xi32>
    %iota3A_43 = tpu.iota {dimensions = array<i32: 1>} : vector<8x128xi32>
    %add3A_44 = arith.addi %mul3A_42, %iota3A_43 : vector<8x128xi32>
    %add3A_45 = arith.constant 4096 : i32
    %add3A_46 = vector.broadcast %add3A_45 : i32 to vector<8x128xi32>
    %add3A_47 = arith.addi %add3A_44, %add3A_46 : vector<8x128xi32>
    %iota3A_48 = tpu.iota {dimensions = array<i32: 0>} : vector<8x128xi32>
    %mul3A_49 = arith.constant 128 : i32
    %mul3A_50 = vector.broadcast %mul3A_49 : i32 to vector<8x128xi32>
    %mul3A_51 = arith.muli %iota3A_48, %mul3A_50 : vector<8x128xi32>
    %iota3A_52 = tpu.iota {dimensions = array<i32: 1>} : vector<8x128xi32>
    %add3A_53 = arith.addi %mul3A_51, %iota3A_52 : vector<8x128xi32>
    %add3A_54 = arith.constant 5120 : i32
    %add3A_55 = vector.broadcast %add3A_54 : i32 to vector<8x128xi32>
    %add3A_56 = arith.addi %add3A_53, %add3A_55 : vector<8x128xi32>
    %iota3A_57 = tpu.iota {dimensions = array<i32: 0>} : vector<8x128xi32>
    %mul3A_58 = arith.constant 128 : i32
    %mul3A_59 = vector.broadcast %mul3A_58 : i32 to vector<8x128xi32>
    %mul3A_60 = arith.muli %iota3A_57, %mul3A_59 : vector<8x128xi32>
    %iota3A_61 = tpu.iota {dimensions = array<i32: 1>} : vector<8x128xi32>
    %add3A_62 = arith.addi %mul3A_60, %iota3A_61 : vector<8x128xi32>
    %add3A_63 = arith.constant 6144 : i32
    %add3A_64 = vector.broadcast %add3A_63 : i32 to vector<8x128xi32>
    %add3A_65 = arith.addi %add3A_62, %add3A_64 : vector<8x128xi32>
    %iota3A_66 = tpu.iota {dimensions = array<i32: 0>} : vector<8x128xi32>
    %mul3A_67 = arith.constant 128 : i32
    %mul3A_68 = vector.broadcast %mul3A_67 : i32 to vector<8x128xi32>
    %mul3A_69 = arith.muli %iota3A_66, %mul3A_68 : vector<8x128xi32>
    %iota3A_70 = tpu.iota {dimensions = array<i32: 1>} : vector<8x128xi32>
    %add3A_71 = arith.addi %mul3A_69, %iota3A_70 : vector<8x128xi32>
    %add3A_72 = arith.constant 7168 : i32
    %add3A_73 = vector.broadcast %add3A_72 : i32 to vector<8x128xi32>
    %add3A_74 = arith.addi %add3A_71, %add3A_73 : vector<8x128xi32>
    %convert_element_type3A = arith.sitofp %add3A_11 : vector<8x128xi32> to vector<8x128xf32>
    %convert_element_type3A_75 = arith.sitofp %add3A_20 : vector<8x128xi32> to vector<8x128xf32>
    %convert_element_type3A_76 = arith.sitofp %add3A_29 : vector<8x128xi32> to vector<8x128xf32>
    %convert_element_type3A_77 = arith.sitofp %add3A_38 : vector<8x128xi32> to vector<8x128xf32>
    %convert_element_type3A_78 = arith.sitofp %add3A_47 : vector<8x128xi32> to vector<8x128xf32>
    %convert_element_type3A_79 = arith.sitofp %add3A_56 : vector<8x128xi32> to vector<8x128xf32>
    %convert_element_type3A_80 = arith.sitofp %add3A_65 : vector<8x128xi32> to vector<8x128xf32>
    %convert_element_type3A_81 = arith.sitofp %add3A_74 : vector<8x128xi32> to vector<8x128xf32>
    %broadcast_in_dim3A = arith.constant 1.000000e+10 : f32
    %broadcast_in_dim3A_82 = vector.broadcast %broadcast_in_dim3A : f32 to vector<64x128xf32>
    %swap3A = arith.constant 0 : index
    %swap3A_83 = arith.constant 0 : index
    %swap3A_84 = arith.constant 0 : index
    %swap3A_85 = vector.load %arg3[%swap3A, %swap3A_83, %swap3A_84] : memref<4x64x128xf32, #tpu.memory_space<vmem>>, vector<1x64x128xf32>
    %swap3A_86 = vector.shape_cast %swap3A_85 : vector<1x64x128xf32> to vector<64x128xf32>
    %swap3A_87 = vector.shape_cast %broadcast_in_dim3A_82 : vector<64x128xf32> to vector<1x64x128xf32>
    tpu.vector_store %arg3[%swap3A, %swap3A_83, %swap3A_84], %swap3A_87 {strides = array<i32>} : memref<4x64x128xf32, #tpu.memory_space<vmem>>, vector<1x64x128xf32>,
    %broadcast_in_dim3A_88 = arith.constant 1.000000e+10 : f32
    %broadcast_in_dim3A_89 = vector.broadcast %broadcast_in_dim3A_88 : f32 to vector<64x128xf32>
    %swap3A_90 = arith.constant 1 : index
    %swap3A_91 = arith.constant 0 : index
    %swap3A_92 = arith.constant 0 : index
    %swap3A_93 = vector.load %arg3[%swap3A_90, %swap3A_91, %swap3A_92] : memref<4x64x128xf32, #tpu.memory_space<vmem>>, vector<1x64x128xf32>
    %swap3A_94 = vector.shape_cast %swap3A_93 : vector<1x64x128xf32> to vector<64x128xf32>
    %swap3A_95 = vector.shape_cast %broadcast_in_dim3A_89 : vector<64x128xf32> to vector<1x64x128xf32>
    tpu.vector_store %arg3[%swap3A_90, %swap3A_91, %swap3A_92], %swap3A_95 {strides = array<i32>} : memref<4x64x128xf32, #tpu.memory_space<vmem>>, vector<1x64x128xf32>,
    %broadcast_in_dim3A_96 = arith.constant 1.000000e+10 : f32
    %broadcast_in_dim3A_97 = vector.broadcast %broadcast_in_dim3A_96 : f32 to vector<64x128xf32>
    %swap3A_98 = arith.constant 2 : index
    %swap3A_99 = arith.constant 0 : index
    %swap3A_100 = arith.constant 0 : index
    %swap3A_101 = vector.load %arg3[%swap3A_98, %swap3A_99, %swap3A_100] : memref<4x64x128xf32, #tpu.memory_space<vmem>>, vector<1x64x128xf32>
    %swap3A_102 = vector.shape_cast %swap3A_101 : vector<1x64x128xf32> to vector<64x128xf32>
    %swap3A_103 = vector.shape_cast %broadcast_in_dim3A_97 : vector<64x128xf32> to vector<1x64x128xf32>
    tpu.vector_store %arg3[%swap3A_98, %swap3A_99, %swap3A_100], %swap3A_103 {strides = array<i32>} : memref<4x64x128xf32, #tpu.memory_space<vmem>>, vector<1x64x128xf32>,
    %broadcast_in_dim3A_104 = arith.constant 1.000000e+10 : f32
    %broadcast_in_dim3A_105 = vector.broadcast %broadcast_in_dim3A_104 : f32 to vector<64x128xf32>
    %swap3A_106 = arith.constant 3 : index
    %swap3A_107 = arith.constant 0 : index
    %swap3A_108 = arith.constant 0 : index
    %swap3A_109 = vector.load %arg3[%swap3A_106, %swap3A_107, %swap3A_108] : memref<4x64x128xf32, #tpu.memory_space<vmem>>, vector<1x64x128xf32>
    %swap3A_110 = vector.shape_cast %swap3A_109 : vector<1x64x128xf32> to vector<64x128xf32>
    %swap3A_111 = vector.shape_cast %broadcast_in_dim3A_105 : vector<64x128xf32> to vector<1x64x128xf32>
    tpu.vector_store %arg3[%swap3A_106, %swap3A_107, %swap3A_108], %swap3A_111 {strides = array<i32>} : memref<4x64x128xf32, #tpu.memory_space<vmem>>, vector<1x64x128xf32>,
    %broadcast_in_dim3A_112 = arith.constant 0.000000e+00 : f32
    %broadcast_in_dim3A_113 = vector.broadcast %broadcast_in_dim3A_112 : f32 to vector<8x128xf32>
    %broadcast_in_dim3A_114 = arith.constant 0 : i32
    %broadcast_in_dim3A_115 = vector.broadcast %broadcast_in_dim3A_114 : i32 to vector<8x128xi32>
    %broadcast_in_dim3A_116 = arith.constant 0.000000e+00 : f32
    %broadcast_in_dim3A_117 = vector.broadcast %broadcast_in_dim3A_116 : f32 to vector<8x128xf32>
    %scan3A = arith.constant 0 : i32
    %scan3A_118 = arith.constant 1024 : i32
    %scan3A_119 = arith.addi %scan3A, %scan3A_118 : i32
    %scan3A_120 = arith.constant 1 : i32
    %scan3A_121:20 = scf.for %scan3A_231 = %scan3A to %scan3A_119 step %scan3A_120 iter_args(%scan3A_232 = %broadcast_in_dim3A_113, %scan3A_233 = %broadcast_in_dim3A_113, %scan3A_234 = %broadcast_in_dim3A_113, %scan3A_235 = %broadcast_in_dim3A_113, %scan3A_236 = %broadcast_in_dim3A_115, %scan3A_237 = %broadcast_in_dim3A_115, %scan3A_238 = %broadcast_in_dim3A_115, %scan3A_239 = %broadcast_in_dim3A_115, %scan3A_240 = %broadcast_in_dim3A_117, %scan3A_241 = %broadcast_in_dim3A_117, %scan3A_242 = %broadcast_in_dim3A_117, %scan3A_243 = %broadcast_in_dim3A_117, %scan3A_244 = %broadcast_in_dim3A_117, %scan3A_245 = %broadcast_in_dim3A_117, %scan3A_246 = %broadcast_in_dim3A_117, %scan3A_247 = %broadcast_in_dim3A_117, %scan3A_248 = %broadcast_in_dim3A_117, %scan3A_249 = %broadcast_in_dim3A_117, %scan3A_250 = %broadcast_in_dim3A_117, %scan3A_251 = %broadcast_in_dim3A_117) -> (vector<8x128xf32>, vector<8x128xf32>, vector<8x128xf32>, vector<8x128xf32>, vector<8x128xi32>, vector<8x128xi32>, vector<8x128xi32>, vector<8x128xi32>, vector<8x128xf32>, vector<8x128xf32>, vector<8x128xf32>, vector<8x128xf32>, vector<8x128xf32>, vector<8x128xf32>, vector<8x128xf32>, vector<8x128xf32>, vector<8x128xf32>, vector<8x128xf32>, vector<8x128xf32>, vector<8x128xf32>)  : i32 {
      %eq3A = vector.broadcast %scan3A_231 : i32 to vector<8x128xi32>
      %eq3A_252 = arith.cmpi eq, %add3A, %eq3A : vector<8x128xi32>
      %eq3A_253 = arith.cmpf oeq, %convert_element_type3A, %scan3A_232 : vector<8x128xf32>
      %get3A = arith.constant 0 : index
      %get3A_254 = arith.constant 0 : index
      %get3A_255 = arith.constant 0 : index
      %get3A_256 = arith.constant 0 : index
      %get3A_257 = vector.load %arg0[%get3A, %get3A_254, %get3A_255, %get3A_256] : memref<4x3x64x128xf32, #tpu.memory_space<vmem>>, vector<1x1x8x128xf32>
      %get3A_258 = vector.shape_cast %get3A_257 : vector<1x1x8x128xf32> to vector<8x128xf32>
      %jit3A = arith.constant 0.000000e+00 : f32
      %broadcast_in_dim3A_259 = vector.broadcast %jit3A : f32 to vector<8x128xf32>
      %select_n3A = arith.select %eq3A_253, %get3A_258, %broadcast_in_dim3A_259 : vector<8x128xi1>, vector<8x128xf32>
      %get3A_260 = arith.constant 0 : index
      %get3A_261 = arith.constant 1 : index
      %get3A_262 = arith.constant 0 : index
      %get3A_263 = arith.constant 0 : index
      %get3A_264 = vector.load %arg0[%get3A_260, %get3A_261, %get3A_262, %get3A_263] : memref<4x3x64x128xf32, #tpu.memory_space<vmem>>, vector<1x1x8x128xf32>
      %get3A_265 = vector.shape_cast %get3A_264 : vector<1x1x8x128xf32> to vector<8x128xf32>
      %jit3A_266 = arith.constant 0.000000e+00 : f32
      %broadcast_in_dim3A_267 = vector.broadcast %jit3A_266 : f32 to vector<8x128xf32>
      %select_n3A_268 = arith.select %eq3A_253, %get3A_265, %broadcast_in_dim3A_267 : vector<8x128xi1>, vector<8x128xf32>
      %get3A_269 = arith.constant 0 : index
      %get3A_270 = arith.constant 2 : index
      %get3A_271 = arith.constant 0 : index
      %get3A_272 = arith.constant 0 : index
      %get3A_273 = vector.load %arg0[%get3A_269, %get3A_270, %get3A_271, %get3A_272] : memref<4x3x64x128xf32, #tpu.memory_space<vmem>>, vector<1x1x8x128xf32>
      %get3A_274 = vector.shape_cast %get3A_273 : vector<1x1x8x128xf32> to vector<8x128xf32>
      %jit3A_275 = arith.constant 0.000000e+00 : f32
      %broadcast_in_dim3A_276 = vector.broadcast %jit3A_275 : f32 to vector<8x128xf32>
      %select_n3A_277 = arith.select %eq3A_253, %get3A_274, %broadcast_in_dim3A_276 : vector<8x128xi1>, vector<8x128xf32>
      %eq3A_278 = arith.cmpf oeq, %convert_element_type3A_75, %scan3A_232 : vector<8x128xf32>
      %get3A_279 = arith.constant 0 : index
      %get3A_280 = arith.constant 0 : index
      %get3A_281 = arith.constant 8 : index
      %get3A_282 = arith.constant 0 : index
      %get3A_283 = vector.load %arg0[%get3A_279, %get3A_280, %get3A_281, %get3A_282] : memref<4x3x64x128xf32, #tpu.memory_space<vmem>>, vector<1x1x8x128xf32>
      %get3A_284 = vector.shape_cast %get3A_283 : vector<1x1x8x128xf32> to vector<8x128xf32>
      %jit3A_285 = arith.constant 0.000000e+00 : f32
      %broadcast_in_dim3A_286 = vector.broadcast %jit3A_285 : f32 to vector<8x128xf32>
      %select_n3A_287 = arith.select %eq3A_278, %get3A_284, %broadcast_in_dim3A_286 : vector<8x128xi1>, vector<8x128xf32>
      %get3A_288 = arith.constant 0 : index
      %get3A_289 = arith.constant 1 : index
      %get3A_290 = arith.constant 8 : index
      %get3A_291 = arith.constant 0 : index
      %get3A_292 = vector.load %arg0[%get3A_288, %get3A_289, %get3A_290, %get3A_291] : memref<4x3x64x128xf32, #tpu.memory_space<vmem>>, vector<1x1x8x128xf32>
      %get3A_293 = vector.shape_cast %get3A_292 : vector<1x1x8x128xf32> to vector<8x128xf32>
      %jit3A_294 = arith.constant 0.000000e+00 : f32
      %broadcast_in_dim3A_295 = vector.broadcast %jit3A_294 : f32 to vector<8x128xf32>
      %select_n3A_296 = arith.select %eq3A_278, %get3A_293, %broadcast_in_dim3A_295 : vector<8x128xi1>, vector<8x128xf32>
      %get3A_297 = arith.constant 0 : index
      %get3A_298 = arith.constant 2 : index
      %get3A_299 = arith.constant 8 : index
      %get3A_300 = arith.constant 0 : index
      %get3A_301 = vector.load %arg0[%get3A_297, %get3A_298, %get3A_299, %get3A_300] : memref<4x3x64x128xf32, #tpu.memory_space<vmem>>, vector<1x1x8x128xf32>
      %get3A_302 = vector.shape_cast %get3A_301 : vector<1x1x8x128xf32> to vector<8x128xf32>
      %jit3A_303 = arith.constant 0.000000e+00 : f32
      %broadcast_in_dim3A_304 = vector.broadcast %jit3A_303 : f32 to vector<8x128xf32>
      %select_n3A_305 = arith.select %eq3A_278, %get3A_302, %broadcast_in_dim3A_304 : vector<8x128xi1>, vector<8x128xf32>
      %eq3A_306 = arith.cmpf oeq, %convert_element_type3A_76, %scan3A_232 : vector<8x128xf32>
      %get3A_307 = arith.constant 0 : index
      %get3A_308 = arith.constant 0 : index
      %get3A_309 = arith.constant 16 : index
      %get3A_310 = arith.constant 0 : index
      %get3A_311 = vector.load %arg0[%get3A_307, %get3A_308, %get3A_309, %get3A_310] : memref<4x3x64x128xf32, #tpu.memory_space<vmem>>, vector<1x1x8x128xf32>
      %get3A_312 = vector.shape_cast %get3A_311 : vector<1x1x8x128xf32> to vector<8x128xf32>
      %jit3A_313 = arith.constant 0.000000e+00 : f32
      %broadcast_in_dim3A_314 = vector.broadcast %jit3A_313 : f32 to vector<8x128xf32>
      %select_n3A_315 = arith.select %eq3A_306, %get3A_312, %broadcast_in_dim3A_314 : vector<8x128xi1>, vector<8x128xf32>
      %get3A_316 = arith.constant 0 : index
      %get3A_317 = arith.constant 1 : index
      %get3A_318 = arith.constant 16 : index
      %get3A_319 = arith.constant 0 : index
      %get3A_320 = vector.load %arg0[%get3A_316, %get3A_317, %get3A_318, %get3A_319] : memref<4x3x64x128xf32, #tpu.memory_space<vmem>>, vector<1x1x8x128xf32>
      %get3A_321 = vector.shape_cast %get3A_320 : vector<1x1x8x128xf32> to vector<8x128xf32>
      %jit3A_322 = arith.constant 0.000000e+00 : f32
      %broadcast_in_dim3A_323 = vector.broadcast %jit3A_322 : f32 to vector<8x128xf32>
      %select_n3A_324 = arith.select %eq3A_306, %get3A_321, %broadcast_in_dim3A_323 : vector<8x128xi1>, vector<8x128xf32>
      %get3A_325 = arith.constant 0 : index
      %get3A_326 = arith.constant 2 : index
      %get3A_327 = arith.constant 16 : index
      %get3A_328 = arith.constant 0 : index
      %get3A_329 = vector.load %arg0[%get3A_325, %get3A_326, %get3A_327, %get3A_328] : memref<4x3x64x128xf32, #tpu.memory_space<vmem>>, vector<1x1x8x128xf32>
      %get3A_330 = vector.shape_cast %get3A_329 : vector<1x1x8x128xf32> to vector<8x128xf32>
      %jit3A_331 = arith.constant 0.000000e+00 : f32
      %broadcast_in_dim3A_332 = vector.broadcast %jit3A_331 : f32 to vector<8x128xf32>
      %select_n3A_333 = arith.select %eq3A_306, %get3A_330, %broadcast_in_dim3A_332 : vector<8x128xi1>, vector<8x128xf32>
      %eq3A_334 = arith.cmpf oeq, %convert_element_type3A_77, %scan3A_232 : vector<8x128xf32>
      %get3A_335 = arith.constant 0 : index
      %get3A_336 = arith.constant 0 : index
      %get3A_337 = arith.constant 24 : index
      %get3A_338 = arith.constant 0 : index
      %get3A_339 = vector.load %arg0[%get3A_335, %get3A_336, %get3A_337, %get3A_338] : memref<4x3x64x128xf32, #tpu.memory_space<vmem>>, vector<1x1x8x128xf32>
      %get3A_340 = vector.shape_cast %get3A_339 : vector<1x1x8x128xf32> to vector<8x128xf32>
      %jit3A_341 = arith.constant 0.000000e+00 : f32
      %broadcast_in_dim3A_342 = vector.broadcast %jit3A_341 : f32 to vector<8x128xf32>
      %select_n3A_343 = arith.select %eq3A_334, %get3A_340, %broadcast_in_dim3A_342 : vector<8x128xi1>, vector<8x128xf32>
      %get3A_344 = arith.constant 0 : index
      %get3A_345 = arith.constant 1 : index
      %get3A_346 = arith.constant 24 : index
      %get3A_347 = arith.constant 0 : index
      %get3A_348 = vector.load %arg0[%get3A_344, %get3A_345, %get3A_346, %get3A_347] : memref<4x3x64x128xf32, #tpu.memory_space<vmem>>, vector<1x1x8x128xf32>
      %get3A_349 = vector.shape_cast %get3A_348 : vector<1x1x8x128xf32> to vector<8x128xf32>
      %jit3A_350 = arith.constant 0.000000e+00 : f32
      %broadcast_in_dim3A_351 = vector.broadcast %jit3A_350 : f32 to vector<8x128xf32>
      %select_n3A_352 = arith.select %eq3A_334, %get3A_349, %broadcast_in_dim3A_351 : vector<8x128xi1>, vector<8x128xf32>
      %get3A_353 = arith.constant 0 : index
      %get3A_354 = arith.constant 2 : index
      %get3A_355 = arith.constant 24 : index
      %get3A_356 = arith.constant 0 : index
      %get3A_357 = vector.load %arg0[%get3A_353, %get3A_354, %get3A_355, %get3A_356] : memref<4x3x64x128xf32, #tpu.memory_space<vmem>>, vector<1x1x8x128xf32>
      %get3A_358 = vector.shape_cast %get3A_357 : vector<1x1x8x128xf32> to vector<8x128xf32>
      %jit3A_359 = arith.constant 0.000000e+00 : f32
      %broadcast_in_dim3A_360 = vector.broadcast %jit3A_359 : f32 to vector<8x128xf32>
      %select_n3A_361 = arith.select %eq3A_334, %get3A_358, %broadcast_in_dim3A_360 : vector<8x128xi1>, vector<8x128xf32>
      %eq3A_362 = arith.cmpf oeq, %convert_element_type3A_78, %scan3A_232 : vector<8x128xf32>
      %get3A_363 = arith.constant 0 : index
      %get3A_364 = arith.constant 0 : index
      %get3A_365 = arith.constant 32 : index
      %get3A_366 = arith.constant 0 : index
      %get3A_367 = vector.load %arg0[%get3A_363, %get3A_364, %get3A_365, %get3A_366] : memref<4x3x64x128xf32, #tpu.memory_space<vmem>>, vector<1x1x8x128xf32>
      %get3A_368 = vector.shape_cast %get3A_367 : vector<1x1x8x128xf32> to vector<8x128xf32>
      %jit3A_369 = arith.constant 0.000000e+00 : f32
      %broadcast_in_dim3A_370 = vector.broadcast %jit3A_369 : f32 to vector<8x128xf32>
      %select_n3A_371 = arith.select %eq3A_362, %get3A_368, %broadcast_in_dim3A_370 : vector<8x128xi1>, vector<8x128xf32>
      %get3A_372 = arith.constant 0 : index
      %get3A_373 = arith.constant 1 : index
      %get3A_374 = arith.constant 32 : index
      %get3A_375 = arith.constant 0 : index
      %get3A_376 = vector.load %arg0[%get3A_372, %get3A_373, %get3A_374, %get3A_375] : memref<4x3x64x128xf32, #tpu.memory_space<vmem>>, vector<1x1x8x128xf32>
      %get3A_377 = vector.shape_cast %get3A_376 : vector<1x1x8x128xf32> to vector<8x128xf32>
      %jit3A_378 = arith.constant 0.000000e+00 : f32
      %broadcast_in_dim3A_379 = vector.broadcast %jit3A_378 : f32 to vector<8x128xf32>
      %select_n3A_380 = arith.select %eq3A_362, %get3A_377, %broadcast_in_dim3A_379 : vector<8x128xi1>, vector<8x128xf32>
      %get3A_381 = arith.constant 0 : index
      %get3A_382 = arith.constant 2 : index
      %get3A_383 = arith.constant 32 : index
      %get3A_384 = arith.constant 0 : index
      %get3A_385 = vector.load %arg0[%get3A_381, %get3A_382, %get3A_383, %get3A_384] : memref<4x3x64x128xf32, #tpu.memory_space<vmem>>, vector<1x1x8x128xf32>
      %get3A_386 = vector.shape_cast %get3A_385 : vector<1x1x8x128xf32> to vector<8x128xf32>
      %jit3A_387 = arith.constant 0.000000e+00 : f32
      %broadcast_in_dim3A_388 = vector.broadcast %jit3A_387 : f32 to vector<8x128xf32>
      %select_n3A_389 = arith.select %eq3A_362, %get3A_386, %broadcast_in_dim3A_388 : vector<8x128xi1>, vector<8x128xf32>
      %eq3A_390 = arith.cmpf oeq, %convert_element_type3A_79, %scan3A_232 : vector<8x128xf32>
      %get3A_391 = arith.constant 0 : index
      %get3A_392 = arith.constant 0 : index
      %get3A_393 = arith.constant 40 : index
      %get3A_394 = arith.constant 0 : index
      %get3A_395 = vector.load %arg0[%get3A_391, %get3A_392, %get3A_393, %get3A_394] : memref<4x3x64x128xf32, #tpu.memory_space<vmem>>, vector<1x1x8x128xf32>
      %get3A_396 = vector.shape_cast %get3A_395 : vector<1x1x8x128xf32> to vector<8x128xf32>
      %jit3A_397 = arith.constant 0.000000e+00 : f32
      %broadcast_in_dim3A_398 = vector.broadcast %jit3A_397 : f32 to vector<8x128xf32>
      %select_n3A_399 = arith.select %eq3A_390, %get3A_396, %broadcast_in_dim3A_398 : vector<8x128xi1>, vector<8x128xf32>
      %get3A_400 = arith.constant 0 : index
      %get3A_401 = arith.constant 1 : index
      %get3A_402 = arith.constant 40 : index
      %get3A_403 = arith.constant 0 : index
      %get3A_404 = vector.load %arg0[%get3A_400, %get3A_401, %get3A_402, %get3A_403] : memref<4x3x64x128xf32, #tpu.memory_space<vmem>>, vector<1x1x8x128xf32>
      %get3A_405 = vector.shape_cast %get3A_404 : vector<1x1x8x128xf32> to vector<8x128xf32>
      %jit3A_406 = arith.constant 0.000000e+00 : f32
      %broadcast_in_dim3A_407 = vector.broadcast %jit3A_406 : f32 to vector<8x128xf32>
      %select_n3A_408 = arith.select %eq3A_390, %get3A_405, %broadcast_in_dim3A_407 : vector<8x128xi1>, vector<8x128xf32>
      %get3A_409 = arith.constant 0 : index
      %get3A_410 = arith.constant 2 : index
      %get3A_411 = arith.constant 40 : index
      %get3A_412 = arith.constant 0 : index
      %get3A_413 = vector.load %arg0[%get3A_409, %get3A_410, %get3A_411, %get3A_412] : memref<4x3x64x128xf32, #tpu.memory_space<vmem>>, vector<1x1x8x128xf32>
      %get3A_414 = vector.shape_cast %get3A_413 : vector<1x1x8x128xf32> to vector<8x128xf32>
      %jit3A_415 = arith.constant 0.000000e+00 : f32
      %broadcast_in_dim3A_416 = vector.broadcast %jit3A_415 : f32 to vector<8x128xf32>
      %select_n3A_417 = arith.select %eq3A_390, %get3A_414, %broadcast_in_dim3A_416 : vector<8x128xi1>, vector<8x128xf32>
      %eq3A_418 = arith.cmpf oeq, %convert_element_type3A_80, %scan3A_232 : vector<8x128xf32>
      %get3A_419 = arith.constant 0 : index
      %get3A_420 = arith.constant 0 : index
      %get3A_421 = arith.constant 48 : index
      %get3A_422 = arith.constant 0 : index
      %get3A_423 = vector.load %arg0[%get3A_419, %get3A_420, %get3A_421, %get3A_422] : memref<4x3x64x128xf32, #tpu.memory_space<vmem>>, vector<1x1x8x128xf32>
      %get3A_424 = vector.shape_cast %get3A_423 : vector<1x1x8x128xf32> to vector<8x128xf32>
      %jit3A_425 = arith.constant 0.000000e+00 : f32
      %broadcast_in_dim3A_426 = vector.broadcast %jit3A_425 : f32 to vector<8x128xf32>
      %select_n3A_427 = arith.select %eq3A_418, %get3A_424, %broadcast_in_dim3A_426 : vector<8x128xi1>, vector<8x128xf32>
      %get3A_428 = arith.constant 0 : index
      %get3A_429 = arith.constant 1 : index
      %get3A_430 = arith.constant 48 : index
      %get3A_431 = arith.constant 0 : index
      %get3A_432 = vector.load %arg0[%get3A_428, %get3A_429, %get3A_430, %get3A_431] : memref<4x3x64x128xf32, #tpu.memory_space<vmem>>, vector<1x1x8x128xf32>
      %get3A_433 = vector.shape_cast %get3A_432 : vector<1x1x8x128xf32> to vector<8x128xf32>
      %jit3A_434 = arith.constant 0.000000e+00 : f32
      %broadcast_in_dim3A_435 = vector.broadcast %jit3A_434 : f32 to vector<8x128xf32>
      %select_n3A_436 = arith.select %eq3A_418, %get3A_433, %broadcast_in_dim3A_435 : vector<8x128xi1>, vector<8x128xf32>
      %get3A_437 = arith.constant 0 : index
      %get3A_438 = arith.constant 2 : index
      %get3A_439 = arith.constant 48 : index
      %get3A_440 = arith.constant 0 : index
      %get3A_441 = vector.load %arg0[%get3A_437, %get3A_438, %get3A_439, %get3A_440] : memref<4x3x64x128xf32, #tpu.memory_space<vmem>>, vector<1x1x8x128xf32>
      %get3A_442 = vector.shape_cast %get3A_441 : vector<1x1x8x128xf32> to vector<8x128xf32>
      %jit3A_443 = arith.constant 0.000000e+00 : f32
      %broadcast_in_dim3A_444 = vector.broadcast %jit3A_443 : f32 to vector<8x128xf32>
      %select_n3A_445 = arith.select %eq3A_418, %get3A_442, %broadcast_in_dim3A_444 : vector<8x128xi1>, vector<8x128xf32>
      %eq3A_446 = arith.cmpf oeq, %convert_element_type3A_81, %scan3A_232 : vector<8x128xf32>
      %get3A_447 = arith.constant 0 : index
      %get3A_448 = arith.constant 0 : index
      %get3A_449 = arith.constant 56 : index
      %get3A_450 = arith.constant 0 : index
      %get3A_451 = vector.load %arg0[%get3A_447, %get3A_448, %get3A_449, %get3A_450] : memref<4x3x64x128xf32, #tpu.memory_space<vmem>>, vector<1x1x8x128xf32>
      %get3A_452 = vector.shape_cast %get3A_451 : vector<1x1x8x128xf32> to vector<8x128xf32>
      %jit3A_453 = arith.constant 0.000000e+00 : f32
      %broadcast_in_dim3A_454 = vector.broadcast %jit3A_453 : f32 to vector<8x128xf32>
      %select_n3A_455 = arith.select %eq3A_446, %get3A_452, %broadcast_in_dim3A_454 : vector<8x128xi1>, vector<8x128xf32>
      %get3A_456 = arith.constant 0 : index
      %get3A_457 = arith.constant 1 : index
      %get3A_458 = arith.constant 56 : index
      %get3A_459 = arith.constant 0 : index
      %get3A_460 = vector.load %arg0[%get3A_456, %get3A_457, %get3A_458, %get3A_459] : memref<4x3x64x128xf32, #tpu.memory_space<vmem>>, vector<1x1x8x128xf32>
      %get3A_461 = vector.shape_cast %get3A_460 : vector<1x1x8x128xf32> to vector<8x128xf32>
      %jit3A_462 = arith.constant 0.000000e+00 : f32
      %broadcast_in_dim3A_463 = vector.broadcast %jit3A_462 : f32 to vector<8x128xf32>
      %select_n3A_464 = arith.select %eq3A_446, %get3A_461, %broadcast_in_dim3A_463 : vector<8x128xi1>, vector<8x128xf32>
      %get3A_465 = arith.constant 0 : index
      %get3A_466 = arith.constant 2 : index
      %get3A_467 = arith.constant 56 : index
      %get3A_468 = arith.constant 0 : index
      %get3A_469 = vector.load %arg0[%get3A_465, %get3A_466, %get3A_467, %get3A_468] : memref<4x3x64x128xf32, #tpu.memory_space<vmem>>, vector<1x1x8x128xf32>
      %get3A_470 = vector.shape_cast %get3A_469 : vector<1x1x8x128xf32> to vector<8x128xf32>
      %jit3A_471 = arith.constant 0.000000e+00 : f32
      %broadcast_in_dim3A_472 = vector.broadcast %jit3A_471 : f32 to vector<8x128xf32>
      %select_n3A_473 = arith.select %eq3A_446, %get3A_470, %broadcast_in_dim3A_472 : vector<8x128xi1>, vector<8x128xf32>
      %add3A_474 = arith.addf %select_n3A, %select_n3A_287 : vector<8x128xf32>
      %add3A_475 = arith.addf %select_n3A_315, %select_n3A_343 : vector<8x128xf32>
      %add3A_476 = arith.addf %select_n3A_371, %select_n3A_399 : vector<8x128xf32>
      %add3A_477 = arith.addf %select_n3A_427, %select_n3A_455 : vector<8x128xf32>
      %add3A_478 = arith.addf %add3A_474, %add3A_475 : vector<8x128xf32>
      %add3A_479 = arith.addf %add3A_476, %add3A_477 : vector<8x128xf32>
      %add3A_480 = arith.addf %add3A_478, %add3A_479 : vector<8x128xf32>
      %reduce_sum3A = arith.constant dense<0.000000e+00> : vector<8xf32>
      %reduce_sum3A_481 = vector.multi_reduction <add>, %add3A_480, %reduce_sum3A [1] : vector<8x128xf32> to vector<8xf32>
      %broadcast_in_dim3A_482 = vector.shape_cast %reduce_sum3A_481 : vector<8xf32> to vector<8x1xf32>
      %roll3A = arith.constant 4 : i32
      %roll3A_483 = tpu.dynamic_rotate %broadcast_in_dim3A_482 by %roll3A dim 0 : vector<8x1xf32>, i32 -> vector<8x1xf32>
      %add3A_484 = arith.addf %broadcast_in_dim3A_482, %roll3A_483 : vector<8x1xf32>
      %roll3A_485 = arith.constant 2 : i32
      %roll3A_486 = tpu.dynamic_rotate %add3A_484 by %roll3A_485 dim 0 : vector<8x1xf32>, i32 -> vector<8x1xf32>
      %add3A_487 = arith.addf %add3A_484, %roll3A_486 : vector<8x1xf32>
      %roll3A_488 = arith.constant 1 : i32
      %roll3A_489 = tpu.dynamic_rotate %add3A_487 by %roll3A_488 dim 0 : vector<8x1xf32>, i32 -> vector<8x1xf32>
      %add3A_490 = arith.addf %add3A_487, %roll3A_489 : vector<8x1xf32>
      %broadcast_in_dim3A_491 = vector.shape_cast %add3A_490 : vector<8x1xf32> to vector<8x1xf32>
      %broadcast_in_dim3A_492 = vector.broadcast %broadcast_in_dim3A_491 : vector<8x1xf32> to vector<8x128xf32>
      %add3A_493 = arith.addf %select_n3A_268, %select_n3A_296 : vector<8x128xf32>
      %add3A_494 = arith.addf %select_n3A_324, %select_n3A_352 : vector<8x128xf32>
      %add3A_495 = arith.addf %select_n3A_380, %select_n3A_408 : vector<8x128xf32>
      %add3A_496 = arith.addf %select_n3A_436, %select_n3A_464 : vector<8x128xf32>
      %add3A_497 = arith.addf %add3A_493, %add3A_494 : vector<8x128xf32>
      %add3A_498 = arith.addf %add3A_495, %add3A_496 : vector<8x128xf32>
      %add3A_499 = arith.addf %add3A_497, %add3A_498 : vector<8x128xf32>
      %reduce_sum3A_500 = arith.constant dense<0.000000e+00> : vector<8xf32>
      %reduce_sum3A_501 = vector.multi_reduction <add>, %add3A_499, %reduce_sum3A_500 [1] : vector<8x128xf32> to vector<8xf32>
      %broadcast_in_dim3A_502 = vector.shape_cast %reduce_sum3A_501 : vector<8xf32> to vector<8x1xf32>
      %roll3A_503 = arith.constant 4 : i32
      %roll3A_504 = tpu.dynamic_rotate %broadcast_in_dim3A_502 by %roll3A_503 dim 0 : vector<8x1xf32>, i32 -> vector<8x1xf32>
      %add3A_505 = arith.addf %broadcast_in_dim3A_502, %roll3A_504 : vector<8x1xf32>
      %roll3A_506 = arith.constant 2 : i32
      %roll3A_507 = tpu.dynamic_rotate %add3A_505 by %roll3A_506 dim 0 : vector<8x1xf32>, i32 -> vector<8x1xf32>
      %add3A_508 = arith.addf %add3A_505, %roll3A_507 : vector<8x1xf32>
      %roll3A_509 = arith.constant 1 : i32
      %roll3A_510 = tpu.dynamic_rotate %add3A_508 by %roll3A_509 dim 0 : vector<8x1xf32>, i32 -> vector<8x1xf32>
      %add3A_511 = arith.addf %add3A_508, %roll3A_510 : vector<8x1xf32>
      %broadcast_in_dim3A_512 = vector.shape_cast %add3A_511 : vector<8x1xf32> to vector<8x1xf32>
      %broadcast_in_dim3A_513 = vector.broadcast %broadcast_in_dim3A_512 : vector<8x1xf32> to vector<8x128xf32>
      %add3A_514 = arith.addf %select_n3A_277, %select_n3A_305 : vector<8x128xf32>
      %add3A_515 = arith.addf %select_n3A_333, %select_n3A_361 : vector<8x128xf32>
      %add3A_516 = arith.addf %select_n3A_389, %select_n3A_417 : vector<8x128xf32>
      %add3A_517 = arith.addf %select_n3A_445, %select_n3A_473 : vector<8x128xf32>
      %add3A_518 = arith.addf %add3A_514, %add3A_515 : vector<8x128xf32>
      %add3A_519 = arith.addf %add3A_516, %add3A_517 : vector<8x128xf32>
      %add3A_520 = arith.addf %add3A_518, %add3A_519 : vector<8x128xf32>
      %reduce_sum3A_521 = arith.constant dense<0.000000e+00> : vector<8xf32>
      %reduce_sum3A_522 = vector.multi_reduction <add>, %add3A_520, %reduce_sum3A_521 [1] : vector<8x128xf32> to vector<8xf32>
      %broadcast_in_dim3A_523 = vector.shape_cast %reduce_sum3A_522 : vector<8xf32> to vector<8x1xf32>
      %roll3A_524 = arith.constant 4 : i32
      %roll3A_525 = tpu.dynamic_rotate %broadcast_in_dim3A_523 by %roll3A_524 dim 0 : vector<8x1xf32>, i32 -> vector<8x1xf32>
      %add3A_526 = arith.addf %broadcast_in_dim3A_523, %roll3A_525 : vector<8x1xf32>
      %roll3A_527 = arith.constant 2 : i32
      %roll3A_528 = tpu.dynamic_rotate %add3A_526 by %roll3A_527 dim 0 : vector<8x1xf32>, i32 -> vector<8x1xf32>
      %add3A_529 = arith.addf %add3A_526, %roll3A_528 : vector<8x1xf32>
      %roll3A_530 = arith.constant 1 : i32
      %roll3A_531 = tpu.dynamic_rotate %add3A_529 by %roll3A_530 dim 0 : vector<8x1xf32>, i32 -> vector<8x1xf32>
      %add3A_532 = arith.addf %add3A_529, %roll3A_531 : vector<8x1xf32>
      %broadcast_in_dim3A_533 = vector.shape_cast %add3A_532 : vector<8x1xf32> to vector<8x1xf32>
      %broadcast_in_dim3A_534 = vector.broadcast %broadcast_in_dim3A_533 : vector<8x1xf32> to vector<8x128xf32>
      %convert_element_type3A_535 = arith.fptosi %scan3A_232 : vector<8x128xf32> to vector<8x128xi32>
      %select_n3A_536 = arith.select %eq3A_252, %convert_element_type3A_535, %scan3A_236 : vector<8x128xi1>, vector<8x128xi32>
      %select_n3A_537 = arith.select %eq3A_252, %broadcast_in_dim3A_492, %scan3A_240 : vector<8x128xi1>, vector<8x128xf32>
      %select_n3A_538 = arith.select %eq3A_252, %broadcast_in_dim3A_513, %scan3A_244 : vector<8x128xi1>, vector<8x128xf32>
      %select_n3A_539 = arith.select %eq3A_252, %broadcast_in_dim3A_534, %scan3A_248 : vector<8x128xi1>, vector<8x128xf32>
      %get3A_540 = arith.constant 0 : index
      %get3A_541 = arith.constant 0 : index
      %get3A_542 = arith.constant 0 : index
      %get3A_543 = arith.constant 0 : index
      %get3A_544 = vector.load %arg0[%get3A_540, %get3A_541, %get3A_542, %get3A_543] : memref<4x3x64x128xf32, #tpu.memory_space<vmem>>, vector<1x1x8x128xf32>
      %get3A_545 = vector.shape_cast %get3A_544 : vector<1x1x8x128xf32> to vector<8x128xf32>
      %sub3A = arith.subf %get3A_545, %broadcast_in_dim3A_492 : vector<8x128xf32>
      %get3A_546 = arith.constant 0 : index
      %get3A_547 = arith.constant 1 : index
      %get3A_548 = arith.constant 0 : index
      %get3A_549 = arith.constant 0 : index
      %get3A_550 = vector.load %arg0[%get3A_546, %get3A_547, %get3A_548, %get3A_549] : memref<4x3x64x128xf32, #tpu.memory_space<vmem>>, vector<1x1x8x128xf32>
      %get3A_551 = vector.shape_cast %get3A_550 : vector<1x1x8x128xf32> to vector<8x128xf32>
      %sub3A_552 = arith.subf %get3A_551, %broadcast_in_dim3A_513 : vector<8x128xf32>
      %get3A_553 = arith.constant 0 : index
      %get3A_554 = arith.constant 2 : index
      %get3A_555 = arith.constant 0 : index
      %get3A_556 = arith.constant 0 : index
      %get3A_557 = vector.load %arg0[%get3A_553, %get3A_554, %get3A_555, %get3A_556] : memref<4x3x64x128xf32, #tpu.memory_space<vmem>>, vector<1x1x8x128xf32>
      %get3A_558 = vector.shape_cast %get3A_557 : vector<1x1x8x128xf32> to vector<8x128xf32>
      %sub3A_559 = arith.subf %get3A_558, %broadcast_in_dim3A_534 : vector<8x128xf32>
      %mul3A_560 = arith.mulf %sub3A, %sub3A : vector<8x128xf32>
      %mul3A_561 = arith.mulf %sub3A_552, %sub3A_552 : vector<8x128xf32>
      %add3A_562 = arith.addf %mul3A_560, %mul3A_561 : vector<8x128xf32>
      %mul3A_563 = arith.mulf %sub3A_559, %sub3A_559 : vector<8x128xf32>
      %add3A_564 = arith.addf %add3A_562, %mul3A_563 : vector<8x128xf32>
      %get3A_565 = arith.constant 0 : index
      %get3A_566 = arith.constant 0 : index
      %get3A_567 = arith.constant 0 : index
      %get3A_568 = vector.load %arg3[%get3A_565, %get3A_566, %get3A_567] : memref<4x64x128xf32, #tpu.memory_space<vmem>>, vector<1x8x128xf32>
      %get3A_569 = vector.shape_cast %get3A_568 : vector<1x8x128xf32> to vector<8x128xf32>
      %min3A = arith.minimumf %get3A_569, %add3A_564 : vector<8x128xf32>
      %swap3A_570 = arith.constant 0 : index
      %swap3A_571 = arith.constant 0 : index
      %swap3A_572 = arith.constant 0 : index
      %swap3A_573 = vector.load %arg3[%swap3A_570, %swap3A_571, %swap3A_572] : memref<4x64x128xf32, #tpu.memory_space<vmem>>, vector<1x8x128xf32>
      %swap3A_574 = vector.shape_cast %swap3A_573 : vector<1x8x128xf32> to vector<8x128xf32>
      %swap3A_575 = vector.shape_cast %min3A : vector<8x128xf32> to vector<1x8x128xf32>
      tpu.vector_store %arg3[%swap3A_570, %swap3A_571, %swap3A_572], %swap3A_575 {strides = array<i32>} : memref<4x64x128xf32, #tpu.memory_space<vmem>>, vector<1x8x128xf32>,
      %get3A_576 = arith.constant 0 : index
      %get3A_577 = arith.constant 0 : index
      %get3A_578 = arith.constant 8 : index
      %get3A_579 = arith.constant 0 : index
      %get3A_580 = vector.load %arg0[%get3A_576, %get3A_577, %get3A_578, %get3A_579] : memref<4x3x64x128xf32, #tpu.memory_space<vmem>>, vector<1x1x8x128xf32>
      %get3A_581 = vector.shape_cast %get3A_580 : vector<1x1x8x128xf32> to vector<8x128xf32>
      %sub3A_582 = arith.subf %get3A_581, %broadcast_in_dim3A_492 : vector<8x128xf32>
      %get3A_583 = arith.constant 0 : index
      %get3A_584 = arith.constant 1 : index
      %get3A_585 = arith.constant 8 : index
      %get3A_586 = arith.constant 0 : index
      %get3A_587 = vector.load %arg0[%get3A_583, %get3A_584, %get3A_585, %get3A_586] : memref<4x3x64x128xf32, #tpu.memory_space<vmem>>, vector<1x1x8x128xf32>
      %get3A_588 = vector.shape_cast %get3A_587 : vector<1x1x8x128xf32> to vector<8x128xf32>
      %sub3A_589 = arith.subf %get3A_588, %broadcast_in_dim3A_513 : vector<8x128xf32>
      %get3A_590 = arith.constant 0 : index
      %get3A_591 = arith.constant 2 : index
      %get3A_592 = arith.constant 8 : index
      %get3A_593 = arith.constant 0 : index
      %get3A_594 = vector.load %arg0[%get3A_590, %get3A_591, %get3A_592, %get3A_593] : memref<4x3x64x128xf32, #tpu.memory_space<vmem>>, vector<1x1x8x128xf32>
      %get3A_595 = vector.shape_cast %get3A_594 : vector<1x1x8x128xf32> to vector<8x128xf32>
      %sub3A_596 = arith.subf %get3A_595, %broadcast_in_dim3A_534 : vector<8x128xf32>
      %mul3A_597 = arith.mulf %sub3A_582, %sub3A_582 : vector<8x128xf32>
      %mul3A_598 = arith.mulf %sub3A_589, %sub3A_589 : vector<8x128xf32>
      %add3A_599 = arith.addf %mul3A_597, %mul3A_598 : vector<8x128xf32>
      %mul3A_600 = arith.mulf %sub3A_596, %sub3A_596 : vector<8x128xf32>
      %add3A_601 = arith.addf %add3A_599, %mul3A_600 : vector<8x128xf32>
      %get3A_602 = arith.constant 0 : index
      %get3A_603 = arith.constant 8 : index
      %get3A_604 = arith.constant 0 : index
      %get3A_605 = vector.load %arg3[%get3A_602, %get3A_603, %get3A_604] : memref<4x64x128xf32, #tpu.memory_space<vmem>>, vector<1x8x128xf32>
      %get3A_606 = vector.shape_cast %get3A_605 : vector<1x8x128xf32> to vector<8x128xf32>
      %min3A_607 = arith.minimumf %get3A_606, %add3A_601 : vector<8x128xf32>
      %swap3A_608 = arith.constant 0 : index
      %swap3A_609 = arith.constant 8 : index
      %swap3A_610 = arith.constant 0 : index
      %swap3A_611 = vector.load %arg3[%swap3A_608, %swap3A_609, %swap3A_610] : memref<4x64x128xf32, #tpu.memory_space<vmem>>, vector<1x8x128xf32>
      %swap3A_612 = vector.shape_cast %swap3A_611 : vector<1x8x128xf32> to vector<8x128xf32>
      %swap3A_613 = vector.shape_cast %min3A_607 : vector<8x128xf32> to vector<1x8x128xf32>
      tpu.vector_store %arg3[%swap3A_608, %swap3A_609, %swap3A_610], %swap3A_613 {strides = array<i32>} : memref<4x64x128xf32, #tpu.memory_space<vmem>>, vector<1x8x128xf32>,
      %get3A_614 = arith.constant 0 : index
      %get3A_615 = arith.constant 0 : index
      %get3A_616 = arith.constant 16 : index
      %get3A_617 = arith.constant 0 : index
      %get3A_618 = vector.load %arg0[%get3A_614, %get3A_615, %get3A_616, %get3A_617] : memref<4x3x64x128xf32, #tpu.memory_space<vmem>>, vector<1x1x8x128xf32>
      %get3A_619 = vector.shape_cast %get3A_618 : vector<1x1x8x128xf32> to vector<8x128xf32>
      %sub3A_620 = arith.subf %get3A_619, %broadcast_in_dim3A_492 : vector<8x128xf32>
      %get3A_621 = arith.constant 0 : index
      %get3A_622 = arith.constant 1 : index
      %get3A_623 = arith.constant 16 : index
      %get3A_624 = arith.constant 0 : index
      %get3A_625 = vector.load %arg0[%get3A_621, %get3A_622, %get3A_623, %get3A_624] : memref<4x3x64x128xf32, #tpu.memory_space<vmem>>, vector<1x1x8x128xf32>
      %get3A_626 = vector.shape_cast %get3A_625 : vector<1x1x8x128xf32> to vector<8x128xf32>
      %sub3A_627 = arith.subf %get3A_626, %broadcast_in_dim3A_513 : vector<8x128xf32>
      %get3A_628 = arith.constant 0 : index
      %get3A_629 = arith.constant 2 : index
      %get3A_630 = arith.constant 16 : index
      %get3A_631 = arith.constant 0 : index
      %get3A_632 = vector.load %arg0[%get3A_628, %get3A_629, %get3A_630, %get3A_631] : memref<4x3x64x128xf32, #tpu.memory_space<vmem>>, vector<1x1x8x128xf32>
      %get3A_633 = vector.shape_cast %get3A_632 : vector<1x1x8x128xf32> to vector<8x128xf32>
      %sub3A_634 = arith.subf %get3A_633, %broadcast_in_dim3A_534 : vector<8x128xf32>
      %mul3A_635 = arith.mulf %sub3A_620, %sub3A_620 : vector<8x128xf32>
      %mul3A_636 = arith.mulf %sub3A_627, %sub3A_627 : vector<8x128xf32>
      %add3A_637 = arith.addf %mul3A_635, %mul3A_636 : vector<8x128xf32>
      %mul3A_638 = arith.mulf %sub3A_634, %sub3A_634 : vector<8x128xf32>
      %add3A_639 = arith.addf %add3A_637, %mul3A_638 : vector<8x128xf32>
      %get3A_640 = arith.constant 0 : index
      %get3A_641 = arith.constant 16 : index
      %get3A_642 = arith.constant 0 : index
      %get3A_643 = vector.load %arg3[%get3A_640, %get3A_641, %get3A_642] : memref<4x64x128xf32, #tpu.memory_space<vmem>>, vector<1x8x128xf32>
      %get3A_644 = vector.shape_cast %get3A_643 : vector<1x8x128xf32> to vector<8x128xf32>
      %min3A_645 = arith.minimumf %get3A_644, %add3A_639 : vector<8x128xf32>
      %swap3A_646 = arith.constant 0 : index
      %swap3A_647 = arith.constant 16 : index
      %swap3A_648 = arith.constant 0 : index
      %swap3A_649 = vector.load %arg3[%swap3A_646, %swap3A_647, %swap3A_648] : memref<4x64x128xf32, #tpu.memory_space<vmem>>, vector<1x8x128xf32>
      %swap3A_650 = vector.shape_cast %swap3A_649 : vector<1x8x128xf32> to vector<8x128xf32>
      %swap3A_651 = vector.shape_cast %min3A_645 : vector<8x128xf32> to vector<1x8x128xf32>
      tpu.vector_store %arg3[%swap3A_646, %swap3A_647, %swap3A_648], %swap3A_651 {strides = array<i32>} : memref<4x64x128xf32, #tpu.memory_space<vmem>>, vector<1x8x128xf32>,
      %get3A_652 = arith.constant 0 : index
      %get3A_653 = arith.constant 0 : index
      %get3A_654 = arith.constant 24 : index
      %get3A_655 = arith.constant 0 : index
      %get3A_656 = vector.load %arg0[%get3A_652, %get3A_653, %get3A_654, %get3A_655] : memref<4x3x64x128xf32, #tpu.memory_space<vmem>>, vector<1x1x8x128xf32>
      %get3A_657 = vector.shape_cast %get3A_656 : vector<1x1x8x128xf32> to vector<8x128xf32>
      %sub3A_658 = arith.subf %get3A_657, %broadcast_in_dim3A_492 : vector<8x128xf32>
      %get3A_659 = arith.constant 0 : index
      %get3A_660 = arith.constant 1 : index
      %get3A_661 = arith.constant 24 : index
      %get3A_662 = arith.constant 0 : index
      %get3A_663 = vector.load %arg0[%get3A_659, %get3A_660, %get3A_661, %get3A_662] : memref<4x3x64x128xf32, #tpu.memory_space<vmem>>, vector<1x1x8x128xf32>
      %get3A_664 = vector.shape_cast %get3A_663 : vector<1x1x8x128xf32> to vector<8x128xf32>
      %sub3A_665 = arith.subf %get3A_664, %broadcast_in_dim3A_513 : vector<8x128xf32>
      %get3A_666 = arith.constant 0 : index
      %get3A_667 = arith.constant 2 : index
      %get3A_668 = arith.constant 24 : index
      %get3A_669 = arith.constant 0 : index
      %get3A_670 = vector.load %arg0[%get3A_666, %get3A_667, %get3A_668, %get3A_669] : memref<4x3x64x128xf32, #tpu.memory_space<vmem>>, vector<1x1x8x128xf32>
      %get3A_671 = vector.shape_cast %get3A_670 : vector<1x1x8x128xf32> to vector<8x128xf32>
      %sub3A_672 = arith.subf %get3A_671, %broadcast_in_dim3A_534 : vector<8x128xf32>
      %mul3A_673 = arith.mulf %sub3A_658, %sub3A_658 : vector<8x128xf32>
      %mul3A_674 = arith.mulf %sub3A_665, %sub3A_665 : vector<8x128xf32>
      %add3A_675 = arith.addf %mul3A_673, %mul3A_674 : vector<8x128xf32>
      %mul3A_676 = arith.mulf %sub3A_672, %sub3A_672 : vector<8x128xf32>
      %add3A_677 = arith.addf %add3A_675, %mul3A_676 : vector<8x128xf32>
      %get3A_678 = arith.constant 0 : index
      %get3A_679 = arith.constant 24 : index
      %get3A_680 = arith.constant 0 : index
      %get3A_681 = vector.load %arg3[%get3A_678, %get3A_679, %get3A_680] : memref<4x64x128xf32, #tpu.memory_space<vmem>>, vector<1x8x128xf32>
      %get3A_682 = vector.shape_cast %get3A_681 : vector<1x8x128xf32> to vector<8x128xf32>
      %min3A_683 = arith.minimumf %get3A_682, %add3A_677 : vector<8x128xf32>
      %swap3A_684 = arith.constant 0 : index
      %swap3A_685 = arith.constant 24 : index
      %swap3A_686 = arith.constant 0 : index
      %swap3A_687 = vector.load %arg3[%swap3A_684, %swap3A_685, %swap3A_686] : memref<4x64x128xf32, #tpu.memory_space<vmem>>, vector<1x8x128xf32>
      %swap3A_688 = vector.shape_cast %swap3A_687 : vector<1x8x128xf32> to vector<8x128xf32>
      %swap3A_689 = vector.shape_cast %min3A_683 : vector<8x128xf32> to vector<1x8x128xf32>
      tpu.vector_store %arg3[%swap3A_684, %swap3A_685, %swap3A_686], %swap3A_689 {strides = array<i32>} : memref<4x64x128xf32, #tpu.memory_space<vmem>>, vector<1x8x128xf32>,
      %get3A_690 = arith.constant 0 : index
      %get3A_691 = arith.constant 0 : index
      %get3A_692 = arith.constant 32 : index
      %get3A_693 = arith.constant 0 : index
      %get3A_694 = vector.load %arg0[%get3A_690, %get3A_691, %get3A_692, %get3A_693] : memref<4x3x64x128xf32, #tpu.memory_space<vmem>>, vector<1x1x8x128xf32>
      %get3A_695 = vector.shape_cast %get3A_694 : vector<1x1x8x128xf32> to vector<8x128xf32>
      %sub3A_696 = arith.subf %get3A_695, %broadcast_in_dim3A_492 : vector<8x128xf32>
      %get3A_697 = arith.constant 0 : index
      %get3A_698 = arith.constant 1 : index
      %get3A_699 = arith.constant 32 : index
      %get3A_700 = arith.constant 0 : index
      %get3A_701 = vector.load %arg0[%get3A_697, %get3A_698, %get3A_699, %get3A_700] : memref<4x3x64x128xf32, #tpu.memory_space<vmem>>, vector<1x1x8x128xf32>
      %get3A_702 = vector.shape_cast %get3A_701 : vector<1x1x8x128xf32> to vector<8x128xf32>
      %sub3A_703 = arith.subf %get3A_702, %broadcast_in_dim3A_513 : vector<8x128xf32>
      %get3A_704 = arith.constant 0 : index
      %get3A_705 = arith.constant 2 : index
      %get3A_706 = arith.constant 32 : index
      %get3A_707 = arith.constant 0 : index
      %get3A_708 = vector.load %arg0[%get3A_704, %get3A_705, %get3A_706, %get3A_707] : memref<4x3x64x128xf32, #tpu.memory_space<vmem>>, vector<1x1x8x128xf32>
      %get3A_709 = vector.shape_cast %get3A_708 : vector<1x1x8x128xf32> to vector<8x128xf32>
      %sub3A_710 = arith.subf %get3A_709, %broadcast_in_dim3A_534 : vector<8x128xf32>
      %mul3A_711 = arith.mulf %sub3A_696, %sub3A_696 : vector<8x128xf32>
      %mul3A_712 = arith.mulf %sub3A_703, %sub3A_703 : vector<8x128xf32>
      %add3A_713 = arith.addf %mul3A_711, %mul3A_712 : vector<8x128xf32>
      %mul3A_714 = arith.mulf %sub3A_710, %sub3A_710 : vector<8x128xf32>
      %add3A_715 = arith.addf %add3A_713, %mul3A_714 : vector<8x128xf32>
      %get3A_716 = arith.constant 0 : index
      %get3A_717 = arith.constant 32 : index
      %get3A_718 = arith.constant 0 : index
      %get3A_719 = vector.load %arg3[%get3A_716, %get3A_717, %get3A_718] : memref<4x64x128xf32, #tpu.memory_space<vmem>>, vector<1x8x128xf32>
      %get3A_720 = vector.shape_cast %get3A_719 : vector<1x8x128xf32> to vector<8x128xf32>
      %min3A_721 = arith.minimumf %get3A_720, %add3A_715 : vector<8x128xf32>
      %swap3A_722 = arith.constant 0 : index
      %swap3A_723 = arith.constant 32 : index
      %swap3A_724 = arith.constant 0 : index
      %swap3A_725 = vector.load %arg3[%swap3A_722, %swap3A_723, %swap3A_724] : memref<4x64x128xf32, #tpu.memory_space<vmem>>, vector<1x8x128xf32>
      %swap3A_726 = vector.shape_cast %swap3A_725 : vector<1x8x128xf32> to vector<8x128xf32>
      %swap3A_727 = vector.shape_cast %min3A_721 : vector<8x128xf32> to vector<1x8x128xf32>
      tpu.vector_store %arg3[%swap3A_722, %swap3A_723, %swap3A_724], %swap3A_727 {strides = array<i32>} : memref<4x64x128xf32, #tpu.memory_space<vmem>>, vector<1x8x128xf32>,
      %get3A_728 = arith.constant 0 : index
      %get3A_729 = arith.constant 0 : index
      %get3A_730 = arith.constant 40 : index
      %get3A_731 = arith.constant 0 : index
      %get3A_732 = vector.load %arg0[%get3A_728, %get3A_729, %get3A_730, %get3A_731] : memref<4x3x64x128xf32, #tpu.memory_space<vmem>>, vector<1x1x8x128xf32>
      %get3A_733 = vector.shape_cast %get3A_732 : vector<1x1x8x128xf32> to vector<8x128xf32>
      %sub3A_734 = arith.subf %get3A_733, %broadcast_in_dim3A_492 : vector<8x128xf32>
      %get3A_735 = arith.constant 0 : index
      %get3A_736 = arith.constant 1 : index
      %get3A_737 = arith.constant 40 : index
      %get3A_738 = arith.constant 0 : index
      %get3A_739 = vector.load %arg0[%get3A_735, %get3A_736, %get3A_737, %get3A_738] : memref<4x3x64x128xf32, #tpu.memory_space<vmem>>, vector<1x1x8x128xf32>
      %get3A_740 = vector.shape_cast %get3A_739 : vector<1x1x8x128xf32> to vector<8x128xf32>
      %sub3A_741 = arith.subf %get3A_740, %broadcast_in_dim3A_513 : vector<8x128xf32>
      %get3A_742 = arith.constant 0 : index
      %get3A_743 = arith.constant 2 : index
      %get3A_744 = arith.constant 40 : index
      %get3A_745 = arith.constant 0 : index
      %get3A_746 = vector.load %arg0[%get3A_742, %get3A_743, %get3A_744, %get3A_745] : memref<4x3x64x128xf32, #tpu.memory_space<vmem>>, vector<1x1x8x128xf32>
      %get3A_747 = vector.shape_cast %get3A_746 : vector<1x1x8x128xf32> to vector<8x128xf32>
      %sub3A_748 = arith.subf %get3A_747, %broadcast_in_dim3A_534 : vector<8x128xf32>
      %mul3A_749 = arith.mulf %sub3A_734, %sub3A_734 : vector<8x128xf32>
      %mul3A_750 = arith.mulf %sub3A_741, %sub3A_741 : vector<8x128xf32>
      %add3A_751 = arith.addf %mul3A_749, %mul3A_750 : vector<8x128xf32>
      %mul3A_752 = arith.mulf %sub3A_748, %sub3A_748 : vector<8x128xf32>
      %add3A_753 = arith.addf %add3A_751, %mul3A_752 : vector<8x128xf32>
      %get3A_754 = arith.constant 0 : index
      %get3A_755 = arith.constant 40 : index
      %get3A_756 = arith.constant 0 : index
      %get3A_757 = vector.load %arg3[%get3A_754, %get3A_755, %get3A_756] : memref<4x64x128xf32, #tpu.memory_space<vmem>>, vector<1x8x128xf32>
      %get3A_758 = vector.shape_cast %get3A_757 : vector<1x8x128xf32> to vector<8x128xf32>
      %min3A_759 = arith.minimumf %get3A_758, %add3A_753 : vector<8x128xf32>
      %swap3A_760 = arith.constant 0 : index
      %swap3A_761 = arith.constant 40 : index
      %swap3A_762 = arith.constant 0 : index
      %swap3A_763 = vector.load %arg3[%swap3A_760, %swap3A_761, %swap3A_762] : memref<4x64x128xf32, #tpu.memory_space<vmem>>, vector<1x8x128xf32>
      %swap3A_764 = vector.shape_cast %swap3A_763 : vector<1x8x128xf32> to vector<8x128xf32>
      %swap3A_765 = vector.shape_cast %min3A_759 : vector<8x128xf32> to vector<1x8x128xf32>
      tpu.vector_store %arg3[%swap3A_760, %swap3A_761, %swap3A_762], %swap3A_765 {strides = array<i32>} : memref<4x64x128xf32, #tpu.memory_space<vmem>>, vector<1x8x128xf32>,
      %get3A_766 = arith.constant 0 : index
      %get3A_767 = arith.constant 0 : index
      %get3A_768 = arith.constant 48 : index
      %get3A_769 = arith.constant 0 : index
      %get3A_770 = vector.load %arg0[%get3A_766, %get3A_767, %get3A_768, %get3A_769] : memref<4x3x64x128xf32, #tpu.memory_space<vmem>>, vector<1x1x8x128xf32>
      %get3A_771 = vector.shape_cast %get3A_770 : vector<1x1x8x128xf32> to vector<8x128xf32>
      %sub3A_772 = arith.subf %get3A_771, %broadcast_in_dim3A_492 : vector<8x128xf32>
      %get3A_773 = arith.constant 0 : index
      %get3A_774 = arith.constant 1 : index
      %get3A_775 = arith.constant 48 : index
      %get3A_776 = arith.constant 0 : index
      %get3A_777 = vector.load %arg0[%get3A_773, %get3A_774, %get3A_775, %get3A_776] : memref<4x3x64x128xf32, #tpu.memory_space<vmem>>, vector<1x1x8x128xf32>
      %get3A_778 = vector.shape_cast %get3A_777 : vector<1x1x8x128xf32> to vector<8x128xf32>
      %sub3A_779 = arith.subf %get3A_778, %broadcast_in_dim3A_513 : vector<8x128xf32>
      %get3A_780 = arith.constant 0 : index
      %get3A_781 = arith.constant 2 : index
      %get3A_782 = arith.constant 48 : index
      %get3A_783 = arith.constant 0 : index
      %get3A_784 = vector.load %arg0[%get3A_780, %get3A_781, %get3A_782, %get3A_783] : memref<4x3x64x128xf32, #tpu.memory_space<vmem>>, vector<1x1x8x128xf32>
      %get3A_785 = vector.shape_cast %get3A_784 : vector<1x1x8x128xf32> to vector<8x128xf32>
      %sub3A_786 = arith.subf %get3A_785, %broadcast_in_dim3A_534 : vector<8x128xf32>
      %mul3A_787 = arith.mulf %sub3A_772, %sub3A_772 : vector<8x128xf32>
      %mul3A_788 = arith.mulf %sub3A_779, %sub3A_779 : vector<8x128xf32>
      %add3A_789 = arith.addf %mul3A_787, %mul3A_788 : vector<8x128xf32>
      %mul3A_790 = arith.mulf %sub3A_786, %sub3A_786 : vector<8x128xf32>
      %add3A_791 = arith.addf %add3A_789, %mul3A_790 : vector<8x128xf32>
      %get3A_792 = arith.constant 0 : index
      %get3A_793 = arith.constant 48 : index
      %get3A_794 = arith.constant 0 : index
      %get3A_795 = vector.load %arg3[%get3A_792, %get3A_793, %get3A_794] : memref<4x64x128xf32, #tpu.memory_space<vmem>>, vector<1x8x128xf32>
      %get3A_796 = vector.shape_cast %get3A_795 : vector<1x8x128xf32> to vector<8x128xf32>
      %min3A_797 = arith.minimumf %get3A_796, %add3A_791 : vector<8x128xf32>
      %swap3A_798 = arith.constant 0 : index
      %swap3A_799 = arith.constant 48 : index
      %swap3A_800 = arith.constant 0 : index
      %swap3A_801 = vector.load %arg3[%swap3A_798, %swap3A_799, %swap3A_800] : memref<4x64x128xf32, #tpu.memory_space<vmem>>, vector<1x8x128xf32>
      %swap3A_802 = vector.shape_cast %swap3A_801 : vector<1x8x128xf32> to vector<8x128xf32>
      %swap3A_803 = vector.shape_cast %min3A_797 : vector<8x128xf32> to vector<1x8x128xf32>
      tpu.vector_store %arg3[%swap3A_798, %swap3A_799, %swap3A_800], %swap3A_803 {strides = array<i32>} : memref<4x64x128xf32, #tpu.memory_space<vmem>>, vector<1x8x128xf32>,
      %get3A_804 = arith.constant 0 : index
      %get3A_805 = arith.constant 0 : index
      %get3A_806 = arith.constant 56 : index
      %get3A_807 = arith.constant 0 : index
      %get3A_808 = vector.load %arg0[%get3A_804, %get3A_805, %get3A_806, %get3A_807] : memref<4x3x64x128xf32, #tpu.memory_space<vmem>>, vector<1x1x8x128xf32>
      %get3A_809 = vector.shape_cast %get3A_808 : vector<1x1x8x128xf32> to vector<8x128xf32>
      %sub3A_810 = arith.subf %get3A_809, %broadcast_in_dim3A_492 : vector<8x128xf32>
      %get3A_811 = arith.constant 0 : index
      %get3A_812 = arith.constant 1 : index
      %get3A_813 = arith.constant 56 : index
      %get3A_814 = arith.constant 0 : index
      %get3A_815 = vector.load %arg0[%get3A_811, %get3A_812, %get3A_813, %get3A_814] : memref<4x3x64x128xf32, #tpu.memory_space<vmem>>, vector<1x1x8x128xf32>
      %get3A_816 = vector.shape_cast %get3A_815 : vector<1x1x8x128xf32> to vector<8x128xf32>
      %sub3A_817 = arith.subf %get3A_816, %broadcast_in_dim3A_513 : vector<8x128xf32>
      %get3A_818 = arith.constant 0 : index
      %get3A_819 = arith.constant 2 : index
      %get3A_820 = arith.constant 56 : index
      %get3A_821 = arith.constant 0 : index
      %get3A_822 = vector.load %arg0[%get3A_818, %get3A_819, %get3A_820, %get3A_821] : memref<4x3x64x128xf32, #tpu.memory_space<vmem>>, vector<1x1x8x128xf32>
      %get3A_823 = vector.shape_cast %get3A_822 : vector<1x1x8x128xf32> to vector<8x128xf32>
      %sub3A_824 = arith.subf %get3A_823, %broadcast_in_dim3A_534 : vector<8x128xf32>
      %mul3A_825 = arith.mulf %sub3A_810, %sub3A_810 : vector<8x128xf32>
      %mul3A_826 = arith.mulf %sub3A_817, %sub3A_817 : vector<8x128xf32>
      %add3A_827 = arith.addf %mul3A_825, %mul3A_826 : vector<8x128xf32>
      %mul3A_828 = arith.mulf %sub3A_824, %sub3A_824 : vector<8x128xf32>
      %add3A_829 = arith.addf %add3A_827, %mul3A_828 : vector<8x128xf32>
      %get3A_830 = arith.constant 0 : index
      %get3A_831 = arith.constant 56 : index
      %get3A_832 = arith.constant 0 : index
      %get3A_833 = vector.load %arg3[%get3A_830, %get3A_831, %get3A_832] : memref<4x64x128xf32, #tpu.memory_space<vmem>>, vector<1x8x128xf32>
      %get3A_834 = vector.shape_cast %get3A_833 : vector<1x8x128xf32> to vector<8x128xf32>
      %min3A_835 = arith.minimumf %get3A_834, %add3A_829 : vector<8x128xf32>
      %swap3A_836 = arith.constant 0 : index
      %swap3A_837 = arith.constant 56 : index
      %swap3A_838 = arith.constant 0 : index
      %swap3A_839 = vector.load %arg3[%swap3A_836, %swap3A_837, %swap3A_838] : memref<4x64x128xf32, #tpu.memory_space<vmem>>, vector<1x8x128xf32>
      %swap3A_840 = vector.shape_cast %swap3A_839 : vector<1x8x128xf32> to vector<8x128xf32>
      %swap3A_841 = vector.shape_cast %min3A_835 : vector<8x128xf32> to vector<1x8x128xf32>
      tpu.vector_store %arg3[%swap3A_836, %swap3A_837, %swap3A_838], %swap3A_841 {strides = array<i32>} : memref<4x64x128xf32, #tpu.memory_space<vmem>>, vector<1x8x128xf32>,
      %max3A = arith.maximumf %min3A, %min3A_607 : vector<8x128xf32>
      %max3A_842 = arith.maximumf %min3A_645, %min3A_683 : vector<8x128xf32>
      %max3A_843 = arith.maximumf %min3A_721, %min3A_759 : vector<8x128xf32>
      %max3A_844 = arith.maximumf %min3A_797, %min3A_835 : vector<8x128xf32>
      %max3A_845 = arith.maximumf %max3A, %max3A_842 : vector<8x128xf32>
      %max3A_846 = arith.maximumf %max3A_843, %max3A_844 : vector<8x128xf32>
      %max3A_847 = arith.maximumf %max3A_845, %max3A_846 : vector<8x128xf32>
      %reduce_max3A = arith.constant dense<0xFF800000> : vector<8xf32>
      %reduce_max3A_848 = vector.multi_reduction <maximumf>, %max3A_847, %reduce_max3A [1] : vector<8x128xf32> to vector<8xf32>
      %broadcast_in_dim3A_849 = vector.shape_cast %reduce_max3A_848 : vector<8xf32> to vector<8x1xf32>
      %roll3A_850 = arith.constant 4 : i32
      %roll3A_851 = tpu.dynamic_rotate %broadcast_in_dim3A_849 by %roll3A_850 dim 0 : vector<8x1xf32>, i32 -> vector<8x1xf32>
      %max3A_852 = arith.maximumf %broadcast_in_dim3A_849, %roll3A_851 : vector<8x1xf32>
      %roll3A_853 = arith.constant 2 : i32
      %roll3A_854 = tpu.dynamic_rotate %max3A_852 by %roll3A_853 dim 0 : vector<8x1xf32>, i32 -> vector<8x1xf32>
      %max3A_855 = arith.maximumf %max3A_852, %roll3A_854 : vector<8x1xf32>
      %roll3A_856 = arith.constant 1 : i32
      %roll3A_857 = tpu.dynamic_rotate %max3A_855 by %roll3A_856 dim 0 : vector<8x1xf32>, i32 -> vector<8x1xf32>
      %max3A_858 = arith.maximumf %max3A_855, %roll3A_857 : vector<8x1xf32>
      %broadcast_in_dim3A_859 = vector.shape_cast %max3A_858 : vector<8x1xf32> to vector<8x1xf32>
      %broadcast_in_dim3A_860 = vector.broadcast %broadcast_in_dim3A_859 : vector<8x1xf32> to vector<8x128xf32>
      %get3A_861 = arith.constant 0 : index
      %get3A_862 = arith.constant 0 : index
      %get3A_863 = arith.constant 0 : index
      %get3A_864 = vector.load %arg3[%get3A_861, %get3A_862, %get3A_863] : memref<4x64x128xf32, #tpu.memory_space<vmem>>, vector<1x8x128xf32>
      %get3A_865 = vector.shape_cast %get3A_864 : vector<1x8x128xf32> to vector<8x128xf32>
      %eq3A_866 = arith.cmpf oeq, %get3A_865, %broadcast_in_dim3A_860 : vector<8x128xf32>
      %jit3A_867 = arith.constant 8.192000e+03 : f32
      %broadcast_in_dim3A_868 = vector.broadcast %jit3A_867 : f32 to vector<8x128xf32>
      %select_n3A_869 = arith.select %eq3A_866, %convert_element_type3A, %broadcast_in_dim3A_868 : vector<8x128xi1>, vector<8x128xf32>
      %get3A_870 = arith.constant 0 : index
      %get3A_871 = arith.constant 8 : index
      %get3A_872 = arith.constant 0 : index
      %get3A_873 = vector.load %arg3[%get3A_870, %get3A_871, %get3A_872] : memref<4x64x128xf32, #tpu.memory_space<vmem>>, vector<1x8x128xf32>
      %get3A_874 = vector.shape_cast %get3A_873 : vector<1x8x128xf32> to vector<8x128xf32>
      %eq3A_875 = arith.cmpf oeq, %get3A_874, %broadcast_in_dim3A_860 : vector<8x128xf32>
      %jit3A_876 = arith.constant 8.192000e+03 : f32
      %broadcast_in_dim3A_877 = vector.broadcast %jit3A_876 : f32 to vector<8x128xf32>
      %select_n3A_878 = arith.select %eq3A_875, %convert_element_type3A_75, %broadcast_in_dim3A_877 : vector<8x128xi1>, vector<8x128xf32>
      %get3A_879 = arith.constant 0 : index
      %get3A_880 = arith.constant 16 : index
      %get3A_881 = arith.constant 0 : index
      %get3A_882 = vector.load %arg3[%get3A_879, %get3A_880, %get3A_881] : memref<4x64x128xf32, #tpu.memory_space<vmem>>, vector<1x8x128xf32>
      %get3A_883 = vector.shape_cast %get3A_882 : vector<1x8x128xf32> to vector<8x128xf32>
      %eq3A_884 = arith.cmpf oeq, %get3A_883, %broadcast_in_dim3A_860 : vector<8x128xf32>
      %jit3A_885 = arith.constant 8.192000e+03 : f32
      %broadcast_in_dim3A_886 = vector.broadcast %jit3A_885 : f32 to vector<8x128xf32>
      %select_n3A_887 = arith.select %eq3A_884, %convert_element_type3A_76, %broadcast_in_dim3A_886 : vector<8x128xi1>, vector<8x128xf32>
      %get3A_888 = arith.constant 0 : index
      %get3A_889 = arith.constant 24 : index
      %get3A_890 = arith.constant 0 : index
      %get3A_891 = vector.load %arg3[%get3A_888, %get3A_889, %get3A_890] : memref<4x64x128xf32, #tpu.memory_space<vmem>>, vector<1x8x128xf32>
      %get3A_892 = vector.shape_cast %get3A_891 : vector<1x8x128xf32> to vector<8x128xf32>
      %eq3A_893 = arith.cmpf oeq, %get3A_892, %broadcast_in_dim3A_860 : vector<8x128xf32>
      %jit3A_894 = arith.constant 8.192000e+03 : f32
      %broadcast_in_dim3A_895 = vector.broadcast %jit3A_894 : f32 to vector<8x128xf32>
      %select_n3A_896 = arith.select %eq3A_893, %convert_element_type3A_77, %broadcast_in_dim3A_895 : vector<8x128xi1>, vector<8x128xf32>
      %get3A_897 = arith.constant 0 : index
      %get3A_898 = arith.constant 32 : index
      %get3A_899 = arith.constant 0 : index
      %get3A_900 = vector.load %arg3[%get3A_897, %get3A_898, %get3A_899] : memref<4x64x128xf32, #tpu.memory_space<vmem>>, vector<1x8x128xf32>
      %get3A_901 = vector.shape_cast %get3A_900 : vector<1x8x128xf32> to vector<8x128xf32>
      %eq3A_902 = arith.cmpf oeq, %get3A_901, %broadcast_in_dim3A_860 : vector<8x128xf32>
      %jit3A_903 = arith.constant 8.192000e+03 : f32
      %broadcast_in_dim3A_904 = vector.broadcast %jit3A_903 : f32 to vector<8x128xf32>
      %select_n3A_905 = arith.select %eq3A_902, %convert_element_type3A_78, %broadcast_in_dim3A_904 : vector<8x128xi1>, vector<8x128xf32>
      %get3A_906 = arith.constant 0 : index
      %get3A_907 = arith.constant 40 : index
      %get3A_908 = arith.constant 0 : index
      %get3A_909 = vector.load %arg3[%get3A_906, %get3A_907, %get3A_908] : memref<4x64x128xf32, #tpu.memory_space<vmem>>, vector<1x8x128xf32>
      %get3A_910 = vector.shape_cast %get3A_909 : vector<1x8x128xf32> to vector<8x128xf32>
      %eq3A_911 = arith.cmpf oeq, %get3A_910, %broadcast_in_dim3A_860 : vector<8x128xf32>
      %jit3A_912 = arith.constant 8.192000e+03 : f32
      %broadcast_in_dim3A_913 = vector.broadcast %jit3A_912 : f32 to vector<8x128xf32>
      %select_n3A_914 = arith.select %eq3A_911, %convert_element_type3A_79, %broadcast_in_dim3A_913 : vector<8x128xi1>, vector<8x128xf32>
      %get3A_915 = arith.constant 0 : index
      %get3A_916 = arith.constant 48 : index
      %get3A_917 = arith.constant 0 : index
      %get3A_918 = vector.load %arg3[%get3A_915, %get3A_916, %get3A_917] : memref<4x64x128xf32, #tpu.memory_space<vmem>>, vector<1x8x128xf32>
      %get3A_919 = vector.shape_cast %get3A_918 : vector<1x8x128xf32> to vector<8x128xf32>
      %eq3A_920 = arith.cmpf oeq, %get3A_919, %broadcast_in_dim3A_860 : vector<8x128xf32>
      %jit3A_921 = arith.constant 8.192000e+03 : f32
      %broadcast_in_dim3A_922 = vector.broadcast %jit3A_921 : f32 to vector<8x128xf32>
      %select_n3A_923 = arith.select %eq3A_920, %convert_element_type3A_80, %broadcast_in_dim3A_922 : vector<8x128xi1>, vector<8x128xf32>
      %get3A_924 = arith.constant 0 : index
      %get3A_925 = arith.constant 56 : index
      %get3A_926 = arith.constant 0 : index
      %get3A_927 = vector.load %arg3[%get3A_924, %get3A_925, %get3A_926] : memref<4x64x128xf32, #tpu.memory_space<vmem>>, vector<1x8x128xf32>
      %get3A_928 = vector.shape_cast %get3A_927 : vector<1x8x128xf32> to vector<8x128xf32>
      %eq3A_929 = arith.cmpf oeq, %get3A_928, %broadcast_in_dim3A_860 : vector<8x128xf32>
      %jit3A_930 = arith.constant 8.192000e+03 : f32
      %broadcast_in_dim3A_931 = vector.broadcast %jit3A_930 : f32 to vector<8x128xf32>
      %select_n3A_932 = arith.select %eq3A_929, %convert_element_type3A_81, %broadcast_in_dim3A_931 : vector<8x128xi1>, vector<8x128xf32>
      %min3A_933 = arith.minimumf %select_n3A_869, %select_n3A_878 : vector<8x128xf32>
      %min3A_934 = arith.minimumf %select_n3A_887, %select_n3A_896 : vector<8x128xf32>
      %min3A_935 = arith.minimumf %select_n3A_905, %select_n3A_914 : vector<8x128xf32>
      %min3A_936 = arith.minimumf %select_n3A_923, %select_n3A_932 : vector<8x128xf32>
      %min3A_937 = arith.minimumf %min3A_933, %min3A_934 : vector<8x128xf32>
      %min3A_938 = arith.minimumf %min3A_935, %min3A_936 : vector<8x128xf32>
      %min3A_939 = arith.minimumf %min3A_937, %min3A_938 : vector<8x128xf32>
      %reduce_min3A = arith.constant dense<0x7F800000> : vector<8xf32>
      %reduce_min3A_940 = vector.multi_reduction <minimumf>, %min3A_939, %reduce_min3A [1] : vector<8x128xf32> to vector<8xf32>
      %broadcast_in_dim3A_941 = vector.shape_cast %reduce_min3A_940 : vector<8xf32> to vector<8x1xf32>
      %roll3A_942 = arith.constant 4 : i32
      %roll3A_943 = tpu.dynamic_rotate %broadcast_in_dim3A_941 by %roll3A_942 dim 0 : vector<8x1xf32>, i32 -> vector<8x1xf32>
      %min3A_944 = arith.minimumf %broadcast_in_dim3A_941, %roll3A_943 : vector<8x1xf32>
      %roll3A_945 = arith.constant 2 : i32
      %roll3A_946 = tpu.dynamic_rotate %min3A_944 by %roll3A_945 dim 0 : vector<8x1xf32>, i32 -> vector<8x1xf32>
      %min3A_947 = arith.minimumf %min3A_944, %roll3A_946 : vector<8x1xf32>
      %roll3A_948 = arith.constant 1 : i32
      %roll3A_949 = tpu.dynamic_rotate %min3A_947 by %roll3A_948 dim 0 : vector<8x1xf32>, i32 -> vector<8x1xf32>
      %min3A_950 = arith.minimumf %min3A_947, %roll3A_949 : vector<8x1xf32>
      %broadcast_in_dim3A_951 = vector.shape_cast %min3A_950 : vector<8x1xf32> to vector<8x1xf32>
      %broadcast_in_dim3A_952 = vector.broadcast %broadcast_in_dim3A_951 : vector<8x1xf32> to vector<8x128xf32>
      %eq3A_953 = arith.cmpf oeq, %convert_element_type3A, %scan3A_233 : vector<8x128xf32>
      %get3A_954 = arith.constant 1 : index
      %get3A_955 = arith.constant 0 : index
      %get3A_956 = arith.constant 0 : index
      %get3A_957 = arith.constant 0 : index
      %get3A_958 = vector.load %arg0[%get3A_954, %get3A_955, %get3A_956, %get3A_957] : memref<4x3x64x128xf32, #tpu.memory_space<vmem>>, vector<1x1x8x128xf32>
      %get3A_959 = vector.shape_cast %get3A_958 : vector<1x1x8x128xf32> to vector<8x128xf32>
      %jit3A_960 = arith.constant 0.000000e+00 : f32
      %broadcast_in_dim3A_961 = vector.broadcast %jit3A_960 : f32 to vector<8x128xf32>
      %select_n3A_962 = arith.select %eq3A_953, %get3A_959, %broadcast_in_dim3A_961 : vector<8x128xi1>, vector<8x128xf32>
      %get3A_963 = arith.constant 1 : index
      %get3A_964 = arith.constant 1 : index
      %get3A_965 = arith.constant 0 : index
      %get3A_966 = arith.constant 0 : index
      %get3A_967 = vector.load %arg0[%get3A_963, %get3A_964, %get3A_965, %get3A_966] : memref<4x3x64x128xf32, #tpu.memory_space<vmem>>, vector<1x1x8x128xf32>
      %get3A_968 = vector.shape_cast %get3A_967 : vector<1x1x8x128xf32> to vector<8x128xf32>
      %jit3A_969 = arith.constant 0.000000e+00 : f32
      %broadcast_in_dim3A_970 = vector.broadcast %jit3A_969 : f32 to vector<8x128xf32>
      %select_n3A_971 = arith.select %eq3A_953, %get3A_968, %broadcast_in_dim3A_970 : vector<8x128xi1>, vector<8x128xf32>
      %get3A_972 = arith.constant 1 : index
      %get3A_973 = arith.constant 2 : index
      %get3A_974 = arith.constant 0 : index
      %get3A_975 = arith.constant 0 : index
      %get3A_976 = vector.load %arg0[%get3A_972, %get3A_973, %get3A_974, %get3A_975] : memref<4x3x64x128xf32, #tpu.memory_space<vmem>>, vector<1x1x8x128xf32>
      %get3A_977 = vector.shape_cast %get3A_976 : vector<1x1x8x128xf32> to vector<8x128xf32>
      %jit3A_978 = arith.constant 0.000000e+00 : f32
      %broadcast_in_dim3A_979 = vector.broadcast %jit3A_978 : f32 to vector<8x128xf32>
      %select_n3A_980 = arith.select %eq3A_953, %get3A_977, %broadcast_in_dim3A_979 : vector<8x128xi1>, vector<8x128xf32>
      %eq3A_981 = arith.cmpf oeq, %convert_element_type3A_75, %scan3A_233 : vector<8x128xf32>
      %get3A_982 = arith.constant 1 : index
      %get3A_983 = arith.constant 0 : index
      %get3A_984 = arith.constant 8 : index
      %get3A_985 = arith.constant 0 : index
      %get3A_986 = vector.load %arg0[%get3A_982, %get3A_983, %get3A_984, %get3A_985] : memref<4x3x64x128xf32, #tpu.memory_space<vmem>>, vector<1x1x8x128xf32>
      %get3A_987 = vector.shape_cast %get3A_986 : vector<1x1x8x128xf32> to vector<8x128xf32>
      %jit3A_988 = arith.constant 0.000000e+00 : f32
      %broadcast_in_dim3A_989 = vector.broadcast %jit3A_988 : f32 to vector<8x128xf32>
      %select_n3A_990 = arith.select %eq3A_981, %get3A_987, %broadcast_in_dim3A_989 : vector<8x128xi1>, vector<8x128xf32>
      %get3A_991 = arith.constant 1 : index
      %get3A_992 = arith.constant 1 : index
      %get3A_993 = arith.constant 8 : index
      %get3A_994 = arith.constant 0 : index
      %get3A_995 = vector.load %arg0[%get3A_991, %get3A_992, %get3A_993, %get3A_994] : memref<4x3x64x128xf32, #tpu.memory_space<vmem>>, vector<1x1x8x128xf32>
      %get3A_996 = vector.shape_cast %get3A_995 : vector<1x1x8x128xf32> to vector<8x128xf32>
      %jit3A_997 = arith.constant 0.000000e+00 : f32
      %broadcast_in_dim3A_998 = vector.broadcast %jit3A_997 : f32 to vector<8x128xf32>
      %select_n3A_999 = arith.select %eq3A_981, %get3A_996, %broadcast_in_dim3A_998 : vector<8x128xi1>, vector<8x128xf32>
      %get3A_1000 = arith.constant 1 : index
      %get3A_1001 = arith.constant 2 : index
      %get3A_1002 = arith.constant 8 : index
      %get3A_1003 = arith.constant 0 : index
      %get3A_1004 = vector.load %arg0[%get3A_1000, %get3A_1001, %get3A_1002, %get3A_1003] : memref<4x3x64x128xf32, #tpu.memory_space<vmem>>, vector<1x1x8x128xf32>
      %get3A_1005 = vector.shape_cast %get3A_1004 : vector<1x1x8x128xf32> to vector<8x128xf32>
      %jit3A_1006 = arith.constant 0.000000e+00 : f32
      %broadcast_in_dim3A_1007 = vector.broadcast %jit3A_1006 : f32 to vector<8x128xf32>
      %select_n3A_1008 = arith.select %eq3A_981, %get3A_1005, %broadcast_in_dim3A_1007 : vector<8x128xi1>, vector<8x128xf32>
      %eq3A_1009 = arith.cmpf oeq, %convert_element_type3A_76, %scan3A_233 : vector<8x128xf32>
      %get3A_1010 = arith.constant 1 : index
      %get3A_1011 = arith.constant 0 : index
      %get3A_1012 = arith.constant 16 : index
      %get3A_1013 = arith.constant 0 : index
      %get3A_1014 = vector.load %arg0[%get3A_1010, %get3A_1011, %get3A_1012, %get3A_1013] : memref<4x3x64x128xf32, #tpu.memory_space<vmem>>, vector<1x1x8x128xf32>
      %get3A_1015 = vector.shape_cast %get3A_1014 : vector<1x1x8x128xf32> to vector<8x128xf32>
      %jit3A_1016 = arith.constant 0.000000e+00 : f32
      %broadcast_in_dim3A_1017 = vector.broadcast %jit3A_1016 : f32 to vector<8x128xf32>
      %select_n3A_1018 = arith.select %eq3A_1009, %get3A_1015, %broadcast_in_dim3A_1017 : vector<8x128xi1>, vector<8x128xf32>
      %get3A_1019 = arith.constant 1 : index
      %get3A_1020 = arith.constant 1 : index
      %get3A_1021 = arith.constant 16 : index
      %get3A_1022 = arith.constant 0 : index
      %get3A_1023 = vector.load %arg0[%get3A_1019, %get3A_1020, %get3A_1021, %get3A_1022] : memref<4x3x64x128xf32, #tpu.memory_space<vmem>>, vector<1x1x8x128xf32>
      %get3A_1024 = vector.shape_cast %get3A_1023 : vector<1x1x8x128xf32> to vector<8x128xf32>
      %jit3A_1025 = arith.constant 0.000000e+00 : f32
      %broadcast_in_dim3A_1026 = vector.broadcast %jit3A_1025 : f32 to vector<8x128xf32>
      %select_n3A_1027 = arith.select %eq3A_1009, %get3A_1024, %broadcast_in_dim3A_1026 : vector<8x128xi1>, vector<8x128xf32>
      %get3A_1028 = arith.constant 1 : index
      %get3A_1029 = arith.constant 2 : index
      %get3A_1030 = arith.constant 16 : index
      %get3A_1031 = arith.constant 0 : index
      %get3A_1032 = vector.load %arg0[%get3A_1028, %get3A_1029, %get3A_1030, %get3A_1031] : memref<4x3x64x128xf32, #tpu.memory_space<vmem>>, vector<1x1x8x128xf32>
      %get3A_1033 = vector.shape_cast %get3A_1032 : vector<1x1x8x128xf32> to vector<8x128xf32>
      %jit3A_1034 = arith.constant 0.000000e+00 : f32
      %broadcast_in_dim3A_1035 = vector.broadcast %jit3A_1034 : f32 to vector<8x128xf32>
      %select_n3A_1036 = arith.select %eq3A_1009, %get3A_1033, %broadcast_in_dim3A_1035 : vector<8x128xi1>, vector<8x128xf32>
      %eq3A_1037 = arith.cmpf oeq, %convert_element_type3A_77, %scan3A_233 : vector<8x128xf32>
      %get3A_1038 = arith.constant 1 : index
      %get3A_1039 = arith.constant 0 : index
      %get3A_1040 = arith.constant 24 : index
      %get3A_1041 = arith.constant 0 : index
      %get3A_1042 = vector.load %arg0[%get3A_1038, %get3A_1039, %get3A_1040, %get3A_1041] : memref<4x3x64x128xf32, #tpu.memory_space<vmem>>, vector<1x1x8x128xf32>
      %get3A_1043 = vector.shape_cast %get3A_1042 : vector<1x1x8x128xf32> to vector<8x128xf32>
      %jit3A_1044 = arith.constant 0.000000e+00 : f32
      %broadcast_in_dim3A_1045 = vector.broadcast %jit3A_1044 : f32 to vector<8x128xf32>
      %select_n3A_1046 = arith.select %eq3A_1037, %get3A_1043, %broadcast_in_dim3A_1045 : vector<8x128xi1>, vector<8x128xf32>
      %get3A_1047 = arith.constant 1 : index
      %get3A_1048 = arith.constant 1 : index
      %get3A_1049 = arith.constant 24 : index
      %get3A_1050 = arith.constant 0 : index
      %get3A_1051 = vector.load %arg0[%get3A_1047, %get3A_1048, %get3A_1049, %get3A_1050] : memref<4x3x64x128xf32, #tpu.memory_space<vmem>>, vector<1x1x8x128xf32>
      %get3A_1052 = vector.shape_cast %get3A_1051 : vector<1x1x8x128xf32> to vector<8x128xf32>
      %jit3A_1053 = arith.constant 0.000000e+00 : f32
      %broadcast_in_dim3A_1054 = vector.broadcast %jit3A_1053 : f32 to vector<8x128xf32>
      %select_n3A_1055 = arith.select %eq3A_1037, %get3A_1052, %broadcast_in_dim3A_1054 : vector<8x128xi1>, vector<8x128xf32>
      %get3A_1056 = arith.constant 1 : index
      %get3A_1057 = arith.constant 2 : index
      %get3A_1058 = arith.constant 24 : index
      %get3A_1059 = arith.constant 0 : index
      %get3A_1060 = vector.load %arg0[%get3A_1056, %get3A_1057, %get3A_1058, %get3A_1059] : memref<4x3x64x128xf32, #tpu.memory_space<vmem>>, vector<1x1x8x128xf32>
      %get3A_1061 = vector.shape_cast %get3A_1060 : vector<1x1x8x128xf32> to vector<8x128xf32>
      %jit3A_1062 = arith.constant 0.000000e+00 : f32
      %broadcast_in_dim3A_1063 = vector.broadcast %jit3A_1062 : f32 to vector<8x128xf32>
      %select_n3A_1064 = arith.select %eq3A_1037, %get3A_1061, %broadcast_in_dim3A_1063 : vector<8x128xi1>, vector<8x128xf32>
      %eq3A_1065 = arith.cmpf oeq, %convert_element_type3A_78, %scan3A_233 : vector<8x128xf32>
      %get3A_1066 = arith.constant 1 : index
      %get3A_1067 = arith.constant 0 : index
      %get3A_1068 = arith.constant 32 : index
      %get3A_1069 = arith.constant 0 : index
      %get3A_1070 = vector.load %arg0[%get3A_1066, %get3A_1067, %get3A_1068, %get3A_1069] : memref<4x3x64x128xf32, #tpu.memory_space<vmem>>, vector<1x1x8x128xf32>
      %get3A_1071 = vector.shape_cast %get3A_1070 : vector<1x1x8x128xf32> to vector<8x128xf32>
      %jit3A_1072 = arith.constant 0.000000e+00 : f32
      %broadcast_in_dim3A_1073 = vector.broadcast %jit3A_1072 : f32 to vector<8x128xf32>
      %select_n3A_1074 = arith.select %eq3A_1065, %get3A_1071, %broadcast_in_dim3A_1073 : vector<8x128xi1>, vector<8x128xf32>
      %get3A_1075 = arith.constant 1 : index
      %get3A_1076 = arith.constant 1 : index
      %get3A_1077 = arith.constant 32 : index
      %get3A_1078 = arith.constant 0 : index
      %get3A_1079 = vector.load %arg0[%get3A_1075, %get3A_1076, %get3A_1077, %get3A_1078] : memref<4x3x64x128xf32, #tpu.memory_space<vmem>>, vector<1x1x8x128xf32>
      %get3A_1080 = vector.shape_cast %get3A_1079 : vector<1x1x8x128xf32> to vector<8x128xf32>
      %jit3A_1081 = arith.constant 0.000000e+00 : f32
      %broadcast_in_dim3A_1082 = vector.broadcast %jit3A_1081 : f32 to vector<8x128xf32>
      %select_n3A_1083 = arith.select %eq3A_1065, %get3A_1080, %broadcast_in_dim3A_1082 : vector<8x128xi1>, vector<8x128xf32>
      %get3A_1084 = arith.constant 1 : index
      %get3A_1085 = arith.constant 2 : index
      %get3A_1086 = arith.constant 32 : index
      %get3A_1087 = arith.constant 0 : index
      %get3A_1088 = vector.load %arg0[%get3A_1084, %get3A_1085, %get3A_1086, %get3A_1087] : memref<4x3x64x128xf32, #tpu.memory_space<vmem>>, vector<1x1x8x128xf32>
      %get3A_1089 = vector.shape_cast %get3A_1088 : vector<1x1x8x128xf32> to vector<8x128xf32>
      %jit3A_1090 = arith.constant 0.000000e+00 : f32
      %broadcast_in_dim3A_1091 = vector.broadcast %jit3A_1090 : f32 to vector<8x128xf32>
      %select_n3A_1092 = arith.select %eq3A_1065, %get3A_1089, %broadcast_in_dim3A_1091 : vector<8x128xi1>, vector<8x128xf32>
      %eq3A_1093 = arith.cmpf oeq, %convert_element_type3A_79, %scan3A_233 : vector<8x128xf32>
      %get3A_1094 = arith.constant 1 : index
      %get3A_1095 = arith.constant 0 : index
      %get3A_1096 = arith.constant 40 : index
      %get3A_1097 = arith.constant 0 : index
      %get3A_1098 = vector.load %arg0[%get3A_1094, %get3A_1095, %get3A_1096, %get3A_1097] : memref<4x3x64x128xf32, #tpu.memory_space<vmem>>, vector<1x1x8x128xf32>
      %get3A_1099 = vector.shape_cast %get3A_1098 : vector<1x1x8x128xf32> to vector<8x128xf32>
      %jit3A_1100 = arith.constant 0.000000e+00 : f32
      %broadcast_in_dim3A_1101 = vector.broadcast %jit3A_1100 : f32 to vector<8x128xf32>
      %select_n3A_1102 = arith.select %eq3A_1093, %get3A_1099, %broadcast_in_dim3A_1101 : vector<8x128xi1>, vector<8x128xf32>
      %get3A_1103 = arith.constant 1 : index
      %get3A_1104 = arith.constant 1 : index
      %get3A_1105 = arith.constant 40 : index
      %get3A_1106 = arith.constant 0 : index
      %get3A_1107 = vector.load %arg0[%get3A_1103, %get3A_1104, %get3A_1105, %get3A_1106] : memref<4x3x64x128xf32, #tpu.memory_space<vmem>>, vector<1x1x8x128xf32>
      %get3A_1108 = vector.shape_cast %get3A_1107 : vector<1x1x8x128xf32> to vector<8x128xf32>
      %jit3A_1109 = arith.constant 0.000000e+00 : f32
      %broadcast_in_dim3A_1110 = vector.broadcast %jit3A_1109 : f32 to vector<8x128xf32>
      %select_n3A_1111 = arith.select %eq3A_1093, %get3A_1108, %broadcast_in_dim3A_1110 : vector<8x128xi1>, vector<8x128xf32>
      %get3A_1112 = arith.constant 1 : index
      %get3A_1113 = arith.constant 2 : index
      %get3A_1114 = arith.constant 40 : index
      %get3A_1115 = arith.constant 0 : index
      %get3A_1116 = vector.load %arg0[%get3A_1112, %get3A_1113, %get3A_1114, %get3A_1115] : memref<4x3x64x128xf32, #tpu.memory_space<vmem>>, vector<1x1x8x128xf32>
      %get3A_1117 = vector.shape_cast %get3A_1116 : vector<1x1x8x128xf32> to vector<8x128xf32>
      %jit3A_1118 = arith.constant 0.000000e+00 : f32
      %broadcast_in_dim3A_1119 = vector.broadcast %jit3A_1118 : f32 to vector<8x128xf32>
      %select_n3A_1120 = arith.select %eq3A_1093, %get3A_1117, %broadcast_in_dim3A_1119 : vector<8x128xi1>, vector<8x128xf32>
      %eq3A_1121 = arith.cmpf oeq, %convert_element_type3A_80, %scan3A_233 : vector<8x128xf32>
      %get3A_1122 = arith.constant 1 : index
      %get3A_1123 = arith.constant 0 : index
      %get3A_1124 = arith.constant 48 : index
      %get3A_1125 = arith.constant 0 : index
      %get3A_1126 = vector.load %arg0[%get3A_1122, %get3A_1123, %get3A_1124, %get3A_1125] : memref<4x3x64x128xf32, #tpu.memory_space<vmem>>, vector<1x1x8x128xf32>
      %get3A_1127 = vector.shape_cast %get3A_1126 : vector<1x1x8x128xf32> to vector<8x128xf32>
      %jit3A_1128 = arith.constant 0.000000e+00 : f32
      %broadcast_in_dim3A_1129 = vector.broadcast %jit3A_1128 : f32 to vector<8x128xf32>
      %select_n3A_1130 = arith.select %eq3A_1121, %get3A_1127, %broadcast_in_dim3A_1129 : vector<8x128xi1>, vector<8x128xf32>
      %get3A_1131 = arith.constant 1 : index
      %get3A_1132 = arith.constant 1 : index
      %get3A_1133 = arith.constant 48 : index
      %get3A_1134 = arith.constant 0 : index
      %get3A_1135 = vector.load %arg0[%get3A_1131, %get3A_1132, %get3A_1133, %get3A_1134] : memref<4x3x64x128xf32, #tpu.memory_space<vmem>>, vector<1x1x8x128xf32>
      %get3A_1136 = vector.shape_cast %get3A_1135 : vector<1x1x8x128xf32> to vector<8x128xf32>
      %jit3A_1137 = arith.constant 0.000000e+00 : f32
      %broadcast_in_dim3A_1138 = vector.broadcast %jit3A_1137 : f32 to vector<8x128xf32>
      %select_n3A_1139 = arith.select %eq3A_1121, %get3A_1136, %broadcast_in_dim3A_1138 : vector<8x128xi1>, vector<8x128xf32>
      %get3A_1140 = arith.constant 1 : index
      %get3A_1141 = arith.constant 2 : index
      %get3A_1142 = arith.constant 48 : index
      %get3A_1143 = arith.constant 0 : index
      %get3A_1144 = vector.load %arg0[%get3A_1140, %get3A_1141, %get3A_1142, %get3A_1143] : memref<4x3x64x128xf32, #tpu.memory_space<vmem>>, vector<1x1x8x128xf32>
      %get3A_1145 = vector.shape_cast %get3A_1144 : vector<1x1x8x128xf32> to vector<8x128xf32>
      %jit3A_1146 = arith.constant 0.000000e+00 : f32
      %broadcast_in_dim3A_1147 = vector.broadcast %jit3A_1146 : f32 to vector<8x128xf32>
      %select_n3A_1148 = arith.select %eq3A_1121, %get3A_1145, %broadcast_in_dim3A_1147 : vector<8x128xi1>, vector<8x128xf32>
      %eq3A_1149 = arith.cmpf oeq, %convert_element_type3A_81, %scan3A_233 : vector<8x128xf32>
      %get3A_1150 = arith.constant 1 : index
      %get3A_1151 = arith.constant 0 : index
      %get3A_1152 = arith.constant 56 : index
      %get3A_1153 = arith.constant 0 : index
      %get3A_1154 = vector.load %arg0[%get3A_1150, %get3A_1151, %get3A_1152, %get3A_1153] : memref<4x3x64x128xf32, #tpu.memory_space<vmem>>, vector<1x1x8x128xf32>
      %get3A_1155 = vector.shape_cast %get3A_1154 : vector<1x1x8x128xf32> to vector<8x128xf32>
      %jit3A_1156 = arith.constant 0.000000e+00 : f32
      %broadcast_in_dim3A_1157 = vector.broadcast %jit3A_1156 : f32 to vector<8x128xf32>
      %select_n3A_1158 = arith.select %eq3A_1149, %get3A_1155, %broadcast_in_dim3A_1157 : vector<8x128xi1>, vector<8x128xf32>
      %get3A_1159 = arith.constant 1 : index
      %get3A_1160 = arith.constant 1 : index
      %get3A_1161 = arith.constant 56 : index
      %get3A_1162 = arith.constant 0 : index
      %get3A_1163 = vector.load %arg0[%get3A_1159, %get3A_1160, %get3A_1161, %get3A_1162] : memref<4x3x64x128xf32, #tpu.memory_space<vmem>>, vector<1x1x8x128xf32>
      %get3A_1164 = vector.shape_cast %get3A_1163 : vector<1x1x8x128xf32> to vector<8x128xf32>
      %jit3A_1165 = arith.constant 0.000000e+00 : f32
      %broadcast_in_dim3A_1166 = vector.broadcast %jit3A_1165 : f32 to vector<8x128xf32>
      %select_n3A_1167 = arith.select %eq3A_1149, %get3A_1164, %broadcast_in_dim3A_1166 : vector<8x128xi1>, vector<8x128xf32>
      %get3A_1168 = arith.constant 1 : index
      %get3A_1169 = arith.constant 2 : index
      %get3A_1170 = arith.constant 56 : index
      %get3A_1171 = arith.constant 0 : index
      %get3A_1172 = vector.load %arg0[%get3A_1168, %get3A_1169, %get3A_1170, %get3A_1171] : memref<4x3x64x128xf32, #tpu.memory_space<vmem>>, vector<1x1x8x128xf32>
      %get3A_1173 = vector.shape_cast %get3A_1172 : vector<1x1x8x128xf32> to vector<8x128xf32>
      %jit3A_1174 = arith.constant 0.000000e+00 : f32
      %broadcast_in_dim3A_1175 = vector.broadcast %jit3A_1174 : f32 to vector<8x128xf32>
      %select_n3A_1176 = arith.select %eq3A_1149, %get3A_1173, %broadcast_in_dim3A_1175 : vector<8x128xi1>, vector<8x128xf32>
      %add3A_1177 = arith.addf %select_n3A_962, %select_n3A_990 : vector<8x128xf32>
      %add3A_1178 = arith.addf %select_n3A_1018, %select_n3A_1046 : vector<8x128xf32>
      %add3A_1179 = arith.addf %select_n3A_1074, %select_n3A_1102 : vector<8x128xf32>
      %add3A_1180 = arith.addf %select_n3A_1130, %select_n3A_1158 : vector<8x128xf32>
      %add3A_1181 = arith.addf %add3A_1177, %add3A_1178 : vector<8x128xf32>
      %add3A_1182 = arith.addf %add3A_1179, %add3A_1180 : vector<8x128xf32>
      %add3A_1183 = arith.addf %add3A_1181, %add3A_1182 : vector<8x128xf32>
      %reduce_sum3A_1184 = arith.constant dense<0.000000e+00> : vector<8xf32>
      %reduce_sum3A_1185 = vector.multi_reduction <add>, %add3A_1183, %reduce_sum3A_1184 [1] : vector<8x128xf32> to vector<8xf32>
      %broadcast_in_dim3A_1186 = vector.shape_cast %reduce_sum3A_1185 : vector<8xf32> to vector<8x1xf32>
      %roll3A_1187 = arith.constant 4 : i32
      %roll3A_1188 = tpu.dynamic_rotate %broadcast_in_dim3A_1186 by %roll3A_1187 dim 0 : vector<8x1xf32>, i32 -> vector<8x1xf32>
      %add3A_1189 = arith.addf %broadcast_in_dim3A_1186, %roll3A_1188 : vector<8x1xf32>
      %roll3A_1190 = arith.constant 2 : i32
      %roll3A_1191 = tpu.dynamic_rotate %add3A_1189 by %roll3A_1190 dim 0 : vector<8x1xf32>, i32 -> vector<8x1xf32>
      %add3A_1192 = arith.addf %add3A_1189, %roll3A_1191 : vector<8x1xf32>
      %roll3A_1193 = arith.constant 1 : i32
      %roll3A_1194 = tpu.dynamic_rotate %add3A_1192 by %roll3A_1193 dim 0 : vector<8x1xf32>, i32 -> vector<8x1xf32>
      %add3A_1195 = arith.addf %add3A_1192, %roll3A_1194 : vector<8x1xf32>
      %broadcast_in_dim3A_1196 = vector.shape_cast %add3A_1195 : vector<8x1xf32> to vector<8x1xf32>
      %broadcast_in_dim3A_1197 = vector.broadcast %broadcast_in_dim3A_1196 : vector<8x1xf32> to vector<8x128xf32>
      %add3A_1198 = arith.addf %select_n3A_971, %select_n3A_999 : vector<8x128xf32>
      %add3A_1199 = arith.addf %select_n3A_1027, %select_n3A_1055 : vector<8x128xf32>
      %add3A_1200 = arith.addf %select_n3A_1083, %select_n3A_1111 : vector<8x128xf32>
      %add3A_1201 = arith.addf %select_n3A_1139, %select_n3A_1167 : vector<8x128xf32>
      %add3A_1202 = arith.addf %add3A_1198, %add3A_1199 : vector<8x128xf32>
      %add3A_1203 = arith.addf %add3A_1200, %add3A_1201 : vector<8x128xf32>
      %add3A_1204 = arith.addf %add3A_1202, %add3A_1203 : vector<8x128xf32>
      %reduce_sum3A_1205 = arith.constant dense<0.000000e+00> : vector<8xf32>
      %reduce_sum3A_1206 = vector.multi_reduction <add>, %add3A_1204, %reduce_sum3A_1205 [1] : vector<8x128xf32> to vector<8xf32>
      %broadcast_in_dim3A_1207 = vector.shape_cast %reduce_sum3A_1206 : vector<8xf32> to vector<8x1xf32>
      %roll3A_1208 = arith.constant 4 : i32
      %roll3A_1209 = tpu.dynamic_rotate %broadcast_in_dim3A_1207 by %roll3A_1208 dim 0 : vector<8x1xf32>, i32 -> vector<8x1xf32>
      %add3A_1210 = arith.addf %broadcast_in_dim3A_1207, %roll3A_1209 : vector<8x1xf32>
      %roll3A_1211 = arith.constant 2 : i32
      %roll3A_1212 = tpu.dynamic_rotate %add3A_1210 by %roll3A_1211 dim 0 : vector<8x1xf32>, i32 -> vector<8x1xf32>
      %add3A_1213 = arith.addf %add3A_1210, %roll3A_1212 : vector<8x1xf32>
      %roll3A_1214 = arith.constant 1 : i32
      %roll3A_1215 = tpu.dynamic_rotate %add3A_1213 by %roll3A_1214 dim 0 : vector<8x1xf32>, i32 -> vector<8x1xf32>
      %add3A_1216 = arith.addf %add3A_1213, %roll3A_1215 : vector<8x1xf32>
      %broadcast_in_dim3A_1217 = vector.shape_cast %add3A_1216 : vector<8x1xf32> to vector<8x1xf32>
      %broadcast_in_dim3A_1218 = vector.broadcast %broadcast_in_dim3A_1217 : vector<8x1xf32> to vector<8x128xf32>
      %add3A_1219 = arith.addf %select_n3A_980, %select_n3A_1008 : vector<8x128xf32>
      %add3A_1220 = arith.addf %select_n3A_1036, %select_n3A_1064 : vector<8x128xf32>
      %add3A_1221 = arith.addf %select_n3A_1092, %select_n3A_1120 : vector<8x128xf32>
      %add3A_1222 = arith.addf %select_n3A_1148, %select_n3A_1176 : vector<8x128xf32>
      %add3A_1223 = arith.addf %add3A_1219, %add3A_1220 : vector<8x128xf32>
      %add3A_1224 = arith.addf %add3A_1221, %add3A_1222 : vector<8x128xf32>
      %add3A_1225 = arith.addf %add3A_1223, %add3A_1224 : vector<8x128xf32>
      %reduce_sum3A_1226 = arith.constant dense<0.000000e+00> : vector<8xf32>
      %reduce_sum3A_1227 = vector.multi_reduction <add>, %add3A_1225, %reduce_sum3A_1226 [1] : vector<8x128xf32> to vector<8xf32>
      %broadcast_in_dim3A_1228 = vector.shape_cast %reduce_sum3A_1227 : vector<8xf32> to vector<8x1xf32>
      %roll3A_1229 = arith.constant 4 : i32
      %roll3A_1230 = tpu.dynamic_rotate %broadcast_in_dim3A_1228 by %roll3A_1229 dim 0 : vector<8x1xf32>, i32 -> vector<8x1xf32>
      %add3A_1231 = arith.addf %broadcast_in_dim3A_1228, %roll3A_1230 : vector<8x1xf32>
      %roll3A_1232 = arith.constant 2 : i32
      %roll3A_1233 = tpu.dynamic_rotate %add3A_1231 by %roll3A_1232 dim 0 : vector<8x1xf32>, i32 -> vector<8x1xf32>
      %add3A_1234 = arith.addf %add3A_1231, %roll3A_1233 : vector<8x1xf32>
      %roll3A_1235 = arith.constant 1 : i32
      %roll3A_1236 = tpu.dynamic_rotate %add3A_1234 by %roll3A_1235 dim 0 : vector<8x1xf32>, i32 -> vector<8x1xf32>
      %add3A_1237 = arith.addf %add3A_1234, %roll3A_1236 : vector<8x1xf32>
      %broadcast_in_dim3A_1238 = vector.shape_cast %add3A_1237 : vector<8x1xf32> to vector<8x1xf32>
      %broadcast_in_dim3A_1239 = vector.broadcast %broadcast_in_dim3A_1238 : vector<8x1xf32> to vector<8x128xf32>
      %convert_element_type3A_1240 = arith.fptosi %scan3A_233 : vector<8x128xf32> to vector<8x128xi32>
      %select_n3A_1241 = arith.select %eq3A_252, %convert_element_type3A_1240, %scan3A_237 : vector<8x128xi1>, vector<8x128xi32>
      %select_n3A_1242 = arith.select %eq3A_252, %broadcast_in_dim3A_1197, %scan3A_241 : vector<8x128xi1>, vector<8x128xf32>
      %select_n3A_1243 = arith.select %eq3A_252, %broadcast_in_dim3A_1218, %scan3A_245 : vector<8x128xi1>, vector<8x128xf32>
      %select_n3A_1244 = arith.select %eq3A_252, %broadcast_in_dim3A_1239, %scan3A_249 : vector<8x128xi1>, vector<8x128xf32>
      %get3A_1245 = arith.constant 1 : index
      %get3A_1246 = arith.constant 0 : index
      %get3A_1247 = arith.constant 0 : index
      %get3A_1248 = arith.constant 0 : index
      %get3A_1249 = vector.load %arg0[%get3A_1245, %get3A_1246, %get3A_1247, %get3A_1248] : memref<4x3x64x128xf32, #tpu.memory_space<vmem>>, vector<1x1x8x128xf32>
      %get3A_1250 = vector.shape_cast %get3A_1249 : vector<1x1x8x128xf32> to vector<8x128xf32>
      %sub3A_1251 = arith.subf %get3A_1250, %broadcast_in_dim3A_1197 : vector<8x128xf32>
      %get3A_1252 = arith.constant 1 : index
      %get3A_1253 = arith.constant 1 : index
      %get3A_1254 = arith.constant 0 : index
      %get3A_1255 = arith.constant 0 : index
      %get3A_1256 = vector.load %arg0[%get3A_1252, %get3A_1253, %get3A_1254, %get3A_1255] : memref<4x3x64x128xf32, #tpu.memory_space<vmem>>, vector<1x1x8x128xf32>
      %get3A_1257 = vector.shape_cast %get3A_1256 : vector<1x1x8x128xf32> to vector<8x128xf32>
      %sub3A_1258 = arith.subf %get3A_1257, %broadcast_in_dim3A_1218 : vector<8x128xf32>
      %get3A_1259 = arith.constant 1 : index
      %get3A_1260 = arith.constant 2 : index
      %get3A_1261 = arith.constant 0 : index
      %get3A_1262 = arith.constant 0 : index
      %get3A_1263 = vector.load %arg0[%get3A_1259, %get3A_1260, %get3A_1261, %get3A_1262] : memref<4x3x64x128xf32, #tpu.memory_space<vmem>>, vector<1x1x8x128xf32>
      %get3A_1264 = vector.shape_cast %get3A_1263 : vector<1x1x8x128xf32> to vector<8x128xf32>
      %sub3A_1265 = arith.subf %get3A_1264, %broadcast_in_dim3A_1239 : vector<8x128xf32>
      %mul3A_1266 = arith.mulf %sub3A_1251, %sub3A_1251 : vector<8x128xf32>
      %mul3A_1267 = arith.mulf %sub3A_1258, %sub3A_1258 : vector<8x128xf32>
      %add3A_1268 = arith.addf %mul3A_1266, %mul3A_1267 : vector<8x128xf32>
      %mul3A_1269 = arith.mulf %sub3A_1265, %sub3A_1265 : vector<8x128xf32>
      %add3A_1270 = arith.addf %add3A_1268, %mul3A_1269 : vector<8x128xf32>
      %get3A_1271 = arith.constant 1 : index
      %get3A_1272 = arith.constant 0 : index
      %get3A_1273 = arith.constant 0 : index
      %get3A_1274 = vector.load %arg3[%get3A_1271, %get3A_1272, %get3A_1273] : memref<4x64x128xf32, #tpu.memory_space<vmem>>, vector<1x8x128xf32>
      %get3A_1275 = vector.shape_cast %get3A_1274 : vector<1x8x128xf32> to vector<8x128xf32>
      %min3A_1276 = arith.minimumf %get3A_1275, %add3A_1270 : vector<8x128xf32>
      %swap3A_1277 = arith.constant 1 : index
      %swap3A_1278 = arith.constant 0 : index
      %swap3A_1279 = arith.constant 0 : index
      %swap3A_1280 = vector.load %arg3[%swap3A_1277, %swap3A_1278, %swap3A_1279] : memref<4x64x128xf32, #tpu.memory_space<vmem>>, vector<1x8x128xf32>
      %swap3A_1281 = vector.shape_cast %swap3A_1280 : vector<1x8x128xf32> to vector<8x128xf32>
      %swap3A_1282 = vector.shape_cast %min3A_1276 : vector<8x128xf32> to vector<1x8x128xf32>
      tpu.vector_store %arg3[%swap3A_1277, %swap3A_1278, %swap3A_1279], %swap3A_1282 {strides = array<i32>} : memref<4x64x128xf32, #tpu.memory_space<vmem>>, vector<1x8x128xf32>,
      %get3A_1283 = arith.constant 1 : index
      %get3A_1284 = arith.constant 0 : index
      %get3A_1285 = arith.constant 8 : index
      %get3A_1286 = arith.constant 0 : index
      %get3A_1287 = vector.load %arg0[%get3A_1283, %get3A_1284, %get3A_1285, %get3A_1286] : memref<4x3x64x128xf32, #tpu.memory_space<vmem>>, vector<1x1x8x128xf32>
      %get3A_1288 = vector.shape_cast %get3A_1287 : vector<1x1x8x128xf32> to vector<8x128xf32>
      %sub3A_1289 = arith.subf %get3A_1288, %broadcast_in_dim3A_1197 : vector<8x128xf32>
      %get3A_1290 = arith.constant 1 : index
      %get3A_1291 = arith.constant 1 : index
      %get3A_1292 = arith.constant 8 : index
      %get3A_1293 = arith.constant 0 : index
      %get3A_1294 = vector.load %arg0[%get3A_1290, %get3A_1291, %get3A_1292, %get3A_1293] : memref<4x3x64x128xf32, #tpu.memory_space<vmem>>, vector<1x1x8x128xf32>
      %get3A_1295 = vector.shape_cast %get3A_1294 : vector<1x1x8x128xf32> to vector<8x128xf32>
      %sub3A_1296 = arith.subf %get3A_1295, %broadcast_in_dim3A_1218 : vector<8x128xf32>
      %get3A_1297 = arith.constant 1 : index
      %get3A_1298 = arith.constant 2 : index
      %get3A_1299 = arith.constant 8 : index
      %get3A_1300 = arith.constant 0 : index
      %get3A_1301 = vector.load %arg0[%get3A_1297, %get3A_1298, %get3A_1299, %get3A_1300] : memref<4x3x64x128xf32, #tpu.memory_space<vmem>>, vector<1x1x8x128xf32>
      %get3A_1302 = vector.shape_cast %get3A_1301 : vector<1x1x8x128xf32> to vector<8x128xf32>
      %sub3A_1303 = arith.subf %get3A_1302, %broadcast_in_dim3A_1239 : vector<8x128xf32>
      %mul3A_1304 = arith.mulf %sub3A_1289, %sub3A_1289 : vector<8x128xf32>
      %mul3A_1305 = arith.mulf %sub3A_1296, %sub3A_1296 : vector<8x128xf32>
      %add3A_1306 = arith.addf %mul3A_1304, %mul3A_1305 : vector<8x128xf32>
      %mul3A_1307 = arith.mulf %sub3A_1303, %sub3A_1303 : vector<8x128xf32>
      %add3A_1308 = arith.addf %add3A_1306, %mul3A_1307 : vector<8x128xf32>
      %get3A_1309 = arith.constant 1 : index
      %get3A_1310 = arith.constant 8 : index
      %get3A_1311 = arith.constant 0 : index
      %get3A_1312 = vector.load %arg3[%get3A_1309, %get3A_1310, %get3A_1311] : memref<4x64x128xf32, #tpu.memory_space<vmem>>, vector<1x8x128xf32>
      %get3A_1313 = vector.shape_cast %get3A_1312 : vector<1x8x128xf32> to vector<8x128xf32>
      %min3A_1314 = arith.minimumf %get3A_1313, %add3A_1308 : vector<8x128xf32>
      %swap3A_1315 = arith.constant 1 : index
      %swap3A_1316 = arith.constant 8 : index
      %swap3A_1317 = arith.constant 0 : index
      %swap3A_1318 = vector.load %arg3[%swap3A_1315, %swap3A_1316, %swap3A_1317] : memref<4x64x128xf32, #tpu.memory_space<vmem>>, vector<1x8x128xf32>
      %swap3A_1319 = vector.shape_cast %swap3A_1318 : vector<1x8x128xf32> to vector<8x128xf32>
      %swap3A_1320 = vector.shape_cast %min3A_1314 : vector<8x128xf32> to vector<1x8x128xf32>
      tpu.vector_store %arg3[%swap3A_1315, %swap3A_1316, %swap3A_1317], %swap3A_1320 {strides = array<i32>} : memref<4x64x128xf32, #tpu.memory_space<vmem>>, vector<1x8x128xf32>,
      %get3A_1321 = arith.constant 1 : index
      %get3A_1322 = arith.constant 0 : index
      %get3A_1323 = arith.constant 16 : index
      %get3A_1324 = arith.constant 0 : index
      %get3A_1325 = vector.load %arg0[%get3A_1321, %get3A_1322, %get3A_1323, %get3A_1324] : memref<4x3x64x128xf32, #tpu.memory_space<vmem>>, vector<1x1x8x128xf32>
      %get3A_1326 = vector.shape_cast %get3A_1325 : vector<1x1x8x128xf32> to vector<8x128xf32>
      %sub3A_1327 = arith.subf %get3A_1326, %broadcast_in_dim3A_1197 : vector<8x128xf32>
      %get3A_1328 = arith.constant 1 : index
      %get3A_1329 = arith.constant 1 : index
      %get3A_1330 = arith.constant 16 : index
      %get3A_1331 = arith.constant 0 : index
      %get3A_1332 = vector.load %arg0[%get3A_1328, %get3A_1329, %get3A_1330, %get3A_1331] : memref<4x3x64x128xf32, #tpu.memory_space<vmem>>, vector<1x1x8x128xf32>
      %get3A_1333 = vector.shape_cast %get3A_1332 : vector<1x1x8x128xf32> to vector<8x128xf32>
      %sub3A_1334 = arith.subf %get3A_1333, %broadcast_in_dim3A_1218 : vector<8x128xf32>
      %get3A_1335 = arith.constant 1 : index
      %get3A_1336 = arith.constant 2 : index
      %get3A_1337 = arith.constant 16 : index
      %get3A_1338 = arith.constant 0 : index
      %get3A_1339 = vector.load %arg0[%get3A_1335, %get3A_1336, %get3A_1337, %get3A_1338] : memref<4x3x64x128xf32, #tpu.memory_space<vmem>>, vector<1x1x8x128xf32>
      %get3A_1340 = vector.shape_cast %get3A_1339 : vector<1x1x8x128xf32> to vector<8x128xf32>
      %sub3A_1341 = arith.subf %get3A_1340, %broadcast_in_dim3A_1239 : vector<8x128xf32>
      %mul3A_1342 = arith.mulf %sub3A_1327, %sub3A_1327 : vector<8x128xf32>
      %mul3A_1343 = arith.mulf %sub3A_1334, %sub3A_1334 : vector<8x128xf32>
      %add3A_1344 = arith.addf %mul3A_1342, %mul3A_1343 : vector<8x128xf32>
      %mul3A_1345 = arith.mulf %sub3A_1341, %sub3A_1341 : vector<8x128xf32>
      %add3A_1346 = arith.addf %add3A_1344, %mul3A_1345 : vector<8x128xf32>
      %get3A_1347 = arith.constant 1 : index
      %get3A_1348 = arith.constant 16 : index
      %get3A_1349 = arith.constant 0 : index
      %get3A_1350 = vector.load %arg3[%get3A_1347, %get3A_1348, %get3A_1349] : memref<4x64x128xf32, #tpu.memory_space<vmem>>, vector<1x8x128xf32>
      %get3A_1351 = vector.shape_cast %get3A_1350 : vector<1x8x128xf32> to vector<8x128xf32>
      %min3A_1352 = arith.minimumf %get3A_1351, %add3A_1346 : vector<8x128xf32>
      %swap3A_1353 = arith.constant 1 : index
      %swap3A_1354 = arith.constant 16 : index
      %swap3A_1355 = arith.constant 0 : index
      %swap3A_1356 = vector.load %arg3[%swap3A_1353, %swap3A_1354, %swap3A_1355] : memref<4x64x128xf32, #tpu.memory_space<vmem>>, vector<1x8x128xf32>
      %swap3A_1357 = vector.shape_cast %swap3A_1356 : vector<1x8x128xf32> to vector<8x128xf32>
      %swap3A_1358 = vector.shape_cast %min3A_1352 : vector<8x128xf32> to vector<1x8x128xf32>
      tpu.vector_store %arg3[%swap3A_1353, %swap3A_1354, %swap3A_1355], %swap3A_1358 {strides = array<i32>} : memref<4x64x128xf32, #tpu.memory_space<vmem>>, vector<1x8x128xf32>,
      %get3A_1359 = arith.constant 1 : index
      %get3A_1360 = arith.constant 0 : index
      %get3A_1361 = arith.constant 24 : index
      %get3A_1362 = arith.constant 0 : index
      %get3A_1363 = vector.load %arg0[%get3A_1359, %get3A_1360, %get3A_1361, %get3A_1362] : memref<4x3x64x128xf32, #tpu.memory_space<vmem>>, vector<1x1x8x128xf32>
      %get3A_1364 = vector.shape_cast %get3A_1363 : vector<1x1x8x128xf32> to vector<8x128xf32>
      %sub3A_1365 = arith.subf %get3A_1364, %broadcast_in_dim3A_1197 : vector<8x128xf32>
      %get3A_1366 = arith.constant 1 : index
      %get3A_1367 = arith.constant 1 : index
      %get3A_1368 = arith.constant 24 : index
      %get3A_1369 = arith.constant 0 : index
      %get3A_1370 = vector.load %arg0[%get3A_1366, %get3A_1367, %get3A_1368, %get3A_1369] : memref<4x3x64x128xf32, #tpu.memory_space<vmem>>, vector<1x1x8x128xf32>
      %get3A_1371 = vector.shape_cast %get3A_1370 : vector<1x1x8x128xf32> to vector<8x128xf32>
      %sub3A_1372 = arith.subf %get3A_1371, %broadcast_in_dim3A_1218 : vector<8x128xf32>
      %get3A_1373 = arith.constant 1 : index
      %get3A_1374 = arith.constant 2 : index
      %get3A_1375 = arith.constant 24 : index
      %get3A_1376 = arith.constant 0 : index
      %get3A_1377 = vector.load %arg0[%get3A_1373, %get3A_1374, %get3A_1375, %get3A_1376] : memref<4x3x64x128xf32, #tpu.memory_space<vmem>>, vector<1x1x8x128xf32>
      %get3A_1378 = vector.shape_cast %get3A_1377 : vector<1x1x8x128xf32> to vector<8x128xf32>
      %sub3A_1379 = arith.subf %get3A_1378, %broadcast_in_dim3A_1239 : vector<8x128xf32>
      %mul3A_1380 = arith.mulf %sub3A_1365, %sub3A_1365 : vector<8x128xf32>
      %mul3A_1381 = arith.mulf %sub3A_1372, %sub3A_1372 : vector<8x128xf32>
      %add3A_1382 = arith.addf %mul3A_1380, %mul3A_1381 : vector<8x128xf32>
      %mul3A_1383 = arith.mulf %sub3A_1379, %sub3A_1379 : vector<8x128xf32>
      %add3A_1384 = arith.addf %add3A_1382, %mul3A_1383 : vector<8x128xf32>
      %get3A_1385 = arith.constant 1 : index
      %get3A_1386 = arith.constant 24 : index
      %get3A_1387 = arith.constant 0 : index
      %get3A_1388 = vector.load %arg3[%get3A_1385, %get3A_1386, %get3A_1387] : memref<4x64x128xf32, #tpu.memory_space<vmem>>, vector<1x8x128xf32>
      %get3A_1389 = vector.shape_cast %get3A_1388 : vector<1x8x128xf32> to vector<8x128xf32>
      %min3A_1390 = arith.minimumf %get3A_1389, %add3A_1384 : vector<8x128xf32>
      %swap3A_1391 = arith.constant 1 : index
      %swap3A_1392 = arith.constant 24 : index
      %swap3A_1393 = arith.constant 0 : index
      %swap3A_1394 = vector.load %arg3[%swap3A_1391, %swap3A_1392, %swap3A_1393] : memref<4x64x128xf32, #tpu.memory_space<vmem>>, vector<1x8x128xf32>
      %swap3A_1395 = vector.shape_cast %swap3A_1394 : vector<1x8x128xf32> to vector<8x128xf32>
      %swap3A_1396 = vector.shape_cast %min3A_1390 : vector<8x128xf32> to vector<1x8x128xf32>
      tpu.vector_store %arg3[%swap3A_1391, %swap3A_1392, %swap3A_1393], %swap3A_1396 {strides = array<i32>} : memref<4x64x128xf32, #tpu.memory_space<vmem>>, vector<1x8x128xf32>,
      %get3A_1397 = arith.constant 1 : index
      %get3A_1398 = arith.constant 0 : index
      %get3A_1399 = arith.constant 32 : index
      %get3A_1400 = arith.constant 0 : index
      %get3A_1401 = vector.load %arg0[%get3A_1397, %get3A_1398, %get3A_1399, %get3A_1400] : memref<4x3x64x128xf32, #tpu.memory_space<vmem>>, vector<1x1x8x128xf32>
      %get3A_1402 = vector.shape_cast %get3A_1401 : vector<1x1x8x128xf32> to vector<8x128xf32>
      %sub3A_1403 = arith.subf %get3A_1402, %broadcast_in_dim3A_1197 : vector<8x128xf32>
      %get3A_1404 = arith.constant 1 : index
      %get3A_1405 = arith.constant 1 : index
      %get3A_1406 = arith.constant 32 : index
      %get3A_1407 = arith.constant 0 : index
      %get3A_1408 = vector.load %arg0[%get3A_1404, %get3A_1405, %get3A_1406, %get3A_1407] : memref<4x3x64x128xf32, #tpu.memory_space<vmem>>, vector<1x1x8x128xf32>
      %get3A_1409 = vector.shape_cast %get3A_1408 : vector<1x1x8x128xf32> to vector<8x128xf32>
      %sub3A_1410 = arith.subf %get3A_1409, %broadcast_in_dim3A_1218 : vector<8x128xf32>
      %get3A_1411 = arith.constant 1 : index
      %get3A_1412 = arith.constant 2 : index
      %get3A_1413 = arith.constant 32 : index
      %get3A_1414 = arith.constant 0 : index
      %get3A_1415 = vector.load %arg0[%get3A_1411, %get3A_1412, %get3A_1413, %get3A_1414] : memref<4x3x64x128xf32, #tpu.memory_space<vmem>>, vector<1x1x8x128xf32>
      %get3A_1416 = vector.shape_cast %get3A_1415 : vector<1x1x8x128xf32> to vector<8x128xf32>
      %sub3A_1417 = arith.subf %get3A_1416, %broadcast_in_dim3A_1239 : vector<8x128xf32>
      %mul3A_1418 = arith.mulf %sub3A_1403, %sub3A_1403 : vector<8x128xf32>
      %mul3A_1419 = arith.mulf %sub3A_1410, %sub3A_1410 : vector<8x128xf32>
      %add3A_1420 = arith.addf %mul3A_1418, %mul3A_1419 : vector<8x128xf32>
      %mul3A_1421 = arith.mulf %sub3A_1417, %sub3A_1417 : vector<8x128xf32>
      %add3A_1422 = arith.addf %add3A_1420, %mul3A_1421 : vector<8x128xf32>
      %get3A_1423 = arith.constant 1 : index
      %get3A_1424 = arith.constant 32 : index
      %get3A_1425 = arith.constant 0 : index
      %get3A_1426 = vector.load %arg3[%get3A_1423, %get3A_1424, %get3A_1425] : memref<4x64x128xf32, #tpu.memory_space<vmem>>, vector<1x8x128xf32>
      %get3A_1427 = vector.shape_cast %get3A_1426 : vector<1x8x128xf32> to vector<8x128xf32>
      %min3A_1428 = arith.minimumf %get3A_1427, %add3A_1422 : vector<8x128xf32>
      %swap3A_1429 = arith.constant 1 : index
      %swap3A_1430 = arith.constant 32 : index
      %swap3A_1431 = arith.constant 0 : index
      %swap3A_1432 = vector.load %arg3[%swap3A_1429, %swap3A_1430, %swap3A_1431] : memref<4x64x128xf32, #tpu.memory_space<vmem>>, vector<1x8x128xf32>
      %swap3A_1433 = vector.shape_cast %swap3A_1432 : vector<1x8x128xf32> to vector<8x128xf32>
      %swap3A_1434 = vector.shape_cast %min3A_1428 : vector<8x128xf32> to vector<1x8x128xf32>
      tpu.vector_store %arg3[%swap3A_1429, %swap3A_1430, %swap3A_1431], %swap3A_1434 {strides = array<i32>} : memref<4x64x128xf32, #tpu.memory_space<vmem>>, vector<1x8x128xf32>,
      %get3A_1435 = arith.constant 1 : index
      %get3A_1436 = arith.constant 0 : index
      %get3A_1437 = arith.constant 40 : index
      %get3A_1438 = arith.constant 0 : index
      %get3A_1439 = vector.load %arg0[%get3A_1435, %get3A_1436, %get3A_1437, %get3A_1438] : memref<4x3x64x128xf32, #tpu.memory_space<vmem>>, vector<1x1x8x128xf32>
      %get3A_1440 = vector.shape_cast %get3A_1439 : vector<1x1x8x128xf32> to vector<8x128xf32>
      %sub3A_1441 = arith.subf %get3A_1440, %broadcast_in_dim3A_1197 : vector<8x128xf32>
      %get3A_1442 = arith.constant 1 : index
      %get3A_1443 = arith.constant 1 : index
      %get3A_1444 = arith.constant 40 : index
      %get3A_1445 = arith.constant 0 : index
      %get3A_1446 = vector.load %arg0[%get3A_1442, %get3A_1443, %get3A_1444, %get3A_1445] : memref<4x3x64x128xf32, #tpu.memory_space<vmem>>, vector<1x1x8x128xf32>
      %get3A_1447 = vector.shape_cast %get3A_1446 : vector<1x1x8x128xf32> to vector<8x128xf32>
      %sub3A_1448 = arith.subf %get3A_1447, %broadcast_in_dim3A_1218 : vector<8x128xf32>
      %get3A_1449 = arith.constant 1 : index
      %get3A_1450 = arith.constant 2 : index
      %get3A_1451 = arith.constant 40 : index
      %get3A_1452 = arith.constant 0 : index
      %get3A_1453 = vector.load %arg0[%get3A_1449, %get3A_1450, %get3A_1451, %get3A_1452] : memref<4x3x64x128xf32, #tpu.memory_space<vmem>>, vector<1x1x8x128xf32>
      %get3A_1454 = vector.shape_cast %get3A_1453 : vector<1x1x8x128xf32> to vector<8x128xf32>
      %sub3A_1455 = arith.subf %get3A_1454, %broadcast_in_dim3A_1239 : vector<8x128xf32>
      %mul3A_1456 = arith.mulf %sub3A_1441, %sub3A_1441 : vector<8x128xf32>
      %mul3A_1457 = arith.mulf %sub3A_1448, %sub3A_1448 : vector<8x128xf32>
      %add3A_1458 = arith.addf %mul3A_1456, %mul3A_1457 : vector<8x128xf32>
      %mul3A_1459 = arith.mulf %sub3A_1455, %sub3A_1455 : vector<8x128xf32>
      %add3A_1460 = arith.addf %add3A_1458, %mul3A_1459 : vector<8x128xf32>
      %get3A_1461 = arith.constant 1 : index
      %get3A_1462 = arith.constant 40 : index
      %get3A_1463 = arith.constant 0 : index
      %get3A_1464 = vector.load %arg3[%get3A_1461, %get3A_1462, %get3A_1463] : memref<4x64x128xf32, #tpu.memory_space<vmem>>, vector<1x8x128xf32>
      %get3A_1465 = vector.shape_cast %get3A_1464 : vector<1x8x128xf32> to vector<8x128xf32>
      %min3A_1466 = arith.minimumf %get3A_1465, %add3A_1460 : vector<8x128xf32>
      %swap3A_1467 = arith.constant 1 : index
      %swap3A_1468 = arith.constant 40 : index
      %swap3A_1469 = arith.constant 0 : index
      %swap3A_1470 = vector.load %arg3[%swap3A_1467, %swap3A_1468, %swap3A_1469] : memref<4x64x128xf32, #tpu.memory_space<vmem>>, vector<1x8x128xf32>
      %swap3A_1471 = vector.shape_cast %swap3A_1470 : vector<1x8x128xf32> to vector<8x128xf32>
      %swap3A_1472 = vector.shape_cast %min3A_1466 : vector<8x128xf32> to vector<1x8x128xf32>
      tpu.vector_store %arg3[%swap3A_1467, %swap3A_1468, %swap3A_1469], %swap3A_1472 {strides = array<i32>} : memref<4x64x128xf32, #tpu.memory_space<vmem>>, vector<1x8x128xf32>,
      %get3A_1473 = arith.constant 1 : index
      %get3A_1474 = arith.constant 0 : index
      %get3A_1475 = arith.constant 48 : index
      %get3A_1476 = arith.constant 0 : index
      %get3A_1477 = vector.load %arg0[%get3A_1473, %get3A_1474, %get3A_1475, %get3A_1476] : memref<4x3x64x128xf32, #tpu.memory_space<vmem>>, vector<1x1x8x128xf32>
      %get3A_1478 = vector.shape_cast %get3A_1477 : vector<1x1x8x128xf32> to vector<8x128xf32>
      %sub3A_1479 = arith.subf %get3A_1478, %broadcast_in_dim3A_1197 : vector<8x128xf32>
      %get3A_1480 = arith.constant 1 : index
      %get3A_1481 = arith.constant 1 : index
      %get3A_1482 = arith.constant 48 : index
      %get3A_1483 = arith.constant 0 : index
      %get3A_1484 = vector.load %arg0[%get3A_1480, %get3A_1481, %get3A_1482, %get3A_1483] : memref<4x3x64x128xf32, #tpu.memory_space<vmem>>, vector<1x1x8x128xf32>
      %get3A_1485 = vector.shape_cast %get3A_1484 : vector<1x1x8x128xf32> to vector<8x128xf32>
      %sub3A_1486 = arith.subf %get3A_1485, %broadcast_in_dim3A_1218 : vector<8x128xf32>
      %get3A_1487 = arith.constant 1 : index
      %get3A_1488 = arith.constant 2 : index
      %get3A_1489 = arith.constant 48 : index
      %get3A_1490 = arith.constant 0 : index
      %get3A_1491 = vector.load %arg0[%get3A_1487, %get3A_1488, %get3A_1489, %get3A_1490] : memref<4x3x64x128xf32, #tpu.memory_space<vmem>>, vector<1x1x8x128xf32>
      %get3A_1492 = vector.shape_cast %get3A_1491 : vector<1x1x8x128xf32> to vector<8x128xf32>
      %sub3A_1493 = arith.subf %get3A_1492, %broadcast_in_dim3A_1239 : vector<8x128xf32>
      %mul3A_1494 = arith.mulf %sub3A_1479, %sub3A_1479 : vector<8x128xf32>
      %mul3A_1495 = arith.mulf %sub3A_1486, %sub3A_1486 : vector<8x128xf32>
      %add3A_1496 = arith.addf %mul3A_1494, %mul3A_1495 : vector<8x128xf32>
      %mul3A_1497 = arith.mulf %sub3A_1493, %sub3A_1493 : vector<8x128xf32>
      %add3A_1498 = arith.addf %add3A_1496, %mul3A_1497 : vector<8x128xf32>
      %get3A_1499 = arith.constant 1 : index
      %get3A_1500 = arith.constant 48 : index
      %get3A_1501 = arith.constant 0 : index
      %get3A_1502 = vector.load %arg3[%get3A_1499, %get3A_1500, %get3A_1501] : memref<4x64x128xf32, #tpu.memory_space<vmem>>, vector<1x8x128xf32>
      %get3A_1503 = vector.shape_cast %get3A_1502 : vector<1x8x128xf32> to vector<8x128xf32>
      %min3A_1504 = arith.minimumf %get3A_1503, %add3A_1498 : vector<8x128xf32>
      %swap3A_1505 = arith.constant 1 : index
      %swap3A_1506 = arith.constant 48 : index
      %swap3A_1507 = arith.constant 0 : index
      %swap3A_1508 = vector.load %arg3[%swap3A_1505, %swap3A_1506, %swap3A_1507] : memref<4x64x128xf32, #tpu.memory_space<vmem>>, vector<1x8x128xf32>
      %swap3A_1509 = vector.shape_cast %swap3A_1508 : vector<1x8x128xf32> to vector<8x128xf32>
      %swap3A_1510 = vector.shape_cast %min3A_1504 : vector<8x128xf32> to vector<1x8x128xf32>
      tpu.vector_store %arg3[%swap3A_1505, %swap3A_1506, %swap3A_1507], %swap3A_1510 {strides = array<i32>} : memref<4x64x128xf32, #tpu.memory_space<vmem>>, vector<1x8x128xf32>,
      %get3A_1511 = arith.constant 1 : index
      %get3A_1512 = arith.constant 0 : index
      %get3A_1513 = arith.constant 56 : index
      %get3A_1514 = arith.constant 0 : index
      %get3A_1515 = vector.load %arg0[%get3A_1511, %get3A_1512, %get3A_1513, %get3A_1514] : memref<4x3x64x128xf32, #tpu.memory_space<vmem>>, vector<1x1x8x128xf32>
      %get3A_1516 = vector.shape_cast %get3A_1515 : vector<1x1x8x128xf32> to vector<8x128xf32>
      %sub3A_1517 = arith.subf %get3A_1516, %broadcast_in_dim3A_1197 : vector<8x128xf32>
      %get3A_1518 = arith.constant 1 : index
      %get3A_1519 = arith.constant 1 : index
      %get3A_1520 = arith.constant 56 : index
      %get3A_1521 = arith.constant 0 : index
      %get3A_1522 = vector.load %arg0[%get3A_1518, %get3A_1519, %get3A_1520, %get3A_1521] : memref<4x3x64x128xf32, #tpu.memory_space<vmem>>, vector<1x1x8x128xf32>
      %get3A_1523 = vector.shape_cast %get3A_1522 : vector<1x1x8x128xf32> to vector<8x128xf32>
      %sub3A_1524 = arith.subf %get3A_1523, %broadcast_in_dim3A_1218 : vector<8x128xf32>
      %get3A_1525 = arith.constant 1 : index
      %get3A_1526 = arith.constant 2 : index
      %get3A_1527 = arith.constant 56 : index
      %get3A_1528 = arith.constant 0 : index
      %get3A_1529 = vector.load %arg0[%get3A_1525, %get3A_1526, %get3A_1527, %get3A_1528] : memref<4x3x64x128xf32, #tpu.memory_space<vmem>>, vector<1x1x8x128xf32>
      %get3A_1530 = vector.shape_cast %get3A_1529 : vector<1x1x8x128xf32> to vector<8x128xf32>
      %sub3A_1531 = arith.subf %get3A_1530, %broadcast_in_dim3A_1239 : vector<8x128xf32>
      %mul3A_1532 = arith.mulf %sub3A_1517, %sub3A_1517 : vector<8x128xf32>
      %mul3A_1533 = arith.mulf %sub3A_1524, %sub3A_1524 : vector<8x128xf32>
      %add3A_1534 = arith.addf %mul3A_1532, %mul3A_1533 : vector<8x128xf32>
      %mul3A_1535 = arith.mulf %sub3A_1531, %sub3A_1531 : vector<8x128xf32>
      %add3A_1536 = arith.addf %add3A_1534, %mul3A_1535 : vector<8x128xf32>
      %get3A_1537 = arith.constant 1 : index
      %get3A_1538 = arith.constant 56 : index
      %get3A_1539 = arith.constant 0 : index
      %get3A_1540 = vector.load %arg3[%get3A_1537, %get3A_1538, %get3A_1539] : memref<4x64x128xf32, #tpu.memory_space<vmem>>, vector<1x8x128xf32>
      %get3A_1541 = vector.shape_cast %get3A_1540 : vector<1x8x128xf32> to vector<8x128xf32>
      %min3A_1542 = arith.minimumf %get3A_1541, %add3A_1536 : vector<8x128xf32>
      %swap3A_1543 = arith.constant 1 : index
      %swap3A_1544 = arith.constant 56 : index
      %swap3A_1545 = arith.constant 0 : index
      %swap3A_1546 = vector.load %arg3[%swap3A_1543, %swap3A_1544, %swap3A_1545] : memref<4x64x128xf32, #tpu.memory_space<vmem>>, vector<1x8x128xf32>
      %swap3A_1547 = vector.shape_cast %swap3A_1546 : vector<1x8x128xf32> to vector<8x128xf32>
      %swap3A_1548 = vector.shape_cast %min3A_1542 : vector<8x128xf32> to vector<1x8x128xf32>
      tpu.vector_store %arg3[%swap3A_1543, %swap3A_1544, %swap3A_1545], %swap3A_1548 {strides = array<i32>} : memref<4x64x128xf32, #tpu.memory_space<vmem>>, vector<1x8x128xf32>,
      %max3A_1549 = arith.maximumf %min3A_1276, %min3A_1314 : vector<8x128xf32>
      %max3A_1550 = arith.maximumf %min3A_1352, %min3A_1390 : vector<8x128xf32>
      %max3A_1551 = arith.maximumf %min3A_1428, %min3A_1466 : vector<8x128xf32>
      %max3A_1552 = arith.maximumf %min3A_1504, %min3A_1542 : vector<8x128xf32>
      %max3A_1553 = arith.maximumf %max3A_1549, %max3A_1550 : vector<8x128xf32>
      %max3A_1554 = arith.maximumf %max3A_1551, %max3A_1552 : vector<8x128xf32>
      %max3A_1555 = arith.maximumf %max3A_1553, %max3A_1554 : vector<8x128xf32>
      %reduce_max3A_1556 = arith.constant dense<0xFF800000> : vector<8xf32>
      %reduce_max3A_1557 = vector.multi_reduction <maximumf>, %max3A_1555, %reduce_max3A_1556 [1] : vector<8x128xf32> to vector<8xf32>
      %broadcast_in_dim3A_1558 = vector.shape_cast %reduce_max3A_1557 : vector<8xf32> to vector<8x1xf32>
      %roll3A_1559 = arith.constant 4 : i32
      %roll3A_1560 = tpu.dynamic_rotate %broadcast_in_dim3A_1558 by %roll3A_1559 dim 0 : vector<8x1xf32>, i32 -> vector<8x1xf32>
      %max3A_1561 = arith.maximumf %broadcast_in_dim3A_1558, %roll3A_1560 : vector<8x1xf32>
      %roll3A_1562 = arith.constant 2 : i32
      %roll3A_1563 = tpu.dynamic_rotate %max3A_1561 by %roll3A_1562 dim 0 : vector<8x1xf32>, i32 -> vector<8x1xf32>
      %max3A_1564 = arith.maximumf %max3A_1561, %roll3A_1563 : vector<8x1xf32>
      %roll3A_1565 = arith.constant 1 : i32
      %roll3A_1566 = tpu.dynamic_rotate %max3A_1564 by %roll3A_1565 dim 0 : vector<8x1xf32>, i32 -> vector<8x1xf32>
      %max3A_1567 = arith.maximumf %max3A_1564, %roll3A_1566 : vector<8x1xf32>
      %broadcast_in_dim3A_1568 = vector.shape_cast %max3A_1567 : vector<8x1xf32> to vector<8x1xf32>
      %broadcast_in_dim3A_1569 = vector.broadcast %broadcast_in_dim3A_1568 : vector<8x1xf32> to vector<8x128xf32>
      %get3A_1570 = arith.constant 1 : index
      %get3A_1571 = arith.constant 0 : index
      %get3A_1572 = arith.constant 0 : index
      %get3A_1573 = vector.load %arg3[%get3A_1570, %get3A_1571, %get3A_1572] : memref<4x64x128xf32, #tpu.memory_space<vmem>>, vector<1x8x128xf32>
      %get3A_1574 = vector.shape_cast %get3A_1573 : vector<1x8x128xf32> to vector<8x128xf32>
      %eq3A_1575 = arith.cmpf oeq, %get3A_1574, %broadcast_in_dim3A_1569 : vector<8x128xf32>
      %jit3A_1576 = arith.constant 8.192000e+03 : f32
      %broadcast_in_dim3A_1577 = vector.broadcast %jit3A_1576 : f32 to vector<8x128xf32>
      %select_n3A_1578 = arith.select %eq3A_1575, %convert_element_type3A, %broadcast_in_dim3A_1577 : vector<8x128xi1>, vector<8x128xf32>
      %get3A_1579 = arith.constant 1 : index
      %get3A_1580 = arith.constant 8 : index
      %get3A_1581 = arith.constant 0 : index
      %get3A_1582 = vector.load %arg3[%get3A_1579, %get3A_1580, %get3A_1581] : memref<4x64x128xf32, #tpu.memory_space<vmem>>, vector<1x8x128xf32>
      %get3A_1583 = vector.shape_cast %get3A_1582 : vector<1x8x128xf32> to vector<8x128xf32>
      %eq3A_1584 = arith.cmpf oeq, %get3A_1583, %broadcast_in_dim3A_1569 : vector<8x128xf32>
      %jit3A_1585 = arith.constant 8.192000e+03 : f32
      %broadcast_in_dim3A_1586 = vector.broadcast %jit3A_1585 : f32 to vector<8x128xf32>
      %select_n3A_1587 = arith.select %eq3A_1584, %convert_element_type3A_75, %broadcast_in_dim3A_1586 : vector<8x128xi1>, vector<8x128xf32>
      %get3A_1588 = arith.constant 1 : index
      %get3A_1589 = arith.constant 16 : index
      %get3A_1590 = arith.constant 0 : index
      %get3A_1591 = vector.load %arg3[%get3A_1588, %get3A_1589, %get3A_1590] : memref<4x64x128xf32, #tpu.memory_space<vmem>>, vector<1x8x128xf32>
      %get3A_1592 = vector.shape_cast %get3A_1591 : vector<1x8x128xf32> to vector<8x128xf32>
      %eq3A_1593 = arith.cmpf oeq, %get3A_1592, %broadcast_in_dim3A_1569 : vector<8x128xf32>
      %jit3A_1594 = arith.constant 8.192000e+03 : f32
      %broadcast_in_dim3A_1595 = vector.broadcast %jit3A_1594 : f32 to vector<8x128xf32>
      %select_n3A_1596 = arith.select %eq3A_1593, %convert_element_type3A_76, %broadcast_in_dim3A_1595 : vector<8x128xi1>, vector<8x128xf32>
      %get3A_1597 = arith.constant 1 : index
      %get3A_1598 = arith.constant 24 : index
      %get3A_1599 = arith.constant 0 : index
      %get3A_1600 = vector.load %arg3[%get3A_1597, %get3A_1598, %get3A_1599] : memref<4x64x128xf32, #tpu.memory_space<vmem>>, vector<1x8x128xf32>
      %get3A_1601 = vector.shape_cast %get3A_1600 : vector<1x8x128xf32> to vector<8x128xf32>
      %eq3A_1602 = arith.cmpf oeq, %get3A_1601, %broadcast_in_dim3A_1569 : vector<8x128xf32>
      %jit3A_1603 = arith.constant 8.192000e+03 : f32
      %broadcast_in_dim3A_1604 = vector.broadcast %jit3A_1603 : f32 to vector<8x128xf32>
      %select_n3A_1605 = arith.select %eq3A_1602, %convert_element_type3A_77, %broadcast_in_dim3A_1604 : vector<8x128xi1>, vector<8x128xf32>
      %get3A_1606 = arith.constant 1 : index
      %get3A_1607 = arith.constant 32 : index
      %get3A_1608 = arith.constant 0 : index
      %get3A_1609 = vector.load %arg3[%get3A_1606, %get3A_1607, %get3A_1608] : memref<4x64x128xf32, #tpu.memory_space<vmem>>, vector<1x8x128xf32>
      %get3A_1610 = vector.shape_cast %get3A_1609 : vector<1x8x128xf32> to vector<8x128xf32>
      %eq3A_1611 = arith.cmpf oeq, %get3A_1610, %broadcast_in_dim3A_1569 : vector<8x128xf32>
      %jit3A_1612 = arith.constant 8.192000e+03 : f32
      %broadcast_in_dim3A_1613 = vector.broadcast %jit3A_1612 : f32 to vector<8x128xf32>
      %select_n3A_1614 = arith.select %eq3A_1611, %convert_element_type3A_78, %broadcast_in_dim3A_1613 : vector<8x128xi1>, vector<8x128xf32>
      %get3A_1615 = arith.constant 1 : index
      %get3A_1616 = arith.constant 40 : index
      %get3A_1617 = arith.constant 0 : index
      %get3A_1618 = vector.load %arg3[%get3A_1615, %get3A_1616, %get3A_1617] : memref<4x64x128xf32, #tpu.memory_space<vmem>>, vector<1x8x128xf32>
      %get3A_1619 = vector.shape_cast %get3A_1618 : vector<1x8x128xf32> to vector<8x128xf32>
      %eq3A_1620 = arith.cmpf oeq, %get3A_1619, %broadcast_in_dim3A_1569 : vector<8x128xf32>
      %jit3A_1621 = arith.constant 8.192000e+03 : f32
      %broadcast_in_dim3A_1622 = vector.broadcast %jit3A_1621 : f32 to vector<8x128xf32>
      %select_n3A_1623 = arith.select %eq3A_1620, %convert_element_type3A_79, %broadcast_in_dim3A_1622 : vector<8x128xi1>, vector<8x128xf32>
      %get3A_1624 = arith.constant 1 : index
      %get3A_1625 = arith.constant 48 : index
      %get3A_1626 = arith.constant 0 : index
      %get3A_1627 = vector.load %arg3[%get3A_1624, %get3A_1625, %get3A_1626] : memref<4x64x128xf32, #tpu.memory_space<vmem>>, vector<1x8x128xf32>
      %get3A_1628 = vector.shape_cast %get3A_1627 : vector<1x8x128xf32> to vector<8x128xf32>
      %eq3A_1629 = arith.cmpf oeq, %get3A_1628, %broadcast_in_dim3A_1569 : vector<8x128xf32>
      %jit3A_1630 = arith.constant 8.192000e+03 : f32
      %broadcast_in_dim3A_1631 = vector.broadcast %jit3A_1630 : f32 to vector<8x128xf32>
      %select_n3A_1632 = arith.select %eq3A_1629, %convert_element_type3A_80, %broadcast_in_dim3A_1631 : vector<8x128xi1>, vector<8x128xf32>
      %get3A_1633 = arith.constant 1 : index
      %get3A_1634 = arith.constant 56 : index
      %get3A_1635 = arith.constant 0 : index
      %get3A_1636 = vector.load %arg3[%get3A_1633, %get3A_1634, %get3A_1635] : memref<4x64x128xf32, #tpu.memory_space<vmem>>, vector<1x8x128xf32>
      %get3A_1637 = vector.shape_cast %get3A_1636 : vector<1x8x128xf32> to vector<8x128xf32>
      %eq3A_1638 = arith.cmpf oeq, %get3A_1637, %broadcast_in_dim3A_1569 : vector<8x128xf32>
      %jit3A_1639 = arith.constant 8.192000e+03 : f32
      %broadcast_in_dim3A_1640 = vector.broadcast %jit3A_1639 : f32 to vector<8x128xf32>
      %select_n3A_1641 = arith.select %eq3A_1638, %convert_element_type3A_81, %broadcast_in_dim3A_1640 : vector<8x128xi1>, vector<8x128xf32>
      %min3A_1642 = arith.minimumf %select_n3A_1578, %select_n3A_1587 : vector<8x128xf32>
      %min3A_1643 = arith.minimumf %select_n3A_1596, %select_n3A_1605 : vector<8x128xf32>
      %min3A_1644 = arith.minimumf %select_n3A_1614, %select_n3A_1623 : vector<8x128xf32>
      %min3A_1645 = arith.minimumf %select_n3A_1632, %select_n3A_1641 : vector<8x128xf32>
      %min3A_1646 = arith.minimumf %min3A_1642, %min3A_1643 : vector<8x128xf32>
      %min3A_1647 = arith.minimumf %min3A_1644, %min3A_1645 : vector<8x128xf32>
      %min3A_1648 = arith.minimumf %min3A_1646, %min3A_1647 : vector<8x128xf32>
      %reduce_min3A_1649 = arith.constant dense<0x7F800000> : vector<8xf32>
      %reduce_min3A_1650 = vector.multi_reduction <minimumf>, %min3A_1648, %reduce_min3A_1649 [1] : vector<8x128xf32> to vector<8xf32>
      %broadcast_in_dim3A_1651 = vector.shape_cast %reduce_min3A_1650 : vector<8xf32> to vector<8x1xf32>
      %roll3A_1652 = arith.constant 4 : i32
      %roll3A_1653 = tpu.dynamic_rotate %broadcast_in_dim3A_1651 by %roll3A_1652 dim 0 : vector<8x1xf32>, i32 -> vector<8x1xf32>
      %min3A_1654 = arith.minimumf %broadcast_in_dim3A_1651, %roll3A_1653 : vector<8x1xf32>
      %roll3A_1655 = arith.constant 2 : i32
      %roll3A_1656 = tpu.dynamic_rotate %min3A_1654 by %roll3A_1655 dim 0 : vector<8x1xf32>, i32 -> vector<8x1xf32>
      %min3A_1657 = arith.minimumf %min3A_1654, %roll3A_1656 : vector<8x1xf32>
      %roll3A_1658 = arith.constant 1 : i32
      %roll3A_1659 = tpu.dynamic_rotate %min3A_1657 by %roll3A_1658 dim 0 : vector<8x1xf32>, i32 -> vector<8x1xf32>
      %min3A_1660 = arith.minimumf %min3A_1657, %roll3A_1659 : vector<8x1xf32>
      %broadcast_in_dim3A_1661 = vector.shape_cast %min3A_1660 : vector<8x1xf32> to vector<8x1xf32>
      %broadcast_in_dim3A_1662 = vector.broadcast %broadcast_in_dim3A_1661 : vector<8x1xf32> to vector<8x128xf32>
      %eq3A_1663 = arith.cmpf oeq, %convert_element_type3A, %scan3A_234 : vector<8x128xf32>
      %get3A_1664 = arith.constant 2 : index
      %get3A_1665 = arith.constant 0 : index
      %get3A_1666 = arith.constant 0 : index
      %get3A_1667 = arith.constant 0 : index
      %get3A_1668 = vector.load %arg0[%get3A_1664, %get3A_1665, %get3A_1666, %get3A_1667] : memref<4x3x64x128xf32, #tpu.memory_space<vmem>>, vector<1x1x8x128xf32>
      %get3A_1669 = vector.shape_cast %get3A_1668 : vector<1x1x8x128xf32> to vector<8x128xf32>
      %jit3A_1670 = arith.constant 0.000000e+00 : f32
      %broadcast_in_dim3A_1671 = vector.broadcast %jit3A_1670 : f32 to vector<8x128xf32>
      %select_n3A_1672 = arith.select %eq3A_1663, %get3A_1669, %broadcast_in_dim3A_1671 : vector<8x128xi1>, vector<8x128xf32>
      %get3A_1673 = arith.constant 2 : index
      %get3A_1674 = arith.constant 1 : index
      %get3A_1675 = arith.constant 0 : index
      %get3A_1676 = arith.constant 0 : index
      %get3A_1677 = vector.load %arg0[%get3A_1673, %get3A_1674, %get3A_1675, %get3A_1676] : memref<4x3x64x128xf32, #tpu.memory_space<vmem>>, vector<1x1x8x128xf32>
      %get3A_1678 = vector.shape_cast %get3A_1677 : vector<1x1x8x128xf32> to vector<8x128xf32>
      %jit3A_1679 = arith.constant 0.000000e+00 : f32
      %broadcast_in_dim3A_1680 = vector.broadcast %jit3A_1679 : f32 to vector<8x128xf32>
      %select_n3A_1681 = arith.select %eq3A_1663, %get3A_1678, %broadcast_in_dim3A_1680 : vector<8x128xi1>, vector<8x128xf32>
      %get3A_1682 = arith.constant 2 : index
      %get3A_1683 = arith.constant 2 : index
      %get3A_1684 = arith.constant 0 : index
      %get3A_1685 = arith.constant 0 : index
      %get3A_1686 = vector.load %arg0[%get3A_1682, %get3A_1683, %get3A_1684, %get3A_1685] : memref<4x3x64x128xf32, #tpu.memory_space<vmem>>, vector<1x1x8x128xf32>
      %get3A_1687 = vector.shape_cast %get3A_1686 : vector<1x1x8x128xf32> to vector<8x128xf32>
      %jit3A_1688 = arith.constant 0.000000e+00 : f32
      %broadcast_in_dim3A_1689 = vector.broadcast %jit3A_1688 : f32 to vector<8x128xf32>
      %select_n3A_1690 = arith.select %eq3A_1663, %get3A_1687, %broadcast_in_dim3A_1689 : vector<8x128xi1>, vector<8x128xf32>
      %eq3A_1691 = arith.cmpf oeq, %convert_element_type3A_75, %scan3A_234 : vector<8x128xf32>
      %get3A_1692 = arith.constant 2 : index
      %get3A_1693 = arith.constant 0 : index
      %get3A_1694 = arith.constant 8 : index
      %get3A_1695 = arith.constant 0 : index
      %get3A_1696 = vector.load %arg0[%get3A_1692, %get3A_1693, %get3A_1694, %get3A_1695] : memref<4x3x64x128xf32, #tpu.memory_space<vmem>>, vector<1x1x8x128xf32>
      %get3A_1697 = vector.shape_cast %get3A_1696 : vector<1x1x8x128xf32> to vector<8x128xf32>
      %jit3A_1698 = arith.constant 0.000000e+00 : f32
      %broadcast_in_dim3A_1699 = vector.broadcast %jit3A_1698 : f32 to vector<8x128xf32>
      %select_n3A_1700 = arith.select %eq3A_1691, %get3A_1697, %broadcast_in_dim3A_1699 : vector<8x128xi1>, vector<8x128xf32>
      %get3A_1701 = arith.constant 2 : index
      %get3A_1702 = arith.constant 1 : index
      %get3A_1703 = arith.constant 8 : index
      %get3A_1704 = arith.constant 0 : index
      %get3A_1705 = vector.load %arg0[%get3A_1701, %get3A_1702, %get3A_1703, %get3A_1704] : memref<4x3x64x128xf32, #tpu.memory_space<vmem>>, vector<1x1x8x128xf32>
      %get3A_1706 = vector.shape_cast %get3A_1705 : vector<1x1x8x128xf32> to vector<8x128xf32>
      %jit3A_1707 = arith.constant 0.000000e+00 : f32
      %broadcast_in_dim3A_1708 = vector.broadcast %jit3A_1707 : f32 to vector<8x128xf32>
      %select_n3A_1709 = arith.select %eq3A_1691, %get3A_1706, %broadcast_in_dim3A_1708 : vector<8x128xi1>, vector<8x128xf32>
      %get3A_1710 = arith.constant 2 : index
      %get3A_1711 = arith.constant 2 : index
      %get3A_1712 = arith.constant 8 : index
      %get3A_1713 = arith.constant 0 : index
      %get3A_1714 = vector.load %arg0[%get3A_1710, %get3A_1711, %get3A_1712, %get3A_1713] : memref<4x3x64x128xf32, #tpu.memory_space<vmem>>, vector<1x1x8x128xf32>
      %get3A_1715 = vector.shape_cast %get3A_1714 : vector<1x1x8x128xf32> to vector<8x128xf32>
      %jit3A_1716 = arith.constant 0.000000e+00 : f32
      %broadcast_in_dim3A_1717 = vector.broadcast %jit3A_1716 : f32 to vector<8x128xf32>
      %select_n3A_1718 = arith.select %eq3A_1691, %get3A_1715, %broadcast_in_dim3A_1717 : vector<8x128xi1>, vector<8x128xf32>
      %eq3A_1719 = arith.cmpf oeq, %convert_element_type3A_76, %scan3A_234 : vector<8x128xf32>
      %get3A_1720 = arith.constant 2 : index
      %get3A_1721 = arith.constant 0 : index
      %get3A_1722 = arith.constant 16 : index
      %get3A_1723 = arith.constant 0 : index
      %get3A_1724 = vector.load %arg0[%get3A_1720, %get3A_1721, %get3A_1722, %get3A_1723] : memref<4x3x64x128xf32, #tpu.memory_space<vmem>>, vector<1x1x8x128xf32>
      %get3A_1725 = vector.shape_cast %get3A_1724 : vector<1x1x8x128xf32> to vector<8x128xf32>
      %jit3A_1726 = arith.constant 0.000000e+00 : f32
      %broadcast_in_dim3A_1727 = vector.broadcast %jit3A_1726 : f32 to vector<8x128xf32>
      %select_n3A_1728 = arith.select %eq3A_1719, %get3A_1725, %broadcast_in_dim3A_1727 : vector<8x128xi1>, vector<8x128xf32>
      %get3A_1729 = arith.constant 2 : index
      %get3A_1730 = arith.constant 1 : index
      %get3A_1731 = arith.constant 16 : index
      %get3A_1732 = arith.constant 0 : index
      %get3A_1733 = vector.load %arg0[%get3A_1729, %get3A_1730, %get3A_1731, %get3A_1732] : memref<4x3x64x128xf32, #tpu.memory_space<vmem>>, vector<1x1x8x128xf32>
      %get3A_1734 = vector.shape_cast %get3A_1733 : vector<1x1x8x128xf32> to vector<8x128xf32>
      %jit3A_1735 = arith.constant 0.000000e+00 : f32
      %broadcast_in_dim3A_1736 = vector.broadcast %jit3A_1735 : f32 to vector<8x128xf32>
      %select_n3A_1737 = arith.select %eq3A_1719, %get3A_1734, %broadcast_in_dim3A_1736 : vector<8x128xi1>, vector<8x128xf32>
      %get3A_1738 = arith.constant 2 : index
      %get3A_1739 = arith.constant 2 : index
      %get3A_1740 = arith.constant 16 : index
      %get3A_1741 = arith.constant 0 : index
      %get3A_1742 = vector.load %arg0[%get3A_1738, %get3A_1739, %get3A_1740, %get3A_1741] : memref<4x3x64x128xf32, #tpu.memory_space<vmem>>, vector<1x1x8x128xf32>
      %get3A_1743 = vector.shape_cast %get3A_1742 : vector<1x1x8x128xf32> to vector<8x128xf32>
      %jit3A_1744 = arith.constant 0.000000e+00 : f32
      %broadcast_in_dim3A_1745 = vector.broadcast %jit3A_1744 : f32 to vector<8x128xf32>
      %select_n3A_1746 = arith.select %eq3A_1719, %get3A_1743, %broadcast_in_dim3A_1745 : vector<8x128xi1>, vector<8x128xf32>
      %eq3A_1747 = arith.cmpf oeq, %convert_element_type3A_77, %scan3A_234 : vector<8x128xf32>
      %get3A_1748 = arith.constant 2 : index
      %get3A_1749 = arith.constant 0 : index
      %get3A_1750 = arith.constant 24 : index
      %get3A_1751 = arith.constant 0 : index
      %get3A_1752 = vector.load %arg0[%get3A_1748, %get3A_1749, %get3A_1750, %get3A_1751] : memref<4x3x64x128xf32, #tpu.memory_space<vmem>>, vector<1x1x8x128xf32>
      %get3A_1753 = vector.shape_cast %get3A_1752 : vector<1x1x8x128xf32> to vector<8x128xf32>
      %jit3A_1754 = arith.constant 0.000000e+00 : f32
      %broadcast_in_dim3A_1755 = vector.broadcast %jit3A_1754 : f32 to vector<8x128xf32>
      %select_n3A_1756 = arith.select %eq3A_1747, %get3A_1753, %broadcast_in_dim3A_1755 : vector<8x128xi1>, vector<8x128xf32>
      %get3A_1757 = arith.constant 2 : index
      %get3A_1758 = arith.constant 1 : index
      %get3A_1759 = arith.constant 24 : index
      %get3A_1760 = arith.constant 0 : index
      %get3A_1761 = vector.load %arg0[%get3A_1757, %get3A_1758, %get3A_1759, %get3A_1760] : memref<4x3x64x128xf32, #tpu.memory_space<vmem>>, vector<1x1x8x128xf32>
      %get3A_1762 = vector.shape_cast %get3A_1761 : vector<1x1x8x128xf32> to vector<8x128xf32>
      %jit3A_1763 = arith.constant 0.000000e+00 : f32
      %broadcast_in_dim3A_1764 = vector.broadcast %jit3A_1763 : f32 to vector<8x128xf32>
      %select_n3A_1765 = arith.select %eq3A_1747, %get3A_1762, %broadcast_in_dim3A_1764 : vector<8x128xi1>, vector<8x128xf32>
      %get3A_1766 = arith.constant 2 : index
      %get3A_1767 = arith.constant 2 : index
      %get3A_1768 = arith.constant 24 : index
      %get3A_1769 = arith.constant 0 : index
      %get3A_1770 = vector.load %arg0[%get3A_1766, %get3A_1767, %get3A_1768, %get3A_1769] : memref<4x3x64x128xf32, #tpu.memory_space<vmem>>, vector<1x1x8x128xf32>
      %get3A_1771 = vector.shape_cast %get3A_1770 : vector<1x1x8x128xf32> to vector<8x128xf32>
      %jit3A_1772 = arith.constant 0.000000e+00 : f32
      %broadcast_in_dim3A_1773 = vector.broadcast %jit3A_1772 : f32 to vector<8x128xf32>
      %select_n3A_1774 = arith.select %eq3A_1747, %get3A_1771, %broadcast_in_dim3A_1773 : vector<8x128xi1>, vector<8x128xf32>
      %eq3A_1775 = arith.cmpf oeq, %convert_element_type3A_78, %scan3A_234 : vector<8x128xf32>
      %get3A_1776 = arith.constant 2 : index
      %get3A_1777 = arith.constant 0 : index
      %get3A_1778 = arith.constant 32 : index
      %get3A_1779 = arith.constant 0 : index
      %get3A_1780 = vector.load %arg0[%get3A_1776, %get3A_1777, %get3A_1778, %get3A_1779] : memref<4x3x64x128xf32, #tpu.memory_space<vmem>>, vector<1x1x8x128xf32>
      %get3A_1781 = vector.shape_cast %get3A_1780 : vector<1x1x8x128xf32> to vector<8x128xf32>
      %jit3A_1782 = arith.constant 0.000000e+00 : f32
      %broadcast_in_dim3A_1783 = vector.broadcast %jit3A_1782 : f32 to vector<8x128xf32>
      %select_n3A_1784 = arith.select %eq3A_1775, %get3A_1781, %broadcast_in_dim3A_1783 : vector<8x128xi1>, vector<8x128xf32>
      %get3A_1785 = arith.constant 2 : index
      %get3A_1786 = arith.constant 1 : index
      %get3A_1787 = arith.constant 32 : index
      %get3A_1788 = arith.constant 0 : index
      %get3A_1789 = vector.load %arg0[%get3A_1785, %get3A_1786, %get3A_1787, %get3A_1788] : memref<4x3x64x128xf32, #tpu.memory_space<vmem>>, vector<1x1x8x128xf32>
      %get3A_1790 = vector.shape_cast %get3A_1789 : vector<1x1x8x128xf32> to vector<8x128xf32>
      %jit3A_1791 = arith.constant 0.000000e+00 : f32
      %broadcast_in_dim3A_1792 = vector.broadcast %jit3A_1791 : f32 to vector<8x128xf32>
      %select_n3A_1793 = arith.select %eq3A_1775, %get3A_1790, %broadcast_in_dim3A_1792 : vector<8x128xi1>, vector<8x128xf32>
      %get3A_1794 = arith.constant 2 : index
      %get3A_1795 = arith.constant 2 : index
      %get3A_1796 = arith.constant 32 : index
      %get3A_1797 = arith.constant 0 : index
      %get3A_1798 = vector.load %arg0[%get3A_1794, %get3A_1795, %get3A_1796, %get3A_1797] : memref<4x3x64x128xf32, #tpu.memory_space<vmem>>, vector<1x1x8x128xf32>
      %get3A_1799 = vector.shape_cast %get3A_1798 : vector<1x1x8x128xf32> to vector<8x128xf32>
      %jit3A_1800 = arith.constant 0.000000e+00 : f32
      %broadcast_in_dim3A_1801 = vector.broadcast %jit3A_1800 : f32 to vector<8x128xf32>
      %select_n3A_1802 = arith.select %eq3A_1775, %get3A_1799, %broadcast_in_dim3A_1801 : vector<8x128xi1>, vector<8x128xf32>
      %eq3A_1803 = arith.cmpf oeq, %convert_element_type3A_79, %scan3A_234 : vector<8x128xf32>
      %get3A_1804 = arith.constant 2 : index
      %get3A_1805 = arith.constant 0 : index
      %get3A_1806 = arith.constant 40 : index
      %get3A_1807 = arith.constant 0 : index
      %get3A_1808 = vector.load %arg0[%get3A_1804, %get3A_1805, %get3A_1806, %get3A_1807] : memref<4x3x64x128xf32, #tpu.memory_space<vmem>>, vector<1x1x8x128xf32>
      %get3A_1809 = vector.shape_cast %get3A_1808 : vector<1x1x8x128xf32> to vector<8x128xf32>
      %jit3A_1810 = arith.constant 0.000000e+00 : f32
      %broadcast_in_dim3A_1811 = vector.broadcast %jit3A_1810 : f32 to vector<8x128xf32>
      %select_n3A_1812 = arith.select %eq3A_1803, %get3A_1809, %broadcast_in_dim3A_1811 : vector<8x128xi1>, vector<8x128xf32>
      %get3A_1813 = arith.constant 2 : index
      %get3A_1814 = arith.constant 1 : index
      %get3A_1815 = arith.constant 40 : index
      %get3A_1816 = arith.constant 0 : index
      %get3A_1817 = vector.load %arg0[%get3A_1813, %get3A_1814, %get3A_1815, %get3A_1816] : memref<4x3x64x128xf32, #tpu.memory_space<vmem>>, vector<1x1x8x128xf32>
      %get3A_1818 = vector.shape_cast %get3A_1817 : vector<1x1x8x128xf32> to vector<8x128xf32>
      %jit3A_1819 = arith.constant 0.000000e+00 : f32
      %broadcast_in_dim3A_1820 = vector.broadcast %jit3A_1819 : f32 to vector<8x128xf32>
      %select_n3A_1821 = arith.select %eq3A_1803, %get3A_1818, %broadcast_in_dim3A_1820 : vector<8x128xi1>, vector<8x128xf32>
      %get3A_1822 = arith.constant 2 : index
      %get3A_1823 = arith.constant 2 : index
      %get3A_1824 = arith.constant 40 : index
      %get3A_1825 = arith.constant 0 : index
      %get3A_1826 = vector.load %arg0[%get3A_1822, %get3A_1823, %get3A_1824, %get3A_1825] : memref<4x3x64x128xf32, #tpu.memory_space<vmem>>, vector<1x1x8x128xf32>
      %get3A_1827 = vector.shape_cast %get3A_1826 : vector<1x1x8x128xf32> to vector<8x128xf32>
      %jit3A_1828 = arith.constant 0.000000e+00 : f32
      %broadcast_in_dim3A_1829 = vector.broadcast %jit3A_1828 : f32 to vector<8x128xf32>
      %select_n3A_1830 = arith.select %eq3A_1803, %get3A_1827, %broadcast_in_dim3A_1829 : vector<8x128xi1>, vector<8x128xf32>
      %eq3A_1831 = arith.cmpf oeq, %convert_element_type3A_80, %scan3A_234 : vector<8x128xf32>
      %get3A_1832 = arith.constant 2 : index
      %get3A_1833 = arith.constant 0 : index
      %get3A_1834 = arith.constant 48 : index
      %get3A_1835 = arith.constant 0 : index
      %get3A_1836 = vector.load %arg0[%get3A_1832, %get3A_1833, %get3A_1834, %get3A_1835] : memref<4x3x64x128xf32, #tpu.memory_space<vmem>>, vector<1x1x8x128xf32>
      %get3A_1837 = vector.shape_cast %get3A_1836 : vector<1x1x8x128xf32> to vector<8x128xf32>
      %jit3A_1838 = arith.constant 0.000000e+00 : f32
      %broadcast_in_dim3A_1839 = vector.broadcast %jit3A_1838 : f32 to vector<8x128xf32>
      %select_n3A_1840 = arith.select %eq3A_1831, %get3A_1837, %broadcast_in_dim3A_1839 : vector<8x128xi1>, vector<8x128xf32>
      %get3A_1841 = arith.constant 2 : index
      %get3A_1842 = arith.constant 1 : index
      %get3A_1843 = arith.constant 48 : index
      %get3A_1844 = arith.constant 0 : index
      %get3A_1845 = vector.load %arg0[%get3A_1841, %get3A_1842, %get3A_1843, %get3A_1844] : memref<4x3x64x128xf32, #tpu.memory_space<vmem>>, vector<1x1x8x128xf32>
      %get3A_1846 = vector.shape_cast %get3A_1845 : vector<1x1x8x128xf32> to vector<8x128xf32>
      %jit3A_1847 = arith.constant 0.000000e+00 : f32
      %broadcast_in_dim3A_1848 = vector.broadcast %jit3A_1847 : f32 to vector<8x128xf32>
      %select_n3A_1849 = arith.select %eq3A_1831, %get3A_1846, %broadcast_in_dim3A_1848 : vector<8x128xi1>, vector<8x128xf32>
      %get3A_1850 = arith.constant 2 : index
      %get3A_1851 = arith.constant 2 : index
      %get3A_1852 = arith.constant 48 : index
      %get3A_1853 = arith.constant 0 : index
      %get3A_1854 = vector.load %arg0[%get3A_1850, %get3A_1851, %get3A_1852, %get3A_1853] : memref<4x3x64x128xf32, #tpu.memory_space<vmem>>, vector<1x1x8x128xf32>
      %get3A_1855 = vector.shape_cast %get3A_1854 : vector<1x1x8x128xf32> to vector<8x128xf32>
      %jit3A_1856 = arith.constant 0.000000e+00 : f32
      %broadcast_in_dim3A_1857 = vector.broadcast %jit3A_1856 : f32 to vector<8x128xf32>
      %select_n3A_1858 = arith.select %eq3A_1831, %get3A_1855, %broadcast_in_dim3A_1857 : vector<8x128xi1>, vector<8x128xf32>
      %eq3A_1859 = arith.cmpf oeq, %convert_element_type3A_81, %scan3A_234 : vector<8x128xf32>
      %get3A_1860 = arith.constant 2 : index
      %get3A_1861 = arith.constant 0 : index
      %get3A_1862 = arith.constant 56 : index
      %get3A_1863 = arith.constant 0 : index
      %get3A_1864 = vector.load %arg0[%get3A_1860, %get3A_1861, %get3A_1862, %get3A_1863] : memref<4x3x64x128xf32, #tpu.memory_space<vmem>>, vector<1x1x8x128xf32>
      %get3A_1865 = vector.shape_cast %get3A_1864 : vector<1x1x8x128xf32> to vector<8x128xf32>
      %jit3A_1866 = arith.constant 0.000000e+00 : f32
      %broadcast_in_dim3A_1867 = vector.broadcast %jit3A_1866 : f32 to vector<8x128xf32>
      %select_n3A_1868 = arith.select %eq3A_1859, %get3A_1865, %broadcast_in_dim3A_1867 : vector<8x128xi1>, vector<8x128xf32>
      %get3A_1869 = arith.constant 2 : index
      %get3A_1870 = arith.constant 1 : index
      %get3A_1871 = arith.constant 56 : index
      %get3A_1872 = arith.constant 0 : index
      %get3A_1873 = vector.load %arg0[%get3A_1869, %get3A_1870, %get3A_1871, %get3A_1872] : memref<4x3x64x128xf32, #tpu.memory_space<vmem>>, vector<1x1x8x128xf32>
      %get3A_1874 = vector.shape_cast %get3A_1873 : vector<1x1x8x128xf32> to vector<8x128xf32>
      %jit3A_1875 = arith.constant 0.000000e+00 : f32
      %broadcast_in_dim3A_1876 = vector.broadcast %jit3A_1875 : f32 to vector<8x128xf32>
      %select_n3A_1877 = arith.select %eq3A_1859, %get3A_1874, %broadcast_in_dim3A_1876 : vector<8x128xi1>, vector<8x128xf32>
      %get3A_1878 = arith.constant 2 : index
      %get3A_1879 = arith.constant 2 : index
      %get3A_1880 = arith.constant 56 : index
      %get3A_1881 = arith.constant 0 : index
      %get3A_1882 = vector.load %arg0[%get3A_1878, %get3A_1879, %get3A_1880, %get3A_1881] : memref<4x3x64x128xf32, #tpu.memory_space<vmem>>, vector<1x1x8x128xf32>
      %get3A_1883 = vector.shape_cast %get3A_1882 : vector<1x1x8x128xf32> to vector<8x128xf32>
      %jit3A_1884 = arith.constant 0.000000e+00 : f32
      %broadcast_in_dim3A_1885 = vector.broadcast %jit3A_1884 : f32 to vector<8x128xf32>
      %select_n3A_1886 = arith.select %eq3A_1859, %get3A_1883, %broadcast_in_dim3A_1885 : vector<8x128xi1>, vector<8x128xf32>
      %add3A_1887 = arith.addf %select_n3A_1672, %select_n3A_1700 : vector<8x128xf32>
      %add3A_1888 = arith.addf %select_n3A_1728, %select_n3A_1756 : vector<8x128xf32>
      %add3A_1889 = arith.addf %select_n3A_1784, %select_n3A_1812 : vector<8x128xf32>
      %add3A_1890 = arith.addf %select_n3A_1840, %select_n3A_1868 : vector<8x128xf32>
      %add3A_1891 = arith.addf %add3A_1887, %add3A_1888 : vector<8x128xf32>
      %add3A_1892 = arith.addf %add3A_1889, %add3A_1890 : vector<8x128xf32>
      %add3A_1893 = arith.addf %add3A_1891, %add3A_1892 : vector<8x128xf32>
      %reduce_sum3A_1894 = arith.constant dense<0.000000e+00> : vector<8xf32>
      %reduce_sum3A_1895 = vector.multi_reduction <add>, %add3A_1893, %reduce_sum3A_1894 [1] : vector<8x128xf32> to vector<8xf32>
      %broadcast_in_dim3A_1896 = vector.shape_cast %reduce_sum3A_1895 : vector<8xf32> to vector<8x1xf32>
      %roll3A_1897 = arith.constant 4 : i32
      %roll3A_1898 = tpu.dynamic_rotate %broadcast_in_dim3A_1896 by %roll3A_1897 dim 0 : vector<8x1xf32>, i32 -> vector<8x1xf32>
      %add3A_1899 = arith.addf %broadcast_in_dim3A_1896, %roll3A_1898 : vector<8x1xf32>
      %roll3A_1900 = arith.constant 2 : i32
      %roll3A_1901 = tpu.dynamic_rotate %add3A_1899 by %roll3A_1900 dim 0 : vector<8x1xf32>, i32 -> vector<8x1xf32>
      %add3A_1902 = arith.addf %add3A_1899, %roll3A_1901 : vector<8x1xf32>
      %roll3A_1903 = arith.constant 1 : i32
      %roll3A_1904 = tpu.dynamic_rotate %add3A_1902 by %roll3A_1903 dim 0 : vector<8x1xf32>, i32 -> vector<8x1xf32>
      %add3A_1905 = arith.addf %add3A_1902, %roll3A_1904 : vector<8x1xf32>
      %broadcast_in_dim3A_1906 = vector.shape_cast %add3A_1905 : vector<8x1xf32> to vector<8x1xf32>
      %broadcast_in_dim3A_1907 = vector.broadcast %broadcast_in_dim3A_1906 : vector<8x1xf32> to vector<8x128xf32>
      %add3A_1908 = arith.addf %select_n3A_1681, %select_n3A_1709 : vector<8x128xf32>
      %add3A_1909 = arith.addf %select_n3A_1737, %select_n3A_1765 : vector<8x128xf32>
      %add3A_1910 = arith.addf %select_n3A_1793, %select_n3A_1821 : vector<8x128xf32>
      %add3A_1911 = arith.addf %select_n3A_1849, %select_n3A_1877 : vector<8x128xf32>
      %add3A_1912 = arith.addf %add3A_1908, %add3A_1909 : vector<8x128xf32>
      %add3A_1913 = arith.addf %add3A_1910, %add3A_1911 : vector<8x128xf32>
      %add3A_1914 = arith.addf %add3A_1912, %add3A_1913 : vector<8x128xf32>
      %reduce_sum3A_1915 = arith.constant dense<0.000000e+00> : vector<8xf32>
      %reduce_sum3A_1916 = vector.multi_reduction <add>, %add3A_1914, %reduce_sum3A_1915 [1] : vector<8x128xf32> to vector<8xf32>
      %broadcast_in_dim3A_1917 = vector.shape_cast %reduce_sum3A_1916 : vector<8xf32> to vector<8x1xf32>
      %roll3A_1918 = arith.constant 4 : i32
      %roll3A_1919 = tpu.dynamic_rotate %broadcast_in_dim3A_1917 by %roll3A_1918 dim 0 : vector<8x1xf32>, i32 -> vector<8x1xf32>
      %add3A_1920 = arith.addf %broadcast_in_dim3A_1917, %roll3A_1919 : vector<8x1xf32>
      %roll3A_1921 = arith.constant 2 : i32
      %roll3A_1922 = tpu.dynamic_rotate %add3A_1920 by %roll3A_1921 dim 0 : vector<8x1xf32>, i32 -> vector<8x1xf32>
      %add3A_1923 = arith.addf %add3A_1920, %roll3A_1922 : vector<8x1xf32>
      %roll3A_1924 = arith.constant 1 : i32
      %roll3A_1925 = tpu.dynamic_rotate %add3A_1923 by %roll3A_1924 dim 0 : vector<8x1xf32>, i32 -> vector<8x1xf32>
      %add3A_1926 = arith.addf %add3A_1923, %roll3A_1925 : vector<8x1xf32>
      %broadcast_in_dim3A_1927 = vector.shape_cast %add3A_1926 : vector<8x1xf32> to vector<8x1xf32>
      %broadcast_in_dim3A_1928 = vector.broadcast %broadcast_in_dim3A_1927 : vector<8x1xf32> to vector<8x128xf32>
      %add3A_1929 = arith.addf %select_n3A_1690, %select_n3A_1718 : vector<8x128xf32>
      %add3A_1930 = arith.addf %select_n3A_1746, %select_n3A_1774 : vector<8x128xf32>
      %add3A_1931 = arith.addf %select_n3A_1802, %select_n3A_1830 : vector<8x128xf32>
      %add3A_1932 = arith.addf %select_n3A_1858, %select_n3A_1886 : vector<8x128xf32>
      %add3A_1933 = arith.addf %add3A_1929, %add3A_1930 : vector<8x128xf32>
      %add3A_1934 = arith.addf %add3A_1931, %add3A_1932 : vector<8x128xf32>
      %add3A_1935 = arith.addf %add3A_1933, %add3A_1934 : vector<8x128xf32>
      %reduce_sum3A_1936 = arith.constant dense<0.000000e+00> : vector<8xf32>
      %reduce_sum3A_1937 = vector.multi_reduction <add>, %add3A_1935, %reduce_sum3A_1936 [1] : vector<8x128xf32> to vector<8xf32>
      %broadcast_in_dim3A_1938 = vector.shape_cast %reduce_sum3A_1937 : vector<8xf32> to vector<8x1xf32>
      %roll3A_1939 = arith.constant 4 : i32
      %roll3A_1940 = tpu.dynamic_rotate %broadcast_in_dim3A_1938 by %roll3A_1939 dim 0 : vector<8x1xf32>, i32 -> vector<8x1xf32>
      %add3A_1941 = arith.addf %broadcast_in_dim3A_1938, %roll3A_1940 : vector<8x1xf32>
      %roll3A_1942 = arith.constant 2 : i32
      %roll3A_1943 = tpu.dynamic_rotate %add3A_1941 by %roll3A_1942 dim 0 : vector<8x1xf32>, i32 -> vector<8x1xf32>
      %add3A_1944 = arith.addf %add3A_1941, %roll3A_1943 : vector<8x1xf32>
      %roll3A_1945 = arith.constant 1 : i32
      %roll3A_1946 = tpu.dynamic_rotate %add3A_1944 by %roll3A_1945 dim 0 : vector<8x1xf32>, i32 -> vector<8x1xf32>
      %add3A_1947 = arith.addf %add3A_1944, %roll3A_1946 : vector<8x1xf32>
      %broadcast_in_dim3A_1948 = vector.shape_cast %add3A_1947 : vector<8x1xf32> to vector<8x1xf32>
      %broadcast_in_dim3A_1949 = vector.broadcast %broadcast_in_dim3A_1948 : vector<8x1xf32> to vector<8x128xf32>
      %convert_element_type3A_1950 = arith.fptosi %scan3A_234 : vector<8x128xf32> to vector<8x128xi32>
      %select_n3A_1951 = arith.select %eq3A_252, %convert_element_type3A_1950, %scan3A_238 : vector<8x128xi1>, vector<8x128xi32>
      %select_n3A_1952 = arith.select %eq3A_252, %broadcast_in_dim3A_1907, %scan3A_242 : vector<8x128xi1>, vector<8x128xf32>
      %select_n3A_1953 = arith.select %eq3A_252, %broadcast_in_dim3A_1928, %scan3A_246 : vector<8x128xi1>, vector<8x128xf32>
      %select_n3A_1954 = arith.select %eq3A_252, %broadcast_in_dim3A_1949, %scan3A_250 : vector<8x128xi1>, vector<8x128xf32>
      %get3A_1955 = arith.constant 2 : index
      %get3A_1956 = arith.constant 0 : index
      %get3A_1957 = arith.constant 0 : index
      %get3A_1958 = arith.constant 0 : index
      %get3A_1959 = vector.load %arg0[%get3A_1955, %get3A_1956, %get3A_1957, %get3A_1958] : memref<4x3x64x128xf32, #tpu.memory_space<vmem>>, vector<1x1x8x128xf32>
      %get3A_1960 = vector.shape_cast %get3A_1959 : vector<1x1x8x128xf32> to vector<8x128xf32>
      %sub3A_1961 = arith.subf %get3A_1960, %broadcast_in_dim3A_1907 : vector<8x128xf32>
      %get3A_1962 = arith.constant 2 : index
      %get3A_1963 = arith.constant 1 : index
      %get3A_1964 = arith.constant 0 : index
      %get3A_1965 = arith.constant 0 : index
      %get3A_1966 = vector.load %arg0[%get3A_1962, %get3A_1963, %get3A_1964, %get3A_1965] : memref<4x3x64x128xf32, #tpu.memory_space<vmem>>, vector<1x1x8x128xf32>
      %get3A_1967 = vector.shape_cast %get3A_1966 : vector<1x1x8x128xf32> to vector<8x128xf32>
      %sub3A_1968 = arith.subf %get3A_1967, %broadcast_in_dim3A_1928 : vector<8x128xf32>
      %get3A_1969 = arith.constant 2 : index
      %get3A_1970 = arith.constant 2 : index
      %get3A_1971 = arith.constant 0 : index
      %get3A_1972 = arith.constant 0 : index
      %get3A_1973 = vector.load %arg0[%get3A_1969, %get3A_1970, %get3A_1971, %get3A_1972] : memref<4x3x64x128xf32, #tpu.memory_space<vmem>>, vector<1x1x8x128xf32>
      %get3A_1974 = vector.shape_cast %get3A_1973 : vector<1x1x8x128xf32> to vector<8x128xf32>
      %sub3A_1975 = arith.subf %get3A_1974, %broadcast_in_dim3A_1949 : vector<8x128xf32>
      %mul3A_1976 = arith.mulf %sub3A_1961, %sub3A_1961 : vector<8x128xf32>
      %mul3A_1977 = arith.mulf %sub3A_1968, %sub3A_1968 : vector<8x128xf32>
      %add3A_1978 = arith.addf %mul3A_1976, %mul3A_1977 : vector<8x128xf32>
      %mul3A_1979 = arith.mulf %sub3A_1975, %sub3A_1975 : vector<8x128xf32>
      %add3A_1980 = arith.addf %add3A_1978, %mul3A_1979 : vector<8x128xf32>
      %get3A_1981 = arith.constant 2 : index
      %get3A_1982 = arith.constant 0 : index
      %get3A_1983 = arith.constant 0 : index
      %get3A_1984 = vector.load %arg3[%get3A_1981, %get3A_1982, %get3A_1983] : memref<4x64x128xf32, #tpu.memory_space<vmem>>, vector<1x8x128xf32>
      %get3A_1985 = vector.shape_cast %get3A_1984 : vector<1x8x128xf32> to vector<8x128xf32>
      %min3A_1986 = arith.minimumf %get3A_1985, %add3A_1980 : vector<8x128xf32>
      %swap3A_1987 = arith.constant 2 : index
      %swap3A_1988 = arith.constant 0 : index
      %swap3A_1989 = arith.constant 0 : index
      %swap3A_1990 = vector.load %arg3[%swap3A_1987, %swap3A_1988, %swap3A_1989] : memref<4x64x128xf32, #tpu.memory_space<vmem>>, vector<1x8x128xf32>
      %swap3A_1991 = vector.shape_cast %swap3A_1990 : vector<1x8x128xf32> to vector<8x128xf32>
      %swap3A_1992 = vector.shape_cast %min3A_1986 : vector<8x128xf32> to vector<1x8x128xf32>
      tpu.vector_store %arg3[%swap3A_1987, %swap3A_1988, %swap3A_1989], %swap3A_1992 {strides = array<i32>} : memref<4x64x128xf32, #tpu.memory_space<vmem>>, vector<1x8x128xf32>,
      %get3A_1993 = arith.constant 2 : index
      %get3A_1994 = arith.constant 0 : index
      %get3A_1995 = arith.constant 8 : index
      %get3A_1996 = arith.constant 0 : index
      %get3A_1997 = vector.load %arg0[%get3A_1993, %get3A_1994, %get3A_1995, %get3A_1996] : memref<4x3x64x128xf32, #tpu.memory_space<vmem>>, vector<1x1x8x128xf32>
      %get3A_1998 = vector.shape_cast %get3A_1997 : vector<1x1x8x128xf32> to vector<8x128xf32>
      %sub3A_1999 = arith.subf %get3A_1998, %broadcast_in_dim3A_1907 : vector<8x128xf32>
      %get3A_2000 = arith.constant 2 : index
      %get3A_2001 = arith.constant 1 : index
      %get3A_2002 = arith.constant 8 : index
      %get3A_2003 = arith.constant 0 : index
      %get3A_2004 = vector.load %arg0[%get3A_2000, %get3A_2001, %get3A_2002, %get3A_2003] : memref<4x3x64x128xf32, #tpu.memory_space<vmem>>, vector<1x1x8x128xf32>
      %get3A_2005 = vector.shape_cast %get3A_2004 : vector<1x1x8x128xf32> to vector<8x128xf32>
      %sub3A_2006 = arith.subf %get3A_2005, %broadcast_in_dim3A_1928 : vector<8x128xf32>
      %get3A_2007 = arith.constant 2 : index
      %get3A_2008 = arith.constant 2 : index
      %get3A_2009 = arith.constant 8 : index
      %get3A_2010 = arith.constant 0 : index
      %get3A_2011 = vector.load %arg0[%get3A_2007, %get3A_2008, %get3A_2009, %get3A_2010] : memref<4x3x64x128xf32, #tpu.memory_space<vmem>>, vector<1x1x8x128xf32>
      %get3A_2012 = vector.shape_cast %get3A_2011 : vector<1x1x8x128xf32> to vector<8x128xf32>
      %sub3A_2013 = arith.subf %get3A_2012, %broadcast_in_dim3A_1949 : vector<8x128xf32>
      %mul3A_2014 = arith.mulf %sub3A_1999, %sub3A_1999 : vector<8x128xf32>
      %mul3A_2015 = arith.mulf %sub3A_2006, %sub3A_2006 : vector<8x128xf32>
      %add3A_2016 = arith.addf %mul3A_2014, %mul3A_2015 : vector<8x128xf32>
      %mul3A_2017 = arith.mulf %sub3A_2013, %sub3A_2013 : vector<8x128xf32>
      %add3A_2018 = arith.addf %add3A_2016, %mul3A_2017 : vector<8x128xf32>
      %get3A_2019 = arith.constant 2 : index
      %get3A_2020 = arith.constant 8 : index
      %get3A_2021 = arith.constant 0 : index
      %get3A_2022 = vector.load %arg3[%get3A_2019, %get3A_2020, %get3A_2021] : memref<4x64x128xf32, #tpu.memory_space<vmem>>, vector<1x8x128xf32>
      %get3A_2023 = vector.shape_cast %get3A_2022 : vector<1x8x128xf32> to vector<8x128xf32>
      %min3A_2024 = arith.minimumf %get3A_2023, %add3A_2018 : vector<8x128xf32>
      %swap3A_2025 = arith.constant 2 : index
      %swap3A_2026 = arith.constant 8 : index
      %swap3A_2027 = arith.constant 0 : index
      %swap3A_2028 = vector.load %arg3[%swap3A_2025, %swap3A_2026, %swap3A_2027] : memref<4x64x128xf32, #tpu.memory_space<vmem>>, vector<1x8x128xf32>
      %swap3A_2029 = vector.shape_cast %swap3A_2028 : vector<1x8x128xf32> to vector<8x128xf32>
      %swap3A_2030 = vector.shape_cast %min3A_2024 : vector<8x128xf32> to vector<1x8x128xf32>
      tpu.vector_store %arg3[%swap3A_2025, %swap3A_2026, %swap3A_2027], %swap3A_2030 {strides = array<i32>} : memref<4x64x128xf32, #tpu.memory_space<vmem>>, vector<1x8x128xf32>,
      %get3A_2031 = arith.constant 2 : index
      %get3A_2032 = arith.constant 0 : index
      %get3A_2033 = arith.constant 16 : index
      %get3A_2034 = arith.constant 0 : index
      %get3A_2035 = vector.load %arg0[%get3A_2031, %get3A_2032, %get3A_2033, %get3A_2034] : memref<4x3x64x128xf32, #tpu.memory_space<vmem>>, vector<1x1x8x128xf32>
      %get3A_2036 = vector.shape_cast %get3A_2035 : vector<1x1x8x128xf32> to vector<8x128xf32>
      %sub3A_2037 = arith.subf %get3A_2036, %broadcast_in_dim3A_1907 : vector<8x128xf32>
      %get3A_2038 = arith.constant 2 : index
      %get3A_2039 = arith.constant 1 : index
      %get3A_2040 = arith.constant 16 : index
      %get3A_2041 = arith.constant 0 : index
      %get3A_2042 = vector.load %arg0[%get3A_2038, %get3A_2039, %get3A_2040, %get3A_2041] : memref<4x3x64x128xf32, #tpu.memory_space<vmem>>, vector<1x1x8x128xf32>
      %get3A_2043 = vector.shape_cast %get3A_2042 : vector<1x1x8x128xf32> to vector<8x128xf32>
      %sub3A_2044 = arith.subf %get3A_2043, %broadcast_in_dim3A_1928 : vector<8x128xf32>
      %get3A_2045 = arith.constant 2 : index
      %get3A_2046 = arith.constant 2 : index
      %get3A_2047 = arith.constant 16 : index
      %get3A_2048 = arith.constant 0 : index
      %get3A_2049 = vector.load %arg0[%get3A_2045, %get3A_2046, %get3A_2047, %get3A_2048] : memref<4x3x64x128xf32, #tpu.memory_space<vmem>>, vector<1x1x8x128xf32>
      %get3A_2050 = vector.shape_cast %get3A_2049 : vector<1x1x8x128xf32> to vector<8x128xf32>
      %sub3A_2051 = arith.subf %get3A_2050, %broadcast_in_dim3A_1949 : vector<8x128xf32>
      %mul3A_2052 = arith.mulf %sub3A_2037, %sub3A_2037 : vector<8x128xf32>
      %mul3A_2053 = arith.mulf %sub3A_2044, %sub3A_2044 : vector<8x128xf32>
      %add3A_2054 = arith.addf %mul3A_2052, %mul3A_2053 : vector<8x128xf32>
      %mul3A_2055 = arith.mulf %sub3A_2051, %sub3A_2051 : vector<8x128xf32>
      %add3A_2056 = arith.addf %add3A_2054, %mul3A_2055 : vector<8x128xf32>
      %get3A_2057 = arith.constant 2 : index
      %get3A_2058 = arith.constant 16 : index
      %get3A_2059 = arith.constant 0 : index
      %get3A_2060 = vector.load %arg3[%get3A_2057, %get3A_2058, %get3A_2059] : memref<4x64x128xf32, #tpu.memory_space<vmem>>, vector<1x8x128xf32>
      %get3A_2061 = vector.shape_cast %get3A_2060 : vector<1x8x128xf32> to vector<8x128xf32>
      %min3A_2062 = arith.minimumf %get3A_2061, %add3A_2056 : vector<8x128xf32>
      %swap3A_2063 = arith.constant 2 : index
      %swap3A_2064 = arith.constant 16 : index
      %swap3A_2065 = arith.constant 0 : index
      %swap3A_2066 = vector.load %arg3[%swap3A_2063, %swap3A_2064, %swap3A_2065] : memref<4x64x128xf32, #tpu.memory_space<vmem>>, vector<1x8x128xf32>
      %swap3A_2067 = vector.shape_cast %swap3A_2066 : vector<1x8x128xf32> to vector<8x128xf32>
      %swap3A_2068 = vector.shape_cast %min3A_2062 : vector<8x128xf32> to vector<1x8x128xf32>
      tpu.vector_store %arg3[%swap3A_2063, %swap3A_2064, %swap3A_2065], %swap3A_2068 {strides = array<i32>} : memref<4x64x128xf32, #tpu.memory_space<vmem>>, vector<1x8x128xf32>,
      %get3A_2069 = arith.constant 2 : index
      %get3A_2070 = arith.constant 0 : index
      %get3A_2071 = arith.constant 24 : index
      %get3A_2072 = arith.constant 0 : index
      %get3A_2073 = vector.load %arg0[%get3A_2069, %get3A_2070, %get3A_2071, %get3A_2072] : memref<4x3x64x128xf32, #tpu.memory_space<vmem>>, vector<1x1x8x128xf32>
      %get3A_2074 = vector.shape_cast %get3A_2073 : vector<1x1x8x128xf32> to vector<8x128xf32>
      %sub3A_2075 = arith.subf %get3A_2074, %broadcast_in_dim3A_1907 : vector<8x128xf32>
      %get3A_2076 = arith.constant 2 : index
      %get3A_2077 = arith.constant 1 : index
      %get3A_2078 = arith.constant 24 : index
      %get3A_2079 = arith.constant 0 : index
      %get3A_2080 = vector.load %arg0[%get3A_2076, %get3A_2077, %get3A_2078, %get3A_2079] : memref<4x3x64x128xf32, #tpu.memory_space<vmem>>, vector<1x1x8x128xf32>
      %get3A_2081 = vector.shape_cast %get3A_2080 : vector<1x1x8x128xf32> to vector<8x128xf32>
      %sub3A_2082 = arith.subf %get3A_2081, %broadcast_in_dim3A_1928 : vector<8x128xf32>
      %get3A_2083 = arith.constant 2 : index
      %get3A_2084 = arith.constant 2 : index
      %get3A_2085 = arith.constant 24 : index
      %get3A_2086 = arith.constant 0 : index
      %get3A_2087 = vector.load %arg0[%get3A_2083, %get3A_2084, %get3A_2085, %get3A_2086] : memref<4x3x64x128xf32, #tpu.memory_space<vmem>>, vector<1x1x8x128xf32>
      %get3A_2088 = vector.shape_cast %get3A_2087 : vector<1x1x8x128xf32> to vector<8x128xf32>
      %sub3A_2089 = arith.subf %get3A_2088, %broadcast_in_dim3A_1949 : vector<8x128xf32>
      %mul3A_2090 = arith.mulf %sub3A_2075, %sub3A_2075 : vector<8x128xf32>
      %mul3A_2091 = arith.mulf %sub3A_2082, %sub3A_2082 : vector<8x128xf32>
      %add3A_2092 = arith.addf %mul3A_2090, %mul3A_2091 : vector<8x128xf32>
      %mul3A_2093 = arith.mulf %sub3A_2089, %sub3A_2089 : vector<8x128xf32>
      %add3A_2094 = arith.addf %add3A_2092, %mul3A_2093 : vector<8x128xf32>
      %get3A_2095 = arith.constant 2 : index
      %get3A_2096 = arith.constant 24 : index
      %get3A_2097 = arith.constant 0 : index
      %get3A_2098 = vector.load %arg3[%get3A_2095, %get3A_2096, %get3A_2097] : memref<4x64x128xf32, #tpu.memory_space<vmem>>, vector<1x8x128xf32>
      %get3A_2099 = vector.shape_cast %get3A_2098 : vector<1x8x128xf32> to vector<8x128xf32>
      %min3A_2100 = arith.minimumf %get3A_2099, %add3A_2094 : vector<8x128xf32>
      %swap3A_2101 = arith.constant 2 : index
      %swap3A_2102 = arith.constant 24 : index
      %swap3A_2103 = arith.constant 0 : index
      %swap3A_2104 = vector.load %arg3[%swap3A_2101, %swap3A_2102, %swap3A_2103] : memref<4x64x128xf32, #tpu.memory_space<vmem>>, vector<1x8x128xf32>
      %swap3A_2105 = vector.shape_cast %swap3A_2104 : vector<1x8x128xf32> to vector<8x128xf32>
      %swap3A_2106 = vector.shape_cast %min3A_2100 : vector<8x128xf32> to vector<1x8x128xf32>
      tpu.vector_store %arg3[%swap3A_2101, %swap3A_2102, %swap3A_2103], %swap3A_2106 {strides = array<i32>} : memref<4x64x128xf32, #tpu.memory_space<vmem>>, vector<1x8x128xf32>,
      %get3A_2107 = arith.constant 2 : index
      %get3A_2108 = arith.constant 0 : index
      %get3A_2109 = arith.constant 32 : index
      %get3A_2110 = arith.constant 0 : index
      %get3A_2111 = vector.load %arg0[%get3A_2107, %get3A_2108, %get3A_2109, %get3A_2110] : memref<4x3x64x128xf32, #tpu.memory_space<vmem>>, vector<1x1x8x128xf32>
      %get3A_2112 = vector.shape_cast %get3A_2111 : vector<1x1x8x128xf32> to vector<8x128xf32>
      %sub3A_2113 = arith.subf %get3A_2112, %broadcast_in_dim3A_1907 : vector<8x128xf32>
      %get3A_2114 = arith.constant 2 : index
      %get3A_2115 = arith.constant 1 : index
      %get3A_2116 = arith.constant 32 : index
      %get3A_2117 = arith.constant 0 : index
      %get3A_2118 = vector.load %arg0[%get3A_2114, %get3A_2115, %get3A_2116, %get3A_2117] : memref<4x3x64x128xf32, #tpu.memory_space<vmem>>, vector<1x1x8x128xf32>
      %get3A_2119 = vector.shape_cast %get3A_2118 : vector<1x1x8x128xf32> to vector<8x128xf32>
      %sub3A_2120 = arith.subf %get3A_2119, %broadcast_in_dim3A_1928 : vector<8x128xf32>
      %get3A_2121 = arith.constant 2 : index
      %get3A_2122 = arith.constant 2 : index
      %get3A_2123 = arith.constant 32 : index
      %get3A_2124 = arith.constant 0 : index
      %get3A_2125 = vector.load %arg0[%get3A_2121, %get3A_2122, %get3A_2123, %get3A_2124] : memref<4x3x64x128xf32, #tpu.memory_space<vmem>>, vector<1x1x8x128xf32>
      %get3A_2126 = vector.shape_cast %get3A_2125 : vector<1x1x8x128xf32> to vector<8x128xf32>
      %sub3A_2127 = arith.subf %get3A_2126, %broadcast_in_dim3A_1949 : vector<8x128xf32>
      %mul3A_2128 = arith.mulf %sub3A_2113, %sub3A_2113 : vector<8x128xf32>
      %mul3A_2129 = arith.mulf %sub3A_2120, %sub3A_2120 : vector<8x128xf32>
      %add3A_2130 = arith.addf %mul3A_2128, %mul3A_2129 : vector<8x128xf32>
      %mul3A_2131 = arith.mulf %sub3A_2127, %sub3A_2127 : vector<8x128xf32>
      %add3A_2132 = arith.addf %add3A_2130, %mul3A_2131 : vector<8x128xf32>
      %get3A_2133 = arith.constant 2 : index
      %get3A_2134 = arith.constant 32 : index
      %get3A_2135 = arith.constant 0 : index
      %get3A_2136 = vector.load %arg3[%get3A_2133, %get3A_2134, %get3A_2135] : memref<4x64x128xf32, #tpu.memory_space<vmem>>, vector<1x8x128xf32>
      %get3A_2137 = vector.shape_cast %get3A_2136 : vector<1x8x128xf32> to vector<8x128xf32>
      %min3A_2138 = arith.minimumf %get3A_2137, %add3A_2132 : vector<8x128xf32>
      %swap3A_2139 = arith.constant 2 : index
      %swap3A_2140 = arith.constant 32 : index
      %swap3A_2141 = arith.constant 0 : index
      %swap3A_2142 = vector.load %arg3[%swap3A_2139, %swap3A_2140, %swap3A_2141] : memref<4x64x128xf32, #tpu.memory_space<vmem>>, vector<1x8x128xf32>
      %swap3A_2143 = vector.shape_cast %swap3A_2142 : vector<1x8x128xf32> to vector<8x128xf32>
      %swap3A_2144 = vector.shape_cast %min3A_2138 : vector<8x128xf32> to vector<1x8x128xf32>
      tpu.vector_store %arg3[%swap3A_2139, %swap3A_2140, %swap3A_2141], %swap3A_2144 {strides = array<i32>} : memref<4x64x128xf32, #tpu.memory_space<vmem>>, vector<1x8x128xf32>,
      %get3A_2145 = arith.constant 2 : index
      %get3A_2146 = arith.constant 0 : index
      %get3A_2147 = arith.constant 40 : index
      %get3A_2148 = arith.constant 0 : index
      %get3A_2149 = vector.load %arg0[%get3A_2145, %get3A_2146, %get3A_2147, %get3A_2148] : memref<4x3x64x128xf32, #tpu.memory_space<vmem>>, vector<1x1x8x128xf32>
      %get3A_2150 = vector.shape_cast %get3A_2149 : vector<1x1x8x128xf32> to vector<8x128xf32>
      %sub3A_2151 = arith.subf %get3A_2150, %broadcast_in_dim3A_1907 : vector<8x128xf32>
      %get3A_2152 = arith.constant 2 : index
      %get3A_2153 = arith.constant 1 : index
      %get3A_2154 = arith.constant 40 : index
      %get3A_2155 = arith.constant 0 : index
      %get3A_2156 = vector.load %arg0[%get3A_2152, %get3A_2153, %get3A_2154, %get3A_2155] : memref<4x3x64x128xf32, #tpu.memory_space<vmem>>, vector<1x1x8x128xf32>
      %get3A_2157 = vector.shape_cast %get3A_2156 : vector<1x1x8x128xf32> to vector<8x128xf32>
      %sub3A_2158 = arith.subf %get3A_2157, %broadcast_in_dim3A_1928 : vector<8x128xf32>
      %get3A_2159 = arith.constant 2 : index
      %get3A_2160 = arith.constant 2 : index
      %get3A_2161 = arith.constant 40 : index
      %get3A_2162 = arith.constant 0 : index
      %get3A_2163 = vector.load %arg0[%get3A_2159, %get3A_2160, %get3A_2161, %get3A_2162] : memref<4x3x64x128xf32, #tpu.memory_space<vmem>>, vector<1x1x8x128xf32>
      %get3A_2164 = vector.shape_cast %get3A_2163 : vector<1x1x8x128xf32> to vector<8x128xf32>
      %sub3A_2165 = arith.subf %get3A_2164, %broadcast_in_dim3A_1949 : vector<8x128xf32>
      %mul3A_2166 = arith.mulf %sub3A_2151, %sub3A_2151 : vector<8x128xf32>
      %mul3A_2167 = arith.mulf %sub3A_2158, %sub3A_2158 : vector<8x128xf32>
      %add3A_2168 = arith.addf %mul3A_2166, %mul3A_2167 : vector<8x128xf32>
      %mul3A_2169 = arith.mulf %sub3A_2165, %sub3A_2165 : vector<8x128xf32>
      %add3A_2170 = arith.addf %add3A_2168, %mul3A_2169 : vector<8x128xf32>
      %get3A_2171 = arith.constant 2 : index
      %get3A_2172 = arith.constant 40 : index
      %get3A_2173 = arith.constant 0 : index
      %get3A_2174 = vector.load %arg3[%get3A_2171, %get3A_2172, %get3A_2173] : memref<4x64x128xf32, #tpu.memory_space<vmem>>, vector<1x8x128xf32>
      %get3A_2175 = vector.shape_cast %get3A_2174 : vector<1x8x128xf32> to vector<8x128xf32>
      %min3A_2176 = arith.minimumf %get3A_2175, %add3A_2170 : vector<8x128xf32>
      %swap3A_2177 = arith.constant 2 : index
      %swap3A_2178 = arith.constant 40 : index
      %swap3A_2179 = arith.constant 0 : index
      %swap3A_2180 = vector.load %arg3[%swap3A_2177, %swap3A_2178, %swap3A_2179] : memref<4x64x128xf32, #tpu.memory_space<vmem>>, vector<1x8x128xf32>
      %swap3A_2181 = vector.shape_cast %swap3A_2180 : vector<1x8x128xf32> to vector<8x128xf32>
      %swap3A_2182 = vector.shape_cast %min3A_2176 : vector<8x128xf32> to vector<1x8x128xf32>
      tpu.vector_store %arg3[%swap3A_2177, %swap3A_2178, %swap3A_2179], %swap3A_2182 {strides = array<i32>} : memref<4x64x128xf32, #tpu.memory_space<vmem>>, vector<1x8x128xf32>,
      %get3A_2183 = arith.constant 2 : index
      %get3A_2184 = arith.constant 0 : index
      %get3A_2185 = arith.constant 48 : index
      %get3A_2186 = arith.constant 0 : index
      %get3A_2187 = vector.load %arg0[%get3A_2183, %get3A_2184, %get3A_2185, %get3A_2186] : memref<4x3x64x128xf32, #tpu.memory_space<vmem>>, vector<1x1x8x128xf32>
      %get3A_2188 = vector.shape_cast %get3A_2187 : vector<1x1x8x128xf32> to vector<8x128xf32>
      %sub3A_2189 = arith.subf %get3A_2188, %broadcast_in_dim3A_1907 : vector<8x128xf32>
      %get3A_2190 = arith.constant 2 : index
      %get3A_2191 = arith.constant 1 : index
      %get3A_2192 = arith.constant 48 : index
      %get3A_2193 = arith.constant 0 : index
      %get3A_2194 = vector.load %arg0[%get3A_2190, %get3A_2191, %get3A_2192, %get3A_2193] : memref<4x3x64x128xf32, #tpu.memory_space<vmem>>, vector<1x1x8x128xf32>
      %get3A_2195 = vector.shape_cast %get3A_2194 : vector<1x1x8x128xf32> to vector<8x128xf32>
      %sub3A_2196 = arith.subf %get3A_2195, %broadcast_in_dim3A_1928 : vector<8x128xf32>
      %get3A_2197 = arith.constant 2 : index
      %get3A_2198 = arith.constant 2 : index
      %get3A_2199 = arith.constant 48 : index
      %get3A_2200 = arith.constant 0 : index
      %get3A_2201 = vector.load %arg0[%get3A_2197, %get3A_2198, %get3A_2199, %get3A_2200] : memref<4x3x64x128xf32, #tpu.memory_space<vmem>>, vector<1x1x8x128xf32>
      %get3A_2202 = vector.shape_cast %get3A_2201 : vector<1x1x8x128xf32> to vector<8x128xf32>
      %sub3A_2203 = arith.subf %get3A_2202, %broadcast_in_dim3A_1949 : vector<8x128xf32>
      %mul3A_2204 = arith.mulf %sub3A_2189, %sub3A_2189 : vector<8x128xf32>
      %mul3A_2205 = arith.mulf %sub3A_2196, %sub3A_2196 : vector<8x128xf32>
      %add3A_2206 = arith.addf %mul3A_2204, %mul3A_2205 : vector<8x128xf32>
      %mul3A_2207 = arith.mulf %sub3A_2203, %sub3A_2203 : vector<8x128xf32>
      %add3A_2208 = arith.addf %add3A_2206, %mul3A_2207 : vector<8x128xf32>
      %get3A_2209 = arith.constant 2 : index
      %get3A_2210 = arith.constant 48 : index
      %get3A_2211 = arith.constant 0 : index
      %get3A_2212 = vector.load %arg3[%get3A_2209, %get3A_2210, %get3A_2211] : memref<4x64x128xf32, #tpu.memory_space<vmem>>, vector<1x8x128xf32>
      %get3A_2213 = vector.shape_cast %get3A_2212 : vector<1x8x128xf32> to vector<8x128xf32>
      %min3A_2214 = arith.minimumf %get3A_2213, %add3A_2208 : vector<8x128xf32>
      %swap3A_2215 = arith.constant 2 : index
      %swap3A_2216 = arith.constant 48 : index
      %swap3A_2217 = arith.constant 0 : index
      %swap3A_2218 = vector.load %arg3[%swap3A_2215, %swap3A_2216, %swap3A_2217] : memref<4x64x128xf32, #tpu.memory_space<vmem>>, vector<1x8x128xf32>
      %swap3A_2219 = vector.shape_cast %swap3A_2218 : vector<1x8x128xf32> to vector<8x128xf32>
      %swap3A_2220 = vector.shape_cast %min3A_2214 : vector<8x128xf32> to vector<1x8x128xf32>
      tpu.vector_store %arg3[%swap3A_2215, %swap3A_2216, %swap3A_2217], %swap3A_2220 {strides = array<i32>} : memref<4x64x128xf32, #tpu.memory_space<vmem>>, vector<1x8x128xf32>,
      %get3A_2221 = arith.constant 2 : index
      %get3A_2222 = arith.constant 0 : index
      %get3A_2223 = arith.constant 56 : index
      %get3A_2224 = arith.constant 0 : index
      %get3A_2225 = vector.load %arg0[%get3A_2221, %get3A_2222, %get3A_2223, %get3A_2224] : memref<4x3x64x128xf32, #tpu.memory_space<vmem>>, vector<1x1x8x128xf32>
      %get3A_2226 = vector.shape_cast %get3A_2225 : vector<1x1x8x128xf32> to vector<8x128xf32>
      %sub3A_2227 = arith.subf %get3A_2226, %broadcast_in_dim3A_1907 : vector<8x128xf32>
      %get3A_2228 = arith.constant 2 : index
      %get3A_2229 = arith.constant 1 : index
      %get3A_2230 = arith.constant 56 : index
      %get3A_2231 = arith.constant 0 : index
      %get3A_2232 = vector.load %arg0[%get3A_2228, %get3A_2229, %get3A_2230, %get3A_2231] : memref<4x3x64x128xf32, #tpu.memory_space<vmem>>, vector<1x1x8x128xf32>
      %get3A_2233 = vector.shape_cast %get3A_2232 : vector<1x1x8x128xf32> to vector<8x128xf32>
      %sub3A_2234 = arith.subf %get3A_2233, %broadcast_in_dim3A_1928 : vector<8x128xf32>
      %get3A_2235 = arith.constant 2 : index
      %get3A_2236 = arith.constant 2 : index
      %get3A_2237 = arith.constant 56 : index
      %get3A_2238 = arith.constant 0 : index
      %get3A_2239 = vector.load %arg0[%get3A_2235, %get3A_2236, %get3A_2237, %get3A_2238] : memref<4x3x64x128xf32, #tpu.memory_space<vmem>>, vector<1x1x8x128xf32>
      %get3A_2240 = vector.shape_cast %get3A_2239 : vector<1x1x8x128xf32> to vector<8x128xf32>
      %sub3A_2241 = arith.subf %get3A_2240, %broadcast_in_dim3A_1949 : vector<8x128xf32>
      %mul3A_2242 = arith.mulf %sub3A_2227, %sub3A_2227 : vector<8x128xf32>
      %mul3A_2243 = arith.mulf %sub3A_2234, %sub3A_2234 : vector<8x128xf32>
      %add3A_2244 = arith.addf %mul3A_2242, %mul3A_2243 : vector<8x128xf32>
      %mul3A_2245 = arith.mulf %sub3A_2241, %sub3A_2241 : vector<8x128xf32>
      %add3A_2246 = arith.addf %add3A_2244, %mul3A_2245 : vector<8x128xf32>
      %get3A_2247 = arith.constant 2 : index
      %get3A_2248 = arith.constant 56 : index
      %get3A_2249 = arith.constant 0 : index
      %get3A_2250 = vector.load %arg3[%get3A_2247, %get3A_2248, %get3A_2249] : memref<4x64x128xf32, #tpu.memory_space<vmem>>, vector<1x8x128xf32>
      %get3A_2251 = vector.shape_cast %get3A_2250 : vector<1x8x128xf32> to vector<8x128xf32>
      %min3A_2252 = arith.minimumf %get3A_2251, %add3A_2246 : vector<8x128xf32>
      %swap3A_2253 = arith.constant 2 : index
      %swap3A_2254 = arith.constant 56 : index
      %swap3A_2255 = arith.constant 0 : index
      %swap3A_2256 = vector.load %arg3[%swap3A_2253, %swap3A_2254, %swap3A_2255] : memref<4x64x128xf32, #tpu.memory_space<vmem>>, vector<1x8x128xf32>
      %swap3A_2257 = vector.shape_cast %swap3A_2256 : vector<1x8x128xf32> to vector<8x128xf32>
      %swap3A_2258 = vector.shape_cast %min3A_2252 : vector<8x128xf32> to vector<1x8x128xf32>
      tpu.vector_store %arg3[%swap3A_2253, %swap3A_2254, %swap3A_2255], %swap3A_2258 {strides = array<i32>} : memref<4x64x128xf32, #tpu.memory_space<vmem>>, vector<1x8x128xf32>,
      %max3A_2259 = arith.maximumf %min3A_1986, %min3A_2024 : vector<8x128xf32>
      %max3A_2260 = arith.maximumf %min3A_2062, %min3A_2100 : vector<8x128xf32>
      %max3A_2261 = arith.maximumf %min3A_2138, %min3A_2176 : vector<8x128xf32>
      %max3A_2262 = arith.maximumf %min3A_2214, %min3A_2252 : vector<8x128xf32>
      %max3A_2263 = arith.maximumf %max3A_2259, %max3A_2260 : vector<8x128xf32>
      %max3A_2264 = arith.maximumf %max3A_2261, %max3A_2262 : vector<8x128xf32>
      %max3A_2265 = arith.maximumf %max3A_2263, %max3A_2264 : vector<8x128xf32>
      %reduce_max3A_2266 = arith.constant dense<0xFF800000> : vector<8xf32>
      %reduce_max3A_2267 = vector.multi_reduction <maximumf>, %max3A_2265, %reduce_max3A_2266 [1] : vector<8x128xf32> to vector<8xf32>
      %broadcast_in_dim3A_2268 = vector.shape_cast %reduce_max3A_2267 : vector<8xf32> to vector<8x1xf32>
      %roll3A_2269 = arith.constant 4 : i32
      %roll3A_2270 = tpu.dynamic_rotate %broadcast_in_dim3A_2268 by %roll3A_2269 dim 0 : vector<8x1xf32>, i32 -> vector<8x1xf32>
      %max3A_2271 = arith.maximumf %broadcast_in_dim3A_2268, %roll3A_2270 : vector<8x1xf32>
      %roll3A_2272 = arith.constant 2 : i32
      %roll3A_2273 = tpu.dynamic_rotate %max3A_2271 by %roll3A_2272 dim 0 : vector<8x1xf32>, i32 -> vector<8x1xf32>
      %max3A_2274 = arith.maximumf %max3A_2271, %roll3A_2273 : vector<8x1xf32>
      %roll3A_2275 = arith.constant 1 : i32
      %roll3A_2276 = tpu.dynamic_rotate %max3A_2274 by %roll3A_2275 dim 0 : vector<8x1xf32>, i32 -> vector<8x1xf32>
      %max3A_2277 = arith.maximumf %max3A_2274, %roll3A_2276 : vector<8x1xf32>
      %broadcast_in_dim3A_2278 = vector.shape_cast %max3A_2277 : vector<8x1xf32> to vector<8x1xf32>
      %broadcast_in_dim3A_2279 = vector.broadcast %broadcast_in_dim3A_2278 : vector<8x1xf32> to vector<8x128xf32>
      %get3A_2280 = arith.constant 2 : index
      %get3A_2281 = arith.constant 0 : index
      %get3A_2282 = arith.constant 0 : index
      %get3A_2283 = vector.load %arg3[%get3A_2280, %get3A_2281, %get3A_2282] : memref<4x64x128xf32, #tpu.memory_space<vmem>>, vector<1x8x128xf32>
      %get3A_2284 = vector.shape_cast %get3A_2283 : vector<1x8x128xf32> to vector<8x128xf32>
      %eq3A_2285 = arith.cmpf oeq, %get3A_2284, %broadcast_in_dim3A_2279 : vector<8x128xf32>
      %jit3A_2286 = arith.constant 8.192000e+03 : f32
      %broadcast_in_dim3A_2287 = vector.broadcast %jit3A_2286 : f32 to vector<8x128xf32>
      %select_n3A_2288 = arith.select %eq3A_2285, %convert_element_type3A, %broadcast_in_dim3A_2287 : vector<8x128xi1>, vector<8x128xf32>
      %get3A_2289 = arith.constant 2 : index
      %get3A_2290 = arith.constant 8 : index
      %get3A_2291 = arith.constant 0 : index
      %get3A_2292 = vector.load %arg3[%get3A_2289, %get3A_2290, %get3A_2291] : memref<4x64x128xf32, #tpu.memory_space<vmem>>, vector<1x8x128xf32>
      %get3A_2293 = vector.shape_cast %get3A_2292 : vector<1x8x128xf32> to vector<8x128xf32>
      %eq3A_2294 = arith.cmpf oeq, %get3A_2293, %broadcast_in_dim3A_2279 : vector<8x128xf32>
      %jit3A_2295 = arith.constant 8.192000e+03 : f32
      %broadcast_in_dim3A_2296 = vector.broadcast %jit3A_2295 : f32 to vector<8x128xf32>
      %select_n3A_2297 = arith.select %eq3A_2294, %convert_element_type3A_75, %broadcast_in_dim3A_2296 : vector<8x128xi1>, vector<8x128xf32>
      %get3A_2298 = arith.constant 2 : index
      %get3A_2299 = arith.constant 16 : index
      %get3A_2300 = arith.constant 0 : index
      %get3A_2301 = vector.load %arg3[%get3A_2298, %get3A_2299, %get3A_2300] : memref<4x64x128xf32, #tpu.memory_space<vmem>>, vector<1x8x128xf32>
      %get3A_2302 = vector.shape_cast %get3A_2301 : vector<1x8x128xf32> to vector<8x128xf32>
      %eq3A_2303 = arith.cmpf oeq, %get3A_2302, %broadcast_in_dim3A_2279 : vector<8x128xf32>
      %jit3A_2304 = arith.constant 8.192000e+03 : f32
      %broadcast_in_dim3A_2305 = vector.broadcast %jit3A_2304 : f32 to vector<8x128xf32>
      %select_n3A_2306 = arith.select %eq3A_2303, %convert_element_type3A_76, %broadcast_in_dim3A_2305 : vector<8x128xi1>, vector<8x128xf32>
      %get3A_2307 = arith.constant 2 : index
      %get3A_2308 = arith.constant 24 : index
      %get3A_2309 = arith.constant 0 : index
      %get3A_2310 = vector.load %arg3[%get3A_2307, %get3A_2308, %get3A_2309] : memref<4x64x128xf32, #tpu.memory_space<vmem>>, vector<1x8x128xf32>
      %get3A_2311 = vector.shape_cast %get3A_2310 : vector<1x8x128xf32> to vector<8x128xf32>
      %eq3A_2312 = arith.cmpf oeq, %get3A_2311, %broadcast_in_dim3A_2279 : vector<8x128xf32>
      %jit3A_2313 = arith.constant 8.192000e+03 : f32
      %broadcast_in_dim3A_2314 = vector.broadcast %jit3A_2313 : f32 to vector<8x128xf32>
      %select_n3A_2315 = arith.select %eq3A_2312, %convert_element_type3A_77, %broadcast_in_dim3A_2314 : vector<8x128xi1>, vector<8x128xf32>
      %get3A_2316 = arith.constant 2 : index
      %get3A_2317 = arith.constant 32 : index
      %get3A_2318 = arith.constant 0 : index
      %get3A_2319 = vector.load %arg3[%get3A_2316, %get3A_2317, %get3A_2318] : memref<4x64x128xf32, #tpu.memory_space<vmem>>, vector<1x8x128xf32>
      %get3A_2320 = vector.shape_cast %get3A_2319 : vector<1x8x128xf32> to vector<8x128xf32>
      %eq3A_2321 = arith.cmpf oeq, %get3A_2320, %broadcast_in_dim3A_2279 : vector<8x128xf32>
      %jit3A_2322 = arith.constant 8.192000e+03 : f32
      %broadcast_in_dim3A_2323 = vector.broadcast %jit3A_2322 : f32 to vector<8x128xf32>
      %select_n3A_2324 = arith.select %eq3A_2321, %convert_element_type3A_78, %broadcast_in_dim3A_2323 : vector<8x128xi1>, vector<8x128xf32>
      %get3A_2325 = arith.constant 2 : index
      %get3A_2326 = arith.constant 40 : index
      %get3A_2327 = arith.constant 0 : index
      %get3A_2328 = vector.load %arg3[%get3A_2325, %get3A_2326, %get3A_2327] : memref<4x64x128xf32, #tpu.memory_space<vmem>>, vector<1x8x128xf32>
      %get3A_2329 = vector.shape_cast %get3A_2328 : vector<1x8x128xf32> to vector<8x128xf32>
      %eq3A_2330 = arith.cmpf oeq, %get3A_2329, %broadcast_in_dim3A_2279 : vector<8x128xf32>
      %jit3A_2331 = arith.constant 8.192000e+03 : f32
      %broadcast_in_dim3A_2332 = vector.broadcast %jit3A_2331 : f32 to vector<8x128xf32>
      %select_n3A_2333 = arith.select %eq3A_2330, %convert_element_type3A_79, %broadcast_in_dim3A_2332 : vector<8x128xi1>, vector<8x128xf32>
      %get3A_2334 = arith.constant 2 : index
      %get3A_2335 = arith.constant 48 : index
      %get3A_2336 = arith.constant 0 : index
      %get3A_2337 = vector.load %arg3[%get3A_2334, %get3A_2335, %get3A_2336] : memref<4x64x128xf32, #tpu.memory_space<vmem>>, vector<1x8x128xf32>
      %get3A_2338 = vector.shape_cast %get3A_2337 : vector<1x8x128xf32> to vector<8x128xf32>
      %eq3A_2339 = arith.cmpf oeq, %get3A_2338, %broadcast_in_dim3A_2279 : vector<8x128xf32>
      %jit3A_2340 = arith.constant 8.192000e+03 : f32
      %broadcast_in_dim3A_2341 = vector.broadcast %jit3A_2340 : f32 to vector<8x128xf32>
      %select_n3A_2342 = arith.select %eq3A_2339, %convert_element_type3A_80, %broadcast_in_dim3A_2341 : vector<8x128xi1>, vector<8x128xf32>
      %get3A_2343 = arith.constant 2 : index
      %get3A_2344 = arith.constant 56 : index
      %get3A_2345 = arith.constant 0 : index
      %get3A_2346 = vector.load %arg3[%get3A_2343, %get3A_2344, %get3A_2345] : memref<4x64x128xf32, #tpu.memory_space<vmem>>, vector<1x8x128xf32>
      %get3A_2347 = vector.shape_cast %get3A_2346 : vector<1x8x128xf32> to vector<8x128xf32>
      %eq3A_2348 = arith.cmpf oeq, %get3A_2347, %broadcast_in_dim3A_2279 : vector<8x128xf32>
      %jit3A_2349 = arith.constant 8.192000e+03 : f32
      %broadcast_in_dim3A_2350 = vector.broadcast %jit3A_2349 : f32 to vector<8x128xf32>
      %select_n3A_2351 = arith.select %eq3A_2348, %convert_element_type3A_81, %broadcast_in_dim3A_2350 : vector<8x128xi1>, vector<8x128xf32>
      %min3A_2352 = arith.minimumf %select_n3A_2288, %select_n3A_2297 : vector<8x128xf32>
      %min3A_2353 = arith.minimumf %select_n3A_2306, %select_n3A_2315 : vector<8x128xf32>
      %min3A_2354 = arith.minimumf %select_n3A_2324, %select_n3A_2333 : vector<8x128xf32>
      %min3A_2355 = arith.minimumf %select_n3A_2342, %select_n3A_2351 : vector<8x128xf32>
      %min3A_2356 = arith.minimumf %min3A_2352, %min3A_2353 : vector<8x128xf32>
      %min3A_2357 = arith.minimumf %min3A_2354, %min3A_2355 : vector<8x128xf32>
      %min3A_2358 = arith.minimumf %min3A_2356, %min3A_2357 : vector<8x128xf32>
      %reduce_min3A_2359 = arith.constant dense<0x7F800000> : vector<8xf32>
      %reduce_min3A_2360 = vector.multi_reduction <minimumf>, %min3A_2358, %reduce_min3A_2359 [1] : vector<8x128xf32> to vector<8xf32>
      %broadcast_in_dim3A_2361 = vector.shape_cast %reduce_min3A_2360 : vector<8xf32> to vector<8x1xf32>
      %roll3A_2362 = arith.constant 4 : i32
      %roll3A_2363 = tpu.dynamic_rotate %broadcast_in_dim3A_2361 by %roll3A_2362 dim 0 : vector<8x1xf32>, i32 -> vector<8x1xf32>
      %min3A_2364 = arith.minimumf %broadcast_in_dim3A_2361, %roll3A_2363 : vector<8x1xf32>
      %roll3A_2365 = arith.constant 2 : i32
      %roll3A_2366 = tpu.dynamic_rotate %min3A_2364 by %roll3A_2365 dim 0 : vector<8x1xf32>, i32 -> vector<8x1xf32>
      %min3A_2367 = arith.minimumf %min3A_2364, %roll3A_2366 : vector<8x1xf32>
      %roll3A_2368 = arith.constant 1 : i32
      %roll3A_2369 = tpu.dynamic_rotate %min3A_2367 by %roll3A_2368 dim 0 : vector<8x1xf32>, i32 -> vector<8x1xf32>
      %min3A_2370 = arith.minimumf %min3A_2367, %roll3A_2369 : vector<8x1xf32>
      %broadcast_in_dim3A_2371 = vector.shape_cast %min3A_2370 : vector<8x1xf32> to vector<8x1xf32>
      %broadcast_in_dim3A_2372 = vector.broadcast %broadcast_in_dim3A_2371 : vector<8x1xf32> to vector<8x128xf32>
      %eq3A_2373 = arith.cmpf oeq, %convert_element_type3A, %scan3A_235 : vector<8x128xf32>
      %get3A_2374 = arith.constant 3 : index
      %get3A_2375 = arith.constant 0 : index
      %get3A_2376 = arith.constant 0 : index
      %get3A_2377 = arith.constant 0 : index
      %get3A_2378 = vector.load %arg0[%get3A_2374, %get3A_2375, %get3A_2376, %get3A_2377] : memref<4x3x64x128xf32, #tpu.memory_space<vmem>>, vector<1x1x8x128xf32>
      %get3A_2379 = vector.shape_cast %get3A_2378 : vector<1x1x8x128xf32> to vector<8x128xf32>
      %jit3A_2380 = arith.constant 0.000000e+00 : f32
      %broadcast_in_dim3A_2381 = vector.broadcast %jit3A_2380 : f32 to vector<8x128xf32>
      %select_n3A_2382 = arith.select %eq3A_2373, %get3A_2379, %broadcast_in_dim3A_2381 : vector<8x128xi1>, vector<8x128xf32>
      %get3A_2383 = arith.constant 3 : index
      %get3A_2384 = arith.constant 1 : index
      %get3A_2385 = arith.constant 0 : index
      %get3A_2386 = arith.constant 0 : index
      %get3A_2387 = vector.load %arg0[%get3A_2383, %get3A_2384, %get3A_2385, %get3A_2386] : memref<4x3x64x128xf32, #tpu.memory_space<vmem>>, vector<1x1x8x128xf32>
      %get3A_2388 = vector.shape_cast %get3A_2387 : vector<1x1x8x128xf32> to vector<8x128xf32>
      %jit3A_2389 = arith.constant 0.000000e+00 : f32
      %broadcast_in_dim3A_2390 = vector.broadcast %jit3A_2389 : f32 to vector<8x128xf32>
      %select_n3A_2391 = arith.select %eq3A_2373, %get3A_2388, %broadcast_in_dim3A_2390 : vector<8x128xi1>, vector<8x128xf32>
      %get3A_2392 = arith.constant 3 : index
      %get3A_2393 = arith.constant 2 : index
      %get3A_2394 = arith.constant 0 : index
      %get3A_2395 = arith.constant 0 : index
      %get3A_2396 = vector.load %arg0[%get3A_2392, %get3A_2393, %get3A_2394, %get3A_2395] : memref<4x3x64x128xf32, #tpu.memory_space<vmem>>, vector<1x1x8x128xf32>
      %get3A_2397 = vector.shape_cast %get3A_2396 : vector<1x1x8x128xf32> to vector<8x128xf32>
      %jit3A_2398 = arith.constant 0.000000e+00 : f32
      %broadcast_in_dim3A_2399 = vector.broadcast %jit3A_2398 : f32 to vector<8x128xf32>
      %select_n3A_2400 = arith.select %eq3A_2373, %get3A_2397, %broadcast_in_dim3A_2399 : vector<8x128xi1>, vector<8x128xf32>
      %eq3A_2401 = arith.cmpf oeq, %convert_element_type3A_75, %scan3A_235 : vector<8x128xf32>
      %get3A_2402 = arith.constant 3 : index
      %get3A_2403 = arith.constant 0 : index
      %get3A_2404 = arith.constant 8 : index
      %get3A_2405 = arith.constant 0 : index
      %get3A_2406 = vector.load %arg0[%get3A_2402, %get3A_2403, %get3A_2404, %get3A_2405] : memref<4x3x64x128xf32, #tpu.memory_space<vmem>>, vector<1x1x8x128xf32>
      %get3A_2407 = vector.shape_cast %get3A_2406 : vector<1x1x8x128xf32> to vector<8x128xf32>
      %jit3A_2408 = arith.constant 0.000000e+00 : f32
      %broadcast_in_dim3A_2409 = vector.broadcast %jit3A_2408 : f32 to vector<8x128xf32>
      %select_n3A_2410 = arith.select %eq3A_2401, %get3A_2407, %broadcast_in_dim3A_2409 : vector<8x128xi1>, vector<8x128xf32>
      %get3A_2411 = arith.constant 3 : index
      %get3A_2412 = arith.constant 1 : index
      %get3A_2413 = arith.constant 8 : index
      %get3A_2414 = arith.constant 0 : index
      %get3A_2415 = vector.load %arg0[%get3A_2411, %get3A_2412, %get3A_2413, %get3A_2414] : memref<4x3x64x128xf32, #tpu.memory_space<vmem>>, vector<1x1x8x128xf32>
      %get3A_2416 = vector.shape_cast %get3A_2415 : vector<1x1x8x128xf32> to vector<8x128xf32>
      %jit3A_2417 = arith.constant 0.000000e+00 : f32
      %broadcast_in_dim3A_2418 = vector.broadcast %jit3A_2417 : f32 to vector<8x128xf32>
      %select_n3A_2419 = arith.select %eq3A_2401, %get3A_2416, %broadcast_in_dim3A_2418 : vector<8x128xi1>, vector<8x128xf32>
      %get3A_2420 = arith.constant 3 : index
      %get3A_2421 = arith.constant 2 : index
      %get3A_2422 = arith.constant 8 : index
      %get3A_2423 = arith.constant 0 : index
      %get3A_2424 = vector.load %arg0[%get3A_2420, %get3A_2421, %get3A_2422, %get3A_2423] : memref<4x3x64x128xf32, #tpu.memory_space<vmem>>, vector<1x1x8x128xf32>
      %get3A_2425 = vector.shape_cast %get3A_2424 : vector<1x1x8x128xf32> to vector<8x128xf32>
      %jit3A_2426 = arith.constant 0.000000e+00 : f32
      %broadcast_in_dim3A_2427 = vector.broadcast %jit3A_2426 : f32 to vector<8x128xf32>
      %select_n3A_2428 = arith.select %eq3A_2401, %get3A_2425, %broadcast_in_dim3A_2427 : vector<8x128xi1>, vector<8x128xf32>
      %eq3A_2429 = arith.cmpf oeq, %convert_element_type3A_76, %scan3A_235 : vector<8x128xf32>
      %get3A_2430 = arith.constant 3 : index
      %get3A_2431 = arith.constant 0 : index
      %get3A_2432 = arith.constant 16 : index
      %get3A_2433 = arith.constant 0 : index
      %get3A_2434 = vector.load %arg0[%get3A_2430, %get3A_2431, %get3A_2432, %get3A_2433] : memref<4x3x64x128xf32, #tpu.memory_space<vmem>>, vector<1x1x8x128xf32>
      %get3A_2435 = vector.shape_cast %get3A_2434 : vector<1x1x8x128xf32> to vector<8x128xf32>
      %jit3A_2436 = arith.constant 0.000000e+00 : f32
      %broadcast_in_dim3A_2437 = vector.broadcast %jit3A_2436 : f32 to vector<8x128xf32>
      %select_n3A_2438 = arith.select %eq3A_2429, %get3A_2435, %broadcast_in_dim3A_2437 : vector<8x128xi1>, vector<8x128xf32>
      %get3A_2439 = arith.constant 3 : index
      %get3A_2440 = arith.constant 1 : index
      %get3A_2441 = arith.constant 16 : index
      %get3A_2442 = arith.constant 0 : index
      %get3A_2443 = vector.load %arg0[%get3A_2439, %get3A_2440, %get3A_2441, %get3A_2442] : memref<4x3x64x128xf32, #tpu.memory_space<vmem>>, vector<1x1x8x128xf32>
      %get3A_2444 = vector.shape_cast %get3A_2443 : vector<1x1x8x128xf32> to vector<8x128xf32>
      %jit3A_2445 = arith.constant 0.000000e+00 : f32
      %broadcast_in_dim3A_2446 = vector.broadcast %jit3A_2445 : f32 to vector<8x128xf32>
      %select_n3A_2447 = arith.select %eq3A_2429, %get3A_2444, %broadcast_in_dim3A_2446 : vector<8x128xi1>, vector<8x128xf32>
      %get3A_2448 = arith.constant 3 : index
      %get3A_2449 = arith.constant 2 : index
      %get3A_2450 = arith.constant 16 : index
      %get3A_2451 = arith.constant 0 : index
      %get3A_2452 = vector.load %arg0[%get3A_2448, %get3A_2449, %get3A_2450, %get3A_2451] : memref<4x3x64x128xf32, #tpu.memory_space<vmem>>, vector<1x1x8x128xf32>
      %get3A_2453 = vector.shape_cast %get3A_2452 : vector<1x1x8x128xf32> to vector<8x128xf32>
      %jit3A_2454 = arith.constant 0.000000e+00 : f32
      %broadcast_in_dim3A_2455 = vector.broadcast %jit3A_2454 : f32 to vector<8x128xf32>
      %select_n3A_2456 = arith.select %eq3A_2429, %get3A_2453, %broadcast_in_dim3A_2455 : vector<8x128xi1>, vector<8x128xf32>
      %eq3A_2457 = arith.cmpf oeq, %convert_element_type3A_77, %scan3A_235 : vector<8x128xf32>
      %get3A_2458 = arith.constant 3 : index
      %get3A_2459 = arith.constant 0 : index
      %get3A_2460 = arith.constant 24 : index
      %get3A_2461 = arith.constant 0 : index
      %get3A_2462 = vector.load %arg0[%get3A_2458, %get3A_2459, %get3A_2460, %get3A_2461] : memref<4x3x64x128xf32, #tpu.memory_space<vmem>>, vector<1x1x8x128xf32>
      %get3A_2463 = vector.shape_cast %get3A_2462 : vector<1x1x8x128xf32> to vector<8x128xf32>
      %jit3A_2464 = arith.constant 0.000000e+00 : f32
      %broadcast_in_dim3A_2465 = vector.broadcast %jit3A_2464 : f32 to vector<8x128xf32>
      %select_n3A_2466 = arith.select %eq3A_2457, %get3A_2463, %broadcast_in_dim3A_2465 : vector<8x128xi1>, vector<8x128xf32>
      %get3A_2467 = arith.constant 3 : index
      %get3A_2468 = arith.constant 1 : index
      %get3A_2469 = arith.constant 24 : index
      %get3A_2470 = arith.constant 0 : index
      %get3A_2471 = vector.load %arg0[%get3A_2467, %get3A_2468, %get3A_2469, %get3A_2470] : memref<4x3x64x128xf32, #tpu.memory_space<vmem>>, vector<1x1x8x128xf32>
      %get3A_2472 = vector.shape_cast %get3A_2471 : vector<1x1x8x128xf32> to vector<8x128xf32>
      %jit3A_2473 = arith.constant 0.000000e+00 : f32
      %broadcast_in_dim3A_2474 = vector.broadcast %jit3A_2473 : f32 to vector<8x128xf32>
      %select_n3A_2475 = arith.select %eq3A_2457, %get3A_2472, %broadcast_in_dim3A_2474 : vector<8x128xi1>, vector<8x128xf32>
      %get3A_2476 = arith.constant 3 : index
      %get3A_2477 = arith.constant 2 : index
      %get3A_2478 = arith.constant 24 : index
      %get3A_2479 = arith.constant 0 : index
      %get3A_2480 = vector.load %arg0[%get3A_2476, %get3A_2477, %get3A_2478, %get3A_2479] : memref<4x3x64x128xf32, #tpu.memory_space<vmem>>, vector<1x1x8x128xf32>
      %get3A_2481 = vector.shape_cast %get3A_2480 : vector<1x1x8x128xf32> to vector<8x128xf32>
      %jit3A_2482 = arith.constant 0.000000e+00 : f32
      %broadcast_in_dim3A_2483 = vector.broadcast %jit3A_2482 : f32 to vector<8x128xf32>
      %select_n3A_2484 = arith.select %eq3A_2457, %get3A_2481, %broadcast_in_dim3A_2483 : vector<8x128xi1>, vector<8x128xf32>
      %eq3A_2485 = arith.cmpf oeq, %convert_element_type3A_78, %scan3A_235 : vector<8x128xf32>
      %get3A_2486 = arith.constant 3 : index
      %get3A_2487 = arith.constant 0 : index
      %get3A_2488 = arith.constant 32 : index
      %get3A_2489 = arith.constant 0 : index
      %get3A_2490 = vector.load %arg0[%get3A_2486, %get3A_2487, %get3A_2488, %get3A_2489] : memref<4x3x64x128xf32, #tpu.memory_space<vmem>>, vector<1x1x8x128xf32>
      %get3A_2491 = vector.shape_cast %get3A_2490 : vector<1x1x8x128xf32> to vector<8x128xf32>
      %jit3A_2492 = arith.constant 0.000000e+00 : f32
      %broadcast_in_dim3A_2493 = vector.broadcast %jit3A_2492 : f32 to vector<8x128xf32>
      %select_n3A_2494 = arith.select %eq3A_2485, %get3A_2491, %broadcast_in_dim3A_2493 : vector<8x128xi1>, vector<8x128xf32>
      %get3A_2495 = arith.constant 3 : index
      %get3A_2496 = arith.constant 1 : index
      %get3A_2497 = arith.constant 32 : index
      %get3A_2498 = arith.constant 0 : index
      %get3A_2499 = vector.load %arg0[%get3A_2495, %get3A_2496, %get3A_2497, %get3A_2498] : memref<4x3x64x128xf32, #tpu.memory_space<vmem>>, vector<1x1x8x128xf32>
      %get3A_2500 = vector.shape_cast %get3A_2499 : vector<1x1x8x128xf32> to vector<8x128xf32>
      %jit3A_2501 = arith.constant 0.000000e+00 : f32
      %broadcast_in_dim3A_2502 = vector.broadcast %jit3A_2501 : f32 to vector<8x128xf32>
      %select_n3A_2503 = arith.select %eq3A_2485, %get3A_2500, %broadcast_in_dim3A_2502 : vector<8x128xi1>, vector<8x128xf32>
      %get3A_2504 = arith.constant 3 : index
      %get3A_2505 = arith.constant 2 : index
      %get3A_2506 = arith.constant 32 : index
      %get3A_2507 = arith.constant 0 : index
      %get3A_2508 = vector.load %arg0[%get3A_2504, %get3A_2505, %get3A_2506, %get3A_2507] : memref<4x3x64x128xf32, #tpu.memory_space<vmem>>, vector<1x1x8x128xf32>
      %get3A_2509 = vector.shape_cast %get3A_2508 : vector<1x1x8x128xf32> to vector<8x128xf32>
      %jit3A_2510 = arith.constant 0.000000e+00 : f32
      %broadcast_in_dim3A_2511 = vector.broadcast %jit3A_2510 : f32 to vector<8x128xf32>
      %select_n3A_2512 = arith.select %eq3A_2485, %get3A_2509, %broadcast_in_dim3A_2511 : vector<8x128xi1>, vector<8x128xf32>
      %eq3A_2513 = arith.cmpf oeq, %convert_element_type3A_79, %scan3A_235 : vector<8x128xf32>
      %get3A_2514 = arith.constant 3 : index
      %get3A_2515 = arith.constant 0 : index
      %get3A_2516 = arith.constant 40 : index
      %get3A_2517 = arith.constant 0 : index
      %get3A_2518 = vector.load %arg0[%get3A_2514, %get3A_2515, %get3A_2516, %get3A_2517] : memref<4x3x64x128xf32, #tpu.memory_space<vmem>>, vector<1x1x8x128xf32>
      %get3A_2519 = vector.shape_cast %get3A_2518 : vector<1x1x8x128xf32> to vector<8x128xf32>
      %jit3A_2520 = arith.constant 0.000000e+00 : f32
      %broadcast_in_dim3A_2521 = vector.broadcast %jit3A_2520 : f32 to vector<8x128xf32>
      %select_n3A_2522 = arith.select %eq3A_2513, %get3A_2519, %broadcast_in_dim3A_2521 : vector<8x128xi1>, vector<8x128xf32>
      %get3A_2523 = arith.constant 3 : index
      %get3A_2524 = arith.constant 1 : index
      %get3A_2525 = arith.constant 40 : index
      %get3A_2526 = arith.constant 0 : index
      %get3A_2527 = vector.load %arg0[%get3A_2523, %get3A_2524, %get3A_2525, %get3A_2526] : memref<4x3x64x128xf32, #tpu.memory_space<vmem>>, vector<1x1x8x128xf32>
      %get3A_2528 = vector.shape_cast %get3A_2527 : vector<1x1x8x128xf32> to vector<8x128xf32>
      %jit3A_2529 = arith.constant 0.000000e+00 : f32
      %broadcast_in_dim3A_2530 = vector.broadcast %jit3A_2529 : f32 to vector<8x128xf32>
      %select_n3A_2531 = arith.select %eq3A_2513, %get3A_2528, %broadcast_in_dim3A_2530 : vector<8x128xi1>, vector<8x128xf32>
      %get3A_2532 = arith.constant 3 : index
      %get3A_2533 = arith.constant 2 : index
      %get3A_2534 = arith.constant 40 : index
      %get3A_2535 = arith.constant 0 : index
      %get3A_2536 = vector.load %arg0[%get3A_2532, %get3A_2533, %get3A_2534, %get3A_2535] : memref<4x3x64x128xf32, #tpu.memory_space<vmem>>, vector<1x1x8x128xf32>
      %get3A_2537 = vector.shape_cast %get3A_2536 : vector<1x1x8x128xf32> to vector<8x128xf32>
      %jit3A_2538 = arith.constant 0.000000e+00 : f32
      %broadcast_in_dim3A_2539 = vector.broadcast %jit3A_2538 : f32 to vector<8x128xf32>
      %select_n3A_2540 = arith.select %eq3A_2513, %get3A_2537, %broadcast_in_dim3A_2539 : vector<8x128xi1>, vector<8x128xf32>
      %eq3A_2541 = arith.cmpf oeq, %convert_element_type3A_80, %scan3A_235 : vector<8x128xf32>
      %get3A_2542 = arith.constant 3 : index
      %get3A_2543 = arith.constant 0 : index
      %get3A_2544 = arith.constant 48 : index
      %get3A_2545 = arith.constant 0 : index
      %get3A_2546 = vector.load %arg0[%get3A_2542, %get3A_2543, %get3A_2544, %get3A_2545] : memref<4x3x64x128xf32, #tpu.memory_space<vmem>>, vector<1x1x8x128xf32>
      %get3A_2547 = vector.shape_cast %get3A_2546 : vector<1x1x8x128xf32> to vector<8x128xf32>
      %jit3A_2548 = arith.constant 0.000000e+00 : f32
      %broadcast_in_dim3A_2549 = vector.broadcast %jit3A_2548 : f32 to vector<8x128xf32>
      %select_n3A_2550 = arith.select %eq3A_2541, %get3A_2547, %broadcast_in_dim3A_2549 : vector<8x128xi1>, vector<8x128xf32>
      %get3A_2551 = arith.constant 3 : index
      %get3A_2552 = arith.constant 1 : index
      %get3A_2553 = arith.constant 48 : index
      %get3A_2554 = arith.constant 0 : index
      %get3A_2555 = vector.load %arg0[%get3A_2551, %get3A_2552, %get3A_2553, %get3A_2554] : memref<4x3x64x128xf32, #tpu.memory_space<vmem>>, vector<1x1x8x128xf32>
      %get3A_2556 = vector.shape_cast %get3A_2555 : vector<1x1x8x128xf32> to vector<8x128xf32>
      %jit3A_2557 = arith.constant 0.000000e+00 : f32
      %broadcast_in_dim3A_2558 = vector.broadcast %jit3A_2557 : f32 to vector<8x128xf32>
      %select_n3A_2559 = arith.select %eq3A_2541, %get3A_2556, %broadcast_in_dim3A_2558 : vector<8x128xi1>, vector<8x128xf32>
      %get3A_2560 = arith.constant 3 : index
      %get3A_2561 = arith.constant 2 : index
      %get3A_2562 = arith.constant 48 : index
      %get3A_2563 = arith.constant 0 : index
      %get3A_2564 = vector.load %arg0[%get3A_2560, %get3A_2561, %get3A_2562, %get3A_2563] : memref<4x3x64x128xf32, #tpu.memory_space<vmem>>, vector<1x1x8x128xf32>
      %get3A_2565 = vector.shape_cast %get3A_2564 : vector<1x1x8x128xf32> to vector<8x128xf32>
      %jit3A_2566 = arith.constant 0.000000e+00 : f32
      %broadcast_in_dim3A_2567 = vector.broadcast %jit3A_2566 : f32 to vector<8x128xf32>
      %select_n3A_2568 = arith.select %eq3A_2541, %get3A_2565, %broadcast_in_dim3A_2567 : vector<8x128xi1>, vector<8x128xf32>
      %eq3A_2569 = arith.cmpf oeq, %convert_element_type3A_81, %scan3A_235 : vector<8x128xf32>
      %get3A_2570 = arith.constant 3 : index
      %get3A_2571 = arith.constant 0 : index
      %get3A_2572 = arith.constant 56 : index
      %get3A_2573 = arith.constant 0 : index
      %get3A_2574 = vector.load %arg0[%get3A_2570, %get3A_2571, %get3A_2572, %get3A_2573] : memref<4x3x64x128xf32, #tpu.memory_space<vmem>>, vector<1x1x8x128xf32>
      %get3A_2575 = vector.shape_cast %get3A_2574 : vector<1x1x8x128xf32> to vector<8x128xf32>
      %jit3A_2576 = arith.constant 0.000000e+00 : f32
      %broadcast_in_dim3A_2577 = vector.broadcast %jit3A_2576 : f32 to vector<8x128xf32>
      %select_n3A_2578 = arith.select %eq3A_2569, %get3A_2575, %broadcast_in_dim3A_2577 : vector<8x128xi1>, vector<8x128xf32>
      %get3A_2579 = arith.constant 3 : index
      %get3A_2580 = arith.constant 1 : index
      %get3A_2581 = arith.constant 56 : index
      %get3A_2582 = arith.constant 0 : index
      %get3A_2583 = vector.load %arg0[%get3A_2579, %get3A_2580, %get3A_2581, %get3A_2582] : memref<4x3x64x128xf32, #tpu.memory_space<vmem>>, vector<1x1x8x128xf32>
      %get3A_2584 = vector.shape_cast %get3A_2583 : vector<1x1x8x128xf32> to vector<8x128xf32>
      %jit3A_2585 = arith.constant 0.000000e+00 : f32
      %broadcast_in_dim3A_2586 = vector.broadcast %jit3A_2585 : f32 to vector<8x128xf32>
      %select_n3A_2587 = arith.select %eq3A_2569, %get3A_2584, %broadcast_in_dim3A_2586 : vector<8x128xi1>, vector<8x128xf32>
      %get3A_2588 = arith.constant 3 : index
      %get3A_2589 = arith.constant 2 : index
      %get3A_2590 = arith.constant 56 : index
      %get3A_2591 = arith.constant 0 : index
      %get3A_2592 = vector.load %arg0[%get3A_2588, %get3A_2589, %get3A_2590, %get3A_2591] : memref<4x3x64x128xf32, #tpu.memory_space<vmem>>, vector<1x1x8x128xf32>
      %get3A_2593 = vector.shape_cast %get3A_2592 : vector<1x1x8x128xf32> to vector<8x128xf32>
      %jit3A_2594 = arith.constant 0.000000e+00 : f32
      %broadcast_in_dim3A_2595 = vector.broadcast %jit3A_2594 : f32 to vector<8x128xf32>
      %select_n3A_2596 = arith.select %eq3A_2569, %get3A_2593, %broadcast_in_dim3A_2595 : vector<8x128xi1>, vector<8x128xf32>
      %add3A_2597 = arith.addf %select_n3A_2382, %select_n3A_2410 : vector<8x128xf32>
      %add3A_2598 = arith.addf %select_n3A_2438, %select_n3A_2466 : vector<8x128xf32>
      %add3A_2599 = arith.addf %select_n3A_2494, %select_n3A_2522 : vector<8x128xf32>
      %add3A_2600 = arith.addf %select_n3A_2550, %select_n3A_2578 : vector<8x128xf32>
      %add3A_2601 = arith.addf %add3A_2597, %add3A_2598 : vector<8x128xf32>
      %add3A_2602 = arith.addf %add3A_2599, %add3A_2600 : vector<8x128xf32>
      %add3A_2603 = arith.addf %add3A_2601, %add3A_2602 : vector<8x128xf32>
      %reduce_sum3A_2604 = arith.constant dense<0.000000e+00> : vector<8xf32>
      %reduce_sum3A_2605 = vector.multi_reduction <add>, %add3A_2603, %reduce_sum3A_2604 [1] : vector<8x128xf32> to vector<8xf32>
      %broadcast_in_dim3A_2606 = vector.shape_cast %reduce_sum3A_2605 : vector<8xf32> to vector<8x1xf32>
      %roll3A_2607 = arith.constant 4 : i32
      %roll3A_2608 = tpu.dynamic_rotate %broadcast_in_dim3A_2606 by %roll3A_2607 dim 0 : vector<8x1xf32>, i32 -> vector<8x1xf32>
      %add3A_2609 = arith.addf %broadcast_in_dim3A_2606, %roll3A_2608 : vector<8x1xf32>
      %roll3A_2610 = arith.constant 2 : i32
      %roll3A_2611 = tpu.dynamic_rotate %add3A_2609 by %roll3A_2610 dim 0 : vector<8x1xf32>, i32 -> vector<8x1xf32>
      %add3A_2612 = arith.addf %add3A_2609, %roll3A_2611 : vector<8x1xf32>
      %roll3A_2613 = arith.constant 1 : i32
      %roll3A_2614 = tpu.dynamic_rotate %add3A_2612 by %roll3A_2613 dim 0 : vector<8x1xf32>, i32 -> vector<8x1xf32>
      %add3A_2615 = arith.addf %add3A_2612, %roll3A_2614 : vector<8x1xf32>
      %broadcast_in_dim3A_2616 = vector.shape_cast %add3A_2615 : vector<8x1xf32> to vector<8x1xf32>
      %broadcast_in_dim3A_2617 = vector.broadcast %broadcast_in_dim3A_2616 : vector<8x1xf32> to vector<8x128xf32>
      %add3A_2618 = arith.addf %select_n3A_2391, %select_n3A_2419 : vector<8x128xf32>
      %add3A_2619 = arith.addf %select_n3A_2447, %select_n3A_2475 : vector<8x128xf32>
      %add3A_2620 = arith.addf %select_n3A_2503, %select_n3A_2531 : vector<8x128xf32>
      %add3A_2621 = arith.addf %select_n3A_2559, %select_n3A_2587 : vector<8x128xf32>
      %add3A_2622 = arith.addf %add3A_2618, %add3A_2619 : vector<8x128xf32>
      %add3A_2623 = arith.addf %add3A_2620, %add3A_2621 : vector<8x128xf32>
      %add3A_2624 = arith.addf %add3A_2622, %add3A_2623 : vector<8x128xf32>
      %reduce_sum3A_2625 = arith.constant dense<0.000000e+00> : vector<8xf32>
      %reduce_sum3A_2626 = vector.multi_reduction <add>, %add3A_2624, %reduce_sum3A_2625 [1] : vector<8x128xf32> to vector<8xf32>
      %broadcast_in_dim3A_2627 = vector.shape_cast %reduce_sum3A_2626 : vector<8xf32> to vector<8x1xf32>
      %roll3A_2628 = arith.constant 4 : i32
      %roll3A_2629 = tpu.dynamic_rotate %broadcast_in_dim3A_2627 by %roll3A_2628 dim 0 : vector<8x1xf32>, i32 -> vector<8x1xf32>
      %add3A_2630 = arith.addf %broadcast_in_dim3A_2627, %roll3A_2629 : vector<8x1xf32>
      %roll3A_2631 = arith.constant 2 : i32
      %roll3A_2632 = tpu.dynamic_rotate %add3A_2630 by %roll3A_2631 dim 0 : vector<8x1xf32>, i32 -> vector<8x1xf32>
      %add3A_2633 = arith.addf %add3A_2630, %roll3A_2632 : vector<8x1xf32>
      %roll3A_2634 = arith.constant 1 : i32
      %roll3A_2635 = tpu.dynamic_rotate %add3A_2633 by %roll3A_2634 dim 0 : vector<8x1xf32>, i32 -> vector<8x1xf32>
      %add3A_2636 = arith.addf %add3A_2633, %roll3A_2635 : vector<8x1xf32>
      %broadcast_in_dim3A_2637 = vector.shape_cast %add3A_2636 : vector<8x1xf32> to vector<8x1xf32>
      %broadcast_in_dim3A_2638 = vector.broadcast %broadcast_in_dim3A_2637 : vector<8x1xf32> to vector<8x128xf32>
      %add3A_2639 = arith.addf %select_n3A_2400, %select_n3A_2428 : vector<8x128xf32>
      %add3A_2640 = arith.addf %select_n3A_2456, %select_n3A_2484 : vector<8x128xf32>
      %add3A_2641 = arith.addf %select_n3A_2512, %select_n3A_2540 : vector<8x128xf32>
      %add3A_2642 = arith.addf %select_n3A_2568, %select_n3A_2596 : vector<8x128xf32>
      %add3A_2643 = arith.addf %add3A_2639, %add3A_2640 : vector<8x128xf32>
      %add3A_2644 = arith.addf %add3A_2641, %add3A_2642 : vector<8x128xf32>
      %add3A_2645 = arith.addf %add3A_2643, %add3A_2644 : vector<8x128xf32>
      %reduce_sum3A_2646 = arith.constant dense<0.000000e+00> : vector<8xf32>
      %reduce_sum3A_2647 = vector.multi_reduction <add>, %add3A_2645, %reduce_sum3A_2646 [1] : vector<8x128xf32> to vector<8xf32>
      %broadcast_in_dim3A_2648 = vector.shape_cast %reduce_sum3A_2647 : vector<8xf32> to vector<8x1xf32>
      %roll3A_2649 = arith.constant 4 : i32
      %roll3A_2650 = tpu.dynamic_rotate %broadcast_in_dim3A_2648 by %roll3A_2649 dim 0 : vector<8x1xf32>, i32 -> vector<8x1xf32>
      %add3A_2651 = arith.addf %broadcast_in_dim3A_2648, %roll3A_2650 : vector<8x1xf32>
      %roll3A_2652 = arith.constant 2 : i32
      %roll3A_2653 = tpu.dynamic_rotate %add3A_2651 by %roll3A_2652 dim 0 : vector<8x1xf32>, i32 -> vector<8x1xf32>
      %add3A_2654 = arith.addf %add3A_2651, %roll3A_2653 : vector<8x1xf32>
      %roll3A_2655 = arith.constant 1 : i32
      %roll3A_2656 = tpu.dynamic_rotate %add3A_2654 by %roll3A_2655 dim 0 : vector<8x1xf32>, i32 -> vector<8x1xf32>
      %add3A_2657 = arith.addf %add3A_2654, %roll3A_2656 : vector<8x1xf32>
      %broadcast_in_dim3A_2658 = vector.shape_cast %add3A_2657 : vector<8x1xf32> to vector<8x1xf32>
      %broadcast_in_dim3A_2659 = vector.broadcast %broadcast_in_dim3A_2658 : vector<8x1xf32> to vector<8x128xf32>
      %convert_element_type3A_2660 = arith.fptosi %scan3A_235 : vector<8x128xf32> to vector<8x128xi32>
      %select_n3A_2661 = arith.select %eq3A_252, %convert_element_type3A_2660, %scan3A_239 : vector<8x128xi1>, vector<8x128xi32>
      %select_n3A_2662 = arith.select %eq3A_252, %broadcast_in_dim3A_2617, %scan3A_243 : vector<8x128xi1>, vector<8x128xf32>
      %select_n3A_2663 = arith.select %eq3A_252, %broadcast_in_dim3A_2638, %scan3A_247 : vector<8x128xi1>, vector<8x128xf32>
      %select_n3A_2664 = arith.select %eq3A_252, %broadcast_in_dim3A_2659, %scan3A_251 : vector<8x128xi1>, vector<8x128xf32>
      %get3A_2665 = arith.constant 3 : index
      %get3A_2666 = arith.constant 0 : index
      %get3A_2667 = arith.constant 0 : index
      %get3A_2668 = arith.constant 0 : index
      %get3A_2669 = vector.load %arg0[%get3A_2665, %get3A_2666, %get3A_2667, %get3A_2668] : memref<4x3x64x128xf32, #tpu.memory_space<vmem>>, vector<1x1x8x128xf32>
      %get3A_2670 = vector.shape_cast %get3A_2669 : vector<1x1x8x128xf32> to vector<8x128xf32>
      %sub3A_2671 = arith.subf %get3A_2670, %broadcast_in_dim3A_2617 : vector<8x128xf32>
      %get3A_2672 = arith.constant 3 : index
      %get3A_2673 = arith.constant 1 : index
      %get3A_2674 = arith.constant 0 : index
      %get3A_2675 = arith.constant 0 : index
      %get3A_2676 = vector.load %arg0[%get3A_2672, %get3A_2673, %get3A_2674, %get3A_2675] : memref<4x3x64x128xf32, #tpu.memory_space<vmem>>, vector<1x1x8x128xf32>
      %get3A_2677 = vector.shape_cast %get3A_2676 : vector<1x1x8x128xf32> to vector<8x128xf32>
      %sub3A_2678 = arith.subf %get3A_2677, %broadcast_in_dim3A_2638 : vector<8x128xf32>
      %get3A_2679 = arith.constant 3 : index
      %get3A_2680 = arith.constant 2 : index
      %get3A_2681 = arith.constant 0 : index
      %get3A_2682 = arith.constant 0 : index
      %get3A_2683 = vector.load %arg0[%get3A_2679, %get3A_2680, %get3A_2681, %get3A_2682] : memref<4x3x64x128xf32, #tpu.memory_space<vmem>>, vector<1x1x8x128xf32>
      %get3A_2684 = vector.shape_cast %get3A_2683 : vector<1x1x8x128xf32> to vector<8x128xf32>
      %sub3A_2685 = arith.subf %get3A_2684, %broadcast_in_dim3A_2659 : vector<8x128xf32>
      %mul3A_2686 = arith.mulf %sub3A_2671, %sub3A_2671 : vector<8x128xf32>
      %mul3A_2687 = arith.mulf %sub3A_2678, %sub3A_2678 : vector<8x128xf32>
      %add3A_2688 = arith.addf %mul3A_2686, %mul3A_2687 : vector<8x128xf32>
      %mul3A_2689 = arith.mulf %sub3A_2685, %sub3A_2685 : vector<8x128xf32>
      %add3A_2690 = arith.addf %add3A_2688, %mul3A_2689 : vector<8x128xf32>
      %get3A_2691 = arith.constant 3 : index
      %get3A_2692 = arith.constant 0 : index
      %get3A_2693 = arith.constant 0 : index
      %get3A_2694 = vector.load %arg3[%get3A_2691, %get3A_2692, %get3A_2693] : memref<4x64x128xf32, #tpu.memory_space<vmem>>, vector<1x8x128xf32>
      %get3A_2695 = vector.shape_cast %get3A_2694 : vector<1x8x128xf32> to vector<8x128xf32>
      %min3A_2696 = arith.minimumf %get3A_2695, %add3A_2690 : vector<8x128xf32>
      %swap3A_2697 = arith.constant 3 : index
      %swap3A_2698 = arith.constant 0 : index
      %swap3A_2699 = arith.constant 0 : index
      %swap3A_2700 = vector.load %arg3[%swap3A_2697, %swap3A_2698, %swap3A_2699] : memref<4x64x128xf32, #tpu.memory_space<vmem>>, vector<1x8x128xf32>
      %swap3A_2701 = vector.shape_cast %swap3A_2700 : vector<1x8x128xf32> to vector<8x128xf32>
      %swap3A_2702 = vector.shape_cast %min3A_2696 : vector<8x128xf32> to vector<1x8x128xf32>
      tpu.vector_store %arg3[%swap3A_2697, %swap3A_2698, %swap3A_2699], %swap3A_2702 {strides = array<i32>} : memref<4x64x128xf32, #tpu.memory_space<vmem>>, vector<1x8x128xf32>,
      %get3A_2703 = arith.constant 3 : index
      %get3A_2704 = arith.constant 0 : index
      %get3A_2705 = arith.constant 8 : index
      %get3A_2706 = arith.constant 0 : index
      %get3A_2707 = vector.load %arg0[%get3A_2703, %get3A_2704, %get3A_2705, %get3A_2706] : memref<4x3x64x128xf32, #tpu.memory_space<vmem>>, vector<1x1x8x128xf32>
      %get3A_2708 = vector.shape_cast %get3A_2707 : vector<1x1x8x128xf32> to vector<8x128xf32>
      %sub3A_2709 = arith.subf %get3A_2708, %broadcast_in_dim3A_2617 : vector<8x128xf32>
      %get3A_2710 = arith.constant 3 : index
      %get3A_2711 = arith.constant 1 : index
      %get3A_2712 = arith.constant 8 : index
      %get3A_2713 = arith.constant 0 : index
      %get3A_2714 = vector.load %arg0[%get3A_2710, %get3A_2711, %get3A_2712, %get3A_2713] : memref<4x3x64x128xf32, #tpu.memory_space<vmem>>, vector<1x1x8x128xf32>
      %get3A_2715 = vector.shape_cast %get3A_2714 : vector<1x1x8x128xf32> to vector<8x128xf32>
      %sub3A_2716 = arith.subf %get3A_2715, %broadcast_in_dim3A_2638 : vector<8x128xf32>
      %get3A_2717 = arith.constant 3 : index
      %get3A_2718 = arith.constant 2 : index
      %get3A_2719 = arith.constant 8 : index
      %get3A_2720 = arith.constant 0 : index
      %get3A_2721 = vector.load %arg0[%get3A_2717, %get3A_2718, %get3A_2719, %get3A_2720] : memref<4x3x64x128xf32, #tpu.memory_space<vmem>>, vector<1x1x8x128xf32>
      %get3A_2722 = vector.shape_cast %get3A_2721 : vector<1x1x8x128xf32> to vector<8x128xf32>
      %sub3A_2723 = arith.subf %get3A_2722, %broadcast_in_dim3A_2659 : vector<8x128xf32>
      %mul3A_2724 = arith.mulf %sub3A_2709, %sub3A_2709 : vector<8x128xf32>
      %mul3A_2725 = arith.mulf %sub3A_2716, %sub3A_2716 : vector<8x128xf32>
      %add3A_2726 = arith.addf %mul3A_2724, %mul3A_2725 : vector<8x128xf32>
      %mul3A_2727 = arith.mulf %sub3A_2723, %sub3A_2723 : vector<8x128xf32>
      %add3A_2728 = arith.addf %add3A_2726, %mul3A_2727 : vector<8x128xf32>
      %get3A_2729 = arith.constant 3 : index
      %get3A_2730 = arith.constant 8 : index
      %get3A_2731 = arith.constant 0 : index
      %get3A_2732 = vector.load %arg3[%get3A_2729, %get3A_2730, %get3A_2731] : memref<4x64x128xf32, #tpu.memory_space<vmem>>, vector<1x8x128xf32>
      %get3A_2733 = vector.shape_cast %get3A_2732 : vector<1x8x128xf32> to vector<8x128xf32>
      %min3A_2734 = arith.minimumf %get3A_2733, %add3A_2728 : vector<8x128xf32>
      %swap3A_2735 = arith.constant 3 : index
      %swap3A_2736 = arith.constant 8 : index
      %swap3A_2737 = arith.constant 0 : index
      %swap3A_2738 = vector.load %arg3[%swap3A_2735, %swap3A_2736, %swap3A_2737] : memref<4x64x128xf32, #tpu.memory_space<vmem>>, vector<1x8x128xf32>
      %swap3A_2739 = vector.shape_cast %swap3A_2738 : vector<1x8x128xf32> to vector<8x128xf32>
      %swap3A_2740 = vector.shape_cast %min3A_2734 : vector<8x128xf32> to vector<1x8x128xf32>
      tpu.vector_store %arg3[%swap3A_2735, %swap3A_2736, %swap3A_2737], %swap3A_2740 {strides = array<i32>} : memref<4x64x128xf32, #tpu.memory_space<vmem>>, vector<1x8x128xf32>,
      %get3A_2741 = arith.constant 3 : index
      %get3A_2742 = arith.constant 0 : index
      %get3A_2743 = arith.constant 16 : index
      %get3A_2744 = arith.constant 0 : index
      %get3A_2745 = vector.load %arg0[%get3A_2741, %get3A_2742, %get3A_2743, %get3A_2744] : memref<4x3x64x128xf32, #tpu.memory_space<vmem>>, vector<1x1x8x128xf32>
      %get3A_2746 = vector.shape_cast %get3A_2745 : vector<1x1x8x128xf32> to vector<8x128xf32>
      %sub3A_2747 = arith.subf %get3A_2746, %broadcast_in_dim3A_2617 : vector<8x128xf32>
      %get3A_2748 = arith.constant 3 : index
      %get3A_2749 = arith.constant 1 : index
      %get3A_2750 = arith.constant 16 : index
      %get3A_2751 = arith.constant 0 : index
      %get3A_2752 = vector.load %arg0[%get3A_2748, %get3A_2749, %get3A_2750, %get3A_2751] : memref<4x3x64x128xf32, #tpu.memory_space<vmem>>, vector<1x1x8x128xf32>
      %get3A_2753 = vector.shape_cast %get3A_2752 : vector<1x1x8x128xf32> to vector<8x128xf32>
      %sub3A_2754 = arith.subf %get3A_2753, %broadcast_in_dim3A_2638 : vector<8x128xf32>
      %get3A_2755 = arith.constant 3 : index
      %get3A_2756 = arith.constant 2 : index
      %get3A_2757 = arith.constant 16 : index
      %get3A_2758 = arith.constant 0 : index
      %get3A_2759 = vector.load %arg0[%get3A_2755, %get3A_2756, %get3A_2757, %get3A_2758] : memref<4x3x64x128xf32, #tpu.memory_space<vmem>>, vector<1x1x8x128xf32>
      %get3A_2760 = vector.shape_cast %get3A_2759 : vector<1x1x8x128xf32> to vector<8x128xf32>
      %sub3A_2761 = arith.subf %get3A_2760, %broadcast_in_dim3A_2659 : vector<8x128xf32>
      %mul3A_2762 = arith.mulf %sub3A_2747, %sub3A_2747 : vector<8x128xf32>
      %mul3A_2763 = arith.mulf %sub3A_2754, %sub3A_2754 : vector<8x128xf32>
      %add3A_2764 = arith.addf %mul3A_2762, %mul3A_2763 : vector<8x128xf32>
      %mul3A_2765 = arith.mulf %sub3A_2761, %sub3A_2761 : vector<8x128xf32>
      %add3A_2766 = arith.addf %add3A_2764, %mul3A_2765 : vector<8x128xf32>
      %get3A_2767 = arith.constant 3 : index
      %get3A_2768 = arith.constant 16 : index
      %get3A_2769 = arith.constant 0 : index
      %get3A_2770 = vector.load %arg3[%get3A_2767, %get3A_2768, %get3A_2769] : memref<4x64x128xf32, #tpu.memory_space<vmem>>, vector<1x8x128xf32>
      %get3A_2771 = vector.shape_cast %get3A_2770 : vector<1x8x128xf32> to vector<8x128xf32>
      %min3A_2772 = arith.minimumf %get3A_2771, %add3A_2766 : vector<8x128xf32>
      %swap3A_2773 = arith.constant 3 : index
      %swap3A_2774 = arith.constant 16 : index
      %swap3A_2775 = arith.constant 0 : index
      %swap3A_2776 = vector.load %arg3[%swap3A_2773, %swap3A_2774, %swap3A_2775] : memref<4x64x128xf32, #tpu.memory_space<vmem>>, vector<1x8x128xf32>
      %swap3A_2777 = vector.shape_cast %swap3A_2776 : vector<1x8x128xf32> to vector<8x128xf32>
      %swap3A_2778 = vector.shape_cast %min3A_2772 : vector<8x128xf32> to vector<1x8x128xf32>
      tpu.vector_store %arg3[%swap3A_2773, %swap3A_2774, %swap3A_2775], %swap3A_2778 {strides = array<i32>} : memref<4x64x128xf32, #tpu.memory_space<vmem>>, vector<1x8x128xf32>,
      %get3A_2779 = arith.constant 3 : index
      %get3A_2780 = arith.constant 0 : index
      %get3A_2781 = arith.constant 24 : index
      %get3A_2782 = arith.constant 0 : index
      %get3A_2783 = vector.load %arg0[%get3A_2779, %get3A_2780, %get3A_2781, %get3A_2782] : memref<4x3x64x128xf32, #tpu.memory_space<vmem>>, vector<1x1x8x128xf32>
      %get3A_2784 = vector.shape_cast %get3A_2783 : vector<1x1x8x128xf32> to vector<8x128xf32>
      %sub3A_2785 = arith.subf %get3A_2784, %broadcast_in_dim3A_2617 : vector<8x128xf32>
      %get3A_2786 = arith.constant 3 : index
      %get3A_2787 = arith.constant 1 : index
      %get3A_2788 = arith.constant 24 : index
      %get3A_2789 = arith.constant 0 : index
      %get3A_2790 = vector.load %arg0[%get3A_2786, %get3A_2787, %get3A_2788, %get3A_2789] : memref<4x3x64x128xf32, #tpu.memory_space<vmem>>, vector<1x1x8x128xf32>
      %get3A_2791 = vector.shape_cast %get3A_2790 : vector<1x1x8x128xf32> to vector<8x128xf32>
      %sub3A_2792 = arith.subf %get3A_2791, %broadcast_in_dim3A_2638 : vector<8x128xf32>
      %get3A_2793 = arith.constant 3 : index
      %get3A_2794 = arith.constant 2 : index
      %get3A_2795 = arith.constant 24 : index
      %get3A_2796 = arith.constant 0 : index
      %get3A_2797 = vector.load %arg0[%get3A_2793, %get3A_2794, %get3A_2795, %get3A_2796] : memref<4x3x64x128xf32, #tpu.memory_space<vmem>>, vector<1x1x8x128xf32>
      %get3A_2798 = vector.shape_cast %get3A_2797 : vector<1x1x8x128xf32> to vector<8x128xf32>
      %sub3A_2799 = arith.subf %get3A_2798, %broadcast_in_dim3A_2659 : vector<8x128xf32>
      %mul3A_2800 = arith.mulf %sub3A_2785, %sub3A_2785 : vector<8x128xf32>
      %mul3A_2801 = arith.mulf %sub3A_2792, %sub3A_2792 : vector<8x128xf32>
      %add3A_2802 = arith.addf %mul3A_2800, %mul3A_2801 : vector<8x128xf32>
      %mul3A_2803 = arith.mulf %sub3A_2799, %sub3A_2799 : vector<8x128xf32>
      %add3A_2804 = arith.addf %add3A_2802, %mul3A_2803 : vector<8x128xf32>
      %get3A_2805 = arith.constant 3 : index
      %get3A_2806 = arith.constant 24 : index
      %get3A_2807 = arith.constant 0 : index
      %get3A_2808 = vector.load %arg3[%get3A_2805, %get3A_2806, %get3A_2807] : memref<4x64x128xf32, #tpu.memory_space<vmem>>, vector<1x8x128xf32>
      %get3A_2809 = vector.shape_cast %get3A_2808 : vector<1x8x128xf32> to vector<8x128xf32>
      %min3A_2810 = arith.minimumf %get3A_2809, %add3A_2804 : vector<8x128xf32>
      %swap3A_2811 = arith.constant 3 : index
      %swap3A_2812 = arith.constant 24 : index
      %swap3A_2813 = arith.constant 0 : index
      %swap3A_2814 = vector.load %arg3[%swap3A_2811, %swap3A_2812, %swap3A_2813] : memref<4x64x128xf32, #tpu.memory_space<vmem>>, vector<1x8x128xf32>
      %swap3A_2815 = vector.shape_cast %swap3A_2814 : vector<1x8x128xf32> to vector<8x128xf32>
      %swap3A_2816 = vector.shape_cast %min3A_2810 : vector<8x128xf32> to vector<1x8x128xf32>
      tpu.vector_store %arg3[%swap3A_2811, %swap3A_2812, %swap3A_2813], %swap3A_2816 {strides = array<i32>} : memref<4x64x128xf32, #tpu.memory_space<vmem>>, vector<1x8x128xf32>,
      %get3A_2817 = arith.constant 3 : index
      %get3A_2818 = arith.constant 0 : index
      %get3A_2819 = arith.constant 32 : index
      %get3A_2820 = arith.constant 0 : index
      %get3A_2821 = vector.load %arg0[%get3A_2817, %get3A_2818, %get3A_2819, %get3A_2820] : memref<4x3x64x128xf32, #tpu.memory_space<vmem>>, vector<1x1x8x128xf32>
      %get3A_2822 = vector.shape_cast %get3A_2821 : vector<1x1x8x128xf32> to vector<8x128xf32>
      %sub3A_2823 = arith.subf %get3A_2822, %broadcast_in_dim3A_2617 : vector<8x128xf32>
      %get3A_2824 = arith.constant 3 : index
      %get3A_2825 = arith.constant 1 : index
      %get3A_2826 = arith.constant 32 : index
      %get3A_2827 = arith.constant 0 : index
      %get3A_2828 = vector.load %arg0[%get3A_2824, %get3A_2825, %get3A_2826, %get3A_2827] : memref<4x3x64x128xf32, #tpu.memory_space<vmem>>, vector<1x1x8x128xf32>
      %get3A_2829 = vector.shape_cast %get3A_2828 : vector<1x1x8x128xf32> to vector<8x128xf32>
      %sub3A_2830 = arith.subf %get3A_2829, %broadcast_in_dim3A_2638 : vector<8x128xf32>
      %get3A_2831 = arith.constant 3 : index
      %get3A_2832 = arith.constant 2 : index
      %get3A_2833 = arith.constant 32 : index
      %get3A_2834 = arith.constant 0 : index
      %get3A_2835 = vector.load %arg0[%get3A_2831, %get3A_2832, %get3A_2833, %get3A_2834] : memref<4x3x64x128xf32, #tpu.memory_space<vmem>>, vector<1x1x8x128xf32>
      %get3A_2836 = vector.shape_cast %get3A_2835 : vector<1x1x8x128xf32> to vector<8x128xf32>
      %sub3A_2837 = arith.subf %get3A_2836, %broadcast_in_dim3A_2659 : vector<8x128xf32>
      %mul3A_2838 = arith.mulf %sub3A_2823, %sub3A_2823 : vector<8x128xf32>
      %mul3A_2839 = arith.mulf %sub3A_2830, %sub3A_2830 : vector<8x128xf32>
      %add3A_2840 = arith.addf %mul3A_2838, %mul3A_2839 : vector<8x128xf32>
      %mul3A_2841 = arith.mulf %sub3A_2837, %sub3A_2837 : vector<8x128xf32>
      %add3A_2842 = arith.addf %add3A_2840, %mul3A_2841 : vector<8x128xf32>
      %get3A_2843 = arith.constant 3 : index
      %get3A_2844 = arith.constant 32 : index
      %get3A_2845 = arith.constant 0 : index
      %get3A_2846 = vector.load %arg3[%get3A_2843, %get3A_2844, %get3A_2845] : memref<4x64x128xf32, #tpu.memory_space<vmem>>, vector<1x8x128xf32>
      %get3A_2847 = vector.shape_cast %get3A_2846 : vector<1x8x128xf32> to vector<8x128xf32>
      %min3A_2848 = arith.minimumf %get3A_2847, %add3A_2842 : vector<8x128xf32>
      %swap3A_2849 = arith.constant 3 : index
      %swap3A_2850 = arith.constant 32 : index
      %swap3A_2851 = arith.constant 0 : index
      %swap3A_2852 = vector.load %arg3[%swap3A_2849, %swap3A_2850, %swap3A_2851] : memref<4x64x128xf32, #tpu.memory_space<vmem>>, vector<1x8x128xf32>
      %swap3A_2853 = vector.shape_cast %swap3A_2852 : vector<1x8x128xf32> to vector<8x128xf32>
      %swap3A_2854 = vector.shape_cast %min3A_2848 : vector<8x128xf32> to vector<1x8x128xf32>
      tpu.vector_store %arg3[%swap3A_2849, %swap3A_2850, %swap3A_2851], %swap3A_2854 {strides = array<i32>} : memref<4x64x128xf32, #tpu.memory_space<vmem>>, vector<1x8x128xf32>,
      %get3A_2855 = arith.constant 3 : index
      %get3A_2856 = arith.constant 0 : index
      %get3A_2857 = arith.constant 40 : index
      %get3A_2858 = arith.constant 0 : index
      %get3A_2859 = vector.load %arg0[%get3A_2855, %get3A_2856, %get3A_2857, %get3A_2858] : memref<4x3x64x128xf32, #tpu.memory_space<vmem>>, vector<1x1x8x128xf32>
      %get3A_2860 = vector.shape_cast %get3A_2859 : vector<1x1x8x128xf32> to vector<8x128xf32>
      %sub3A_2861 = arith.subf %get3A_2860, %broadcast_in_dim3A_2617 : vector<8x128xf32>
      %get3A_2862 = arith.constant 3 : index
      %get3A_2863 = arith.constant 1 : index
      %get3A_2864 = arith.constant 40 : index
      %get3A_2865 = arith.constant 0 : index
      %get3A_2866 = vector.load %arg0[%get3A_2862, %get3A_2863, %get3A_2864, %get3A_2865] : memref<4x3x64x128xf32, #tpu.memory_space<vmem>>, vector<1x1x8x128xf32>
      %get3A_2867 = vector.shape_cast %get3A_2866 : vector<1x1x8x128xf32> to vector<8x128xf32>
      %sub3A_2868 = arith.subf %get3A_2867, %broadcast_in_dim3A_2638 : vector<8x128xf32>
      %get3A_2869 = arith.constant 3 : index
      %get3A_2870 = arith.constant 2 : index
      %get3A_2871 = arith.constant 40 : index
      %get3A_2872 = arith.constant 0 : index
      %get3A_2873 = vector.load %arg0[%get3A_2869, %get3A_2870, %get3A_2871, %get3A_2872] : memref<4x3x64x128xf32, #tpu.memory_space<vmem>>, vector<1x1x8x128xf32>
      %get3A_2874 = vector.shape_cast %get3A_2873 : vector<1x1x8x128xf32> to vector<8x128xf32>
      %sub3A_2875 = arith.subf %get3A_2874, %broadcast_in_dim3A_2659 : vector<8x128xf32>
      %mul3A_2876 = arith.mulf %sub3A_2861, %sub3A_2861 : vector<8x128xf32>
      %mul3A_2877 = arith.mulf %sub3A_2868, %sub3A_2868 : vector<8x128xf32>
      %add3A_2878 = arith.addf %mul3A_2876, %mul3A_2877 : vector<8x128xf32>
      %mul3A_2879 = arith.mulf %sub3A_2875, %sub3A_2875 : vector<8x128xf32>
      %add3A_2880 = arith.addf %add3A_2878, %mul3A_2879 : vector<8x128xf32>
      %get3A_2881 = arith.constant 3 : index
      %get3A_2882 = arith.constant 40 : index
      %get3A_2883 = arith.constant 0 : index
      %get3A_2884 = vector.load %arg3[%get3A_2881, %get3A_2882, %get3A_2883] : memref<4x64x128xf32, #tpu.memory_space<vmem>>, vector<1x8x128xf32>
      %get3A_2885 = vector.shape_cast %get3A_2884 : vector<1x8x128xf32> to vector<8x128xf32>
      %min3A_2886 = arith.minimumf %get3A_2885, %add3A_2880 : vector<8x128xf32>
      %swap3A_2887 = arith.constant 3 : index
      %swap3A_2888 = arith.constant 40 : index
      %swap3A_2889 = arith.constant 0 : index
      %swap3A_2890 = vector.load %arg3[%swap3A_2887, %swap3A_2888, %swap3A_2889] : memref<4x64x128xf32, #tpu.memory_space<vmem>>, vector<1x8x128xf32>
      %swap3A_2891 = vector.shape_cast %swap3A_2890 : vector<1x8x128xf32> to vector<8x128xf32>
      %swap3A_2892 = vector.shape_cast %min3A_2886 : vector<8x128xf32> to vector<1x8x128xf32>
      tpu.vector_store %arg3[%swap3A_2887, %swap3A_2888, %swap3A_2889], %swap3A_2892 {strides = array<i32>} : memref<4x64x128xf32, #tpu.memory_space<vmem>>, vector<1x8x128xf32>,
      %get3A_2893 = arith.constant 3 : index
      %get3A_2894 = arith.constant 0 : index
      %get3A_2895 = arith.constant 48 : index
      %get3A_2896 = arith.constant 0 : index
      %get3A_2897 = vector.load %arg0[%get3A_2893, %get3A_2894, %get3A_2895, %get3A_2896] : memref<4x3x64x128xf32, #tpu.memory_space<vmem>>, vector<1x1x8x128xf32>
      %get3A_2898 = vector.shape_cast %get3A_2897 : vector<1x1x8x128xf32> to vector<8x128xf32>
      %sub3A_2899 = arith.subf %get3A_2898, %broadcast_in_dim3A_2617 : vector<8x128xf32>
      %get3A_2900 = arith.constant 3 : index
      %get3A_2901 = arith.constant 1 : index
      %get3A_2902 = arith.constant 48 : index
      %get3A_2903 = arith.constant 0 : index
      %get3A_2904 = vector.load %arg0[%get3A_2900, %get3A_2901, %get3A_2902, %get3A_2903] : memref<4x3x64x128xf32, #tpu.memory_space<vmem>>, vector<1x1x8x128xf32>
      %get3A_2905 = vector.shape_cast %get3A_2904 : vector<1x1x8x128xf32> to vector<8x128xf32>
      %sub3A_2906 = arith.subf %get3A_2905, %broadcast_in_dim3A_2638 : vector<8x128xf32>
      %get3A_2907 = arith.constant 3 : index
      %get3A_2908 = arith.constant 2 : index
      %get3A_2909 = arith.constant 48 : index
      %get3A_2910 = arith.constant 0 : index
      %get3A_2911 = vector.load %arg0[%get3A_2907, %get3A_2908, %get3A_2909, %get3A_2910] : memref<4x3x64x128xf32, #tpu.memory_space<vmem>>, vector<1x1x8x128xf32>
      %get3A_2912 = vector.shape_cast %get3A_2911 : vector<1x1x8x128xf32> to vector<8x128xf32>
      %sub3A_2913 = arith.subf %get3A_2912, %broadcast_in_dim3A_2659 : vector<8x128xf32>
      %mul3A_2914 = arith.mulf %sub3A_2899, %sub3A_2899 : vector<8x128xf32>
      %mul3A_2915 = arith.mulf %sub3A_2906, %sub3A_2906 : vector<8x128xf32>
      %add3A_2916 = arith.addf %mul3A_2914, %mul3A_2915 : vector<8x128xf32>
      %mul3A_2917 = arith.mulf %sub3A_2913, %sub3A_2913 : vector<8x128xf32>
      %add3A_2918 = arith.addf %add3A_2916, %mul3A_2917 : vector<8x128xf32>
      %get3A_2919 = arith.constant 3 : index
      %get3A_2920 = arith.constant 48 : index
      %get3A_2921 = arith.constant 0 : index
      %get3A_2922 = vector.load %arg3[%get3A_2919, %get3A_2920, %get3A_2921] : memref<4x64x128xf32, #tpu.memory_space<vmem>>, vector<1x8x128xf32>
      %get3A_2923 = vector.shape_cast %get3A_2922 : vector<1x8x128xf32> to vector<8x128xf32>
      %min3A_2924 = arith.minimumf %get3A_2923, %add3A_2918 : vector<8x128xf32>
      %swap3A_2925 = arith.constant 3 : index
      %swap3A_2926 = arith.constant 48 : index
      %swap3A_2927 = arith.constant 0 : index
      %swap3A_2928 = vector.load %arg3[%swap3A_2925, %swap3A_2926, %swap3A_2927] : memref<4x64x128xf32, #tpu.memory_space<vmem>>, vector<1x8x128xf32>
      %swap3A_2929 = vector.shape_cast %swap3A_2928 : vector<1x8x128xf32> to vector<8x128xf32>
      %swap3A_2930 = vector.shape_cast %min3A_2924 : vector<8x128xf32> to vector<1x8x128xf32>
      tpu.vector_store %arg3[%swap3A_2925, %swap3A_2926, %swap3A_2927], %swap3A_2930 {strides = array<i32>} : memref<4x64x128xf32, #tpu.memory_space<vmem>>, vector<1x8x128xf32>,
      %get3A_2931 = arith.constant 3 : index
      %get3A_2932 = arith.constant 0 : index
      %get3A_2933 = arith.constant 56 : index
      %get3A_2934 = arith.constant 0 : index
      %get3A_2935 = vector.load %arg0[%get3A_2931, %get3A_2932, %get3A_2933, %get3A_2934] : memref<4x3x64x128xf32, #tpu.memory_space<vmem>>, vector<1x1x8x128xf32>
      %get3A_2936 = vector.shape_cast %get3A_2935 : vector<1x1x8x128xf32> to vector<8x128xf32>
      %sub3A_2937 = arith.subf %get3A_2936, %broadcast_in_dim3A_2617 : vector<8x128xf32>
      %get3A_2938 = arith.constant 3 : index
      %get3A_2939 = arith.constant 1 : index
      %get3A_2940 = arith.constant 56 : index
      %get3A_2941 = arith.constant 0 : index
      %get3A_2942 = vector.load %arg0[%get3A_2938, %get3A_2939, %get3A_2940, %get3A_2941] : memref<4x3x64x128xf32, #tpu.memory_space<vmem>>, vector<1x1x8x128xf32>
      %get3A_2943 = vector.shape_cast %get3A_2942 : vector<1x1x8x128xf32> to vector<8x128xf32>
      %sub3A_2944 = arith.subf %get3A_2943, %broadcast_in_dim3A_2638 : vector<8x128xf32>
      %get3A_2945 = arith.constant 3 : index
      %get3A_2946 = arith.constant 2 : index
      %get3A_2947 = arith.constant 56 : index
      %get3A_2948 = arith.constant 0 : index
      %get3A_2949 = vector.load %arg0[%get3A_2945, %get3A_2946, %get3A_2947, %get3A_2948] : memref<4x3x64x128xf32, #tpu.memory_space<vmem>>, vector<1x1x8x128xf32>
      %get3A_2950 = vector.shape_cast %get3A_2949 : vector<1x1x8x128xf32> to vector<8x128xf32>
      %sub3A_2951 = arith.subf %get3A_2950, %broadcast_in_dim3A_2659 : vector<8x128xf32>
      %mul3A_2952 = arith.mulf %sub3A_2937, %sub3A_2937 : vector<8x128xf32>
      %mul3A_2953 = arith.mulf %sub3A_2944, %sub3A_2944 : vector<8x128xf32>
      %add3A_2954 = arith.addf %mul3A_2952, %mul3A_2953 : vector<8x128xf32>
      %mul3A_2955 = arith.mulf %sub3A_2951, %sub3A_2951 : vector<8x128xf32>
      %add3A_2956 = arith.addf %add3A_2954, %mul3A_2955 : vector<8x128xf32>
      %get3A_2957 = arith.constant 3 : index
      %get3A_2958 = arith.constant 56 : index
      %get3A_2959 = arith.constant 0 : index
      %get3A_2960 = vector.load %arg3[%get3A_2957, %get3A_2958, %get3A_2959] : memref<4x64x128xf32, #tpu.memory_space<vmem>>, vector<1x8x128xf32>
      %get3A_2961 = vector.shape_cast %get3A_2960 : vector<1x8x128xf32> to vector<8x128xf32>
      %min3A_2962 = arith.minimumf %get3A_2961, %add3A_2956 : vector<8x128xf32>
      %swap3A_2963 = arith.constant 3 : index
      %swap3A_2964 = arith.constant 56 : index
      %swap3A_2965 = arith.constant 0 : index
      %swap3A_2966 = vector.load %arg3[%swap3A_2963, %swap3A_2964, %swap3A_2965] : memref<4x64x128xf32, #tpu.memory_space<vmem>>, vector<1x8x128xf32>
      %swap3A_2967 = vector.shape_cast %swap3A_2966 : vector<1x8x128xf32> to vector<8x128xf32>
      %swap3A_2968 = vector.shape_cast %min3A_2962 : vector<8x128xf32> to vector<1x8x128xf32>
      tpu.vector_store %arg3[%swap3A_2963, %swap3A_2964, %swap3A_2965], %swap3A_2968 {strides = array<i32>} : memref<4x64x128xf32, #tpu.memory_space<vmem>>, vector<1x8x128xf32>,
      %max3A_2969 = arith.maximumf %min3A_2696, %min3A_2734 : vector<8x128xf32>
      %max3A_2970 = arith.maximumf %min3A_2772, %min3A_2810 : vector<8x128xf32>
      %max3A_2971 = arith.maximumf %min3A_2848, %min3A_2886 : vector<8x128xf32>
      %max3A_2972 = arith.maximumf %min3A_2924, %min3A_2962 : vector<8x128xf32>
      %max3A_2973 = arith.maximumf %max3A_2969, %max3A_2970 : vector<8x128xf32>
      %max3A_2974 = arith.maximumf %max3A_2971, %max3A_2972 : vector<8x128xf32>
      %max3A_2975 = arith.maximumf %max3A_2973, %max3A_2974 : vector<8x128xf32>
      %reduce_max3A_2976 = arith.constant dense<0xFF800000> : vector<8xf32>
      %reduce_max3A_2977 = vector.multi_reduction <maximumf>, %max3A_2975, %reduce_max3A_2976 [1] : vector<8x128xf32> to vector<8xf32>
      %broadcast_in_dim3A_2978 = vector.shape_cast %reduce_max3A_2977 : vector<8xf32> to vector<8x1xf32>
      %roll3A_2979 = arith.constant 4 : i32
      %roll3A_2980 = tpu.dynamic_rotate %broadcast_in_dim3A_2978 by %roll3A_2979 dim 0 : vector<8x1xf32>, i32 -> vector<8x1xf32>
      %max3A_2981 = arith.maximumf %broadcast_in_dim3A_2978, %roll3A_2980 : vector<8x1xf32>
      %roll3A_2982 = arith.constant 2 : i32
      %roll3A_2983 = tpu.dynamic_rotate %max3A_2981 by %roll3A_2982 dim 0 : vector<8x1xf32>, i32 -> vector<8x1xf32>
      %max3A_2984 = arith.maximumf %max3A_2981, %roll3A_2983 : vector<8x1xf32>
      %roll3A_2985 = arith.constant 1 : i32
      %roll3A_2986 = tpu.dynamic_rotate %max3A_2984 by %roll3A_2985 dim 0 : vector<8x1xf32>, i32 -> vector<8x1xf32>
      %max3A_2987 = arith.maximumf %max3A_2984, %roll3A_2986 : vector<8x1xf32>
      %broadcast_in_dim3A_2988 = vector.shape_cast %max3A_2987 : vector<8x1xf32> to vector<8x1xf32>
      %broadcast_in_dim3A_2989 = vector.broadcast %broadcast_in_dim3A_2988 : vector<8x1xf32> to vector<8x128xf32>
      %get3A_2990 = arith.constant 3 : index
      %get3A_2991 = arith.constant 0 : index
      %get3A_2992 = arith.constant 0 : index
      %get3A_2993 = vector.load %arg3[%get3A_2990, %get3A_2991, %get3A_2992] : memref<4x64x128xf32, #tpu.memory_space<vmem>>, vector<1x8x128xf32>
      %get3A_2994 = vector.shape_cast %get3A_2993 : vector<1x8x128xf32> to vector<8x128xf32>
      %eq3A_2995 = arith.cmpf oeq, %get3A_2994, %broadcast_in_dim3A_2989 : vector<8x128xf32>
      %jit3A_2996 = arith.constant 8.192000e+03 : f32
      %broadcast_in_dim3A_2997 = vector.broadcast %jit3A_2996 : f32 to vector<8x128xf32>
      %select_n3A_2998 = arith.select %eq3A_2995, %convert_element_type3A, %broadcast_in_dim3A_2997 : vector<8x128xi1>, vector<8x128xf32>
      %get3A_2999 = arith.constant 3 : index
      %get3A_3000 = arith.constant 8 : index
      %get3A_3001 = arith.constant 0 : index
      %get3A_3002 = vector.load %arg3[%get3A_2999, %get3A_3000, %get3A_3001] : memref<4x64x128xf32, #tpu.memory_space<vmem>>, vector<1x8x128xf32>
      %get3A_3003 = vector.shape_cast %get3A_3002 : vector<1x8x128xf32> to vector<8x128xf32>
      %eq3A_3004 = arith.cmpf oeq, %get3A_3003, %broadcast_in_dim3A_2989 : vector<8x128xf32>
      %jit3A_3005 = arith.constant 8.192000e+03 : f32
      %broadcast_in_dim3A_3006 = vector.broadcast %jit3A_3005 : f32 to vector<8x128xf32>
      %select_n3A_3007 = arith.select %eq3A_3004, %convert_element_type3A_75, %broadcast_in_dim3A_3006 : vector<8x128xi1>, vector<8x128xf32>
      %get3A_3008 = arith.constant 3 : index
      %get3A_3009 = arith.constant 16 : index
      %get3A_3010 = arith.constant 0 : index
      %get3A_3011 = vector.load %arg3[%get3A_3008, %get3A_3009, %get3A_3010] : memref<4x64x128xf32, #tpu.memory_space<vmem>>, vector<1x8x128xf32>
      %get3A_3012 = vector.shape_cast %get3A_3011 : vector<1x8x128xf32> to vector<8x128xf32>
      %eq3A_3013 = arith.cmpf oeq, %get3A_3012, %broadcast_in_dim3A_2989 : vector<8x128xf32>
      %jit3A_3014 = arith.constant 8.192000e+03 : f32
      %broadcast_in_dim3A_3015 = vector.broadcast %jit3A_3014 : f32 to vector<8x128xf32>
      %select_n3A_3016 = arith.select %eq3A_3013, %convert_element_type3A_76, %broadcast_in_dim3A_3015 : vector<8x128xi1>, vector<8x128xf32>
      %get3A_3017 = arith.constant 3 : index
      %get3A_3018 = arith.constant 24 : index
      %get3A_3019 = arith.constant 0 : index
      %get3A_3020 = vector.load %arg3[%get3A_3017, %get3A_3018, %get3A_3019] : memref<4x64x128xf32, #tpu.memory_space<vmem>>, vector<1x8x128xf32>
      %get3A_3021 = vector.shape_cast %get3A_3020 : vector<1x8x128xf32> to vector<8x128xf32>
      %eq3A_3022 = arith.cmpf oeq, %get3A_3021, %broadcast_in_dim3A_2989 : vector<8x128xf32>
      %jit3A_3023 = arith.constant 8.192000e+03 : f32
      %broadcast_in_dim3A_3024 = vector.broadcast %jit3A_3023 : f32 to vector<8x128xf32>
      %select_n3A_3025 = arith.select %eq3A_3022, %convert_element_type3A_77, %broadcast_in_dim3A_3024 : vector<8x128xi1>, vector<8x128xf32>
      %get3A_3026 = arith.constant 3 : index
      %get3A_3027 = arith.constant 32 : index
      %get3A_3028 = arith.constant 0 : index
      %get3A_3029 = vector.load %arg3[%get3A_3026, %get3A_3027, %get3A_3028] : memref<4x64x128xf32, #tpu.memory_space<vmem>>, vector<1x8x128xf32>
      %get3A_3030 = vector.shape_cast %get3A_3029 : vector<1x8x128xf32> to vector<8x128xf32>
      %eq3A_3031 = arith.cmpf oeq, %get3A_3030, %broadcast_in_dim3A_2989 : vector<8x128xf32>
      %jit3A_3032 = arith.constant 8.192000e+03 : f32
      %broadcast_in_dim3A_3033 = vector.broadcast %jit3A_3032 : f32 to vector<8x128xf32>
      %select_n3A_3034 = arith.select %eq3A_3031, %convert_element_type3A_78, %broadcast_in_dim3A_3033 : vector<8x128xi1>, vector<8x128xf32>
      %get3A_3035 = arith.constant 3 : index
      %get3A_3036 = arith.constant 40 : index
      %get3A_3037 = arith.constant 0 : index
      %get3A_3038 = vector.load %arg3[%get3A_3035, %get3A_3036, %get3A_3037] : memref<4x64x128xf32, #tpu.memory_space<vmem>>, vector<1x8x128xf32>
      %get3A_3039 = vector.shape_cast %get3A_3038 : vector<1x8x128xf32> to vector<8x128xf32>
      %eq3A_3040 = arith.cmpf oeq, %get3A_3039, %broadcast_in_dim3A_2989 : vector<8x128xf32>
      %jit3A_3041 = arith.constant 8.192000e+03 : f32
      %broadcast_in_dim3A_3042 = vector.broadcast %jit3A_3041 : f32 to vector<8x128xf32>
      %select_n3A_3043 = arith.select %eq3A_3040, %convert_element_type3A_79, %broadcast_in_dim3A_3042 : vector<8x128xi1>, vector<8x128xf32>
      %get3A_3044 = arith.constant 3 : index
      %get3A_3045 = arith.constant 48 : index
      %get3A_3046 = arith.constant 0 : index
      %get3A_3047 = vector.load %arg3[%get3A_3044, %get3A_3045, %get3A_3046] : memref<4x64x128xf32, #tpu.memory_space<vmem>>, vector<1x8x128xf32>
      %get3A_3048 = vector.shape_cast %get3A_3047 : vector<1x8x128xf32> to vector<8x128xf32>
      %eq3A_3049 = arith.cmpf oeq, %get3A_3048, %broadcast_in_dim3A_2989 : vector<8x128xf32>
      %jit3A_3050 = arith.constant 8.192000e+03 : f32
      %broadcast_in_dim3A_3051 = vector.broadcast %jit3A_3050 : f32 to vector<8x128xf32>
      %select_n3A_3052 = arith.select %eq3A_3049, %convert_element_type3A_80, %broadcast_in_dim3A_3051 : vector<8x128xi1>, vector<8x128xf32>
      %get3A_3053 = arith.constant 3 : index
      %get3A_3054 = arith.constant 56 : index
      %get3A_3055 = arith.constant 0 : index
      %get3A_3056 = vector.load %arg3[%get3A_3053, %get3A_3054, %get3A_3055] : memref<4x64x128xf32, #tpu.memory_space<vmem>>, vector<1x8x128xf32>
      %get3A_3057 = vector.shape_cast %get3A_3056 : vector<1x8x128xf32> to vector<8x128xf32>
      %eq3A_3058 = arith.cmpf oeq, %get3A_3057, %broadcast_in_dim3A_2989 : vector<8x128xf32>
      %jit3A_3059 = arith.constant 8.192000e+03 : f32
      %broadcast_in_dim3A_3060 = vector.broadcast %jit3A_3059 : f32 to vector<8x128xf32>
      %select_n3A_3061 = arith.select %eq3A_3058, %convert_element_type3A_81, %broadcast_in_dim3A_3060 : vector<8x128xi1>, vector<8x128xf32>
      %min3A_3062 = arith.minimumf %select_n3A_2998, %select_n3A_3007 : vector<8x128xf32>
      %min3A_3063 = arith.minimumf %select_n3A_3016, %select_n3A_3025 : vector<8x128xf32>
      %min3A_3064 = arith.minimumf %select_n3A_3034, %select_n3A_3043 : vector<8x128xf32>
      %min3A_3065 = arith.minimumf %select_n3A_3052, %select_n3A_3061 : vector<8x128xf32>
      %min3A_3066 = arith.minimumf %min3A_3062, %min3A_3063 : vector<8x128xf32>
      %min3A_3067 = arith.minimumf %min3A_3064, %min3A_3065 : vector<8x128xf32>
      %min3A_3068 = arith.minimumf %min3A_3066, %min3A_3067 : vector<8x128xf32>
      %reduce_min3A_3069 = arith.constant dense<0x7F800000> : vector<8xf32>
      %reduce_min3A_3070 = vector.multi_reduction <minimumf>, %min3A_3068, %reduce_min3A_3069 [1] : vector<8x128xf32> to vector<8xf32>
      %broadcast_in_dim3A_3071 = vector.shape_cast %reduce_min3A_3070 : vector<8xf32> to vector<8x1xf32>
      %roll3A_3072 = arith.constant 4 : i32
      %roll3A_3073 = tpu.dynamic_rotate %broadcast_in_dim3A_3071 by %roll3A_3072 dim 0 : vector<8x1xf32>, i32 -> vector<8x1xf32>
      %min3A_3074 = arith.minimumf %broadcast_in_dim3A_3071, %roll3A_3073 : vector<8x1xf32>
      %roll3A_3075 = arith.constant 2 : i32
      %roll3A_3076 = tpu.dynamic_rotate %min3A_3074 by %roll3A_3075 dim 0 : vector<8x1xf32>, i32 -> vector<8x1xf32>
      %min3A_3077 = arith.minimumf %min3A_3074, %roll3A_3076 : vector<8x1xf32>
      %roll3A_3078 = arith.constant 1 : i32
      %roll3A_3079 = tpu.dynamic_rotate %min3A_3077 by %roll3A_3078 dim 0 : vector<8x1xf32>, i32 -> vector<8x1xf32>
      %min3A_3080 = arith.minimumf %min3A_3077, %roll3A_3079 : vector<8x1xf32>
      %broadcast_in_dim3A_3081 = vector.shape_cast %min3A_3080 : vector<8x1xf32> to vector<8x1xf32>
      %broadcast_in_dim3A_3082 = vector.broadcast %broadcast_in_dim3A_3081 : vector<8x1xf32> to vector<8x128xf32>
      scf.yield %broadcast_in_dim3A_952, %broadcast_in_dim3A_1662, %broadcast_in_dim3A_2372, %broadcast_in_dim3A_3082, %select_n3A_536, %select_n3A_1241, %select_n3A_1951, %select_n3A_2661, %select_n3A_537, %select_n3A_1242, %select_n3A_1952, %select_n3A_2662, %select_n3A_538, %select_n3A_1243, %select_n3A_1953, %select_n3A_2663, %select_n3A_539, %select_n3A_1244, %select_n3A_1954, %select_n3A_2664 : vector<8x128xf32>, vector<8x128xf32>, vector<8x128xf32>, vector<8x128xf32>, vector<8x128xi32>, vector<8x128xi32>, vector<8x128xi32>, vector<8x128xi32>, vector<8x128xf32>, vector<8x128xf32>, vector<8x128xf32>, vector<8x128xf32>, vector<8x128xf32>, vector<8x128xf32>, vector<8x128xf32>, vector<8x128xf32>, vector<8x128xf32>, vector<8x128xf32>, vector<8x128xf32>, vector<8x128xf32>
    }
    %scan3A_122 = arith.constant 1024 : i32
    %swap3A_123 = arith.constant 0 : index
    %swap3A_124 = arith.constant 0 : index
    %swap3A_125 = arith.constant 0 : index
    %swap3A_126 = vector.load %arg1[%swap3A_123, %swap3A_124, %swap3A_125] : memref<4x8x128xi32, #tpu.memory_space<vmem>>, vector<1x8x128xi32>
    %swap3A_127 = vector.shape_cast %swap3A_126 : vector<1x8x128xi32> to vector<8x128xi32>
    %swap3A_128 = vector.shape_cast %scan3A_121#4 : vector<8x128xi32> to vector<1x8x128xi32>
    tpu.vector_store %arg1[%swap3A_123, %swap3A_124, %swap3A_125], %swap3A_128 {strides = array<i32>} : memref<4x8x128xi32, #tpu.memory_space<vmem>>, vector<1x8x128xi32>,
    %swap3A_129 = arith.constant 0 : index
    %swap3A_130 = arith.constant 0 : index
    %swap3A_131 = arith.constant 0 : index
    %swap3A_132 = arith.constant 0 : index
    %swap3A_133 = vector.load %arg2[%swap3A_129, %swap3A_130, %swap3A_131, %swap3A_132] : memref<4x3x8x128xf32, #tpu.memory_space<vmem>>, vector<1x1x8x128xf32>
    %swap3A_134 = vector.shape_cast %swap3A_133 : vector<1x1x8x128xf32> to vector<8x128xf32>
    %swap3A_135 = vector.shape_cast %scan3A_121#8 : vector<8x128xf32> to vector<1x1x8x128xf32>
    tpu.vector_store %arg2[%swap3A_129, %swap3A_130, %swap3A_131, %swap3A_132], %swap3A_135 {strides = array<i32>} : memref<4x3x8x128xf32, #tpu.memory_space<vmem>>, vector<1x1x8x128xf32>,
    %swap3A_136 = arith.constant 0 : index
    %swap3A_137 = arith.constant 1 : index
    %swap3A_138 = arith.constant 0 : index
    %swap3A_139 = arith.constant 0 : index
    %swap3A_140 = vector.load %arg2[%swap3A_136, %swap3A_137, %swap3A_138, %swap3A_139] : memref<4x3x8x128xf32, #tpu.memory_space<vmem>>, vector<1x1x8x128xf32>
    %swap3A_141 = vector.shape_cast %swap3A_140 : vector<1x1x8x128xf32> to vector<8x128xf32>
    %swap3A_142 = vector.shape_cast %scan3A_121#12 : vector<8x128xf32> to vector<1x1x8x128xf32>
    tpu.vector_store %arg2[%swap3A_136, %swap3A_137, %swap3A_138, %swap3A_139], %swap3A_142 {strides = array<i32>} : memref<4x3x8x128xf32, #tpu.memory_space<vmem>>, vector<1x1x8x128xf32>,
    %swap3A_143 = arith.constant 0 : index
    %swap3A_144 = arith.constant 2 : index
    %swap3A_145 = arith.constant 0 : index
    %swap3A_146 = arith.constant 0 : index
    %swap3A_147 = vector.load %arg2[%swap3A_143, %swap3A_144, %swap3A_145, %swap3A_146] : memref<4x3x8x128xf32, #tpu.memory_space<vmem>>, vector<1x1x8x128xf32>
    %swap3A_148 = vector.shape_cast %swap3A_147 : vector<1x1x8x128xf32> to vector<8x128xf32>
    %swap3A_149 = vector.shape_cast %scan3A_121#16 : vector<8x128xf32> to vector<1x1x8x128xf32>
    tpu.vector_store %arg2[%swap3A_143, %swap3A_144, %swap3A_145, %swap3A_146], %swap3A_149 {strides = array<i32>} : memref<4x3x8x128xf32, #tpu.memory_space<vmem>>, vector<1x1x8x128xf32>,
    %swap3A_150 = arith.constant 1 : index
    %swap3A_151 = arith.constant 0 : index
    %swap3A_152 = arith.constant 0 : index
    %swap3A_153 = vector.load %arg1[%swap3A_150, %swap3A_151, %swap3A_152] : memref<4x8x128xi32, #tpu.memory_space<vmem>>, vector<1x8x128xi32>
    %swap3A_154 = vector.shape_cast %swap3A_153 : vector<1x8x128xi32> to vector<8x128xi32>
    %swap3A_155 = vector.shape_cast %scan3A_121#5 : vector<8x128xi32> to vector<1x8x128xi32>
    tpu.vector_store %arg1[%swap3A_150, %swap3A_151, %swap3A_152], %swap3A_155 {strides = array<i32>} : memref<4x8x128xi32, #tpu.memory_space<vmem>>, vector<1x8x128xi32>,
    %swap3A_156 = arith.constant 1 : index
    %swap3A_157 = arith.constant 0 : index
    %swap3A_158 = arith.constant 0 : index
    %swap3A_159 = arith.constant 0 : index
    %swap3A_160 = vector.load %arg2[%swap3A_156, %swap3A_157, %swap3A_158, %swap3A_159] : memref<4x3x8x128xf32, #tpu.memory_space<vmem>>, vector<1x1x8x128xf32>
    %swap3A_161 = vector.shape_cast %swap3A_160 : vector<1x1x8x128xf32> to vector<8x128xf32>
    %swap3A_162 = vector.shape_cast %scan3A_121#9 : vector<8x128xf32> to vector<1x1x8x128xf32>
    tpu.vector_store %arg2[%swap3A_156, %swap3A_157, %swap3A_158, %swap3A_159], %swap3A_162 {strides = array<i32>} : memref<4x3x8x128xf32, #tpu.memory_space<vmem>>, vector<1x1x8x128xf32>,
    %swap3A_163 = arith.constant 1 : index
    %swap3A_164 = arith.constant 1 : index
    %swap3A_165 = arith.constant 0 : index
    %swap3A_166 = arith.constant 0 : index
    %swap3A_167 = vector.load %arg2[%swap3A_163, %swap3A_164, %swap3A_165, %swap3A_166] : memref<4x3x8x128xf32, #tpu.memory_space<vmem>>, vector<1x1x8x128xf32>
    %swap3A_168 = vector.shape_cast %swap3A_167 : vector<1x1x8x128xf32> to vector<8x128xf32>
    %swap3A_169 = vector.shape_cast %scan3A_121#13 : vector<8x128xf32> to vector<1x1x8x128xf32>
    tpu.vector_store %arg2[%swap3A_163, %swap3A_164, %swap3A_165, %swap3A_166], %swap3A_169 {strides = array<i32>} : memref<4x3x8x128xf32, #tpu.memory_space<vmem>>, vector<1x1x8x128xf32>,
    %swap3A_170 = arith.constant 1 : index
    %swap3A_171 = arith.constant 2 : index
    %swap3A_172 = arith.constant 0 : index
    %swap3A_173 = arith.constant 0 : index
    %swap3A_174 = vector.load %arg2[%swap3A_170, %swap3A_171, %swap3A_172, %swap3A_173] : memref<4x3x8x128xf32, #tpu.memory_space<vmem>>, vector<1x1x8x128xf32>
    %swap3A_175 = vector.shape_cast %swap3A_174 : vector<1x1x8x128xf32> to vector<8x128xf32>
    %swap3A_176 = vector.shape_cast %scan3A_121#17 : vector<8x128xf32> to vector<1x1x8x128xf32>
    tpu.vector_store %arg2[%swap3A_170, %swap3A_171, %swap3A_172, %swap3A_173], %swap3A_176 {strides = array<i32>} : memref<4x3x8x128xf32, #tpu.memory_space<vmem>>, vector<1x1x8x128xf32>,
    %swap3A_177 = arith.constant 2 : index
    %swap3A_178 = arith.constant 0 : index
    %swap3A_179 = arith.constant 0 : index
    %swap3A_180 = vector.load %arg1[%swap3A_177, %swap3A_178, %swap3A_179] : memref<4x8x128xi32, #tpu.memory_space<vmem>>, vector<1x8x128xi32>
    %swap3A_181 = vector.shape_cast %swap3A_180 : vector<1x8x128xi32> to vector<8x128xi32>
    %swap3A_182 = vector.shape_cast %scan3A_121#6 : vector<8x128xi32> to vector<1x8x128xi32>
    tpu.vector_store %arg1[%swap3A_177, %swap3A_178, %swap3A_179], %swap3A_182 {strides = array<i32>} : memref<4x8x128xi32, #tpu.memory_space<vmem>>, vector<1x8x128xi32>,
    %swap3A_183 = arith.constant 2 : index
    %swap3A_184 = arith.constant 0 : index
    %swap3A_185 = arith.constant 0 : index
    %swap3A_186 = arith.constant 0 : index
    %swap3A_187 = vector.load %arg2[%swap3A_183, %swap3A_184, %swap3A_185, %swap3A_186] : memref<4x3x8x128xf32, #tpu.memory_space<vmem>>, vector<1x1x8x128xf32>
    %swap3A_188 = vector.shape_cast %swap3A_187 : vector<1x1x8x128xf32> to vector<8x128xf32>
    %swap3A_189 = vector.shape_cast %scan3A_121#10 : vector<8x128xf32> to vector<1x1x8x128xf32>
    tpu.vector_store %arg2[%swap3A_183, %swap3A_184, %swap3A_185, %swap3A_186], %swap3A_189 {strides = array<i32>} : memref<4x3x8x128xf32, #tpu.memory_space<vmem>>, vector<1x1x8x128xf32>,
    %swap3A_190 = arith.constant 2 : index
    %swap3A_191 = arith.constant 1 : index
    %swap3A_192 = arith.constant 0 : index
    %swap3A_193 = arith.constant 0 : index
    %swap3A_194 = vector.load %arg2[%swap3A_190, %swap3A_191, %swap3A_192, %swap3A_193] : memref<4x3x8x128xf32, #tpu.memory_space<vmem>>, vector<1x1x8x128xf32>
    %swap3A_195 = vector.shape_cast %swap3A_194 : vector<1x1x8x128xf32> to vector<8x128xf32>
    %swap3A_196 = vector.shape_cast %scan3A_121#14 : vector<8x128xf32> to vector<1x1x8x128xf32>
    tpu.vector_store %arg2[%swap3A_190, %swap3A_191, %swap3A_192, %swap3A_193], %swap3A_196 {strides = array<i32>} : memref<4x3x8x128xf32, #tpu.memory_space<vmem>>, vector<1x1x8x128xf32>,
    %swap3A_197 = arith.constant 2 : index
    %swap3A_198 = arith.constant 2 : index
    %swap3A_199 = arith.constant 0 : index
    %swap3A_200 = arith.constant 0 : index
    %swap3A_201 = vector.load %arg2[%swap3A_197, %swap3A_198, %swap3A_199, %swap3A_200] : memref<4x3x8x128xf32, #tpu.memory_space<vmem>>, vector<1x1x8x128xf32>
    %swap3A_202 = vector.shape_cast %swap3A_201 : vector<1x1x8x128xf32> to vector<8x128xf32>
    %swap3A_203 = vector.shape_cast %scan3A_121#18 : vector<8x128xf32> to vector<1x1x8x128xf32>
    tpu.vector_store %arg2[%swap3A_197, %swap3A_198, %swap3A_199, %swap3A_200], %swap3A_203 {strides = array<i32>} : memref<4x3x8x128xf32, #tpu.memory_space<vmem>>, vector<1x1x8x128xf32>,
    %swap3A_204 = arith.constant 3 : index
    %swap3A_205 = arith.constant 0 : index
    %swap3A_206 = arith.constant 0 : index
    %swap3A_207 = vector.load %arg1[%swap3A_204, %swap3A_205, %swap3A_206] : memref<4x8x128xi32, #tpu.memory_space<vmem>>, vector<1x8x128xi32>
    %swap3A_208 = vector.shape_cast %swap3A_207 : vector<1x8x128xi32> to vector<8x128xi32>
    %swap3A_209 = vector.shape_cast %scan3A_121#7 : vector<8x128xi32> to vector<1x8x128xi32>
    tpu.vector_store %arg1[%swap3A_204, %swap3A_205, %swap3A_206], %swap3A_209 {strides = array<i32>} : memref<4x8x128xi32, #tpu.memory_space<vmem>>, vector<1x8x128xi32>,
    %swap3A_210 = arith.constant 3 : index
    %swap3A_211 = arith.constant 0 : index
    %swap3A_212 = arith.constant 0 : index
    %swap3A_213 = arith.constant 0 : index
    %swap3A_214 = vector.load %arg2[%swap3A_210, %swap3A_211, %swap3A_212, %swap3A_213] : memref<4x3x8x128xf32, #tpu.memory_space<vmem>>, vector<1x1x8x128xf32>
    %swap3A_215 = vector.shape_cast %swap3A_214 : vector<1x1x8x128xf32> to vector<8x128xf32>
    %swap3A_216 = vector.shape_cast %scan3A_121#11 : vector<8x128xf32> to vector<1x1x8x128xf32>
    tpu.vector_store %arg2[%swap3A_210, %swap3A_211, %swap3A_212, %swap3A_213], %swap3A_216 {strides = array<i32>} : memref<4x3x8x128xf32, #tpu.memory_space<vmem>>, vector<1x1x8x128xf32>,
    %swap3A_217 = arith.constant 3 : index
    %swap3A_218 = arith.constant 1 : index
    %swap3A_219 = arith.constant 0 : index
    %swap3A_220 = arith.constant 0 : index
    %swap3A_221 = vector.load %arg2[%swap3A_217, %swap3A_218, %swap3A_219, %swap3A_220] : memref<4x3x8x128xf32, #tpu.memory_space<vmem>>, vector<1x1x8x128xf32>
    %swap3A_222 = vector.shape_cast %swap3A_221 : vector<1x1x8x128xf32> to vector<8x128xf32>
    %swap3A_223 = vector.shape_cast %scan3A_121#15 : vector<8x128xf32> to vector<1x1x8x128xf32>
    tpu.vector_store %arg2[%swap3A_217, %swap3A_218, %swap3A_219, %swap3A_220], %swap3A_223 {strides = array<i32>} : memref<4x3x8x128xf32, #tpu.memory_space<vmem>>, vector<1x1x8x128xf32>,
    %swap3A_224 = arith.constant 3 : index
    %swap3A_225 = arith.constant 2 : index
    %swap3A_226 = arith.constant 0 : index
    %swap3A_227 = arith.constant 0 : index
    %swap3A_228 = vector.load %arg2[%swap3A_224, %swap3A_225, %swap3A_226, %swap3A_227] : memref<4x3x8x128xf32, #tpu.memory_space<vmem>>, vector<1x1x8x128xf32>
    %swap3A_229 = vector.shape_cast %swap3A_228 : vector<1x1x8x128xf32> to vector<8x128xf32>
    %swap3A_230 = vector.shape_cast %scan3A_121#19 : vector<8x128xf32> to vector<1x1x8x128xf32>
    tpu.vector_store %arg2[%swap3A_224, %swap3A_225, %swap3A_226, %swap3A_227], %swap3A_230 {strides = array<i32>} : memref<4x3x8x128xf32, #tpu.memory_space<vmem>>, vector<1x1x8x128xf32>,
    return
  }
}

module attributes {stable_mosaic.version = 14 : i64} {
  func.func @_aprep_body(%arg0: i32, %arg1: i32, %arg2: memref<1x64x2048xf32, #tpu.memory_space<vmem>>, %arg3: memref<1x2048x3xf32, #tpu.memory_space<vmem>>, %arg4: memref<64x64xf32, #tpu.memory_space<vmem>>, %arg5: memref<3x64xf32, #tpu.memory_space<vmem>>, %arg6: memref<1x64xf32, #tpu.memory_space<vmem>>, %arg7: memref<64x64xf32, #tpu.memory_space<vmem>>, %arg8: memref<3x64xf32, #tpu.memory_space<vmem>>, %arg9: memref<1x64xf32, #tpu.memory_space<vmem>>, %arg10: memref<1x2048x128xf32, #tpu.memory_space<vmem>>) attributes {dimension_semantics = [#tpu.dimension_semantics<arbitrary>, #tpu.dimension_semantics<arbitrary>], iteration_bounds = array<i64: 4, 4>, scalar_prefetch = 0 : i64, scratch_operands = 0 : i64, tpu.core_type = #tpu.core_type<tc>, window_params = [{transform_indices = @transform_0, window_bounds = array<i64: 1, 64, 2048>}, {transform_indices = @transform_1, window_bounds = array<i64: 1, 2048, 3>}, {pipeline_mode = #tpu.pipeline_mode<synchronous>, transform_indices = @transform_2, window_bounds = array<i64: 64, 64>}, {pipeline_mode = #tpu.pipeline_mode<synchronous>, transform_indices = @transform_3, window_bounds = array<i64: 3, 64>}, {pipeline_mode = #tpu.pipeline_mode<synchronous>, transform_indices = @transform_4, window_bounds = array<i64: 1, 64>}, {pipeline_mode = #tpu.pipeline_mode<synchronous>, transform_indices = @transform_5, window_bounds = array<i64: 64, 64>}, {pipeline_mode = #tpu.pipeline_mode<synchronous>, transform_indices = @transform_6, window_bounds = array<i64: 3, 64>}, {pipeline_mode = #tpu.pipeline_mode<synchronous>, transform_indices = @transform_7, window_bounds = array<i64: 1, 64>}, {transform_indices = @transform_8, window_bounds = array<i64: 1, 2048, 128>}]} {
    %get3A = arith.constant 0 : index
    %get3A_0 = arith.constant 0 : index
    %get3A_1 = arith.constant 0 : index
    %get3A_2 = vector.load %arg2[%get3A, %get3A_0, %get3A_1] : memref<1x64x2048xf32, #tpu.memory_space<vmem>>, vector<1x64x2048xf32>
    %get3A_3 = vector.shape_cast %get3A_2 : vector<1x64x2048xf32> to vector<64x2048xf32>
    %get3A_4 = arith.constant 0 : index
    %get3A_5 = arith.constant 0 : index
    %get3A_6 = arith.constant 0 : index
    %get3A_7 = vector.load %arg3[%get3A_4, %get3A_5, %get3A_6] : memref<1x2048x3xf32, #tpu.memory_space<vmem>>, vector<1x2048x3xf32>
    %get3A_8 = vector.shape_cast %get3A_7 : vector<1x2048x3xf32> to vector<2048x3xf32>
    %get3A_9 = arith.constant 0 : index
    %get3A_10 = arith.constant 0 : index
    %get3A_11 = vector.load %arg5[%get3A_9, %get3A_10] : memref<3x64xf32, #tpu.memory_space<vmem>>, vector<3x64xf32>
    %dot_general3A = arith.constant dense<0.000000e+00> : vector<2048x64xf32>
    %dot_general3A_12 = tpu.matmul %get3A_8, %get3A_11, %dot_general3A {dimension_numbers = #tpu.dot_dimension_numbers<[1], [0], [0], [1], [0, 0, 1, 1], [], []>, transpose_lhs_hint = false} : vector<2048x3xf32>, vector<3x64xf32>, vector<2048x64xf32> -> vector<2048x64xf32>
    %get3A_13 = arith.constant 0 : index
    %get3A_14 = arith.constant 0 : index
    %get3A_15 = vector.load %arg8[%get3A_13, %get3A_14] : memref<3x64xf32, #tpu.memory_space<vmem>>, vector<3x64xf32>
    %dot_general3A_16 = arith.constant dense<0.000000e+00> : vector<2048x64xf32>
    %dot_general3A_17 = tpu.matmul %get3A_8, %get3A_15, %dot_general3A_16 {dimension_numbers = #tpu.dot_dimension_numbers<[1], [0], [0], [1], [0, 0, 1, 1], [], []>, transpose_lhs_hint = false} : vector<2048x3xf32>, vector<3x64xf32>, vector<2048x64xf32> -> vector<2048x64xf32>
    %get3A_18 = arith.constant 0 : index
    %get3A_19 = arith.constant 0 : index
    %get3A_20 = vector.load %arg4[%get3A_18, %get3A_19] : memref<64x64xf32, #tpu.memory_space<vmem>>, vector<64x64xf32>
    %dot_general3A_21 = arith.constant dense<0.000000e+00> : vector<2048x64xf32>
    %dot_general3A_22 = tpu.matmul %get3A_3, %get3A_20, %dot_general3A_21 {dimension_numbers = #tpu.dot_dimension_numbers<[0], [0], [1], [1], [0, 1, 1, 1], [], []>, transpose_lhs_hint = false} : vector<64x2048xf32>, vector<64x64xf32>, vector<2048x64xf32> -> vector<2048x64xf32>
    %add3A = arith.addf %dot_general3A_22, %dot_general3A_12 : vector<2048x64xf32>
    %get3A_23 = arith.constant 0 : index
    %get3A_24 = arith.constant 0 : index
    %get3A_25 = vector.load %arg6[%get3A_23, %get3A_24] : memref<1x64xf32, #tpu.memory_space<vmem>>, vector<1x64xf32>
    %add3A_26 = vector.broadcast %get3A_25 : vector<1x64xf32> to vector<2048x64xf32>
    %add3A_27 = arith.addf %add3A, %add3A_26 : vector<2048x64xf32>
    %get3A_28 = arith.constant 0 : index
    %get3A_29 = arith.constant 0 : index
    %get3A_30 = vector.load %arg7[%get3A_28, %get3A_29] : memref<64x64xf32, #tpu.memory_space<vmem>>, vector<64x64xf32>
    %dot_general3A_31 = arith.constant dense<0.000000e+00> : vector<2048x64xf32>
    %dot_general3A_32 = tpu.matmul %get3A_3, %get3A_30, %dot_general3A_31 {dimension_numbers = #tpu.dot_dimension_numbers<[0], [0], [1], [1], [0, 1, 1, 1], [], []>, transpose_lhs_hint = false} : vector<64x2048xf32>, vector<64x64xf32>, vector<2048x64xf32> -> vector<2048x64xf32>
    %add3A_33 = arith.addf %dot_general3A_32, %dot_general3A_17 : vector<2048x64xf32>
    %get3A_34 = arith.constant 0 : index
    %get3A_35 = arith.constant 0 : index
    %get3A_36 = vector.load %arg9[%get3A_34, %get3A_35] : memref<1x64xf32, #tpu.memory_space<vmem>>, vector<1x64xf32>
    %add3A_37 = vector.broadcast %get3A_36 : vector<1x64xf32> to vector<2048x64xf32>
    %add3A_38 = arith.addf %add3A_33, %add3A_37 : vector<2048x64xf32>
    %concatenate3A = tpu.concatenate %add3A_27, %add3A_38 in 1 : vector<2048x64xf32>, vector<2048x64xf32> -> vector<2048x128xf32>
    %swap3A = arith.constant 0 : index
    %swap3A_39 = arith.constant 0 : index
    %swap3A_40 = arith.constant 0 : index
    %swap3A_41 = vector.load %arg10[%swap3A, %swap3A_39, %swap3A_40] : memref<1x2048x128xf32, #tpu.memory_space<vmem>>, vector<1x2048x128xf32>
    %swap3A_42 = vector.shape_cast %swap3A_41 : vector<1x2048x128xf32> to vector<2048x128xf32>
    %swap3A_43 = vector.shape_cast %concatenate3A : vector<2048x128xf32> to vector<1x2048x128xf32>
    tpu.vector_store %arg10[%swap3A, %swap3A_39, %swap3A_40], %swap3A_43 {strides = array<i32>} : memref<1x2048x128xf32, #tpu.memory_space<vmem>>, vector<1x2048x128xf32>,
    return
  }
  func.func @transform_0(%arg0: i32, %arg1: i32) -> (i32, i32, i32) {
    %c0_i32 = arith.constant 0 : i32
    %c0_i32_0 = arith.constant 0 : i32
    return %arg0, %c0_i32, %arg1 : i32, i32, i32
  }
  func.func @transform_1(%arg0: i32, %arg1: i32) -> (i32, i32, i32) {
    %c0_i32 = arith.constant 0 : i32
    %c0_i32_0 = arith.constant 0 : i32
    return %arg0, %arg1, %c0_i32 : i32, i32, i32
  }
  func.func @transform_2(%arg0: i32, %arg1: i32) -> (i32, i32) {
    %c0_i32 = arith.constant 0 : i32
    %c0_i32_0 = arith.constant 0 : i32
    %c0_i32_1 = arith.constant 0 : i32
    return %c0_i32, %c0_i32_0 : i32, i32
  }
  func.func @transform_3(%arg0: i32, %arg1: i32) -> (i32, i32) {
    %c0_i32 = arith.constant 0 : i32
    %c0_i32_0 = arith.constant 0 : i32
    %c0_i32_1 = arith.constant 0 : i32
    return %c0_i32, %c0_i32_0 : i32, i32
  }
  func.func @transform_4(%arg0: i32, %arg1: i32) -> (i32, i32) {
    %c0_i32 = arith.constant 0 : i32
    %c0_i32_0 = arith.constant 0 : i32
    %c0_i32_1 = arith.constant 0 : i32
    return %c0_i32, %c0_i32_0 : i32, i32
  }
  func.func @transform_5(%arg0: i32, %arg1: i32) -> (i32, i32) {
    %c0_i32 = arith.constant 0 : i32
    %c0_i32_0 = arith.constant 0 : i32
    %c0_i32_1 = arith.constant 0 : i32
    return %c0_i32, %c0_i32_0 : i32, i32
  }
  func.func @transform_6(%arg0: i32, %arg1: i32) -> (i32, i32) {
    %c0_i32 = arith.constant 0 : i32
    %c0_i32_0 = arith.constant 0 : i32
    %c0_i32_1 = arith.constant 0 : i32
    return %c0_i32, %c0_i32_0 : i32, i32
  }
  func.func @transform_7(%arg0: i32, %arg1: i32) -> (i32, i32) {
    %c0_i32 = arith.constant 0 : i32
    %c0_i32_0 = arith.constant 0 : i32
    %c0_i32_1 = arith.constant 0 : i32
    return %c0_i32, %c0_i32_0 : i32, i32
  }
  func.func @transform_8(%arg0: i32, %arg1: i32) -> (i32, i32, i32) {
    %c0_i32 = arith.constant 0 : i32
    %c0_i32_0 = arith.constant 0 : i32
    return %arg0, %arg1, %c0_i32 : i32, i32, i32
  }
}

module attributes {stable_mosaic.version = 14 : i64} {
  func.func @_mlp_body(%arg0: i32, %arg1: i32, %arg2: memref<1x2048x128xf32, #tpu.memory_space<vmem>>, %arg3: memref<1x4096x128xf32, #tpu.memory_space<vmem>>, %arg4: memref<1x3x128xf32, #tpu.memory_space<vmem>>, %arg5: memref<3x64xf32, #tpu.memory_space<vmem>>, %arg6: memref<64x64xf32, #tpu.memory_space<vmem>>, %arg7: memref<1x64xf32, #tpu.memory_space<vmem>>, %arg8: memref<64x128xf32, #tpu.memory_space<vmem>>, %arg9: memref<1x128xf32, #tpu.memory_space<vmem>>, %arg10: memref<3x64xf32, #tpu.memory_space<vmem>>, %arg11: memref<64x96xf32, #tpu.memory_space<vmem>>, %arg12: memref<1x96xf32, #tpu.memory_space<vmem>>, %arg13: memref<96x128xf32, #tpu.memory_space<vmem>>, %arg14: memref<1x128xf32, #tpu.memory_space<vmem>>, %arg15: memref<1x256x128xf32, #tpu.memory_space<vmem>>) attributes {dimension_semantics = [#tpu.dimension_semantics<arbitrary>, #tpu.dimension_semantics<arbitrary>], iteration_bounds = array<i64: 4, 8>, scalar_prefetch = 0 : i64, scratch_operands = 0 : i64, tpu.core_type = #tpu.core_type<tc>, window_params = [{transform_indices = @transform_0, window_bounds = array<i64: 1, 2048, 128>}, {transform_indices = @transform_1, window_bounds = array<i64: 1, 4096, 128>}, {transform_indices = @transform_2, window_bounds = array<i64: 1, 3, 128>}, {pipeline_mode = #tpu.pipeline_mode<synchronous>, transform_indices = @transform_3, window_bounds = array<i64: 3, 64>}, {pipeline_mode = #tpu.pipeline_mode<synchronous>, transform_indices = @transform_4, window_bounds = array<i64: 64, 64>}, {pipeline_mode = #tpu.pipeline_mode<synchronous>, transform_indices = @transform_5, window_bounds = array<i64: 1, 64>}, {pipeline_mode = #tpu.pipeline_mode<synchronous>, transform_indices = @transform_6, window_bounds = array<i64: 64, 128>}, {pipeline_mode = #tpu.pipeline_mode<synchronous>, transform_indices = @transform_7, window_bounds = array<i64: 1, 128>}, {pipeline_mode = #tpu.pipeline_mode<synchronous>, transform_indices = @transform_8, window_bounds = array<i64: 3, 64>}, {pipeline_mode = #tpu.pipeline_mode<synchronous>, transform_indices = @transform_9, window_bounds = array<i64: 64, 96>}, {pipeline_mode = #tpu.pipeline_mode<synchronous>, transform_indices = @transform_10, window_bounds = array<i64: 1, 96>}, {pipeline_mode = #tpu.pipeline_mode<synchronous>, transform_indices = @transform_11, window_bounds = array<i64: 96, 128>}, {pipeline_mode = #tpu.pipeline_mode<synchronous>, transform_indices = @transform_12, window_bounds = array<i64: 1, 128>}, {transform_indices = @transform_13, window_bounds = array<i64: 1, 256, 128>}]} {
    %get3A = arith.constant 0 : index
    %get3A_0 = arith.constant 0 : index
    %get3A_1 = arith.constant 0 : index
    %get3A_2 = vector.load %arg4[%get3A, %get3A_0, %get3A_1] : memref<1x3x128xf32, #tpu.memory_space<vmem>>, vector<1x3x128xf32>
    %get3A_3 = vector.shape_cast %get3A_2 : vector<1x3x128xf32> to vector<3x128xf32>
    %get3A_4 = arith.constant 0 : index
    %get3A_5 = arith.constant 0 : index
    %get3A_6 = vector.load %arg5[%get3A_4, %get3A_5] : memref<3x64xf32, #tpu.memory_space<vmem>>, vector<3x64xf32>
    %dot_general3A = arith.constant dense<0.000000e+00> : vector<128x64xf32>
    %dot_general3A_7 = tpu.matmul %get3A_3, %get3A_6, %dot_general3A {dimension_numbers = #tpu.dot_dimension_numbers<[0], [0], [1], [1], [0, 1, 1, 1], [], []>, transpose_lhs_hint = false} : vector<3x128xf32>, vector<3x64xf32>, vector<128x64xf32> -> vector<128x64xf32>
    %neg3A = arith.constant 0.000000e+00 : f32
    %neg3A_8 = vector.broadcast %neg3A : f32 to vector<128x64xf32>
    %neg3A_9 = arith.subf %neg3A_8, %dot_general3A_7 : vector<128x64xf32>
    %get3A_10 = arith.constant 0 : index
    %get3A_11 = arith.constant 0 : index
    %get3A_12 = vector.load %arg10[%get3A_10, %get3A_11] : memref<3x64xf32, #tpu.memory_space<vmem>>, vector<3x64xf32>
    %dot_general3A_13 = arith.constant dense<0.000000e+00> : vector<128x64xf32>
    %dot_general3A_14 = tpu.matmul %get3A_3, %get3A_12, %dot_general3A_13 {dimension_numbers = #tpu.dot_dimension_numbers<[0], [0], [1], [1], [0, 1, 1, 1], [], []>, transpose_lhs_hint = false} : vector<3x128xf32>, vector<3x64xf32>, vector<128x64xf32> -> vector<128x64xf32>
    %neg3A_15 = arith.constant 0.000000e+00 : f32
    %neg3A_16 = vector.broadcast %neg3A_15 : f32 to vector<128x64xf32>
    %neg3A_17 = arith.subf %neg3A_16, %dot_general3A_14 : vector<128x64xf32>
    %get3A_18 = arith.constant 0 : index
    %get3A_19 = arith.constant 0 : index
    %get3A_20 = arith.constant 0 : index
    %get3A_21 = vector.load %arg2[%get3A_18, %get3A_19, %get3A_20] : memref<1x2048x128xf32, #tpu.memory_space<vmem>>, vector<1x2048x128xf32>
    %get3A_22 = vector.shape_cast %get3A_21 : vector<1x2048x128xf32> to vector<2048x128xf32>
    %slice3A = vector.extract_strided_slice %get3A_22 {offsets = [0, 0], sizes = [2048, 64], strides = [1, 1]} : vector<2048x128xf32> to vector<2048x64xf32>
    %reshape3A = vector.shape_cast %slice3A : vector<2048x64xf32> to vector<128x16x64xf32>
    %broadcast_in_dim3A = vector.shape_cast %neg3A_9 : vector<128x64xf32> to vector<128x1x64xf32>
    %add3A = vector.broadcast %broadcast_in_dim3A : vector<128x1x64xf32> to vector<128x16x64xf32>
    %add3A_23 = arith.addf %reshape3A, %add3A : vector<128x16x64xf32>
    %max3A = arith.constant 0.000000e+00 : f32
    %max3A_24 = vector.broadcast %max3A : f32 to vector<128x16x64xf32>
    %max3A_25 = arith.maximumf %add3A_23, %max3A_24 : vector<128x16x64xf32>
    %reshape3A_26 = vector.shape_cast %max3A_25 : vector<128x16x64xf32> to vector<2048x64xf32>
    %get3A_27 = arith.constant 0 : index
    %get3A_28 = arith.constant 0 : index
    %get3A_29 = vector.load %arg6[%get3A_27, %get3A_28] : memref<64x64xf32, #tpu.memory_space<vmem>>, vector<64x64xf32>
    %dot_general3A_30 = arith.constant dense<0.000000e+00> : vector<2048x64xf32>
    %dot_general3A_31 = tpu.matmul %reshape3A_26, %get3A_29, %dot_general3A_30 {dimension_numbers = #tpu.dot_dimension_numbers<[1], [0], [0], [1], [0, 0, 1, 1], [], []>, transpose_lhs_hint = false} : vector<2048x64xf32>, vector<64x64xf32>, vector<2048x64xf32> -> vector<2048x64xf32>
    %get3A_32 = arith.constant 0 : index
    %get3A_33 = arith.constant 0 : index
    %get3A_34 = vector.load %arg7[%get3A_32, %get3A_33] : memref<1x64xf32, #tpu.memory_space<vmem>>, vector<1x64xf32>
    %add3A_35 = vector.broadcast %get3A_34 : vector<1x64xf32> to vector<2048x64xf32>
    %add3A_36 = arith.addf %dot_general3A_31, %add3A_35 : vector<2048x64xf32>
    %max3A_37 = arith.constant 0.000000e+00 : f32
    %max3A_38 = vector.broadcast %max3A_37 : f32 to vector<2048x64xf32>
    %max3A_39 = arith.maximumf %add3A_36, %max3A_38 : vector<2048x64xf32>
    %get3A_40 = arith.constant 0 : index
    %get3A_41 = arith.constant 0 : index
    %get3A_42 = vector.load %arg8[%get3A_40, %get3A_41] : memref<64x128xf32, #tpu.memory_space<vmem>>, vector<64x128xf32>
    %dot_general3A_43 = arith.constant dense<0.000000e+00> : vector<2048x128xf32>
    %dot_general3A_44 = tpu.matmul %max3A_39, %get3A_42, %dot_general3A_43 {dimension_numbers = #tpu.dot_dimension_numbers<[1], [0], [0], [1], [0, 0, 1, 1], [], []>, transpose_lhs_hint = false} : vector<2048x64xf32>, vector<64x128xf32>, vector<2048x128xf32> -> vector<2048x128xf32>
    %get3A_45 = arith.constant 0 : index
    %get3A_46 = arith.constant 0 : index
    %get3A_47 = vector.load %arg9[%get3A_45, %get3A_46] : memref<1x128xf32, #tpu.memory_space<vmem>>, vector<1x128xf32>
    %add3A_48 = vector.broadcast %get3A_47 : vector<1x128xf32> to vector<2048x128xf32>
    %add3A_49 = arith.addf %dot_general3A_44, %add3A_48 : vector<2048x128xf32>
    %max3A_50 = arith.constant 0.000000e+00 : f32
    %max3A_51 = vector.broadcast %max3A_50 : f32 to vector<2048x128xf32>
    %max3A_52 = arith.maximumf %add3A_49, %max3A_51 : vector<2048x128xf32>
    %reshape3A_53 = vector.shape_cast %max3A_52 : vector<2048x128xf32> to vector<128x16x128xf32>
    %reduce_max3A = arith.constant dense<0xFF800000> : vector<128x128xf32>
    %reduce_max3A_54 = vector.multi_reduction <maximumf>, %reshape3A_53, %reduce_max3A [1] : vector<128x16x128xf32> to vector<128x128xf32>
    %transpose3A = tpu.transpose %reduce_max3A_54, [1, 0] : vector<128x128xf32> -> vector<128x128xf32>
    %get3A_55 = arith.constant 0 : index
    %get3A_56 = arith.constant 0 : index
    %get3A_57 = arith.constant 0 : index
    %get3A_58 = vector.load %arg3[%get3A_55, %get3A_56, %get3A_57] : memref<1x4096x128xf32, #tpu.memory_space<vmem>>, vector<1x4096x128xf32>
    %get3A_59 = vector.shape_cast %get3A_58 : vector<1x4096x128xf32> to vector<4096x128xf32>
    %slice3A_60 = vector.extract_strided_slice %get3A_59 {offsets = [0, 64], sizes = [4096, 64], strides = [1, 1]} : vector<4096x128xf32> to vector<4096x64xf32>
    %reshape3A_61 = vector.shape_cast %slice3A_60 : vector<4096x64xf32> to vector<128x32x64xf32>
    %broadcast_in_dim3A_62 = vector.shape_cast %neg3A_17 : vector<128x64xf32> to vector<128x1x64xf32>
    %add3A_63 = vector.broadcast %broadcast_in_dim3A_62 : vector<128x1x64xf32> to vector<128x32x64xf32>
    %add3A_64 = arith.addf %reshape3A_61, %add3A_63 : vector<128x32x64xf32>
    %max3A_65 = arith.constant 0.000000e+00 : f32
    %max3A_66 = vector.broadcast %max3A_65 : f32 to vector<128x32x64xf32>
    %max3A_67 = arith.maximumf %add3A_64, %max3A_66 : vector<128x32x64xf32>
    %reshape3A_68 = vector.shape_cast %max3A_67 : vector<128x32x64xf32> to vector<4096x64xf32>
    %get3A_69 = arith.constant 0 : index
    %get3A_70 = arith.constant 0 : index
    %get3A_71 = vector.load %arg11[%get3A_69, %get3A_70] : memref<64x96xf32, #tpu.memory_space<vmem>>, vector<64x96xf32>
    %dot_general3A_72 = arith.constant dense<0.000000e+00> : vector<4096x96xf32>
    %dot_general3A_73 = tpu.matmul %reshape3A_68, %get3A_71, %dot_general3A_72 {dimension_numbers = #tpu.dot_dimension_numbers<[1], [0], [0], [1], [0, 0, 1, 1], [], []>, transpose_lhs_hint = false} : vector<4096x64xf32>, vector<64x96xf32>, vector<4096x96xf32> -> vector<4096x96xf32>
    %get3A_74 = arith.constant 0 : index
    %get3A_75 = arith.constant 0 : index
    %get3A_76 = vector.load %arg12[%get3A_74, %get3A_75] : memref<1x96xf32, #tpu.memory_space<vmem>>, vector<1x96xf32>
    %add3A_77 = vector.broadcast %get3A_76 : vector<1x96xf32> to vector<4096x96xf32>
    %add3A_78 = arith.addf %dot_general3A_73, %add3A_77 : vector<4096x96xf32>
    %max3A_79 = arith.constant 0.000000e+00 : f32
    %max3A_80 = vector.broadcast %max3A_79 : f32 to vector<4096x96xf32>
    %max3A_81 = arith.maximumf %add3A_78, %max3A_80 : vector<4096x96xf32>
    %get3A_82 = arith.constant 0 : index
    %get3A_83 = arith.constant 0 : index
    %get3A_84 = vector.load %arg13[%get3A_82, %get3A_83] : memref<96x128xf32, #tpu.memory_space<vmem>>, vector<96x128xf32>
    %dot_general3A_85 = arith.constant dense<0.000000e+00> : vector<4096x128xf32>
    %dot_general3A_86 = tpu.matmul %max3A_81, %get3A_84, %dot_general3A_85 {dimension_numbers = #tpu.dot_dimension_numbers<[1], [0], [0], [1], [0, 0, 1, 1], [], []>, transpose_lhs_hint = false} : vector<4096x96xf32>, vector<96x128xf32>, vector<4096x128xf32> -> vector<4096x128xf32>
    %get3A_87 = arith.constant 0 : index
    %get3A_88 = arith.constant 0 : index
    %get3A_89 = vector.load %arg14[%get3A_87, %get3A_88] : memref<1x128xf32, #tpu.memory_space<vmem>>, vector<1x128xf32>
    %add3A_90 = vector.broadcast %get3A_89 : vector<1x128xf32> to vector<4096x128xf32>
    %add3A_91 = arith.addf %dot_general3A_86, %add3A_90 : vector<4096x128xf32>
    %max3A_92 = arith.constant 0.000000e+00 : f32
    %max3A_93 = vector.broadcast %max3A_92 : f32 to vector<4096x128xf32>
    %max3A_94 = arith.maximumf %add3A_91, %max3A_93 : vector<4096x128xf32>
    %reshape3A_95 = vector.shape_cast %max3A_94 : vector<4096x128xf32> to vector<128x32x128xf32>
    %reduce_max3A_96 = arith.constant dense<0xFF800000> : vector<128x128xf32>
    %reduce_max3A_97 = vector.multi_reduction <maximumf>, %reshape3A_95, %reduce_max3A_96 [1] : vector<128x32x128xf32> to vector<128x128xf32>
    %transpose3A_98 = tpu.transpose %reduce_max3A_97, [1, 0] : vector<128x128xf32> -> vector<128x128xf32>
    %concatenate3A = tpu.concatenate %transpose3A, %transpose3A_98 in 0 : vector<128x128xf32>, vector<128x128xf32> -> vector<256x128xf32>
    %swap3A = arith.constant 0 : index
    %swap3A_99 = arith.constant 0 : index
    %swap3A_100 = arith.constant 0 : index
    %swap3A_101 = vector.load %arg15[%swap3A, %swap3A_99, %swap3A_100] : memref<1x256x128xf32, #tpu.memory_space<vmem>>, vector<1x256x128xf32>
    %swap3A_102 = vector.shape_cast %swap3A_101 : vector<1x256x128xf32> to vector<256x128xf32>
    %swap3A_103 = vector.shape_cast %concatenate3A : vector<256x128xf32> to vector<1x256x128xf32>
    tpu.vector_store %arg15[%swap3A, %swap3A_99, %swap3A_100], %swap3A_103 {strides = array<i32>} : memref<1x256x128xf32, #tpu.memory_space<vmem>>, vector<1x256x128xf32>,
    return
  }
  func.func @transform_0(%arg0: i32, %arg1: i32) -> (i32, i32, i32) {
    %c0_i32 = arith.constant 0 : i32
    %c0_i32_0 = arith.constant 0 : i32
    return %arg0, %arg1, %c0_i32 : i32, i32, i32
  }
  func.func @transform_1(%arg0: i32, %arg1: i32) -> (i32, i32, i32) {
    %c0_i32 = arith.constant 0 : i32
    %c0_i32_0 = arith.constant 0 : i32
    return %arg0, %arg1, %c0_i32 : i32, i32, i32
  }
  func.func @transform_2(%arg0: i32, %arg1: i32) -> (i32, i32, i32) {
    %c0_i32 = arith.constant 0 : i32
    %c0_i32_0 = arith.constant 0 : i32
    return %arg0, %c0_i32, %arg1 : i32, i32, i32
  }
  func.func @transform_3(%arg0: i32, %arg1: i32) -> (i32, i32) {
    %c0_i32 = arith.constant 0 : i32
    %c0_i32_0 = arith.constant 0 : i32
    %c0_i32_1 = arith.constant 0 : i32
    return %c0_i32, %c0_i32_0 : i32, i32
  }
  func.func @transform_4(%arg0: i32, %arg1: i32) -> (i32, i32) {
    %c0_i32 = arith.constant 0 : i32
    %c0_i32_0 = arith.constant 0 : i32
    %c0_i32_1 = arith.constant 0 : i32
    return %c0_i32, %c0_i32_0 : i32, i32
  }
  func.func @transform_5(%arg0: i32, %arg1: i32) -> (i32, i32) {
    %c0_i32 = arith.constant 0 : i32
    %c0_i32_0 = arith.constant 0 : i32
    %c0_i32_1 = arith.constant 0 : i32
    return %c0_i32, %c0_i32_0 : i32, i32
  }
  func.func @transform_6(%arg0: i32, %arg1: i32) -> (i32, i32) {
    %c0_i32 = arith.constant 0 : i32
    %c0_i32_0 = arith.constant 0 : i32
    %c0_i32_1 = arith.constant 0 : i32
    return %c0_i32, %c0_i32_0 : i32, i32
  }
  func.func @transform_7(%arg0: i32, %arg1: i32) -> (i32, i32) {
    %c0_i32 = arith.constant 0 : i32
    %c0_i32_0 = arith.constant 0 : i32
    %c0_i32_1 = arith.constant 0 : i32
    return %c0_i32, %c0_i32_0 : i32, i32
  }
  func.func @transform_8(%arg0: i32, %arg1: i32) -> (i32, i32) {
    %c0_i32 = arith.constant 0 : i32
    %c0_i32_0 = arith.constant 0 : i32
    %c0_i32_1 = arith.constant 0 : i32
    return %c0_i32, %c0_i32_0 : i32, i32
  }
  func.func @transform_9(%arg0: i32, %arg1: i32) -> (i32, i32) {
    %c0_i32 = arith.constant 0 : i32
    %c0_i32_0 = arith.constant 0 : i32
    %c0_i32_1 = arith.constant 0 : i32
    return %c0_i32, %c0_i32_0 : i32, i32
  }
  func.func @transform_10(%arg0: i32, %arg1: i32) -> (i32, i32) {
    %c0_i32 = arith.constant 0 : i32
    %c0_i32_0 = arith.constant 0 : i32
    %c0_i32_1 = arith.constant 0 : i32
    return %c0_i32, %c0_i32_0 : i32, i32
  }
  func.func @transform_11(%arg0: i32, %arg1: i32) -> (i32, i32) {
    %c0_i32 = arith.constant 0 : i32
    %c0_i32_0 = arith.constant 0 : i32
    %c0_i32_1 = arith.constant 0 : i32
    return %c0_i32, %c0_i32_0 : i32, i32
  }
  func.func @transform_12(%arg0: i32, %arg1: i32) -> (i32, i32) {
    %c0_i32 = arith.constant 0 : i32
    %c0_i32_0 = arith.constant 0 : i32
    %c0_i32_1 = arith.constant 0 : i32
    return %c0_i32, %c0_i32_0 : i32, i32
  }
  func.func @transform_13(%arg0: i32, %arg1: i32) -> (i32, i32, i32) {
    %c0_i32 = arith.constant 0 : i32
    %c0_i32_0 = arith.constant 0 : i32
    return %arg0, %c0_i32, %arg1 : i32, i32, i32
  }
}

</mosaic_0001>

<sc_bundles>
// kernel: kernel.6.cloned.1.call-start
scs
__scs_entry_jumppad:
0x0: {  	(pc) =	sbr.rel $0x88, $3  }
0x1: {  	(tag) =	ssettag $0x0;
	lr =	simm.s32 $0x1  }
0x2: {  	[smem:$0x3F87] =	sst lr;
	_ =	strace $0xD0000000  }
0x3: {  	_ = 	snop  }
0x4: {  	_ = 	snop  }
0x5: {  	_ = 	snop  }
0x6: {  	_ = 	snop  }
0x7: {  	_ = 	snop  }
__scs_overlays_trampoline_lowered:
0x8: {  	[smem:$0x3F96] =	sst s0  }
0x9: {  	[smem:$0x3F97] =	sst s1  }
0xa: {  	[smem:$0x3F98] =	sst s2  }
0xb: {  	[smem:$0x3F99] =	sst s3  }
0xc: {  	[smem:$0x3F9A] =	sst s4  }
0xd: {  	[smem:$0x3F9B] =	sst s5  }
0xe: {  	[smem:$0x3F9C] =	sst s6  }
0xf: {  	[smem:$0x3F9D] =	sst s7  }
0x10: {  	[smem:$0x3F9E] =	sst s8  }
0x11: {  	[smem:$0x3F9F] =	sst s9;
	s0 =	simm.s32 @!p0 $0x0  }
0x12: {  	s1 =	sld [smem:$0x3F85];
	s0 =	simm.s32 @p0 $0x1  }
0x13: {  	[smem:$0x3FA0] =	sst s0;
	s0 =	simm.s32 @!p1 $0x0  }
0x14: {  	s2 =	sld [smem:$0x3F84];
	s0 =	simm.s32 @p1 $0x1  }
0x15: {  	[smem:$0x3FA1] =	sst s0;
	s0 =	simm.s32 @!p2 $0x0  }
0x16: {  	s3 =	sld [smem:$0x3FDB];
	s0 =	simm.s32 @p2 $0x1  }
0x17: {  	s4 =	simm.s32 $0x1BF5;
	[smem:$0x3FA3] =	sst s0  }
0x18: {  	s0 =	sld [smem:$0x3F86];
	_ =	swait.ge [sflag:s4], $0x0  }
0x19: {  	s7 =	sld [smem:$0x3F87]  }
0x1a: {  	s8 =	sadd.s32 $0xFFFFE003, lr  }
0x1b: {  	s9 =	sadd.s32 $0xFFFFFEF7, lr;
	s5 =	simm.s32 $0xFFFFFFFF;
	p2 =	slt.u32 s8, $0xFFFFF086  }
0x1c: {  	p1 =	slt.u32 s9, $0xF7A;
	s5 =	simm.s32 @!p2 $0x0  }
0x1d: {  	s5 =	simm.s32 @p1 $0x1;
	p0 =	seq.s32 s7, s2  }
0x1e: {  	s7 =	smul.u32 @!p0 $0xF7A, s2;
	p2 =	seq.s32 @!p0 s5, $0x0  }
0x1f: {  	s9 =	smul.u32 $0xF7A, s1;
	s8 =	simm.s32 @!p0 $0x1BF5;
	p2 =	por !p2, p0  }
0x20: {  	[sflag:s8] =	ssyncset.s32 @!p0 $0xFFFFF086;
	s6 =	sadd.s32 @!p0 s3, s7;
	s7 =	simm.s32 @!p0 $0x108  }
0x21: {  	s3 =	sadd.s32 s3, s9;
	s6 =	sadd.s32 @!p0 $0x88, s6;
	s7 =	simm.s32 @p2 $0x1082  }
0x22: {  	[simem:s7], [sflag:s8] =	dma.local @!p0 [hbm:s6], $0xF7A  }
0x23: {  	s9 =	sor.u32 $0xD0000000, s2;
	s6 =	simm.s32 $0x108;
	_ =	swait.ge @!p0 [sflag:s8], $0x0  }
0x24: {  	s3 =	sadd.s32 $0x88, s3;
	s6 =	simm.s32 @!p1 $0x1082;
	[sflag:s4] =	ssyncset.s32 $0xFFFFF086  }
0x25: {  	[simem:s6], [sflag:s4] =	dma.local [hbm:s3], $0xF7A  }
0x26: {  	[smem:$0x3F87] =	sst s1;
	(tag) =	ssettag s2;
	_ =	strace s9  }
0x27: {  	s1 =	sld [smem:$0x3F97]  }
0x28: {  	s2 =	sld [smem:$0x3F98]  }
0x29: {  	s4 =	sld [smem:$0x3F9A]  }
0x2a: {  	p0 =	seq.s32 s5, $0x0;
	s5 =	sld [smem:$0x3F9B]  }
0x2b: {  	s6 =	sld [smem:$0x3F9C]  }
0x2c: {  	s7 =	sld [smem:$0x3F9D]  }
0x2d: {  	s3 =	simm.s32 $0x108;
	s8 =	sld [smem:$0x3F9E]  }
0x2e: {  	s3 =	simm.s32 @!p0 $0x1082;
	s9 =	sld [smem:$0x3F9F]  }
0x2f: {  	lr =	sadd.s32 s0, s3;
	s0 =	sld [smem:$0x3F96]  }
0x30: {  	s3 =	sld [smem:$0x3F99]  }
0x31: {  	[smem:$0x3FA2] =	sst s10  }
0x32: {  	s10 =	sld [smem:$0x3FA0];
	_ =	sdelay $0x3  }
0x33: {  	p0 =	seq.s32 s10, $0x1;
	s10 =	sld [smem:$0x3FA2];
	_ =	sdelay $0x3  }
0x34: {  	[smem:$0x3FA2] =	sst s10  }
0x35: {  	s10 =	sld [smem:$0x3FA1];
	_ =	sdelay $0x3  }
0x36: {  	p1 =	seq.s32 s10, $0x1;
	s10 =	sld [smem:$0x3FA2];
	_ =	sdelay $0x3  }
0x37: {  	[smem:$0x3FA2] =	sst s10  }
0x38: {  	s10 =	sld [smem:$0x3FA3]  }
0x39: {  	_ = 	snop;
	(pc) =	sbr.ind lr, $3  }
0x3a: {  	_ = 	snop  }
0x3b: {  	_ = 	snop  }
0x3c: {  	p2 =	seq.s32 s10, $0x1;
	s10 =	sld [smem:$0x3FA2]  }
0x3d: {  	_ =	shalt  }
0x3e: {  	_ =	shalt  }
0x3f: {  	_ =	shalt  }
0x40: {  	_ =	shalt  }
0x41: {  	_ =	shalt  }
0x42: {  	_ =	shalt  }
0x43: {  	_ =	shalt  }
0x44: {  	_ =	shalt  }
0x45: {  	_ =	shalt  }
0x46: {  	_ =	shalt  }
0x47: {  	_ =	shalt  }
0x48: {  	_ =	shalt  }
0x49: {  	_ =	shalt  }
0x4a: {  	_ =	shalt  }
0x4b: {  	_ =	shalt  }
0x4c: {  	_ =	shalt  }
0x4d: {  	_ =	shalt  }
0x4e: {  	_ =	shalt  }
0x4f: {  	_ =	shalt  }
0x50: {  	_ =	shalt  }
0x51: {  	_ =	shalt  }
0x52: {  	_ =	shalt  }
0x53: {  	_ =	shalt  }
0x54: {  	_ =	shalt  }
0x55: {  	_ =	shalt  }
0x56: {  	_ =	shalt  }
0x57: {  	_ =	shalt  }
0x58: {  	_ =	shalt  }
0x59: {  	_ =	shalt  }
0x5a: {  	_ =	shalt  }
0x5b: {  	_ =	shalt  }
0x5c: {  	_ =	shalt  }
0x5d: {  	_ =	shalt  }
0x5e: {  	_ =	shalt  }
0x5f: {  	_ =	shalt  }
0x60: {  	_ =	shalt  }
0x61: {  	_ =	shalt  }
0x62: {  	_ =	shalt  }
0x63: {  	_ =	shalt  }
0x64: {  	_ =	shalt  }
0x65: {  	_ =	shalt  }
0x66: {  	_ =	shalt  }
0x67: {  	_ =	shalt  }
0x68: {  	_ =	shalt  }
0x69: {  	_ =	shalt  }
0x6a: {  	_ =	shalt  }
0x6b: {  	_ =	shalt  }
0x6c: {  	_ =	shalt  }
0x6d: {  	_ =	shalt  }
0x6e: {  	_ =	shalt  }
0x6f: {  	_ =	shalt  }
0x70: {  	_ =	shalt  }
0x71: {  	_ =	shalt  }
0x72: {  	_ =	shalt  }
0x73: {  	_ =	shalt  }
0x74: {  	_ =	shalt  }
0x75: {  	_ =	shalt  }
0x76: {  	_ =	shalt  }
0x77: {  	_ =	shalt  }
0x78: {  	_ =	shalt  }
0x79: {  	_ =	shalt  }
0x7a: {  	_ =	shalt  }
0x7b: {  	_ =	shalt  }
0x7c: {  	_ =	shalt  }
0x7d: {  	_ =	shalt  }
0x7e: {  	_ =	shalt  }
0x7f: {  	_ =	shalt  }
0x80: {  	_ =	shalt  }
0x81: {  	_ =	shalt  }
0x82: {  	_ =	shalt  }
0x83: {  	_ =	shalt  }
0x84: {  	_ =	shalt  }
0x85: {  	_ =	shalt  }
0x86: {  	_ =	shalt  }
0x87: {  	_ =	shalt  }
.Lfunc_end0:
.L_simem_size_0:
called_computation_lowered:
.L_overlay_start_0:
0x88: {  	s2 =	sld [smem:$0x3FD9]  }
0x89: {  	s3 =	sld [smem:$0x3FFE];
	_ =	sdelay $0x1  }
0x8a: {  	s1 =	srdreg.scid  }
0x8b: {  	s0 =	sand.u32 $0x1, s1  }
0x8c: {  	s14 =	sshll.u32 s0, $0xA;
	s2 =	sadd.s32 s3, s2  }
0x8d: {  	s2 =	sadd.s32 s2, s14  }
0x8e: {  	[smem:$0x3FAE] =	sst s2  }
0x8f: {  	_ = 	snop  }
0x90: {  	s2 =	sld [smem:$0x3FD0];
	_ =	sdelay $0x2  }
0x91: {  	s15 =	simm.s32 $0xA;
	s4 =	simm.s32 $0x10  }
0x92: {  	[smem:s4], [sflag:s15] =	dma.local [hbm:s2], $0x1  }
0x93: {  	_ =	swait.eq [sflag:s15], $0x1  }
0x94: {  	[sflag:s15] =	ssyncset.done $0x0  }
0x95: {  	[sflag:s15] =	ssyncadd.s32 $0xFFFFFFFF  }
0x96: {  	s16 =	sld [smem:$0x11];
	(tm) =	ssettm $0x1  }
0x97: {  	s17 =	sld [smem:$0x3FFB];
	_ =	sdelay $0x3  }
0x98: {  	_ =	strace s17  }
0x99: {  	s3 =	sld [smem:$0x3FFC];
	_ =	sdelay $0x3  }
0x9a: {  	_ =	strace s3  }
0x9b: {  	s3 =	sld [smem:$0x3FFD];
	_ =	sdelay $0x3  }
0x9c: {  	_ =	strace s3  }
0x9d: {  	_ =	strace $0x8FFFFFFF  }
0x9e: {  	s18 =	sld [smem:$0x3FDB];
	_ =	sdelay $0x1  }
0x9f: {  	s19 =	simm.s32 $_scs_section_size  }
0xa0: {  	s5 =	simm.s32 $_size__tile_overlayer_lowered;
	s6 =	simm.s32 $_tile_overlayer_lowered  }
0xa1: {  	s22 =	simm.s32 $0x1BFF;
	s21 =	sshll.u32 s6, $0x1;
	s3 =	sadd.s32 s19, s18  }
0xa2: {  	s7 =	simm.s32 $0x0;
	s20 =	sshll.u32 s5, $0x1;
	s5 =	sadd.s32 s21, s3  }
0xa3: {  	[timem:s7], [sflag:s22] =	dma.local [hbm:s5], s20  }
0xa4: {  	_ =	swait.ge [sflag:s22], s20  }
0xa5: {  	s4 =	ssub.s32 $0x0, s20;
	[sflag:s22] =	ssyncset.done $0x0  }
0xa6: {  	[sflag:s22] =	ssyncadd.s32 s4;
	_ =	sdelay $0x1  }
0xa7: {  	s23 =	simm.s32 $0x1B8B  }
0xa8: {  	_ =	swait.ge [sflag:s23], $0x1  }
0xa9: {  	[sflag:s23] =	ssyncset.done $0x0  }
0xaa: {  	s25 =	simm.s32 $0x1B8E;
	s24 =	sld [smem:$0x3FFE];
	[sflag:s23] =	ssyncadd.s32 $0xFFFFFFFF  }
0xab: {  	s26 =	simm.s32 $execute0_lowered;
	[smem:$0x3FD2] =	sst s25  }
0xac: {  	s5 =	sshll.u32 s26, $0x1;
	_ =	strace $0x80000046;
	[dreg:$0x1] =	wrdreg $0xFFFFFFFF  }
0xad: {  	s28 =	simm.s32 $_size_execute0_lowered;
	s3 =	sadd.s32 s3, s5;
	[dreg:$0x0] =	wrdreg $0x0  }
0xae: {  	s5 =	sshll.u32 s28, $0x1;
	[dreg:$0x2] =	wrdreg s3  }
0xaf: {  	[dreg:$0x3] =	wrdreg s5  }
0xb0: {  	[dreg:$0x4] =	wrdreg $0xC0  }
0xb1: {  	_ =	task [dreg:s7], $0x5FFFF  }
0xb2: {  	[dreg:$0x1] =	wrdreg $0xFFFFFFFF  }
0xb3: {  	[dreg:$0x0] =	wrdreg $0x60  }
0xb4: {  	[dreg:$0x2] =	wrdreg s16  }
0xb5: {  	[dreg:$0x3] =	wrdreg s24  }
0xb6: {  	[dreg:$0x4] =	wrdreg $0x9  }
0xb7: {  	_ =	task.clear_ibuf [dreg:s7], $0x5FFFF;
	_ =	strace $0x90000046  }
0xb8: {  	s29 =	simm.s32 $0x9;
	_ =	strace $0x80000048  }
0xb9: {  	_ =	swait.ge [sflag:s29], $0x1  }
0xba: {  	[sflag:s29] =	ssyncadd.s32 $0xFFFFFFFF  }
0xbb: {  	_ =	strace $0x90000048  }
0xbc: {  	_ =	sfence  }
0xbd: {  	s30 =	sld [smem:$0x0];
	_ =	sdelay $0x2  }
0xbe: {  	s31 =	sshll.u32 s1, $0xD;
	s1 =	sshrl.u32 s1, $0x2  }
0xbf: {  	s3 =	sand.u32 $0x4000, s31;
	s1 =	sadd.s32 s1, s30  }
0xc0: {  	s0 =	sor.u32 s3, s0;
	s1 =	sshll.u32 s1, $0x11  }
0xc1: {  	s0 =	sor.u32 s1, s0  }
0xc2: {  	s0 =	sadd.s32 $0x8F2B, s0  }
0xc3: {  	[sflag:s0] =	ssyncadd.remote.s32 $0x1  }
0xc4: {  	_ =	sfence.sel $0xFFFF  }
0xc5: {  	[dreg:$0x0] =	wrdreg $0xFFFFFFFF;
	(pc) =	sbr.abs _section_cstart, $3  }
0xc6: {  	[dreg:$0x1] =	wrdreg $0xFFFFFFFF  }
0xc7: {  	_ =	task.clear_ibuf [dreg:s7], $0x2FFFF;
	_ =	strace $0x9FFFFFFF  }
0xc8: {  	(tm) =	ssettm $0x7FFFFFFF  }
0xc9: {  	_ =	shalt  }
tec
execute0_lowered:
.L_overlay_start_1:
0x0: {  	(tag) =	ssettag $0x1  }
0x1: {  	s0 =	rddreg [dreg:$0x0]  }
0x2: {  	s1 =	rddreg [dreg:$0x1];
	s2 =	simm.s32 $0x0;
	s3 =	srdreg.scid  }
0x3: {  	s9 =	stileid.u32;
	[smem:$0x7FF] =	sst s2  }
0x4: {  	s4 =	sand.u32 $0x1, s3;
	s16 =	sshll.u32 s9, $0x1;
	s6 =	sadd.s32 $0x84200, s1  }
0x5: {  	s3 =	sadd.s32 $0x84800, s1;
	s8 =	sadd.s32 $0x4400, s1;
	s9 =	sshrl.u32 s9, $0x2  }
0x6: {  	s17 =	sadd.s32 $0x4200, s1;
	s5 =	sor.u32 s4, s16;
	s11 =	smul.u32 $0xC00, s9  }
0x7: {  	_ =	strace $0x80000047;
	[dreg:$0x3] =	wrdreg s8;
	s7 =	sshll.u32 s5, $0xF  }
0x8: {  	[dreg:$0x4] =	wrdreg s17;
	s7 =	sadd.s32 s7, s1;
	s22 =	sadd.s32 s0, s11  }
0x9: {  	s4 =	ssub.s32 $0x2, s4;
	[dreg:$0x5] =	wrdreg s22;
	s23 =	sadd.s32 $0x104800, s7  }
0xa: {  	s20 =	sadd.s32 $0x400, s11;
	s24 =	sadd.s32 $0x105800, s7;
	[dreg:$0x6] =	wrdreg s23  }
0xb: {  	s17 =	sshll.u32 s9, $0xD;
	s25 =	sadd.s32 s0, s20;
	[dreg:$0x7] =	wrdreg s24  }
0xc: {  	s18 =	sshll.u32 s5, $0x10;
	s26 =	sadd.s32 $0x106800, s7;
	[dreg:$0x8] =	wrdreg s25  }
0xd: {  	s21 =	sadd.s32 $0x800, s11;
	s28 =	sadd.s32 $0x107800, s7;
	[dreg:$0x9] =	wrdreg s26  }
0xe: {  	s10 =	sshrl.u32 s4, $0x1;
	s0 =	sadd.s32 s0, s21;
	[dreg:$0xa] =	wrdreg s28  }
0xf: {  	s5 =	sshll.u32 s5, $0x7;
	s9 =	sadd.s32 $0x108800, s7;
	[dreg:$0xb] =	wrdreg s0  }
0x10: {  	v1 =	vmov s17;
	s17 =	simm.s32 $0x0;
	s12 =	sadd.s32 $0x109800, s7;
	[dreg:$0xc] =	wrdreg s9  }
0x11: {  	s8 =	sadd.s32 s18, s1;
	s14 =	sadd.s32 $0x10A800, s7;
	[dreg:$0xd] =	wrdreg s12  }
0x12: {  	s10 =	ssub.s32 s4, s10;
	s7 =	sadd.s32 $0x10B800, s7;
	[dreg:$0xe] =	wrdreg s14  }
0x13: {  	s19 =	sand.u32 $0x380, s5;
	s15 =	sadd.s32 $0x204800, s8;
	[dreg:$0xf] =	wrdreg s7  }
0x14: {  	s13 =	sor.u32 s11, s19;
	s16 =	sadd.s32 $0x205800, s8;
	[dreg:$0x10] =	wrdreg s15  }
0x15: {  	s4 =	sor.u32 s20, s19;
	s18 =	sadd.s32 $0x206800, s8;
	[dreg:$0x11] =	wrdreg s16  }
0x16: {  	s1 =	sor.u32 s21, s19;
	s19 =	sadd.s32 $0x207800, s8;
	[dreg:$0x12] =	wrdreg s18  }
0x17: {  	s20 =	sadd.s32 $0x208800, s8;
	s21 =	sadd.s32 $0x209800, s8;
	[dreg:$0x13] =	wrdreg s19  }
0x18: {  	s22 =	sadd.s32 $0x20A800, s8;
	s30 =	sadd.s32 $0x20E800, s8;
	[dreg:$0x14] =	wrdreg s20  }
0x19: {  	s31 =	sadd.s32 $0x20F800, s8;
	s5 =	sadd.s32 $0x212800, s8;
	[dreg:$0x15] =	wrdreg s21  }
0x1a: {  	s11 =	simm.s32 $0xBC00;
	s0 =	sshrl.u32 s13, $0x3;
	[dreg:$0x17] =	wrdreg s22  }
0x1b: {  	s23 =	sadd.s32 $0x20B800, s8;
	s24 =	sshrl.u32 s4, $0x3;
	s25 =	sadd.s32 $0x20C800, s8  }
0x1c: {  	s26 =	sadd.s32 $0x20D800, s8;
	s28 =	sshrl.u32 s1, $0x3;
	s1 =	sadd.s32 $0x211800, s8  }
0x1d: {  	s7 =	smax.u32 s10, $0x1;
	s9 =	simm.s32 $0x80;
	s10 =	simm.s32 $0x7C00  }
0x1e: {  	s12 =	simm.s32 $0x1;
	s13 =	simm.s32 $0xFC00;
	[dreg:$0x18] =	wrdreg s23  }
0x1f: {  	s14 =	simm.s32 $0x13C00;
	s15 =	simm.s32 $0x2;
	[dreg:$0x19] =	wrdreg s25  }
0x20: {  	s16 =	simm.s32 $0x3;
	s0 =	sadd.s32 s6, s0;
	[dreg:$0x1a] =	wrdreg s26  }
0x21: {  	v0 =	vlaneseq.u32;
	s29 =	sadd.s32 s6, s24;
	s4 =	sadd.s32 s6, s28;
	s6 =	sadd.s32 $0x213800, s8  }
0x22: {  	v2 =	vimm.s32 $0x0;
	v3 =	vor.u32 $0x10, v0;
	[dreg:$0x16] =	wrdreg s0;
	s0 =	sadd.s32 $0x210800, s8;
	s8 =	simm.s32 $0x4  }
.LBB2_1:
0x23: {  	s18 =	rddreg [dreg:$0x3];
	s19 =	simm.s32 $0x17C00  }
0x24: {  	[tilespmem:s19], [sflag:$0x4] =	stream.linear.gather [hbm4b:s18+s2], $0x1, $0x38;
	[tilespmem:$0x17D00] =	vst v63  }
0x25: {  	s26 =	rddreg [dreg:$0x4];
	s28 =	simm.s32 $0x17C80  }
0x26: {  	[tilespmem:s28], [sflag:$0x4] =	stream.linear.gather [hbm4b:s26+s2], $0x1, $0x38;
	[tilespmem:$0x17D00] =	vst v63  }
0x27: {  	_ =	swait.ge [sflag:s8], $0x1  }
0x28: {  	[sflag:s8] =	ssyncset.done $0x0  }
0x29: {  	[sflag:s8] =	ssyncadd.s32 $0xFFFFFFFF  }
0x2a: {  	_ =	swait.ge [sflag:s8], $0x1  }
0x2b: {  	[sflag:s8] =	ssyncset.done $0x0  }
0x2c: {  	[sflag:s8] =	ssyncadd.s32 $0xFFFFFFFF  }
0x2d: {  	s19 =	rddreg [dreg:$0x5];
	v4 =	vld.msk [tilespmem:$0x17C00 ss:$0x0], $0xffff  }
0x2e: {  	v5 =	vld.msk [tilespmem:$0x17C80 ss:$0x0], $0xffff;
	[tilespmem:s2], [sflag:$0x4] =	stream.linear.gather [hbm4b:s19+s2], $0x2000, $0x38  }
0x2f: {  	_ =	swait.ge [sflag:s8], $0x2000  }
0x30: {  	[sflag:s8] =	ssyncset.done $0x0  }
0x31: {  	s21 =	simm.s32 $0x2000;
	s20 =	rddreg [dreg:$0x8];
	[sflag:s8] =	ssyncadd.s32 $0xFFFFE000  }
0x32: {  	[tilespmem:s21], [sflag:$0x4] =	stream.linear.gather [hbm4b:s20+s2], $0x2000, $0x38;
	[tilespmem:$0x17D00] =	vst v63  }
0x33: {  	_ =	swait.ge [sflag:s8], $0x2000  }
0x34: {  	[sflag:s8] =	ssyncset.done $0x0  }
0x35: {  	s23 =	simm.s32 $0x4000;
	s22 =	rddreg [dreg:$0xb];
	[sflag:s8] =	ssyncadd.s32 $0xFFFFE000  }
0x36: {  	[tilespmem:s23], [sflag:$0x4] =	stream.linear.gather [hbm4b:s22+s2], $0x2000, $0x38;
	[tilespmem:$0x17D00] =	vst v63  }
0x37: {  	_ =	swait.ge [sflag:s8], $0x2000  }
0x38: {  	[sflag:s8] =	ssyncset.done $0x0  }
0x39: {  	s25 =	simm.s32 $0x6000;
	s24 =	rddreg [dreg:$0x16];
	[sflag:s8] =	ssyncadd.s32 $0xFFFFE000  }
0x3a: {  	[tilespmem:s25], [sflag:$0x4] =	stream.linear.gather [hbm4b:s24+s2], $0x80, $0x38;
	[tilespmem:$0x17D00] =	vst v63  }
0x3b: {  	_ =	swait.ge [sflag:s8], $0x80  }
0x3c: {  	[sflag:s8] =	ssyncset.done $0x0  }
0x3d: {  	s26 =	simm.s32 $0x6100;
	[sflag:s8] =	ssyncadd.s32 $0xFFFFFF80  }
0x3e: {  	[tilespmem:s26], [sflag:$0x4] =	stream.linear.gather [hbm4b:s29+s2], $0x80, $0x38;
	[tilespmem:$0x17D00] =	vst v63  }
0x3f: {  	_ =	swait.ge [sflag:s8], $0x80  }
0x40: {  	[sflag:s8] =	ssyncset.done $0x0  }
0x41: {  	s28 =	simm.s32 $0x6200;
	[sflag:s8] =	ssyncadd.s32 $0xFFFFFF80  }
0x42: {  	[tilespmem:s28], [sflag:$0x4] =	stream.linear.gather [hbm4b:s4+s2], $0x80, $0x38;
	[tilespmem:$0x17D00] =	vst v63  }
0x43: {  	_ =	swait.ge [sflag:s8], $0x80  }
0x44: {  	[sflag:s8] =	ssyncset.done $0x0  }
0x45: {  	s18 =	simm.s32 $0x0;
	[sflag:s8] =	ssyncadd.s32 $0xFFFFFF80  }
.LBB2_2:
0x46: {  	v6 =	vld.msk [tilespmem:s18+$0x6000 ss:$0x0], $0xffff;
	s24 =	simm.s32 $0x0  }
0x47: {  	v7 =	vld.msk [tilespmem:s18+$0x6100 ss:$0x0], $0xffff;
	s20 =	simm.s32 $0x10;
	s21 =	simm.s32 $0x2010;
	s22 =	simm.s32 $0x4010  }
0x48: {  	v8 =	vld.msk [tilespmem:s18+$0x6200 ss:$0x0], $0xffff;
	s23 =	simm.s32 $0x10;
	s19 =	simm.s32 $0x0;
	s25 =	simm.s32 $0x0  }
.LBB2_3:
0x49: {  	v9 =	vld [tilespmem:s23+$0xFFFFFFF0]  }
0x4a: {  	v10 =	vld [tilespmem:s21+$0xFFFFFFF0];
	_ =	sdelay $0x1  }
0x4b: {  	v11 =	vld [tilespmem:s22+$0xFFFFFFF0];
	_ =	sdelay $0x2  }
0x4c: {  	v9 =	vsub.f32 v9, v6;
	v10 =	vsub.f32 v10, v7;
	_ =	sdelay $0x1  }
0x4d: {  	v11 =	vsub.f32 v11, v8;
	v9 =	vmul.f32 v9, v9;
	v10 =	vmul.f32 v10, v10;
	_ =	sdelay $0x1  }
0x4e: {  	v9 =	vadd.f32 v10, v9;
	v10 =	vmul.f32 v11, v11;
	_ =	sdelay $0x1  }
0x4f: {  	v9 =	vadd.f32 v10, v9  }
0x50: {  	s26 =	sadd.s32 $0xFFFFFFF0, s20  }
0x51: {  	v10 =	vor.u32 s26, v0;
	vm0 =	vle.f32 v9, v4  }
0x52: {  	vm1 =	vle.f32 v9, v5;
	[tilespmem:s25+$0x6300] =	vst.msk vm0, v10  }
0x53: {  	[tilespmem:s19+$0x6380] =	vst.msk vm1, v10  }
0x54: {  	v9 =	vld [tilespmem:s23+$0x0]  }
0x55: {  	v10 =	vld [tilespmem:s21+$0x0];
	_ =	sdelay $0x1  }
0x56: {  	v11 =	vld [tilespmem:s22+$0x0];
	_ =	sdelay $0x2  }
0x57: {  	v9 =	vsub.f32 v9, v6;
	v10 =	vsub.f32 v10, v7;
	_ =	sdelay $0x1  }
0x58: {  	v11 =	vsub.f32 v11, v8;
	v9 =	vmul.f32 v9, v9;
	v10 =	vmul.f32 v10, v10;
	_ =	sdelay $0x1  }
0x59: {  	v9 =	vadd.f32 v10, v9;
	v10 =	vmul.f32 v11, v11;
	_ =	sdelay $0x1  }
0x5a: {  	v11 =	vsel vm0, $0x1, v2;
	v9 =	vadd.f32 v10, v9  }
0x5b: {  	(xrf0) =	vadd.scan.msk.s32 $0xffff, v11;
	v10 =	vsel vm1, $0x1, v2  }
0x5c: {  	(xrf0) =	vadd.scan.msk.s32 $0xffff, v10;
	vm14 =	vle.f32 v9, v4  }
0x5d: {  	vm15 =	vle.f32 v9, v5;
	v9 =	vsel vm14, $0x1, v2  }
0x5e: {  	(xrf0) =	vadd.scan.msk.s32 $0xffff, v9;
	v9 =	vsel vm15, $0x1, v2  }
0x5f: {  	(xrf0) =	vadd.scan.msk.s32 $0xffff, v9;
	_ =	sdelay $0x1  }
0x60: {  	v9, _, _ =	vpop (xrf0)  }
0x61: {  	v10, _, _ =	vpop (xrf0);
	(v2sf) =	vpush v9, $0xF  }
0x62: {  	(v2sf) =	vpush v10, $0xF  }
0x63: {  	v9, _, _ =	vpop (xrf0)  }
0x64: {  	(v2sf) =	vpush v9, $0xF;
	v9, _, _ =	vpop (xrf0)  }
0x65: {  	(v2sf) =	vpush v9, $0xF;
	_ =	sdelay $0xa  }
0x66: {  	s26 =	spop (v2sf)  }
0x67: {  	s28 =	spop (v2sf);
	s26 =	sadd.s32 s25, s26  }
0x68: {  	p0 =	slt.s32 s26, $0x10;
	s28 =	sadd.s32 s19, s28  }
0x69: {  	s25 =	spop (v2sf);
	s26 =	simm.s32 @!p0 $0x10;
	p0 =	slt.s32 s28, $0x20  }
0x6a: {  	s28 =	simm.s32 @!p0 $0x20;
	s19 =	spop (v2sf)  }
0x6b: {  	s25 =	sadd.s32 s26, s25;
	s19 =	sadd.s32 s28, s19  }
0x6c: {  	p0 =	slt.s32 s25, $0x10;
	p1 =	slt.s32 s19, $0x20  }
0x6d: {  	p2 =	sgt.u32 s24, $0xFE;
	s25 =	simm.s32 @!p0 $0x10;
	p0 =	por p0, p1  }
0x6e: {  	p0 =	por p2, !p0  }
.Ltmp0:
0x6f: {  	_ = 	snop;
	(pc) =	sbr.rel @!p0 .LBB2_3-.Ltmp0, $4  }
0x70: {  	_ = 	snop  }
0x71: {  	v9 =	vor.u32 s20, v0  }
0x72: {  	s24 =	sadd.s32 $0x1, s24;
	s23 =	sadd.s32 $0x20, s23;
	s21 =	sadd.s32 $0x20, s21;
	[tilespmem:s26+$0x6300] =	vst.msk vm14, v9  }
0x73: {  	s22 =	sadd.s32 $0x20, s22;
	s20 =	sadd.s32 $0x20, s20;
	[tilespmem:s28+$0x6380] =	vst.msk vm15, v9;
	s19 =	simm.s32 @!p1 $0x20  }
0x74: {  	v6 =	vld [tilespmem:$0x6300];
	_ =	sdelay $0x4  }
0x75: {  	v6 =	vadd.s32 v1, v6  }
0x76: {  	v7 =	vmov s25;
	v8 =	vbroadcast v6, $0x0  }
0x77: {  	s20 =	sshll.u32 s18, $0x4;
	vm0 =	vgt.s32 v7, v0  }
0x78: {  	s20 =	sand.u32 $0x7F0, s20;
	v6 =	vsel vm0, v6, v8  }
0x79: {  	[tilespmem:s20+$0x6400] =	vst v6  }
0x7a: {  	v6 =	vld [tilespmem:$0x6380];
	_ =	sdelay $0x2  }
0x7b: {  	v7 =	vld [tilespmem:$0x6390]  }
0x7c: {  	s28 =	sshll.u32 s18, $0x5;
	s18 =	sadd.s32 $0x1, s18  }
0x7d: {  	p0 =	sne.s32 s18, $0x80;
	v6 =	vadd.s32 v1, v6  }
.Ltmp1:
0x7e: {  	v63 =	vmov s19;
	v9 =	vbroadcast v6, $0x0;
	(pc) =	sbr.rel @p0 .LBB2_2-.Ltmp1, $4  }
0x7f: {  	vm14 =	vgt.s32 v63, v0  }
0x80: {  	s19 =	sand.u32 $0xFE0, s28;
	vm15 =	vgt.s32 v63, v3;
	v7 =	vadd.s32 v1, v7;
	v6 =	vsel vm14, v6, v9  }
0x81: {  	[tilespmem:s19+$0x6C00] =	vst v6;
	v6 =	vsel vm15, v7, v9  }
0x82: {  	[tilespmem:s19+$0x6C10] =	vst v6  }
0x83: {  	s18 =	simm.s32 $0x6400  }
0x84: {  	[tilespmem:s10], [sflag:$0x1] =	stream.indirect.gather [hbm4b:s3+s9], $0x80, s18, s9, $0xb8;
	[tilespmem:$0x17D00] =	vst v63  }
0x85: {  	s26 =	simm.s32 $0x6480  }
0x86: {  	[tilespmem:s11], [sflag:$0x1] =	stream.indirect.gather [hbm4b:s3+s9], $0x80, s26, s9, $0xb8;
	[tilespmem:$0x17D00] =	vst v63  }
0x87: {  	_ =	swait.ge [sflag:s12], $0x4000  }
0x88: {  	[sflag:s12] =	ssyncset.done $0x0  }
0x89: {  	[sflag:s12] =	ssyncadd.s32 $0xFFFFC000  }
0x8a: {  	_ =	swait.ge [sflag:s12], $0x4000  }
0x8b: {  	[sflag:s12] =	ssyncset.done $0x0  }
0x8c: {  	s28 =	rddreg [dreg:$0x6];
	[sflag:s12] =	ssyncadd.s32 $0xFFFFC000  }
0x8d: {  	[hbm4b:s28+s2] =	stream.linear.scatter [tilespmem:s10], [sflag:$0x2], $0x8000, $0x38;
	[tilespmem:$0x17D00] =	vst v63  }
0x8e: {  	s19 =	simm.s32 $0x6500  }
0x8f: {  	[tilespmem:s13], [sflag:$0x1] =	stream.indirect.gather [hbm4b:s3+s9], $0x80, s19, s9, $0xb8;
	[tilespmem:$0x17D00] =	vst v63  }
0x90: {  	s20 =	simm.s32 $0x6580  }
0x91: {  	[tilespmem:s14], [sflag:$0x1] =	stream.indirect.gather [hbm4b:s3+s9], $0x80, s20, s9, $0xb8;
	[tilespmem:$0x17D00] =	vst v63  }
0x92: {  	_ =	swait.ge [sflag:s12], $0x4000  }
0x93: {  	[sflag:s12] =	ssyncset.done $0x0  }
0x94: {  	[sflag:s12] =	ssyncadd.s32 $0xFFFFC000  }
0x95: {  	_ =	swait.ge [sflag:s12], $0x4000  }
0x96: {  	[sflag:s12] =	ssyncset.done $0x0  }
0x97: {  	s21 =	rddreg [dreg:$0x7];
	[sflag:s12] =	ssyncadd.s32 $0xFFFFC000  }
0x98: {  	[hbm4b:s21+s2] =	stream.linear.scatter [tilespmem:s13], [sflag:$0x3], $0x8000, $0x38;
	[tilespmem:$0x17D00] =	vst v63  }
0x99: {  	_ =	swait.ge [sflag:s15], $0x8000  }
0x9a: {  	[sflag:s15] =	ssyncset.done $0x0  }
0x9b: {  	s22 =	simm.s32 $0x6600;
	[sflag:s15] =	ssyncadd.s32 $0xFFFF8000  }
0x9c: {  	[tilespmem:s10], [sflag:$0x1] =	stream.indirect.gather [hbm4b:s3+s9], $0x80, s22, s9, $0xb8;
	[tilespmem:$0x17D00] =	vst v63  }
0x9d: {  	s23 =	simm.s32 $0x6680  }
0x9e: {  	[tilespmem:s11], [sflag:$0x1] =	stream.indirect.gather [hbm4b:s3+s9], $0x80, s23, s9, $0xb8;
	[tilespmem:$0x17D00] =	vst v63  }
0x9f: {  	_ =	swait.ge [sflag:s12], $0x4000  }
0xa0: {  	[sflag:s12] =	ssyncset.done $0x0  }
0xa1: {  	[sflag:s12] =	ssyncadd.s32 $0xFFFFC000  }
0xa2: {  	_ =	swait.ge [sflag:s12], $0x4000  }
0xa3: {  	[sflag:s12] =	ssyncset.done $0x0  }
0xa4: {  	s24 =	rddreg [dreg:$0x9];
	[sflag:s12] =	ssyncadd.s32 $0xFFFFC000  }
0xa5: {  	[hbm4b:s24+s2] =	stream.linear.scatter [tilespmem:s10], [sflag:$0x2], $0x8000, $0x38;
	[tilespmem:$0x17D00] =	vst v63  }
0xa6: {  	_ =	swait.ge [sflag:s16], $0x8000  }
0xa7: {  	[sflag:s16] =	ssyncset.done $0x0  }
0xa8: {  	s25 =	simm.s32 $0x6700;
	[sflag:s16] =	ssyncadd.s32 $0xFFFF8000  }
0xa9: {  	[tilespmem:s13], [sflag:$0x1] =	stream.indirect.gather [hbm4b:s3+s9], $0x80, s25, s9, $0xb8;
	[tilespmem:$0x17D00] =	vst v63  }
0xaa: {  	s26 =	simm.s32 $0x6780  }
0xab: {  	[tilespmem:s14], [sflag:$0x1] =	stream.indirect.gather [hbm4b:s3+s9], $0x80, s26, s9, $0xb8;
	[tilespmem:$0x17D00] =	vst v63  }
0xac: {  	_ =	swait.ge [sflag:s12], $0x4000  }
0xad: {  	[sflag:s12] =	ssyncset.done $0x0  }
0xae: {  	[sflag:s12] =	ssyncadd.s32 $0xFFFFC000  }
0xaf: {  	_ =	swait.ge [sflag:s12], $0x4000  }
0xb0: {  	[sflag:s12] =	ssyncset.done $0x0  }
0xb1: {  	s28 =	rddreg [dreg:$0xa];
	[sflag:s12] =	ssyncadd.s32 $0xFFFFC000  }
0xb2: {  	[hbm4b:s28+s2] =	stream.linear.scatter [tilespmem:s13], [sflag:$0x3], $0x8000, $0x38;
	[tilespmem:$0x17D00] =	vst v63  }
0xb3: {  	_ =	swait.ge [sflag:s15], $0x8000  }
0xb4: {  	[sflag:s15] =	ssyncset.done $0x0  }
0xb5: {  	s19 =	simm.s32 $0x6800;
	[sflag:s15] =	ssyncadd.s32 $0xFFFF8000  }
0xb6: {  	[tilespmem:s10], [sflag:$0x1] =	stream.indirect.gather [hbm4b:s3+s9], $0x80, s19, s9, $0xb8;
	[tilespmem:$0x17D00] =	vst v63  }
0xb7: {  	s20 =	simm.s32 $0x6880  }
0xb8: {  	[tilespmem:s11], [sflag:$0x1] =	stream.indirect.gather [hbm4b:s3+s9], $0x80, s20, s9, $0xb8;
	[tilespmem:$0x17D00] =	vst v63  }
0xb9: {  	_ =	swait.ge [sflag:s12], $0x4000  }
0xba: {  	[sflag:s12] =	ssyncset.done $0x0  }
0xbb: {  	[sflag:s12] =	ssyncadd.s32 $0xFFFFC000  }
0xbc: {  	_ =	swait.ge [sflag:s12], $0x4000  }
0xbd: {  	[sflag:s12] =	ssyncset.done $0x0  }
0xbe: {  	s21 =	rddreg [dreg:$0xc];
	[sflag:s12] =	ssyncadd.s32 $0xFFFFC000  }
0xbf: {  	[hbm4b:s21+s2] =	stream.linear.scatter [tilespmem:s10], [sflag:$0x2], $0x8000, $0x38;
	[tilespmem:$0x17D00] =	vst v63  }
0xc0: {  	_ =	swait.ge [sflag:s16], $0x8000  }
0xc1: {  	[sflag:s16] =	ssyncset.done $0x0  }
0xc2: {  	s22 =	simm.s32 $0x6900;
	[sflag:s16] =	ssyncadd.s32 $0xFFFF8000  }
0xc3: {  	[tilespmem:s13], [sflag:$0x1] =	stream.indirect.gather [hbm4b:s3+s9], $0x80, s22, s9, $0xb8;
	[tilespmem:$0x17D00] =	vst v63  }
0xc4: {  	s23 =	simm.s32 $0x6980  }
0xc5: {  	[tilespmem:s14], [sflag:$0x1] =	stream.indirect.gather [hbm4b:s3+s9], $0x80, s23, s9, $0xb8;
	[tilespmem:$0x17D00] =	vst v63  }
0xc6: {  	_ =	swait.ge [sflag:s12], $0x4000  }
0xc7: {  	[sflag:s12] =	ssyncset.done $0x0  }
0xc8: {  	[sflag:s12] =	ssyncadd.s32 $0xFFFFC000  }
0xc9: {  	_ =	swait.ge [sflag:s12], $0x4000  }
0xca: {  	[sflag:s12] =	ssyncset.done $0x0  }
0xcb: {  	s24 =	rddreg [dreg:$0xd];
	[sflag:s12] =	ssyncadd.s32 $0xFFFFC000  }
0xcc: {  	[hbm4b:s24+s2] =	stream.linear.scatter [tilespmem:s13], [sflag:$0x3], $0x8000, $0x38;
	[tilespmem:$0x17D00] =	vst v63  }
0xcd: {  	_ =	swait.ge [sflag:s15], $0x8000  }
0xce: {  	[sflag:s15] =	ssyncset.done $0x0  }
0xcf: {  	s25 =	simm.s32 $0x6A00;
	[sflag:s15] =	ssyncadd.s32 $0xFFFF8000  }
0xd0: {  	[tilespmem:s10], [sflag:$0x1] =	stream.indirect.gather [hbm4b:s3+s9], $0x80, s25, s9, $0xb8;
	[tilespmem:$0x17D00] =	vst v63  }
0xd1: {  	s26 =	simm.s32 $0x6A80  }
0xd2: {  	[tilespmem:s11], [sflag:$0x1] =	stream.indirect.gather [hbm4b:s3+s9], $0x80, s26, s9, $0xb8;
	[tilespmem:$0x17D00] =	vst v63  }
0xd3: {  	_ =	swait.ge [sflag:s12], $0x4000  }
0xd4: {  	[sflag:s12] =	ssyncset.done $0x0  }
0xd5: {  	[sflag:s12] =	ssyncadd.s32 $0xFFFFC000  }
0xd6: {  	_ =	swait.ge [sflag:s12], $0x4000  }
0xd7: {  	[sflag:s12] =	ssyncset.done $0x0  }
0xd8: {  	s28 =	rddreg [dreg:$0xe];
	[sflag:s12] =	ssyncadd.s32 $0xFFFFC000  }
0xd9: {  	[hbm4b:s28+s2] =	stream.linear.scatter [tilespmem:s10], [sflag:$0x2], $0x8000, $0x38;
	[tilespmem:$0x17D00] =	vst v63  }
0xda: {  	_ =	swait.ge [sflag:s16], $0x8000  }
0xdb: {  	[sflag:s16] =	ssyncset.done $0x0  }
0xdc: {  	s19 =	simm.s32 $0x6B00;
	[sflag:s16] =	ssyncadd.s32 $0xFFFF8000  }
0xdd: {  	[tilespmem:s13], [sflag:$0x1] =	stream.indirect.gather [hbm4b:s3+s9], $0x80, s19, s9, $0xb8;
	[tilespmem:$0x17D00] =	vst v63  }
0xde: {  	s20 =	simm.s32 $0x6B80  }
0xdf: {  	[tilespmem:s14], [sflag:$0x1] =	stream.indirect.gather [hbm4b:s3+s9], $0x80, s20, s9, $0xb8;
	[tilespmem:$0x17D00] =	vst v63  }
0xe0: {  	_ =	swait.ge [sflag:s12], $0x4000  }
0xe1: {  	[sflag:s12] =	ssyncset.done $0x0  }
0xe2: {  	[sflag:s12] =	ssyncadd.s32 $0xFFFFC000  }
0xe3: {  	_ =	swait.ge [sflag:s12], $0x4000  }
0xe4: {  	[sflag:s12] =	ssyncset.done $0x0  }
0xe5: {  	s21 =	rddreg [dreg:$0xf];
	[sflag:s12] =	ssyncadd.s32 $0xFFFFC000  }
0xe6: {  	[hbm4b:s21+s2] =	stream.linear.scatter [tilespmem:s13], [sflag:$0x3], $0x8000, $0x38;
	[tilespmem:$0x17D00] =	vst v63  }
0xe7: {  	_ =	swait.ge [sflag:s15], $0x8000  }
0xe8: {  	[sflag:s15] =	ssyncset.done $0x0  }
0xe9: {  	[sflag:s15] =	ssyncadd.s32 $0xFFFF8000  }
0xea: {  	_ =	swait.ge [sflag:s16], $0x8000  }
0xeb: {  	[sflag:s16] =	ssyncset.done $0x0  }
0xec: {  	s22 =	simm.s32 $0x6C00;
	[sflag:s16] =	ssyncadd.s32 $0xFFFF8000  }
0xed: {  	[tilespmem:s10], [sflag:$0x1] =	stream.indirect.gather [hbm4b:s3+s9], $0x80, s22, s9, $0xb8;
	[tilespmem:$0x17D00] =	vst v63  }
0xee: {  	s23 =	simm.s32 $0x6C80  }
0xef: {  	[tilespmem:s11], [sflag:$0x1] =	stream.indirect.gather [hbm4b:s3+s9], $0x80, s23, s9, $0xb8;
	[tilespmem:$0x17D00] =	vst v63  }
0xf0: {  	_ =	swait.ge [sflag:s12], $0x4000  }
0xf1: {  	[sflag:s12] =	ssyncset.done $0x0  }
0xf2: {  	[sflag:s12] =	ssyncadd.s32 $0xFFFFC000  }
0xf3: {  	_ =	swait.ge [sflag:s12], $0x4000  }
0xf4: {  	[sflag:s12] =	ssyncset.done $0x0  }
0xf5: {  	s24 =	rddreg [dreg:$0x10];
	[sflag:s12] =	ssyncadd.s32 $0xFFFFC000  }
0xf6: {  	[hbm4b:s24+s2] =	stream.linear.scatter [tilespmem:s10], [sflag:$0x2], $0x8000, $0x38;
	[tilespmem:$0x17D00] =	vst v63  }
0xf7: {  	s25 =	simm.s32 $0x6D00  }
0xf8: {  	[tilespmem:s13], [sflag:$0x1] =	stream.indirect.gather [hbm4b:s3+s9], $0x80, s25, s9, $0xb8;
	[tilespmem:$0x17D00] =	vst v63  }
0xf9: {  	s26 =	simm.s32 $0x6D80  }
0xfa: {  	[tilespmem:s14], [sflag:$0x1] =	stream.indirect.gather [hbm4b:s3+s9], $0x80, s26, s9, $0xb8;
	[tilespmem:$0x17D00] =	vst v63  }
0xfb: {  	_ =	swait.ge [sflag:s12], $0x4000  }
0xfc: {  	[sflag:s12] =	ssyncset.done $0x0  }
0xfd: {  	[sflag:s12] =	ssyncadd.s32 $0xFFFFC000  }
0xfe: {  	_ =	swait.ge [sflag:s12], $0x4000  }
0xff: {  	[sflag:s12] =	ssyncset.done $0x0  }
0x100: {  	s28 =	rddreg [dreg:$0x11];
	[sflag:s12] =	ssyncadd.s32 $0xFFFFC000  }
0x101: {  	[hbm4b:s28+s2] =	stream.linear.scatter [tilespmem:s13], [sflag:$0x3], $0x8000, $0x38;
	[tilespmem:$0x17D00] =	vst v63  }
0x102: {  	_ =	swait.ge [sflag:s15], $0x8000  }
0x103: {  	[sflag:s15] =	ssyncset.done $0x0  }
0x104: {  	s19 =	simm.s32 $0x6E00;
	[sflag:s15] =	ssyncadd.s32 $0xFFFF8000  }
0x105: {  	[tilespmem:s10], [sflag:$0x1] =	stream.indirect.gather [hbm4b:s3+s9], $0x80, s19, s9, $0xb8;
	[tilespmem:$0x17D00] =	vst v63  }
0x106: {  	s20 =	simm.s32 $0x6E80  }
0x107: {  	[tilespmem:s11], [sflag:$0x1] =	stream.indirect.gather [hbm4b:s3+s9], $0x80, s20, s9, $0xb8;
	[tilespmem:$0x17D00] =	vst v63  }
0x108: {  	_ =	swait.ge [sflag:s12], $0x4000  }
0x109: {  	[sflag:s12] =	ssyncset.done $0x0  }
0x10a: {  	[sflag:s12] =	ssyncadd.s32 $0xFFFFC000  }
0x10b: {  	_ =	swait.ge [sflag:s12], $0x4000  }
0x10c: {  	[sflag:s12] =	ssyncset.done $0x0  }
0x10d: {  	s21 =	rddreg [dreg:$0x12];
	[sflag:s12] =	ssyncadd.s32 $0xFFFFC000  }
0x10e: {  	[hbm4b:s21+s2] =	stream.linear.scatter [tilespmem:s10], [sflag:$0x2], $0x8000, $0x38;
	[tilespmem:$0x17D00] =	vst v63  }
0x10f: {  	_ =	swait.ge [sflag:s16], $0x8000  }
0x110: {  	[sflag:s16] =	ssyncset.done $0x0  }
0x111: {  	s22 =	simm.s32 $0x6F00;
	[sflag:s16] =	ssyncadd.s32 $0xFFFF8000  }
0x112: {  	[tilespmem:s13], [sflag:$0x1] =	stream.indirect.gather [hbm4b:s3+s9], $0x80, s22, s9, $0xb8;
	[tilespmem:$0x17D00] =	vst v63  }
0x113: {  	s23 =	simm.s32 $0x6F80  }
0x114: {  	[tilespmem:s14], [sflag:$0x1] =	stream.indirect.gather [hbm4b:s3+s9], $0x80, s23, s9, $0xb8;
	[tilespmem:$0x17D00] =	vst v63  }
0x115: {  	_ =	swait.ge [sflag:s12], $0x4000  }
0x116: {  	[sflag:s12] =	ssyncset.done $0x0  }
0x117: {  	[sflag:s12] =	ssyncadd.s32 $0xFFFFC000  }
0x118: {  	_ =	swait.ge [sflag:s12], $0x4000  }
0x119: {  	[sflag:s12] =	ssyncset.done $0x0  }
0x11a: {  	s24 =	rddreg [dreg:$0x13];
	[sflag:s12] =	ssyncadd.s32 $0xFFFFC000  }
0x11b: {  	[hbm4b:s24+s2] =	stream.linear.scatter [tilespmem:s13], [sflag:$0x3], $0x8000, $0x38;
	[tilespmem:$0x17D00] =	vst v63  }
0x11c: {  	_ =	swait.ge [sflag:s15], $0x8000  }
0x11d: {  	[sflag:s15] =	ssyncset.done $0x0  }
0x11e: {  	s25 =	simm.s32 $0x7000;
	[sflag:s15] =	ssyncadd.s32 $0xFFFF8000  }
0x11f: {  	[tilespmem:s10], [sflag:$0x1] =	stream.indirect.gather [hbm4b:s3+s9], $0x80, s25, s9, $0xb8;
	[tilespmem:$0x17D00] =	vst v63  }
0x120: {  	s26 =	simm.s32 $0x7080  }
0x121: {  	[tilespmem:s11], [sflag:$0x1] =	stream.indirect.gather [hbm4b:s3+s9], $0x80, s26, s9, $0xb8;
	[tilespmem:$0x17D00] =	vst v63  }
0x122: {  	_ =	swait.ge [sflag:s12], $0x4000  }
0x123: {  	[sflag:s12] =	ssyncset.done $0x0  }
0x124: {  	[sflag:s12] =	ssyncadd.s32 $0xFFFFC000  }
0x125: {  	_ =	swait.ge [sflag:s12], $0x4000  }
0x126: {  	[sflag:s12] =	ssyncset.done $0x0  }
0x127: {  	s28 =	rddreg [dreg:$0x14];
	[sflag:s12] =	ssyncadd.s32 $0xFFFFC000  }
0x128: {  	[hbm4b:s28+s2] =	stream.linear.scatter [tilespmem:s10], [sflag:$0x2], $0x8000, $0x38;
	[tilespmem:$0x17D00] =	vst v63  }
0x129: {  	_ =	swait.ge [sflag:s16], $0x8000  }
0x12a: {  	[sflag:s16] =	ssyncset.done $0x0  }
0x12b: {  	s19 =	simm.s32 $0x7100;
	[sflag:s16] =	ssyncadd.s32 $0xFFFF8000  }
0x12c: {  	[tilespmem:s13], [sflag:$0x1] =	stream.indirect.gather [hbm4b:s3+s9], $0x80, s19, s9, $0xb8;
	[tilespmem:$0x17D00] =	vst v63  }
0x12d: {  	s20 =	simm.s32 $0x7180  }
0x12e: {  	[tilespmem:s14], [sflag:$0x1] =	stream.indirect.gather [hbm4b:s3+s9], $0x80, s20, s9, $0xb8;
	[tilespmem:$0x17D00] =	vst v63  }
0x12f: {  	_ =	swait.ge [sflag:s12], $0x4000  }
0x130: {  	[sflag:s12] =	ssyncset.done $0x0  }
0x131: {  	[sflag:s12] =	ssyncadd.s32 $0xFFFFC000  }
0x132: {  	_ =	swait.ge [sflag:s12], $0x4000  }
0x133: {  	[sflag:s12] =	ssyncset.done $0x0  }
0x134: {  	s21 =	rddreg [dreg:$0x15];
	[sflag:s12] =	ssyncadd.s32 $0xFFFFC000  }
0x135: {  	[hbm4b:s21+s2] =	stream.linear.scatter [tilespmem:s13], [sflag:$0x3], $0x8000, $0x38;
	[tilespmem:$0x17D00] =	vst v63  }
0x136: {  	_ =	swait.ge [sflag:s15], $0x8000  }
0x137: {  	[sflag:s15] =	ssyncset.done $0x0  }
0x138: {  	s22 =	simm.s32 $0x7200;
	[sflag:s15] =	ssyncadd.s32 $0xFFFF8000  }
0x139: {  	[tilespmem:s10], [sflag:$0x1] =	stream.indirect.gather [hbm4b:s3+s9], $0x80, s22, s9, $0xb8;
	[tilespmem:$0x17D00] =	vst v63  }
0x13a: {  	s23 =	simm.s32 $0x7280  }
0x13b: {  	[tilespmem:s11], [sflag:$0x1] =	stream.indirect.gather [hbm4b:s3+s9], $0x80, s23, s9, $0xb8;
	[tilespmem:$0x17D00] =	vst v63  }
0x13c: {  	_ =	swait.ge [sflag:s12], $0x4000  }
0x13d: {  	[sflag:s12] =	ssyncset.done $0x0  }
0x13e: {  	[sflag:s12] =	ssyncadd.s32 $0xFFFFC000  }
0x13f: {  	_ =	swait.ge [sflag:s12], $0x4000  }
0x140: {  	[sflag:s12] =	ssyncset.done $0x0  }
0x141: {  	s24 =	rddreg [dreg:$0x17];
	[sflag:s12] =	ssyncadd.s32 $0xFFFFC000  }
0x142: {  	[hbm4b:s24+s2] =	stream.linear.scatter [tilespmem:s10], [sflag:$0x2], $0x8000, $0x38;
	[tilespmem:$0x17D00] =	vst v63  }
0x143: {  	_ =	swait.ge [sflag:s16], $0x8000  }
0x144: {  	[sflag:s16] =	ssyncset.done $0x0  }
0x145: {  	s25 =	simm.s32 $0x7300;
	[sflag:s16] =	ssyncadd.s32 $0xFFFF8000  }
0x146: {  	[tilespmem:s13], [sflag:$0x1] =	stream.indirect.gather [hbm4b:s3+s9], $0x80, s25, s9, $0xb8;
	[tilespmem:$0x17D00] =	vst v63  }
0x147: {  	s26 =	simm.s32 $0x7380  }
0x148: {  	[tilespmem:s14], [sflag:$0x1] =	stream.indirect.gather [hbm4b:s3+s9], $0x80, s26, s9, $0xb8;
	[tilespmem:$0x17D00] =	vst v63  }
0x149: {  	_ =	swait.ge [sflag:s12], $0x4000  }
0x14a: {  	[sflag:s12] =	ssyncset.done $0x0  }
0x14b: {  	[sflag:s12] =	ssyncadd.s32 $0xFFFFC000  }
0x14c: {  	_ =	swait.ge [sflag:s12], $0x4000  }
0x14d: {  	[sflag:s12] =	ssyncset.done $0x0  }
0x14e: {  	s28 =	rddreg [dreg:$0x18];
	[sflag:s12] =	ssyncadd.s32 $0xFFFFC000  }
0x14f: {  	[hbm4b:s28+s2] =	stream.linear.scatter [tilespmem:s13], [sflag:$0x3], $0x8000, $0x38;
	[tilespmem:$0x17D00] =	vst v63  }
0x150: {  	_ =	swait.ge [sflag:s15], $0x8000  }
0x151: {  	[sflag:s15] =	ssyncset.done $0x0  }
0x152: {  	s19 =	simm.s32 $0x7400;
	[sflag:s15] =	ssyncadd.s32 $0xFFFF8000  }
0x153: {  	[tilespmem:s10], [sflag:$0x1] =	stream.indirect.gather [hbm4b:s3+s9], $0x80, s19, s9, $0xb8;
	[tilespmem:$0x17D00] =	vst v63  }
0x154: {  	s20 =	simm.s32 $0x7480  }
0x155: {  	[tilespmem:s11], [sflag:$0x1] =	stream.indirect.gather [hbm4b:s3+s9], $0x80, s20, s9, $0xb8;
	[tilespmem:$0x17D00] =	vst v63  }
0x156: {  	_ =	swait.ge [sflag:s12], $0x4000  }
0x157: {  	[sflag:s12] =	ssyncset.done $0x0  }
0x158: {  	[sflag:s12] =	ssyncadd.s32 $0xFFFFC000  }
0x159: {  	_ =	swait.ge [sflag:s12], $0x4000  }
0x15a: {  	[sflag:s12] =	ssyncset.done $0x0  }
0x15b: {  	s21 =	rddreg [dreg:$0x19];
	[sflag:s12] =	ssyncadd.s32 $0xFFFFC000  }
0x15c: {  	[hbm4b:s21+s2] =	stream.linear.scatter [tilespmem:s10], [sflag:$0x2], $0x8000, $0x38;
	[tilespmem:$0x17D00] =	vst v63  }
0x15d: {  	_ =	swait.ge [sflag:s16], $0x8000  }
0x15e: {  	[sflag:s16] =	ssyncset.done $0x0  }
0x15f: {  	s22 =	simm.s32 $0x7500;
	[sflag:s16] =	ssyncadd.s32 $0xFFFF8000  }
0x160: {  	[tilespmem:s13], [sflag:$0x1] =	stream.indirect.gather [hbm4b:s3+s9], $0x80, s22, s9, $0xb8;
	[tilespmem:$0x17D00] =	vst v63  }
0x161: {  	s23 =	simm.s32 $0x7580  }
0x162: {  	[tilespmem:s14], [sflag:$0x1] =	stream.indirect.gather [hbm4b:s3+s9], $0x80, s23, s9, $0xb8;
	[tilespmem:$0x17D00] =	vst v63  }
0x163: {  	_ =	swait.ge [sflag:s12], $0x4000  }
0x164: {  	[sflag:s12] =	ssyncset.done $0x0  }
0x165: {  	[sflag:s12] =	ssyncadd.s32 $0xFFFFC000  }
0x166: {  	_ =	swait.ge [sflag:s12], $0x4000  }
0x167: {  	[sflag:s12] =	ssyncset.done $0x0  }
0x168: {  	s24 =	rddreg [dreg:$0x1a];
	[sflag:s12] =	ssyncadd.s32 $0xFFFFC000  }
0x169: {  	[hbm4b:s24+s2] =	stream.linear.scatter [tilespmem:s13], [sflag:$0x3], $0x8000, $0x38;
	[tilespmem:$0x17D00] =	vst v63  }
0x16a: {  	_ =	swait.ge [sflag:s15], $0x8000  }
0x16b: {  	[sflag:s15] =	ssyncset.done $0x0  }
0x16c: {  	s25 =	simm.s32 $0x7600;
	[sflag:s15] =	ssyncadd.s32 $0xFFFF8000  }
0x16d: {  	[tilespmem:s10], [sflag:$0x1] =	stream.indirect.gather [hbm4b:s3+s9], $0x80, s25, s9, $0xb8;
	[tilespmem:$0x17D00] =	vst v63  }
0x16e: {  	s26 =	simm.s32 $0x7680  }
0x16f: {  	[tilespmem:s11], [sflag:$0x1] =	stream.indirect.gather [hbm4b:s3+s9], $0x80, s26, s9, $0xb8;
	[tilespmem:$0x17D00] =	vst v63  }
0x170: {  	_ =	swait.ge [sflag:s12], $0x4000  }
0x171: {  	[sflag:s12] =	ssyncset.done $0x0  }
0x172: {  	[sflag:s12] =	ssyncadd.s32 $0xFFFFC000  }
0x173: {  	_ =	swait.ge [sflag:s12], $0x4000  }
0x174: {  	[sflag:s12] =	ssyncset.done $0x0  }
0x175: {  	[sflag:s12] =	ssyncadd.s32 $0xFFFFC000  }
0x176: {  	[hbm4b:s30+s2] =	stream.linear.scatter [tilespmem:s10], [sflag:$0x2], $0x8000, $0x38;
	[tilespmem:$0x17D00] =	vst v63  }
0x177: {  	_ =	swait.ge [sflag:s16], $0x8000  }
0x178: {  	[sflag:s16] =	ssyncset.done $0x0  }
0x179: {  	s28 =	simm.s32 $0x7700;
	[sflag:s16] =	ssyncadd.s32 $0xFFFF8000  }
0x17a: {  	[tilespmem:s13], [sflag:$0x1] =	stream.indirect.gather [hbm4b:s3+s9], $0x80, s28, s9, $0xb8;
	[tilespmem:$0x17D00] =	vst v63  }
0x17b: {  	s19 =	simm.s32 $0x7780  }
0x17c: {  	[tilespmem:s14], [sflag:$0x1] =	stream.indirect.gather [hbm4b:s3+s9], $0x80, s19, s9, $0xb8;
	[tilespmem:$0x17D00] =	vst v63  }
0x17d: {  	_ =	swait.ge [sflag:s12], $0x4000  }
0x17e: {  	[sflag:s12] =	ssyncset.done $0x0  }
0x17f: {  	[sflag:s12] =	ssyncadd.s32 $0xFFFFC000  }
0x180: {  	_ =	swait.ge [sflag:s12], $0x4000  }
0x181: {  	[sflag:s12] =	ssyncset.done $0x0  }
0x182: {  	[sflag:s12] =	ssyncadd.s32 $0xFFFFC000  }
0x183: {  	[hbm4b:s31+s2] =	stream.linear.scatter [tilespmem:s13], [sflag:$0x3], $0x8000, $0x38;
	[tilespmem:$0x17D00] =	vst v63  }
0x184: {  	_ =	swait.ge [sflag:s15], $0x8000  }
0x185: {  	[sflag:s15] =	ssyncset.done $0x0  }
0x186: {  	s20 =	simm.s32 $0x7800;
	[sflag:s15] =	ssyncadd.s32 $0xFFFF8000  }
0x187: {  	[tilespmem:s10], [sflag:$0x1] =	stream.indirect.gather [hbm4b:s3+s9], $0x80, s20, s9, $0xb8;
	[tilespmem:$0x17D00] =	vst v63  }
0x188: {  	s21 =	simm.s32 $0x7880  }
0x189: {  	[tilespmem:s11], [sflag:$0x1] =	stream.indirect.gather [hbm4b:s3+s9], $0x80, s21, s9, $0xb8;
	[tilespmem:$0x17D00] =	vst v63  }
0x18a: {  	_ =	swait.ge [sflag:s12], $0x4000  }
0x18b: {  	[sflag:s12] =	ssyncset.done $0x0  }
0x18c: {  	[sflag:s12] =	ssyncadd.s32 $0xFFFFC000  }
0x18d: {  	_ =	swait.ge [sflag:s12], $0x4000  }
0x18e: {  	[sflag:s12] =	ssyncset.done $0x0  }
0x18f: {  	[sflag:s12] =	ssyncadd.s32 $0xFFFFC000  }
0x190: {  	[hbm4b:s0+s2] =	stream.linear.scatter [tilespmem:s10], [sflag:$0x2], $0x8000, $0x38;
	[tilespmem:$0x17D00] =	vst v63  }
0x191: {  	_ =	swait.ge [sflag:s16], $0x8000  }
0x192: {  	[sflag:s16] =	ssyncset.done $0x0  }
0x193: {  	s22 =	simm.s32 $0x7900;
	[sflag:s16] =	ssyncadd.s32 $0xFFFF8000  }
0x194: {  	[tilespmem:s13], [sflag:$0x1] =	stream.indirect.gather [hbm4b:s3+s9], $0x80, s22, s9, $0xb8;
	[tilespmem:$0x17D00] =	vst v63  }
0x195: {  	s23 =	simm.s32 $0x7980  }
0x196: {  	[tilespmem:s14], [sflag:$0x1] =	stream.indirect.gather [hbm4b:s3+s9], $0x80, s23, s9, $0xb8;
	[tilespmem:$0x17D00] =	vst v63  }
0x197: {  	_ =	swait.ge [sflag:s12], $0x4000  }
0x198: {  	[sflag:s12] =	ssyncset.done $0x0  }
0x199: {  	[sflag:s12] =	ssyncadd.s32 $0xFFFFC000  }
0x19a: {  	_ =	swait.ge [sflag:s12], $0x4000  }
0x19b: {  	[sflag:s12] =	ssyncset.done $0x0  }
0x19c: {  	[sflag:s12] =	ssyncadd.s32 $0xFFFFC000  }
0x19d: {  	[hbm4b:s1+s2] =	stream.linear.scatter [tilespmem:s13], [sflag:$0x3], $0x8000, $0x38;
	[tilespmem:$0x17D00] =	vst v63  }
0x19e: {  	_ =	swait.ge [sflag:s15], $0x8000  }
0x19f: {  	[sflag:s15] =	ssyncset.done $0x0  }
0x1a0: {  	s24 =	simm.s32 $0x7A00;
	[sflag:s15] =	ssyncadd.s32 $0xFFFF8000  }
0x1a1: {  	[tilespmem:s10], [sflag:$0x1] =	stream.indirect.gather [hbm4b:s3+s9], $0x80, s24, s9, $0xb8;
	[tilespmem:$0x17D00] =	vst v63  }
0x1a2: {  	s25 =	simm.s32 $0x7A80  }
0x1a3: {  	[tilespmem:s11], [sflag:$0x1] =	stream.indirect.gather [hbm4b:s3+s9], $0x80, s25, s9, $0xb8;
	[tilespmem:$0x17D00] =	vst v63  }
0x1a4: {  	_ =	swait.ge [sflag:s12], $0x4000  }
0x1a5: {  	[sflag:s12] =	ssyncset.done $0x0  }
0x1a6: {  	[sflag:s12] =	ssyncadd.s32 $0xFFFFC000  }
0x1a7: {  	_ =	swait.ge [sflag:s12], $0x4000  }
0x1a8: {  	[sflag:s12] =	ssyncset.done $0x0  }
0x1a9: {  	[sflag:s12] =	ssyncadd.s32 $0xFFFFC000  }
0x1aa: {  	[hbm4b:s5+s2] =	stream.linear.scatter [tilespmem:s10], [sflag:$0x2], $0x8000, $0x38;
	[tilespmem:$0x17D00] =	vst v63  }
0x1ab: {  	_ =	swait.ge [sflag:s16], $0x8000  }
0x1ac: {  	[sflag:s16] =	ssyncset.done $0x0  }
0x1ad: {  	s26 =	simm.s32 $0x7B00;
	[sflag:s16] =	ssyncadd.s32 $0xFFFF8000  }
0x1ae: {  	[tilespmem:s13], [sflag:$0x1] =	stream.indirect.gather [hbm4b:s3+s9], $0x80, s26, s9, $0xb8;
	[tilespmem:$0x17D00] =	vst v63  }
0x1af: {  	s28 =	simm.s32 $0x7B80  }
0x1b0: {  	[tilespmem:s14], [sflag:$0x1] =	stream.indirect.gather [hbm4b:s3+s9], $0x80, s28, s9, $0xb8;
	[tilespmem:$0x17D00] =	vst v63  }
0x1b1: {  	_ =	swait.ge [sflag:s12], $0x4000  }
0x1b2: {  	[sflag:s12] =	ssyncset.done $0x0  }
0x1b3: {  	[sflag:s12] =	ssyncadd.s32 $0xFFFFC000  }
0x1b4: {  	_ =	swait.ge [sflag:s12], $0x4000  }
0x1b5: {  	[sflag:s12] =	ssyncset.done $0x0  }
0x1b6: {  	s17 =	sadd.s32 $0x1, s17;
	[sflag:s12] =	ssyncadd.s32 $0xFFFFC000  }
0x1b7: {  	[hbm4b:s6+s2] =	stream.linear.scatter [tilespmem:s13], [sflag:$0x3], $0x8000, $0x38;
	[tilespmem:$0x17D00] =	vst v63  }
0x1b8: {  	p0 =	sne.s32 s17, s7;
	_ =	swait.ge [sflag:s15], $0x8000  }
.Ltmp2:
0x1b9: {  	[sflag:s15] =	ssyncset.done $0x0;
	(pc) =	sbr.rel @p0 .LBB2_1-.Ltmp2, $4  }
0x1ba: {  	[sflag:s15] =	ssyncadd.s32 $0xFFFF8000  }
0x1bb: {  	_ =	swait.ge [sflag:s16], $0x8000  }
0x1bc: {  	[sflag:s16] =	ssyncset.done $0x0  }
0x1bd: {  	[sflag:s16] =	ssyncadd.s32 $0xFFFF8000  }
0x1be: {  	_ =	sfence.sel $0x180000  }
0x1bf: {  	[bflag:$0x0] =	sbarrier.arrive $0xFFFF  }
0x1c0: {  	_ =	strace $0x90000047  }
0x1c1: {  	s0 =	stileid.u32;
	[bflag:$0x2] =	sbarrier.arrive $0xFFFF  }
0x1c2: {  	p0 =	sne.s32 s0, $0x0;
	s0 =	rddreg [dreg:$0x2]  }
0x1c3: {  	s0 =	sadd.s32 @!p0 $0x100000, s0  }
0x1c4: {  	[sflag:s0] =	ssyncadd.tile.s32 @!p0 $0x1;
	_ =	shalt  }
.Lfunc_end2:
_tile_overlayer_lowered:
.L_overlay_start_2:
0x1c5: {  	(tag) =	ssettag $0x2  }
0x1c6: {  	s0 =	rddreg [dreg:$0x0];
	s2 =	stileid.u32  }
0x1c7: {  	s1 =	rddreg [dreg:$0x1];
	p0 =	sne.s32 s2, $0x0  }
0x1c8: {  	s3 =	rddreg [dreg:$0x2];
	[bflag:$0x3] =	sbarrier.arrive $0xFFFF;
	s2 =	simm.s32 @!p0 $0x1C04  }
0x1c9: {  	[timem:s3], [sflag:s2] =	dma.local @!p0 [hbm:s0], s1  }
0x1ca: {  	s0 =	simm.s32 @!p0 $0x4  }
0x1cb: {  	_ =	swait.ge @!p0 [sflag:s0], s1  }
0x1cc: {  	s1 =	ssub.s32 @!p0 $0x0, s1;
	[sflag:s0] =	ssyncset.done @!p0 $0x0  }
0x1cd: {  	[sflag:s0] =	ssyncadd.s32 @!p0 s1  }
0x1ce: {  	[bflag:$0x3] =	sbarrier.arrive $0xFFFF  }
0x1cf: {  	_ =	shalt  }

</sc_bundles>
